<compile_context>
chip_gen: v7x
topology: tpu7x:2x2x1
jax: 0.10.2.dev20260603
libtpu: 0.0.44.dev20260713+nightly
codegen_flags: <defaults>
</compile_context>

<pallas_src>
import functools

import jax
import jax.numpy as jnp
from jax import lax
from jax.experimental import pallas as pl
from jax.experimental.pallas import tpu as pltpu
from jax.experimental.pallas import tpu_sc as plsc

_NC, _NS = 2, 16
_NW = _NC * _NS
_NL = 16
_TABLE_BLK = 2000
_NBUF = 4


def _table_body(w_ref, g_ref, b_ref, wa_ref, y_ref):
    e = w_ref[...]
    mu = jnp.mean(e, axis=1, keepdims=True)
    xc = e - mu
    var = jnp.mean(xc * xc, axis=1, keepdims=True)
    en = xc * lax.rsqrt(var + 1e-5)
    g = en * g_ref[...]
    y = lax.dot_general(g, wa_ref[...], (((1,), (1,)), ((), ())),
                        precision=lax.Precision.HIGHEST,
                        preferred_element_type=jnp.float32)
    b2 = lax.dot_general(b_ref[...], wa_ref[...], (((1,), (1,)), ((), ())),
                         precision=lax.Precision.HIGHEST,
                         preferred_element_type=jnp.float32)
    y_ref[...] = y + b2


def _transform_table(W_emb, ln_gamma, ln_beta, W_align):
    V, D = W_emb.shape
    blk = _TABLE_BLK
    return pl.pallas_call(
        _table_body,
        grid=(V // blk,),
        in_specs=[
            pl.BlockSpec((blk, D), lambda i: (i, 0)),
            pl.BlockSpec((1, D), lambda i: (0, 0)),
            pl.BlockSpec((1, D), lambda i: (0, 0)),
            pl.BlockSpec((D, D), lambda i: (0, 0)),
        ],
        out_specs=pl.BlockSpec((blk, D), lambda i: (i, 0)),
        out_shape=jax.ShapeDtypeStruct((V, D), jnp.float32),
    )(W_emb, ln_gamma.reshape(1, D), ln_beta.reshape(1, D), W_align)


def _sc_assemble(Y, ids, num_ids_flat, xnum, w, b2, S, n_num, num_tok):
    B, T = ids.shape
    V, D = Y.shape
    NT = num_ids_flat.shape[0]
    NTH = NT // 2
    nb = B // _NW
    nj = D // _NL
    mesh = plsc.VectorSubcoreMesh(core_axis_name="c", subcore_axis_name="s",
                                  num_cores=_NC, num_subcores=_NS)

    @functools.partial(
        pl.kernel,
        out_type=jax.ShapeDtypeStruct((B, S, D), jnp.float32),
        mesh=mesh,
        compiler_params=pltpu.CompilerParams(needs_layout_passes=False),
        scratch_types=[
            pltpu.VMEM((nb, T), jnp.int32),
            pltpu.VMEM((NT,), jnp.int32),
            pltpu.VMEM((n_num, D), jnp.float32),
            pltpu.VMEM((n_num, num_tok), jnp.float32),
            pltpu.VMEM((D,), jnp.float32),
            pltpu.VMEM((nb, n_num), jnp.float32),
            [pltpu.VMEM((S, D), jnp.float32)] * _NBUF,
            [pltpu.SemaphoreType.DMA] * _NBUF,
            [pltpu.SemaphoreType.DMA] * _NBUF,
            pltpu.SemaphoreType.DMA,
        ],
    )
    def k(ids_hbm, y_hbm, nids_hbm, xnum_hbm, w_hbm, b2_hbm,
          out_hbm, ids_v, nids_v, z_v, w_v, b2_v, xn_v,
          slab_v, gsem, ssem, psem):
        wid = lax.axis_index("s") * _NC + lax.axis_index("c")
        base = wid * nb

        def splat(ref, idxs):
            return plsc.load_gather(
                ref, [jnp.full((_NL,), ix, jnp.int32) for ix in idxs])

        pltpu.sync_copy(ids_hbm.at[pl.ds(base, nb)], ids_v)
        pltpu.sync_copy(xnum_hbm.at[pl.ds(base, nb)], xn_v)
        pltpu.sync_copy(nids_hbm, nids_v)
        pltpu.sync_copy(w_hbm, w_v)
        pltpu.sync_copy(b2_hbm, b2_v)

        pltpu.async_copy(y_hbm.at[nids_v.at[pl.ds(0, NTH)]],
                         slab_v[0].at[pl.ds(0, NTH)], psem).wait()
        pltpu.async_copy(y_hbm.at[nids_v.at[pl.ds(NTH, NTH)]],
                         slab_v[1].at[pl.ds(0, NTH)], psem).wait()
        ih = NTH // num_tok

        def z_row_in(g_ref, row_off):
            def z_row(i, carry):
                wv = [splat(w_v, (i, t)) for t in range(num_tok)]
                for j in range(nj):
                    acc = jnp.zeros((_NL,), jnp.float32)
                    for t in range(num_tok):
                        acc = acc + wv[t] * g_ref[
                            i * num_tok + t - row_off, pl.ds(j * _NL, _NL)]
                    z_v[i, pl.ds(j * _NL, _NL)] = acc
                return carry
            return z_row

        lax.fori_loop(0, ih, z_row_in(slab_v[0], 0), 0)
        lax.fori_loop(ih, n_num, z_row_in(slab_v[1], NTH), 0)

        def fire_gather(buf, i):
            pltpu.async_copy(y_hbm.at[ids_v.at[i]],
                             slab_v[buf].at[pl.ds(n_num, T)], gsem[buf])

        def wait_gather(buf, i):
            pltpu.make_async_copy(y_hbm.at[ids_v.at[i]],
                                  slab_v[buf].at[pl.ds(n_num, T)],
                                  gsem[buf]).wait()

        def fire_store(buf, i):
            pltpu.async_copy(slab_v[buf], out_hbm.at[base + i], ssem[buf])

        def wait_store(buf, i):
            pltpu.make_async_copy(slab_v[buf], out_hbm.at[base + i],
                                  ssem[buf]).wait()

        def num_rows(buf, ib):
            def body(i, carry):
                xv = splat(xn_v, (ib, i))
                for j in range(nj):
                    slab_v[buf][i, pl.ds(j * _NL, _NL)] = (
                        xv * z_v[i, pl.ds(j * _NL, _NL)] + b2_v[pl.ds(j * _NL, _NL)])
                return carry

            lax.fori_loop(0, n_num, body, 0)

        rem = nb % _NBUF
        if rem:
            for r in range(rem):
                fire_gather(0, r)
                wait_gather(0, r)
                num_rows(0, r)
                fire_store(0, r)
                wait_store(0, r)

        for kb in range(_NBUF):
            fire_gather(kb, rem + kb)

        def chunk(c, carry):
            i0 = rem + c * _NBUF
            for kb in range(_NBUF):
                wait_gather(kb, i0 + kb)
                num_rows(kb, i0 + kb)
                fire_store(kb, i0 + kb)
            for kb in range(_NBUF):
                nxt = i0 + kb + _NBUF

                @pl.when(nxt < nb)
                def _():
                    wait_store(kb, i0 + kb)
                    fire_gather(kb, nxt)

            return carry

        lax.fori_loop(0, (nb - rem) // _NBUF, chunk, 0)
        for kb in range(_NBUF):
            wait_store(kb, nb - _NBUF + kb)

    return k(ids, Y, num_ids_flat, xnum, w, b2)


def kernel(x_num, num_col_input_ids, num_att_mask, x_cat_input_ids, cat_att_mask,
           x_bin_input_ids, bin_att_mask, W_emb, ln_gamma, ln_beta, num_bias, W_align):
    B, n_num = x_num.shape
    V, D = W_emb.shape
    cat_len = x_cat_input_ids.shape[1]
    bin_len = x_bin_input_ids.shape[1]
    num_tok = num_col_input_ids.shape[1]
    S = n_num + cat_len + bin_len

    Y = _transform_table(W_emb, ln_gamma, ln_beta, W_align)

    ids = jnp.concatenate(
        [x_cat_input_ids.astype(jnp.int32), x_bin_input_ids.astype(jnp.int32)],
        axis=1)
    num_ids_flat = num_col_input_ids.reshape(-1).astype(jnp.int32)

    m = num_att_mask
    w = (m != 0).astype(jnp.float32) / m.sum(1, keepdims=True)
    b2n = lax.dot_general(num_bias.reshape(1, D), W_align, (((1,), (1,)), ((), ())),
                          precision=lax.Precision.HIGHEST,
                          preferred_element_type=jnp.float32)
    b2 = b2n.reshape(D)

    embedding = _sc_assemble(Y, ids, num_ids_flat, x_num, w, b2, S, n_num,
                             num_tok)

    attention_mask = jnp.concatenate(
        [jnp.ones((B, n_num), jnp.float32), cat_att_mask, bin_att_mask], axis=1)
    return embedding, attention_mask

# --- scband reference (transcript-rebuilt; emitter-appended) ---
"""Pipeline reference for scband-trans-tab-feature-processor-764504178741 (READ-ONLY COPY).

The authoritative reference and input builder live on the scoring server;
editing this copy changes nothing except your own understanding.
"""

import jax, jax.numpy as jnp
import numpy as np


def layer_norm(x, gamma, beta, eps=1e-5):
    mu = jnp.mean(x, axis=-1, keepdims=True)
    var = jnp.var(x, axis=-1, keepdims=True)
    return (x - mu) / jnp.sqrt(var + eps) * gamma + beta


def setup_inputs(seed: int = 0) -> dict:
    key = jax.random.key(seed)
    ks = jax.random.split(key, 8)
    B, V, D = 4096, 100000, 128
    n_num, num_tok = 26, 8
    cat_len, bin_len = 100, 20
    inp = {}
    inp['x_num'] = jax.random.normal(ks[0], (B, n_num), jnp.float32)
    inp['num_col_input_ids'] = jax.random.randint(ks[1], (n_num, num_tok), 0, V)
    inp['num_att_mask'] = jnp.ones((n_num, num_tok), jnp.float32)
    inp['x_cat_input_ids'] = jax.random.randint(ks[2], (B, cat_len), 0, V)
    inp['cat_att_mask'] = jnp.ones((B, cat_len), jnp.float32)
    inp['x_bin_input_ids'] = jax.random.randint(ks[3], (B, bin_len), 0, V)
    inp['bin_att_mask'] = jnp.ones((B, bin_len), jnp.float32)
    # learned parameters
    inp['W_emb'] = jax.random.normal(ks[4], (V, D), jnp.float32) * np.sqrt(2.0 / D)  # kaiming normal
    inp['ln_gamma'] = jnp.ones((D,), jnp.float32)
    inp['ln_beta'] = jnp.zeros((D,), jnp.float32)
    inp['num_bias'] = jax.random.uniform(ks[5], (1, 1, D), jnp.float32, -1.0 / np.sqrt(D), 1.0 / np.sqrt(D))
    inp['W_align'] = jax.random.normal(ks[6], (D, D), jnp.float32) * 0.05
    return inp


def reference(x_num, num_col_input_ids, num_att_mask, x_cat_input_ids, cat_att_mask,
              x_bin_input_ids, bin_att_mask, W_emb, ln_gamma, ln_beta, num_bias, W_align):
    def word_emb(ids):
        e = jnp.take(W_emb, ids, axis=0)
        return layer_norm(e, ln_gamma, ln_beta)

    def align(x):
        return x @ W_align.T

    # numerical branch
    num_col_emb = word_emb(num_col_input_ids)                      # [n_num, T, D]
    num_col_emb = jnp.where(num_att_mask[..., None] == 0, 0.0, num_col_emb)
    num_col_emb = num_col_emb.sum(1) / num_att_mask.sum(1, keepdims=True)  # [n_num, D]
    num_feat = num_col_emb[None, :, :] * x_num[:, :, None] + num_bias      # [B, n_num, D]
    num_feat = align(num_feat)

    # categorical branch
    cat_feat = align(word_emb(x_cat_input_ids))                    # [B, cat_len, D]

    # binary branch
    bin_feat = align(word_emb(x_bin_input_ids))                    # [B, bin_len, D]

    embedding = jnp.concatenate([num_feat, cat_feat, bin_feat], axis=1).astype(jnp.float32)
    attention_mask = jnp.concatenate(
        [jnp.ones((num_feat.shape[0], num_feat.shape[1]), jnp.float32), cat_att_mask, bin_att_mask],
        axis=1)
    return embedding, attention_mask

if __name__ == "__main__":
    import jax
    _d = setup_inputs()
    print(jax.jit(kernel)(*tuple(_d.values())))

</pallas_src>

<mosaic_0001>
#map = affine_map<(d0, d1) -> (0, 0)>
#map1 = affine_map<(d0, d1) -> (0)>
#map2 = affine_map<(d0, d1) -> (0, 0, 0)>
module attributes {stable_mosaic.version = 14 : i64} {
  func.func @k(%arg0: i32, %arg1: i32, %arg2: memref<4096x120xi32, #tpu.memory_space<hbm>>, %arg3: memref<100000x128xf32, #tpu.memory_space<hbm>>, %arg4: memref<208xi32, #tpu.memory_space<hbm>>, %arg5: memref<4096x26xf32, #tpu.memory_space<hbm>>, %arg6: memref<26x8xf32, #tpu.memory_space<hbm>>, %arg7: memref<128xf32, #tpu.memory_space<hbm>>, %arg8: memref<4096x146x128xf32, #tpu.memory_space<hbm>>, %arg9: memref<128x120xi32, #tpu.memory_space<vmem>>, %arg10: memref<208xi32, #tpu.memory_space<vmem>>, %arg11: memref<26x128xf32, #tpu.memory_space<vmem>>, %arg12: memref<26x8xf32, #tpu.memory_space<vmem>>, %arg13: memref<128xf32, #tpu.memory_space<vmem>>, %arg14: memref<128x26xf32, #tpu.memory_space<vmem>>, %arg15: memref<146x128xf32, #tpu.memory_space<vmem>>, %arg16: memref<146x128xf32, #tpu.memory_space<vmem>>, %arg17: memref<146x128xf32, #tpu.memory_space<vmem>>, %arg18: memref<146x128xf32, #tpu.memory_space<vmem>>, %arg19: memref<!tpu.dma_semaphore, #tpu.memory_space<semaphore_mem>>, %arg20: memref<!tpu.dma_semaphore, #tpu.memory_space<semaphore_mem>>, %arg21: memref<!tpu.dma_semaphore, #tpu.memory_space<semaphore_mem>>, %arg22: memref<!tpu.dma_semaphore, #tpu.memory_space<semaphore_mem>>, %arg23: memref<!tpu.dma_semaphore, #tpu.memory_space<semaphore_mem>>, %arg24: memref<!tpu.dma_semaphore, #tpu.memory_space<semaphore_mem>>, %arg25: memref<!tpu.dma_semaphore, #tpu.memory_space<semaphore_mem>>, %arg26: memref<!tpu.dma_semaphore, #tpu.memory_space<semaphore_mem>>, %arg27: memref<!tpu.dma_semaphore, #tpu.memory_space<semaphore_mem>>) attributes {dimension_semantics = [#tpu.dimension_semantics<core_parallel>, #tpu.dimension_semantics<subcore_parallel>], iteration_bounds = array<i64: 2, 16>, scalar_prefetch = 0 : i64, scratch_operands = 19 : i64, tpu.core_type = #tpu.core_type<sc_vector_subcore>, window_params = [{transform_indices = #map}, {transform_indices = #map}, {transform_indices = #map1}, {transform_indices = #map}, {transform_indices = #map}, {transform_indices = #map1}, {transform_indices = #map2}]} {
    %mul3A = arith.constant 2 : i32
    %mul3A_0 = arith.muli %arg1, %mul3A : i32
    %add3A = arith.addi %mul3A_0, %arg0 : i32
    %mul3A_1 = arith.constant 128 : i32
    %mul3A_2 = arith.muli %add3A, %mul3A_1 : i32
    "tpu.region"() ({
      %run_scoped3A = tpu.sem_alloc : memref<!tpu.dma_semaphore, #tpu.memory_space<semaphore_mem>>
      %dma_start3A_130 = arith.constant 0 : i32
      %dma_start3A_131 = tpu.memref_slice %arg2[%mul3A_2, %dma_start3A_130] : memref<4096x120xi32, #tpu.memory_space<hbm>> -> memref<128x120xi32, #tpu.memory_space<hbm>>
      %dma_start3A_132 = arith.constant 0 : i32
      %dma_start3A_133 = tpu.memref_slice %arg2[%mul3A_2, %dma_start3A_132] : memref<4096x120xi32, #tpu.memory_space<hbm>> -> memref<128x120xi32, #tpu.memory_space<hbm>>
      tpu.enqueue_dma source(%dma_start3A_133 : memref<128x120xi32, #tpu.memory_space<hbm>>) target(%arg9 : memref<128x120xi32, #tpu.memory_space<vmem>>) target_semaphore(%run_scoped3A : memref<!tpu.dma_semaphore, #tpu.memory_space<semaphore_mem>>)
      %dma_wait3A_134 = arith.constant 0 : i32
      %dma_wait3A_135 = tpu.memref_slice %arg2[%mul3A_2, %dma_wait3A_134] : memref<4096x120xi32, #tpu.memory_space<hbm>> -> memref<128x120xi32, #tpu.memory_space<hbm>>
      %dma_wait3A_136 = arith.constant 0 : i32
      %dma_wait3A_137 = tpu.memref_slice %arg2[%mul3A_2, %dma_wait3A_136] : memref<4096x120xi32, #tpu.memory_space<hbm>> -> memref<128x120xi32, #tpu.memory_space<hbm>>
      tpu.wait_dma2 semaphore(%run_scoped3A : memref<!tpu.dma_semaphore, #tpu.memory_space<semaphore_mem>>) src(%dma_wait3A_137 : memref<128x120xi32, #tpu.memory_space<hbm>>) dst(%arg9 : memref<128x120xi32, #tpu.memory_space<vmem>>)
      tpu.yield
    }) : () -> ()
    "tpu.region"() ({
      %run_scoped3A = tpu.sem_alloc : memref<!tpu.dma_semaphore, #tpu.memory_space<semaphore_mem>>
      %dma_start3A_130 = arith.constant 0 : i32
      %dma_start3A_131 = tpu.memref_slice %arg5[%mul3A_2, %dma_start3A_130] : memref<4096x26xf32, #tpu.memory_space<hbm>> -> memref<128x26xf32, #tpu.memory_space<hbm>>
      %dma_start3A_132 = arith.constant 0 : i32
      %dma_start3A_133 = tpu.memref_slice %arg5[%mul3A_2, %dma_start3A_132] : memref<4096x26xf32, #tpu.memory_space<hbm>> -> memref<128x26xf32, #tpu.memory_space<hbm>>
      tpu.enqueue_dma source(%dma_start3A_133 : memref<128x26xf32, #tpu.memory_space<hbm>>) target(%arg14 : memref<128x26xf32, #tpu.memory_space<vmem>>) target_semaphore(%run_scoped3A : memref<!tpu.dma_semaphore, #tpu.memory_space<semaphore_mem>>)
      %dma_wait3A_134 = arith.constant 0 : i32
      %dma_wait3A_135 = tpu.memref_slice %arg5[%mul3A_2, %dma_wait3A_134] : memref<4096x26xf32, #tpu.memory_space<hbm>> -> memref<128x26xf32, #tpu.memory_space<hbm>>
      %dma_wait3A_136 = arith.constant 0 : i32
      %dma_wait3A_137 = tpu.memref_slice %arg5[%mul3A_2, %dma_wait3A_136] : memref<4096x26xf32, #tpu.memory_space<hbm>> -> memref<128x26xf32, #tpu.memory_space<hbm>>
      tpu.wait_dma2 semaphore(%run_scoped3A : memref<!tpu.dma_semaphore, #tpu.memory_space<semaphore_mem>>) src(%dma_wait3A_137 : memref<128x26xf32, #tpu.memory_space<hbm>>) dst(%arg14 : memref<128x26xf32, #tpu.memory_space<vmem>>)
      tpu.yield
    }) : () -> ()
    "tpu.region"() ({
      %run_scoped3A = tpu.sem_alloc : memref<!tpu.dma_semaphore, #tpu.memory_space<semaphore_mem>>
      tpu.enqueue_dma source(%arg4 : memref<208xi32, #tpu.memory_space<hbm>>) target(%arg10 : memref<208xi32, #tpu.memory_space<vmem>>) target_semaphore(%run_scoped3A : memref<!tpu.dma_semaphore, #tpu.memory_space<semaphore_mem>>)
      tpu.wait_dma2 semaphore(%run_scoped3A : memref<!tpu.dma_semaphore, #tpu.memory_space<semaphore_mem>>) src(%arg4 : memref<208xi32, #tpu.memory_space<hbm>>) dst(%arg10 : memref<208xi32, #tpu.memory_space<vmem>>)
      tpu.yield
    }) : () -> ()
    "tpu.region"() ({
      %run_scoped3A = tpu.sem_alloc : memref<!tpu.dma_semaphore, #tpu.memory_space<semaphore_mem>>
      tpu.enqueue_dma source(%arg6 : memref<26x8xf32, #tpu.memory_space<hbm>>) target(%arg12 : memref<26x8xf32, #tpu.memory_space<vmem>>) target_semaphore(%run_scoped3A : memref<!tpu.dma_semaphore, #tpu.memory_space<semaphore_mem>>)
      tpu.wait_dma2 semaphore(%run_scoped3A : memref<!tpu.dma_semaphore, #tpu.memory_space<semaphore_mem>>) src(%arg6 : memref<26x8xf32, #tpu.memory_space<hbm>>) dst(%arg12 : memref<26x8xf32, #tpu.memory_space<vmem>>)
      tpu.yield
    }) : () -> ()
    "tpu.region"() ({
      %run_scoped3A = tpu.sem_alloc : memref<!tpu.dma_semaphore, #tpu.memory_space<semaphore_mem>>
      tpu.enqueue_dma source(%arg7 : memref<128xf32, #tpu.memory_space<hbm>>) target(%arg13 : memref<128xf32, #tpu.memory_space<vmem>>) target_semaphore(%run_scoped3A : memref<!tpu.dma_semaphore, #tpu.memory_space<semaphore_mem>>)
      tpu.wait_dma2 semaphore(%run_scoped3A : memref<!tpu.dma_semaphore, #tpu.memory_space<semaphore_mem>>) src(%arg7 : memref<128xf32, #tpu.memory_space<hbm>>) dst(%arg13 : memref<128xf32, #tpu.memory_space<vmem>>)
      tpu.yield
    }) : () -> ()
    %dma_start3A = arith.constant 0 : i32
    %dma_start3A_3 = arith.constant 0 : i32
    %dma_start3A_4 = tpu.memref_slice %arg15[%dma_start3A, %dma_start3A_3] : memref<146x128xf32, #tpu.memory_space<vmem>> -> memref<104x128xf32, #tpu.memory_space<vmem>>
    %dma_start3A_5 = arith.constant 0 : i32
    %dma_start3A_6 = tpu.memref_slice %arg10[%dma_start3A_5] : memref<208xi32, #tpu.memory_space<vmem>> -> memref<104xi32, #tpu.memory_space<vmem>>
    %dma_start3A_7 = arith.constant 0 : i32
    %dma_start3A_8 = arith.constant 0 : i32
    %dma_start3A_9 = tpu.memref_slice %arg3[%dma_start3A_7, %dma_start3A_8] : memref<100000x128xf32, #tpu.memory_space<hbm>> -> memref<100000x128xf32, #tpu.memory_space<hbm>>
    tpu.enqueue_indirect_dma source(%dma_start3A_9 : memref<100000x128xf32, #tpu.memory_space<hbm>>) target(%dma_start3A_4 : memref<104x128xf32, #tpu.memory_space<vmem>>) offsets(%dma_start3A_6 : memref<104xi32, #tpu.memory_space<vmem>>) semaphore(%arg27 : memref<!tpu.dma_semaphore, #tpu.memory_space<semaphore_mem>>)
    %dma_wait3A = arith.constant 0 : i32
    %dma_wait3A_10 = arith.constant 0 : i32
    %dma_wait3A_11 = tpu.memref_slice %arg15[%dma_wait3A, %dma_wait3A_10] : memref<146x128xf32, #tpu.memory_space<vmem>> -> memref<104x128xf32, #tpu.memory_space<vmem>>
    %dma_wait3A_12 = arith.constant 0 : i32
    %dma_wait3A_13 = tpu.memref_slice %arg10[%dma_wait3A_12] : memref<208xi32, #tpu.memory_space<vmem>> -> memref<104xi32, #tpu.memory_space<vmem>>
    %dma_wait3A_14 = arith.constant 0 : i32
    %dma_wait3A_15 = arith.constant 0 : i32
    %dma_wait3A_16 = tpu.memref_slice %arg3[%dma_wait3A_14, %dma_wait3A_15] : memref<100000x128xf32, #tpu.memory_space<hbm>> -> memref<100000x128xf32, #tpu.memory_space<hbm>>
    tpu.wait_indirect_dma semaphore(%arg27 : memref<!tpu.dma_semaphore, #tpu.memory_space<semaphore_mem>>) src(%dma_wait3A_16 : memref<100000x128xf32, #tpu.memory_space<hbm>>) dst(%dma_wait3A_11 : memref<104x128xf32, #tpu.memory_space<vmem>>)
    %dma_start3A_17 = arith.constant 0 : i32
    %dma_start3A_18 = arith.constant 0 : i32
    %dma_start3A_19 = tpu.memref_slice %arg16[%dma_start3A_17, %dma_start3A_18] : memref<146x128xf32, #tpu.memory_space<vmem>> -> memref<104x128xf32, #tpu.memory_space<vmem>>
    %dma_start3A_20 = arith.constant 104 : i32
    %dma_start3A_21 = tpu.memref_slice %arg10[%dma_start3A_20] : memref<208xi32, #tpu.memory_space<vmem>> -> memref<104xi32, #tpu.memory_space<vmem>>
    %dma_start3A_22 = arith.constant 0 : i32
    %dma_start3A_23 = arith.constant 0 : i32
    %dma_start3A_24 = tpu.memref_slice %arg3[%dma_start3A_22, %dma_start3A_23] : memref<100000x128xf32, #tpu.memory_space<hbm>> -> memref<100000x128xf32, #tpu.memory_space<hbm>>
    tpu.enqueue_indirect_dma source(%dma_start3A_24 : memref<100000x128xf32, #tpu.memory_space<hbm>>) target(%dma_start3A_19 : memref<104x128xf32, #tpu.memory_space<vmem>>) offsets(%dma_start3A_21 : memref<104xi32, #tpu.memory_space<vmem>>) semaphore(%arg27 : memref<!tpu.dma_semaphore, #tpu.memory_space<semaphore_mem>>)
    %dma_wait3A_25 = arith.constant 0 : i32
    %dma_wait3A_26 = arith.constant 0 : i32
    %dma_wait3A_27 = tpu.memref_slice %arg16[%dma_wait3A_25, %dma_wait3A_26] : memref<146x128xf32, #tpu.memory_space<vmem>> -> memref<104x128xf32, #tpu.memory_space<vmem>>
    %dma_wait3A_28 = arith.constant 104 : i32
    %dma_wait3A_29 = tpu.memref_slice %arg10[%dma_wait3A_28] : memref<208xi32, #tpu.memory_space<vmem>> -> memref<104xi32, #tpu.memory_space<vmem>>
    %dma_wait3A_30 = arith.constant 0 : i32
    %dma_wait3A_31 = arith.constant 0 : i32
    %dma_wait3A_32 = tpu.memref_slice %arg3[%dma_wait3A_30, %dma_wait3A_31] : memref<100000x128xf32, #tpu.memory_space<hbm>> -> memref<100000x128xf32, #tpu.memory_space<hbm>>
    tpu.wait_indirect_dma semaphore(%arg27 : memref<!tpu.dma_semaphore, #tpu.memory_space<semaphore_mem>>) src(%dma_wait3A_32 : memref<100000x128xf32, #tpu.memory_space<hbm>>) dst(%dma_wait3A_27 : memref<104x128xf32, #tpu.memory_space<vmem>>)
    %scan3A = arith.constant 0 : i32
    %scan3A_33 = arith.constant 0 : i32
    %scan3A_34 = arith.constant 13 : i32
    %scan3A_35 = arith.addi %scan3A_33, %scan3A_34 : i32
    %scan3A_36 = arith.constant 1 : i32
    scf.for %scan3A_130 = %scan3A_33 to %scan3A_35 step %scan3A_36  : i32 {
      %broadcast_in_dim3A = vector.broadcast %scan3A_130 : i32 to vector<16xi32>
      %broadcast_in_dim3A_131 = arith.constant 0 : i32
      %broadcast_in_dim3A_132 = vector.broadcast %broadcast_in_dim3A_131 : i32 to vector<16xi32>
      %gather3A = tpu.vector_load_idx %arg12[%broadcast_in_dim3A, %broadcast_in_dim3A_132] : memref<26x8xf32, #tpu.memory_space<vmem>>[vector<16xi32>, vector<16xi32>], vector<16xf32>,
      %broadcast_in_dim3A_133 = vector.broadcast %scan3A_130 : i32 to vector<16xi32>
      %broadcast_in_dim3A_134 = arith.constant 1 : i32
      %broadcast_in_dim3A_135 = vector.broadcast %broadcast_in_dim3A_134 : i32 to vector<16xi32>
      %gather3A_136 = tpu.vector_load_idx %arg12[%broadcast_in_dim3A_133, %broadcast_in_dim3A_135] : memref<26x8xf32, #tpu.memory_space<vmem>>[vector<16xi32>, vector<16xi32>], vector<16xf32>,
      %broadcast_in_dim3A_137 = vector.broadcast %scan3A_130 : i32 to vector<16xi32>
      %broadcast_in_dim3A_138 = arith.constant 2 : i32
      %broadcast_in_dim3A_139 = vector.broadcast %broadcast_in_dim3A_138 : i32 to vector<16xi32>
      %gather3A_140 = tpu.vector_load_idx %arg12[%broadcast_in_dim3A_137, %broadcast_in_dim3A_139] : memref<26x8xf32, #tpu.memory_space<vmem>>[vector<16xi32>, vector<16xi32>], vector<16xf32>,
      %broadcast_in_dim3A_141 = vector.broadcast %scan3A_130 : i32 to vector<16xi32>
      %broadcast_in_dim3A_142 = arith.constant 3 : i32
      %broadcast_in_dim3A_143 = vector.broadcast %broadcast_in_dim3A_142 : i32 to vector<16xi32>
      %gather3A_144 = tpu.vector_load_idx %arg12[%broadcast_in_dim3A_141, %broadcast_in_dim3A_143] : memref<26x8xf32, #tpu.memory_space<vmem>>[vector<16xi32>, vector<16xi32>], vector<16xf32>,
      %broadcast_in_dim3A_145 = vector.broadcast %scan3A_130 : i32 to vector<16xi32>
      %broadcast_in_dim3A_146 = arith.constant 4 : i32
      %broadcast_in_dim3A_147 = vector.broadcast %broadcast_in_dim3A_146 : i32 to vector<16xi32>
      %gather3A_148 = tpu.vector_load_idx %arg12[%broadcast_in_dim3A_145, %broadcast_in_dim3A_147] : memref<26x8xf32, #tpu.memory_space<vmem>>[vector<16xi32>, vector<16xi32>], vector<16xf32>,
      %broadcast_in_dim3A_149 = vector.broadcast %scan3A_130 : i32 to vector<16xi32>
      %broadcast_in_dim3A_150 = arith.constant 5 : i32
      %broadcast_in_dim3A_151 = vector.broadcast %broadcast_in_dim3A_150 : i32 to vector<16xi32>
      %gather3A_152 = tpu.vector_load_idx %arg12[%broadcast_in_dim3A_149, %broadcast_in_dim3A_151] : memref<26x8xf32, #tpu.memory_space<vmem>>[vector<16xi32>, vector<16xi32>], vector<16xf32>,
      %broadcast_in_dim3A_153 = vector.broadcast %scan3A_130 : i32 to vector<16xi32>
      %broadcast_in_dim3A_154 = arith.constant 6 : i32
      %broadcast_in_dim3A_155 = vector.broadcast %broadcast_in_dim3A_154 : i32 to vector<16xi32>
      %gather3A_156 = tpu.vector_load_idx %arg12[%broadcast_in_dim3A_153, %broadcast_in_dim3A_155] : memref<26x8xf32, #tpu.memory_space<vmem>>[vector<16xi32>, vector<16xi32>], vector<16xf32>,
      %broadcast_in_dim3A_157 = vector.broadcast %scan3A_130 : i32 to vector<16xi32>
      %broadcast_in_dim3A_158 = arith.constant 7 : i32
      %broadcast_in_dim3A_159 = vector.broadcast %broadcast_in_dim3A_158 : i32 to vector<16xi32>
      %gather3A_160 = tpu.vector_load_idx %arg12[%broadcast_in_dim3A_157, %broadcast_in_dim3A_159] : memref<26x8xf32, #tpu.memory_space<vmem>>[vector<16xi32>, vector<16xi32>], vector<16xf32>,
      %broadcast_in_dim3A_161 = arith.constant 0.000000e+00 : f32
      %broadcast_in_dim3A_162 = vector.broadcast %broadcast_in_dim3A_161 : f32 to vector<16xf32>
      %mul3A_163 = arith.constant 8 : i32
      %mul3A_164 = arith.muli %scan3A_130, %mul3A_163 : i32
      %add3A_165 = arith.constant 0 : i32
      %add3A_166 = arith.addi %mul3A_164, %add3A_165 : i32
      %sub3A = arith.constant 0 : i32
      %sub3A_167 = arith.subi %add3A_166, %sub3A : i32
      %get3A = arith.index_cast %sub3A_167 : i32 to index
      %get3A_168 = arith.constant 0 : index
      %get3A_169 = tpu.vector_load %arg15[%get3A, %get3A_168] {strides = array<i32>} : memref<146x128xf32, #tpu.memory_space<vmem>>, vector<16xf32>,
      %mul3A_170 = arith.mulf %gather3A, %get3A_169 : vector<16xf32>
      %add3A_171 = arith.addf %broadcast_in_dim3A_162, %mul3A_170 : vector<16xf32>
      %mul3A_172 = arith.constant 8 : i32
      %mul3A_173 = arith.muli %scan3A_130, %mul3A_172 : i32
      %add3A_174 = arith.constant 1 : i32
      %add3A_175 = arith.addi %mul3A_173, %add3A_174 : i32
      %sub3A_176 = arith.constant 0 : i32
      %sub3A_177 = arith.subi %add3A_175, %sub3A_176 : i32
      %get3A_178 = arith.index_cast %sub3A_177 : i32 to index
      %get3A_179 = arith.constant 0 : index
      %get3A_180 = tpu.vector_load %arg15[%get3A_178, %get3A_179] {strides = array<i32>} : memref<146x128xf32, #tpu.memory_space<vmem>>, vector<16xf32>,
      %mul3A_181 = arith.mulf %gather3A_136, %get3A_180 : vector<16xf32>
      %add3A_182 = arith.addf %add3A_171, %mul3A_181 : vector<16xf32>
      %mul3A_183 = arith.constant 8 : i32
      %mul3A_184 = arith.muli %scan3A_130, %mul3A_183 : i32
      %add3A_185 = arith.constant 2 : i32
      %add3A_186 = arith.addi %mul3A_184, %add3A_185 : i32
      %sub3A_187 = arith.constant 0 : i32
      %sub3A_188 = arith.subi %add3A_186, %sub3A_187 : i32
      %get3A_189 = arith.index_cast %sub3A_188 : i32 to index
      %get3A_190 = arith.constant 0 : index
      %get3A_191 = tpu.vector_load %arg15[%get3A_189, %get3A_190] {strides = array<i32>} : memref<146x128xf32, #tpu.memory_space<vmem>>, vector<16xf32>,
      %mul3A_192 = arith.mulf %gather3A_140, %get3A_191 : vector<16xf32>
      %add3A_193 = arith.addf %add3A_182, %mul3A_192 : vector<16xf32>
      %mul3A_194 = arith.constant 8 : i32
      %mul3A_195 = arith.muli %scan3A_130, %mul3A_194 : i32
      %add3A_196 = arith.constant 3 : i32
      %add3A_197 = arith.addi %mul3A_195, %add3A_196 : i32
      %sub3A_198 = arith.constant 0 : i32
      %sub3A_199 = arith.subi %add3A_197, %sub3A_198 : i32
      %get3A_200 = arith.index_cast %sub3A_199 : i32 to index
      %get3A_201 = arith.constant 0 : index
      %get3A_202 = tpu.vector_load %arg15[%get3A_200, %get3A_201] {strides = array<i32>} : memref<146x128xf32, #tpu.memory_space<vmem>>, vector<16xf32>,
      %mul3A_203 = arith.mulf %gather3A_144, %get3A_202 : vector<16xf32>
      %add3A_204 = arith.addf %add3A_193, %mul3A_203 : vector<16xf32>
      %mul3A_205 = arith.constant 8 : i32
      %mul3A_206 = arith.muli %scan3A_130, %mul3A_205 : i32
      %add3A_207 = arith.constant 4 : i32
      %add3A_208 = arith.addi %mul3A_206, %add3A_207 : i32
      %sub3A_209 = arith.constant 0 : i32
      %sub3A_210 = arith.subi %add3A_208, %sub3A_209 : i32
      %get3A_211 = arith.index_cast %sub3A_210 : i32 to index
      %get3A_212 = arith.constant 0 : index
      %get3A_213 = tpu.vector_load %arg15[%get3A_211, %get3A_212] {strides = array<i32>} : memref<146x128xf32, #tpu.memory_space<vmem>>, vector<16xf32>,
      %mul3A_214 = arith.mulf %gather3A_148, %get3A_213 : vector<16xf32>
      %add3A_215 = arith.addf %add3A_204, %mul3A_214 : vector<16xf32>
      %mul3A_216 = arith.constant 8 : i32
      %mul3A_217 = arith.muli %scan3A_130, %mul3A_216 : i32
      %add3A_218 = arith.constant 5 : i32
      %add3A_219 = arith.addi %mul3A_217, %add3A_218 : i32
      %sub3A_220 = arith.constant 0 : i32
      %sub3A_221 = arith.subi %add3A_219, %sub3A_220 : i32
      %get3A_222 = arith.index_cast %sub3A_221 : i32 to index
      %get3A_223 = arith.constant 0 : index
      %get3A_224 = tpu.vector_load %arg15[%get3A_222, %get3A_223] {strides = array<i32>} : memref<146x128xf32, #tpu.memory_space<vmem>>, vector<16xf32>,
      %mul3A_225 = arith.mulf %gather3A_152, %get3A_224 : vector<16xf32>
      %add3A_226 = arith.addf %add3A_215, %mul3A_225 : vector<16xf32>
      %mul3A_227 = arith.constant 8 : i32
      %mul3A_228 = arith.muli %scan3A_130, %mul3A_227 : i32
      %add3A_229 = arith.constant 6 : i32
      %add3A_230 = arith.addi %mul3A_228, %add3A_229 : i32
      %sub3A_231 = arith.constant 0 : i32
      %sub3A_232 = arith.subi %add3A_230, %sub3A_231 : i32
      %get3A_233 = arith.index_cast %sub3A_232 : i32 to index
      %get3A_234 = arith.constant 0 : index
      %get3A_235 = tpu.vector_load %arg15[%get3A_233, %get3A_234] {strides = array<i32>} : memref<146x128xf32, #tpu.memory_space<vmem>>, vector<16xf32>,
      %mul3A_236 = arith.mulf %gather3A_156, %get3A_235 : vector<16xf32>
      %add3A_237 = arith.addf %add3A_226, %mul3A_236 : vector<16xf32>
      %mul3A_238 = arith.constant 8 : i32
      %mul3A_239 = arith.muli %scan3A_130, %mul3A_238 : i32
      %add3A_240 = arith.constant 7 : i32
      %add3A_241 = arith.addi %mul3A_239, %add3A_240 : i32
      %sub3A_242 = arith.constant 0 : i32
      %sub3A_243 = arith.subi %add3A_241, %sub3A_242 : i32
      %get3A_244 = arith.index_cast %sub3A_243 : i32 to index
      %get3A_245 = arith.constant 0 : index
      %get3A_246 = tpu.vector_load %arg15[%get3A_244, %get3A_245] {strides = array<i32>} : memref<146x128xf32, #tpu.memory_space<vmem>>, vector<16xf32>,
      %mul3A_247 = arith.mulf %gather3A_160, %get3A_246 : vector<16xf32>
      %add3A_248 = arith.addf %add3A_237, %mul3A_247 : vector<16xf32>
      %swap3A = arith.index_cast %scan3A_130 : i32 to index
      %swap3A_249 = arith.constant 0 : index
      %swap3A_250 = tpu.vector_load %arg11[%swap3A, %swap3A_249] {strides = array<i32>} : memref<26x128xf32, #tpu.memory_space<vmem>>, vector<16xf32>,
      tpu.vector_store %arg11[%swap3A, %swap3A_249], %add3A_248 {strides = array<i32>} : memref<26x128xf32, #tpu.memory_space<vmem>>, vector<16xf32>,
      %broadcast_in_dim3A_251 = arith.constant 0.000000e+00 : f32
      %broadcast_in_dim3A_252 = vector.broadcast %broadcast_in_dim3A_251 : f32 to vector<16xf32>
      %mul3A_253 = arith.constant 8 : i32
      %mul3A_254 = arith.muli %scan3A_130, %mul3A_253 : i32
      %add3A_255 = arith.constant 0 : i32
      %add3A_256 = arith.addi %mul3A_254, %add3A_255 : i32
      %sub3A_257 = arith.constant 0 : i32
      %sub3A_258 = arith.subi %add3A_256, %sub3A_257 : i32
      %get3A_259 = arith.index_cast %sub3A_258 : i32 to index
      %get3A_260 = arith.constant 16 : index
      %get3A_261 = tpu.vector_load %arg15[%get3A_259, %get3A_260] {strides = array<i32>} : memref<146x128xf32, #tpu.memory_space<vmem>>, vector<16xf32>,
      %mul3A_262 = arith.mulf %gather3A, %get3A_261 : vector<16xf32>
      %add3A_263 = arith.addf %broadcast_in_dim3A_252, %mul3A_262 : vector<16xf32>
      %mul3A_264 = arith.constant 8 : i32
      %mul3A_265 = arith.muli %scan3A_130, %mul3A_264 : i32
      %add3A_266 = arith.constant 1 : i32
      %add3A_267 = arith.addi %mul3A_265, %add3A_266 : i32
      %sub3A_268 = arith.constant 0 : i32
      %sub3A_269 = arith.subi %add3A_267, %sub3A_268 : i32
      %get3A_270 = arith.index_cast %sub3A_269 : i32 to index
      %get3A_271 = arith.constant 16 : index
      %get3A_272 = tpu.vector_load %arg15[%get3A_270, %get3A_271] {strides = array<i32>} : memref<146x128xf32, #tpu.memory_space<vmem>>, vector<16xf32>,
      %mul3A_273 = arith.mulf %gather3A_136, %get3A_272 : vector<16xf32>
      %add3A_274 = arith.addf %add3A_263, %mul3A_273 : vector<16xf32>
      %mul3A_275 = arith.constant 8 : i32
      %mul3A_276 = arith.muli %scan3A_130, %mul3A_275 : i32
      %add3A_277 = arith.constant 2 : i32
      %add3A_278 = arith.addi %mul3A_276, %add3A_277 : i32
      %sub3A_279 = arith.constant 0 : i32
      %sub3A_280 = arith.subi %add3A_278, %sub3A_279 : i32
      %get3A_281 = arith.index_cast %sub3A_280 : i32 to index
      %get3A_282 = arith.constant 16 : index
      %get3A_283 = tpu.vector_load %arg15[%get3A_281, %get3A_282] {strides = array<i32>} : memref<146x128xf32, #tpu.memory_space<vmem>>, vector<16xf32>,
      %mul3A_284 = arith.mulf %gather3A_140, %get3A_283 : vector<16xf32>
      %add3A_285 = arith.addf %add3A_274, %mul3A_284 : vector<16xf32>
      %mul3A_286 = arith.constant 8 : i32
      %mul3A_287 = arith.muli %scan3A_130, %mul3A_286 : i32
      %add3A_288 = arith.constant 3 : i32
      %add3A_289 = arith.addi %mul3A_287, %add3A_288 : i32
      %sub3A_290 = arith.constant 0 : i32
      %sub3A_291 = arith.subi %add3A_289, %sub3A_290 : i32
      %get3A_292 = arith.index_cast %sub3A_291 : i32 to index
      %get3A_293 = arith.constant 16 : index
      %get3A_294 = tpu.vector_load %arg15[%get3A_292, %get3A_293] {strides = array<i32>} : memref<146x128xf32, #tpu.memory_space<vmem>>, vector<16xf32>,
      %mul3A_295 = arith.mulf %gather3A_144, %get3A_294 : vector<16xf32>
      %add3A_296 = arith.addf %add3A_285, %mul3A_295 : vector<16xf32>
      %mul3A_297 = arith.constant 8 : i32
      %mul3A_298 = arith.muli %scan3A_130, %mul3A_297 : i32
      %add3A_299 = arith.constant 4 : i32
      %add3A_300 = arith.addi %mul3A_298, %add3A_299 : i32
      %sub3A_301 = arith.constant 0 : i32
      %sub3A_302 = arith.subi %add3A_300, %sub3A_301 : i32
      %get3A_303 = arith.index_cast %sub3A_302 : i32 to index
      %get3A_304 = arith.constant 16 : index
      %get3A_305 = tpu.vector_load %arg15[%get3A_303, %get3A_304] {strides = array<i32>} : memref<146x128xf32, #tpu.memory_space<vmem>>, vector<16xf32>,
      %mul3A_306 = arith.mulf %gather3A_148, %get3A_305 : vector<16xf32>
      %add3A_307 = arith.addf %add3A_296, %mul3A_306 : vector<16xf32>
      %mul3A_308 = arith.constant 8 : i32
      %mul3A_309 = arith.muli %scan3A_130, %mul3A_308 : i32
      %add3A_310 = arith.constant 5 : i32
      %add3A_311 = arith.addi %mul3A_309, %add3A_310 : i32
      %sub3A_312 = arith.constant 0 : i32
      %sub3A_313 = arith.subi %add3A_311, %sub3A_312 : i32
      %get3A_314 = arith.index_cast %sub3A_313 : i32 to index
      %get3A_315 = arith.constant 16 : index
      %get3A_316 = tpu.vector_load %arg15[%get3A_314, %get3A_315] {strides = array<i32>} : memref<146x128xf32, #tpu.memory_space<vmem>>, vector<16xf32>,
      %mul3A_317 = arith.mulf %gather3A_152, %get3A_316 : vector<16xf32>
      %add3A_318 = arith.addf %add3A_307, %mul3A_317 : vector<16xf32>
      %mul3A_319 = arith.constant 8 : i32
      %mul3A_320 = arith.muli %scan3A_130, %mul3A_319 : i32
      %add3A_321 = arith.constant 6 : i32
      %add3A_322 = arith.addi %mul3A_320, %add3A_321 : i32
      %sub3A_323 = arith.constant 0 : i32
      %sub3A_324 = arith.subi %add3A_322, %sub3A_323 : i32
      %get3A_325 = arith.index_cast %sub3A_324 : i32 to index
      %get3A_326 = arith.constant 16 : index
      %get3A_327 = tpu.vector_load %arg15[%get3A_325, %get3A_326] {strides = array<i32>} : memref<146x128xf32, #tpu.memory_space<vmem>>, vector<16xf32>,
      %mul3A_328 = arith.mulf %gather3A_156, %get3A_327 : vector<16xf32>
      %add3A_329 = arith.addf %add3A_318, %mul3A_328 : vector<16xf32>
      %mul3A_330 = arith.constant 8 : i32
      %mul3A_331 = arith.muli %scan3A_130, %mul3A_330 : i32
      %add3A_332 = arith.constant 7 : i32
      %add3A_333 = arith.addi %mul3A_331, %add3A_332 : i32
      %sub3A_334 = arith.constant 0 : i32
      %sub3A_335 = arith.subi %add3A_333, %sub3A_334 : i32
      %get3A_336 = arith.index_cast %sub3A_335 : i32 to index
      %get3A_337 = arith.constant 16 : index
      %get3A_338 = tpu.vector_load %arg15[%get3A_336, %get3A_337] {strides = array<i32>} : memref<146x128xf32, #tpu.memory_space<vmem>>, vector<16xf32>,
      %mul3A_339 = arith.mulf %gather3A_160, %get3A_338 : vector<16xf32>
      %add3A_340 = arith.addf %add3A_329, %mul3A_339 : vector<16xf32>
      %swap3A_341 = arith.index_cast %scan3A_130 : i32 to index
      %swap3A_342 = arith.constant 16 : index
      %swap3A_343 = tpu.vector_load %arg11[%swap3A_341, %swap3A_342] {strides = array<i32>} : memref<26x128xf32, #tpu.memory_space<vmem>>, vector<16xf32>,
      tpu.vector_store %arg11[%swap3A_341, %swap3A_342], %add3A_340 {strides = array<i32>} : memref<26x128xf32, #tpu.memory_space<vmem>>, vector<16xf32>,
      %broadcast_in_dim3A_344 = arith.constant 0.000000e+00 : f32
      %broadcast_in_dim3A_345 = vector.broadcast %broadcast_in_dim3A_344 : f32 to vector<16xf32>
      %mul3A_346 = arith.constant 8 : i32
      %mul3A_347 = arith.muli %scan3A_130, %mul3A_346 : i32
      %add3A_348 = arith.constant 0 : i32
      %add3A_349 = arith.addi %mul3A_347, %add3A_348 : i32
      %sub3A_350 = arith.constant 0 : i32
      %sub3A_351 = arith.subi %add3A_349, %sub3A_350 : i32
      %get3A_352 = arith.index_cast %sub3A_351 : i32 to index
      %get3A_353 = arith.constant 32 : index
      %get3A_354 = tpu.vector_load %arg15[%get3A_352, %get3A_353] {strides = array<i32>} : memref<146x128xf32, #tpu.memory_space<vmem>>, vector<16xf32>,
      %mul3A_355 = arith.mulf %gather3A, %get3A_354 : vector<16xf32>
      %add3A_356 = arith.addf %broadcast_in_dim3A_345, %mul3A_355 : vector<16xf32>
      %mul3A_357 = arith.constant 8 : i32
      %mul3A_358 = arith.muli %scan3A_130, %mul3A_357 : i32
      %add3A_359 = arith.constant 1 : i32
      %add3A_360 = arith.addi %mul3A_358, %add3A_359 : i32
      %sub3A_361 = arith.constant 0 : i32
      %sub3A_362 = arith.subi %add3A_360, %sub3A_361 : i32
      %get3A_363 = arith.index_cast %sub3A_362 : i32 to index
      %get3A_364 = arith.constant 32 : index
      %get3A_365 = tpu.vector_load %arg15[%get3A_363, %get3A_364] {strides = array<i32>} : memref<146x128xf32, #tpu.memory_space<vmem>>, vector<16xf32>,
      %mul3A_366 = arith.mulf %gather3A_136, %get3A_365 : vector<16xf32>
      %add3A_367 = arith.addf %add3A_356, %mul3A_366 : vector<16xf32>
      %mul3A_368 = arith.constant 8 : i32
      %mul3A_369 = arith.muli %scan3A_130, %mul3A_368 : i32
      %add3A_370 = arith.constant 2 : i32
      %add3A_371 = arith.addi %mul3A_369, %add3A_370 : i32
      %sub3A_372 = arith.constant 0 : i32
      %sub3A_373 = arith.subi %add3A_371, %sub3A_372 : i32
      %get3A_374 = arith.index_cast %sub3A_373 : i32 to index
      %get3A_375 = arith.constant 32 : index
      %get3A_376 = tpu.vector_load %arg15[%get3A_374, %get3A_375] {strides = array<i32>} : memref<146x128xf32, #tpu.memory_space<vmem>>, vector<16xf32>,
      %mul3A_377 = arith.mulf %gather3A_140, %get3A_376 : vector<16xf32>
      %add3A_378 = arith.addf %add3A_367, %mul3A_377 : vector<16xf32>
      %mul3A_379 = arith.constant 8 : i32
      %mul3A_380 = arith.muli %scan3A_130, %mul3A_379 : i32
      %add3A_381 = arith.constant 3 : i32
      %add3A_382 = arith.addi %mul3A_380, %add3A_381 : i32
      %sub3A_383 = arith.constant 0 : i32
      %sub3A_384 = arith.subi %add3A_382, %sub3A_383 : i32
      %get3A_385 = arith.index_cast %sub3A_384 : i32 to index
      %get3A_386 = arith.constant 32 : index
      %get3A_387 = tpu.vector_load %arg15[%get3A_385, %get3A_386] {strides = array<i32>} : memref<146x128xf32, #tpu.memory_space<vmem>>, vector<16xf32>,
      %mul3A_388 = arith.mulf %gather3A_144, %get3A_387 : vector<16xf32>
      %add3A_389 = arith.addf %add3A_378, %mul3A_388 : vector<16xf32>
      %mul3A_390 = arith.constant 8 : i32
      %mul3A_391 = arith.muli %scan3A_130, %mul3A_390 : i32
      %add3A_392 = arith.constant 4 : i32
      %add3A_393 = arith.addi %mul3A_391, %add3A_392 : i32
      %sub3A_394 = arith.constant 0 : i32
      %sub3A_395 = arith.subi %add3A_393, %sub3A_394 : i32
      %get3A_396 = arith.index_cast %sub3A_395 : i32 to index
      %get3A_397 = arith.constant 32 : index
      %get3A_398 = tpu.vector_load %arg15[%get3A_396, %get3A_397] {strides = array<i32>} : memref<146x128xf32, #tpu.memory_space<vmem>>, vector<16xf32>,
      %mul3A_399 = arith.mulf %gather3A_148, %get3A_398 : vector<16xf32>
      %add3A_400 = arith.addf %add3A_389, %mul3A_399 : vector<16xf32>
      %mul3A_401 = arith.constant 8 : i32
      %mul3A_402 = arith.muli %scan3A_130, %mul3A_401 : i32
      %add3A_403 = arith.constant 5 : i32
      %add3A_404 = arith.addi %mul3A_402, %add3A_403 : i32
      %sub3A_405 = arith.constant 0 : i32
      %sub3A_406 = arith.subi %add3A_404, %sub3A_405 : i32
      %get3A_407 = arith.index_cast %sub3A_406 : i32 to index
      %get3A_408 = arith.constant 32 : index
      %get3A_409 = tpu.vector_load %arg15[%get3A_407, %get3A_408] {strides = array<i32>} : memref<146x128xf32, #tpu.memory_space<vmem>>, vector<16xf32>,
      %mul3A_410 = arith.mulf %gather3A_152, %get3A_409 : vector<16xf32>
      %add3A_411 = arith.addf %add3A_400, %mul3A_410 : vector<16xf32>
      %mul3A_412 = arith.constant 8 : i32
      %mul3A_413 = arith.muli %scan3A_130, %mul3A_412 : i32
      %add3A_414 = arith.constant 6 : i32
      %add3A_415 = arith.addi %mul3A_413, %add3A_414 : i32
      %sub3A_416 = arith.constant 0 : i32
      %sub3A_417 = arith.subi %add3A_415, %sub3A_416 : i32
      %get3A_418 = arith.index_cast %sub3A_417 : i32 to index
      %get3A_419 = arith.constant 32 : index
      %get3A_420 = tpu.vector_load %arg15[%get3A_418, %get3A_419] {strides = array<i32>} : memref<146x128xf32, #tpu.memory_space<vmem>>, vector<16xf32>,
      %mul3A_421 = arith.mulf %gather3A_156, %get3A_420 : vector<16xf32>
      %add3A_422 = arith.addf %add3A_411, %mul3A_421 : vector<16xf32>
      %mul3A_423 = arith.constant 8 : i32
      %mul3A_424 = arith.muli %scan3A_130, %mul3A_423 : i32
      %add3A_425 = arith.constant 7 : i32
      %add3A_426 = arith.addi %mul3A_424, %add3A_425 : i32
      %sub3A_427 = arith.constant 0 : i32
      %sub3A_428 = arith.subi %add3A_426, %sub3A_427 : i32
      %get3A_429 = arith.index_cast %sub3A_428 : i32 to index
      %get3A_430 = arith.constant 32 : index
      %get3A_431 = tpu.vector_load %arg15[%get3A_429, %get3A_430] {strides = array<i32>} : memref<146x128xf32, #tpu.memory_space<vmem>>, vector<16xf32>,
      %mul3A_432 = arith.mulf %gather3A_160, %get3A_431 : vector<16xf32>
      %add3A_433 = arith.addf %add3A_422, %mul3A_432 : vector<16xf32>
      %swap3A_434 = arith.index_cast %scan3A_130 : i32 to index
      %swap3A_435 = arith.constant 32 : index
      %swap3A_436 = tpu.vector_load %arg11[%swap3A_434, %swap3A_435] {strides = array<i32>} : memref<26x128xf32, #tpu.memory_space<vmem>>, vector<16xf32>,
      tpu.vector_store %arg11[%swap3A_434, %swap3A_435], %add3A_433 {strides = array<i32>} : memref<26x128xf32, #tpu.memory_space<vmem>>, vector<16xf32>,
      %broadcast_in_dim3A_437 = arith.constant 0.000000e+00 : f32
      %broadcast_in_dim3A_438 = vector.broadcast %broadcast_in_dim3A_437 : f32 to vector<16xf32>
      %mul3A_439 = arith.constant 8 : i32
      %mul3A_440 = arith.muli %scan3A_130, %mul3A_439 : i32
      %add3A_441 = arith.constant 0 : i32
      %add3A_442 = arith.addi %mul3A_440, %add3A_441 : i32
      %sub3A_443 = arith.constant 0 : i32
      %sub3A_444 = arith.subi %add3A_442, %sub3A_443 : i32
      %get3A_445 = arith.index_cast %sub3A_444 : i32 to index
      %get3A_446 = arith.constant 48 : index
      %get3A_447 = tpu.vector_load %arg15[%get3A_445, %get3A_446] {strides = array<i32>} : memref<146x128xf32, #tpu.memory_space<vmem>>, vector<16xf32>,
      %mul3A_448 = arith.mulf %gather3A, %get3A_447 : vector<16xf32>
      %add3A_449 = arith.addf %broadcast_in_dim3A_438, %mul3A_448 : vector<16xf32>
      %mul3A_450 = arith.constant 8 : i32
      %mul3A_451 = arith.muli %scan3A_130, %mul3A_450 : i32
      %add3A_452 = arith.constant 1 : i32
      %add3A_453 = arith.addi %mul3A_451, %add3A_452 : i32
      %sub3A_454 = arith.constant 0 : i32
      %sub3A_455 = arith.subi %add3A_453, %sub3A_454 : i32
      %get3A_456 = arith.index_cast %sub3A_455 : i32 to index
      %get3A_457 = arith.constant 48 : index
      %get3A_458 = tpu.vector_load %arg15[%get3A_456, %get3A_457] {strides = array<i32>} : memref<146x128xf32, #tpu.memory_space<vmem>>, vector<16xf32>,
      %mul3A_459 = arith.mulf %gather3A_136, %get3A_458 : vector<16xf32>
      %add3A_460 = arith.addf %add3A_449, %mul3A_459 : vector<16xf32>
      %mul3A_461 = arith.constant 8 : i32
      %mul3A_462 = arith.muli %scan3A_130, %mul3A_461 : i32
      %add3A_463 = arith.constant 2 : i32
      %add3A_464 = arith.addi %mul3A_462, %add3A_463 : i32
      %sub3A_465 = arith.constant 0 : i32
      %sub3A_466 = arith.subi %add3A_464, %sub3A_465 : i32
      %get3A_467 = arith.index_cast %sub3A_466 : i32 to index
      %get3A_468 = arith.constant 48 : index
      %get3A_469 = tpu.vector_load %arg15[%get3A_467, %get3A_468] {strides = array<i32>} : memref<146x128xf32, #tpu.memory_space<vmem>>, vector<16xf32>,
      %mul3A_470 = arith.mulf %gather3A_140, %get3A_469 : vector<16xf32>
      %add3A_471 = arith.addf %add3A_460, %mul3A_470 : vector<16xf32>
      %mul3A_472 = arith.constant 8 : i32
      %mul3A_473 = arith.muli %scan3A_130, %mul3A_472 : i32
      %add3A_474 = arith.constant 3 : i32
      %add3A_475 = arith.addi %mul3A_473, %add3A_474 : i32
      %sub3A_476 = arith.constant 0 : i32
      %sub3A_477 = arith.subi %add3A_475, %sub3A_476 : i32
      %get3A_478 = arith.index_cast %sub3A_477 : i32 to index
      %get3A_479 = arith.constant 48 : index
      %get3A_480 = tpu.vector_load %arg15[%get3A_478, %get3A_479] {strides = array<i32>} : memref<146x128xf32, #tpu.memory_space<vmem>>, vector<16xf32>,
      %mul3A_481 = arith.mulf %gather3A_144, %get3A_480 : vector<16xf32>
      %add3A_482 = arith.addf %add3A_471, %mul3A_481 : vector<16xf32>
      %mul3A_483 = arith.constant 8 : i32
      %mul3A_484 = arith.muli %scan3A_130, %mul3A_483 : i32
      %add3A_485 = arith.constant 4 : i32
      %add3A_486 = arith.addi %mul3A_484, %add3A_485 : i32
      %sub3A_487 = arith.constant 0 : i32
      %sub3A_488 = arith.subi %add3A_486, %sub3A_487 : i32
      %get3A_489 = arith.index_cast %sub3A_488 : i32 to index
      %get3A_490 = arith.constant 48 : index
      %get3A_491 = tpu.vector_load %arg15[%get3A_489, %get3A_490] {strides = array<i32>} : memref<146x128xf32, #tpu.memory_space<vmem>>, vector<16xf32>,
      %mul3A_492 = arith.mulf %gather3A_148, %get3A_491 : vector<16xf32>
      %add3A_493 = arith.addf %add3A_482, %mul3A_492 : vector<16xf32>
      %mul3A_494 = arith.constant 8 : i32
      %mul3A_495 = arith.muli %scan3A_130, %mul3A_494 : i32
      %add3A_496 = arith.constant 5 : i32
      %add3A_497 = arith.addi %mul3A_495, %add3A_496 : i32
      %sub3A_498 = arith.constant 0 : i32
      %sub3A_499 = arith.subi %add3A_497, %sub3A_498 : i32
      %get3A_500 = arith.index_cast %sub3A_499 : i32 to index
      %get3A_501 = arith.constant 48 : index
      %get3A_502 = tpu.vector_load %arg15[%get3A_500, %get3A_501] {strides = array<i32>} : memref<146x128xf32, #tpu.memory_space<vmem>>, vector<16xf32>,
      %mul3A_503 = arith.mulf %gather3A_152, %get3A_502 : vector<16xf32>
      %add3A_504 = arith.addf %add3A_493, %mul3A_503 : vector<16xf32>
      %mul3A_505 = arith.constant 8 : i32
      %mul3A_506 = arith.muli %scan3A_130, %mul3A_505 : i32
      %add3A_507 = arith.constant 6 : i32
      %add3A_508 = arith.addi %mul3A_506, %add3A_507 : i32
      %sub3A_509 = arith.constant 0 : i32
      %sub3A_510 = arith.subi %add3A_508, %sub3A_509 : i32
      %get3A_511 = arith.index_cast %sub3A_510 : i32 to index
      %get3A_512 = arith.constant 48 : index
      %get3A_513 = tpu.vector_load %arg15[%get3A_511, %get3A_512] {strides = array<i32>} : memref<146x128xf32, #tpu.memory_space<vmem>>, vector<16xf32>,
      %mul3A_514 = arith.mulf %gather3A_156, %get3A_513 : vector<16xf32>
      %add3A_515 = arith.addf %add3A_504, %mul3A_514 : vector<16xf32>
      %mul3A_516 = arith.constant 8 : i32
      %mul3A_517 = arith.muli %scan3A_130, %mul3A_516 : i32
      %add3A_518 = arith.constant 7 : i32
      %add3A_519 = arith.addi %mul3A_517, %add3A_518 : i32
      %sub3A_520 = arith.constant 0 : i32
      %sub3A_521 = arith.subi %add3A_519, %sub3A_520 : i32
      %get3A_522 = arith.index_cast %sub3A_521 : i32 to index
      %get3A_523 = arith.constant 48 : index
      %get3A_524 = tpu.vector_load %arg15[%get3A_522, %get3A_523] {strides = array<i32>} : memref<146x128xf32, #tpu.memory_space<vmem>>, vector<16xf32>,
      %mul3A_525 = arith.mulf %gather3A_160, %get3A_524 : vector<16xf32>
      %add3A_526 = arith.addf %add3A_515, %mul3A_525 : vector<16xf32>
      %swap3A_527 = arith.index_cast %scan3A_130 : i32 to index
      %swap3A_528 = arith.constant 48 : index
      %swap3A_529 = tpu.vector_load %arg11[%swap3A_527, %swap3A_528] {strides = array<i32>} : memref<26x128xf32, #tpu.memory_space<vmem>>, vector<16xf32>,
      tpu.vector_store %arg11[%swap3A_527, %swap3A_528], %add3A_526 {strides = array<i32>} : memref<26x128xf32, #tpu.memory_space<vmem>>, vector<16xf32>,
      %broadcast_in_dim3A_530 = arith.constant 0.000000e+00 : f32
      %broadcast_in_dim3A_531 = vector.broadcast %broadcast_in_dim3A_530 : f32 to vector<16xf32>
      %mul3A_532 = arith.constant 8 : i32
      %mul3A_533 = arith.muli %scan3A_130, %mul3A_532 : i32
      %add3A_534 = arith.constant 0 : i32
      %add3A_535 = arith.addi %mul3A_533, %add3A_534 : i32
      %sub3A_536 = arith.constant 0 : i32
      %sub3A_537 = arith.subi %add3A_535, %sub3A_536 : i32
      %get3A_538 = arith.index_cast %sub3A_537 : i32 to index
      %get3A_539 = arith.constant 64 : index
      %get3A_540 = tpu.vector_load %arg15[%get3A_538, %get3A_539] {strides = array<i32>} : memref<146x128xf32, #tpu.memory_space<vmem>>, vector<16xf32>,
      %mul3A_541 = arith.mulf %gather3A, %get3A_540 : vector<16xf32>
      %add3A_542 = arith.addf %broadcast_in_dim3A_531, %mul3A_541 : vector<16xf32>
      %mul3A_543 = arith.constant 8 : i32
      %mul3A_544 = arith.muli %scan3A_130, %mul3A_543 : i32
      %add3A_545 = arith.constant 1 : i32
      %add3A_546 = arith.addi %mul3A_544, %add3A_545 : i32
      %sub3A_547 = arith.constant 0 : i32
      %sub3A_548 = arith.subi %add3A_546, %sub3A_547 : i32
      %get3A_549 = arith.index_cast %sub3A_548 : i32 to index
      %get3A_550 = arith.constant 64 : index
      %get3A_551 = tpu.vector_load %arg15[%get3A_549, %get3A_550] {strides = array<i32>} : memref<146x128xf32, #tpu.memory_space<vmem>>, vector<16xf32>,
      %mul3A_552 = arith.mulf %gather3A_136, %get3A_551 : vector<16xf32>
      %add3A_553 = arith.addf %add3A_542, %mul3A_552 : vector<16xf32>
      %mul3A_554 = arith.constant 8 : i32
      %mul3A_555 = arith.muli %scan3A_130, %mul3A_554 : i32
      %add3A_556 = arith.constant 2 : i32
      %add3A_557 = arith.addi %mul3A_555, %add3A_556 : i32
      %sub3A_558 = arith.constant 0 : i32
      %sub3A_559 = arith.subi %add3A_557, %sub3A_558 : i32
      %get3A_560 = arith.index_cast %sub3A_559 : i32 to index
      %get3A_561 = arith.constant 64 : index
      %get3A_562 = tpu.vector_load %arg15[%get3A_560, %get3A_561] {strides = array<i32>} : memref<146x128xf32, #tpu.memory_space<vmem>>, vector<16xf32>,
      %mul3A_563 = arith.mulf %gather3A_140, %get3A_562 : vector<16xf32>
      %add3A_564 = arith.addf %add3A_553, %mul3A_563 : vector<16xf32>
      %mul3A_565 = arith.constant 8 : i32
      %mul3A_566 = arith.muli %scan3A_130, %mul3A_565 : i32
      %add3A_567 = arith.constant 3 : i32
      %add3A_568 = arith.addi %mul3A_566, %add3A_567 : i32
      %sub3A_569 = arith.constant 0 : i32
      %sub3A_570 = arith.subi %add3A_568, %sub3A_569 : i32
      %get3A_571 = arith.index_cast %sub3A_570 : i32 to index
      %get3A_572 = arith.constant 64 : index
      %get3A_573 = tpu.vector_load %arg15[%get3A_571, %get3A_572] {strides = array<i32>} : memref<146x128xf32, #tpu.memory_space<vmem>>, vector<16xf32>,
      %mul3A_574 = arith.mulf %gather3A_144, %get3A_573 : vector<16xf32>
      %add3A_575 = arith.addf %add3A_564, %mul3A_574 : vector<16xf32>
      %mul3A_576 = arith.constant 8 : i32
      %mul3A_577 = arith.muli %scan3A_130, %mul3A_576 : i32
      %add3A_578 = arith.constant 4 : i32
      %add3A_579 = arith.addi %mul3A_577, %add3A_578 : i32
      %sub3A_580 = arith.constant 0 : i32
      %sub3A_581 = arith.subi %add3A_579, %sub3A_580 : i32
      %get3A_582 = arith.index_cast %sub3A_581 : i32 to index
      %get3A_583 = arith.constant 64 : index
      %get3A_584 = tpu.vector_load %arg15[%get3A_582, %get3A_583] {strides = array<i32>} : memref<146x128xf32, #tpu.memory_space<vmem>>, vector<16xf32>,
      %mul3A_585 = arith.mulf %gather3A_148, %get3A_584 : vector<16xf32>
      %add3A_586 = arith.addf %add3A_575, %mul3A_585 : vector<16xf32>
      %mul3A_587 = arith.constant 8 : i32
      %mul3A_588 = arith.muli %scan3A_130, %mul3A_587 : i32
      %add3A_589 = arith.constant 5 : i32
      %add3A_590 = arith.addi %mul3A_588, %add3A_589 : i32
      %sub3A_591 = arith.constant 0 : i32
      %sub3A_592 = arith.subi %add3A_590, %sub3A_591 : i32
      %get3A_593 = arith.index_cast %sub3A_592 : i32 to index
      %get3A_594 = arith.constant 64 : index
      %get3A_595 = tpu.vector_load %arg15[%get3A_593, %get3A_594] {strides = array<i32>} : memref<146x128xf32, #tpu.memory_space<vmem>>, vector<16xf32>,
      %mul3A_596 = arith.mulf %gather3A_152, %get3A_595 : vector<16xf32>
      %add3A_597 = arith.addf %add3A_586, %mul3A_596 : vector<16xf32>
      %mul3A_598 = arith.constant 8 : i32
      %mul3A_599 = arith.muli %scan3A_130, %mul3A_598 : i32
      %add3A_600 = arith.constant 6 : i32
      %add3A_601 = arith.addi %mul3A_599, %add3A_600 : i32
      %sub3A_602 = arith.constant 0 : i32
      %sub3A_603 = arith.subi %add3A_601, %sub3A_602 : i32
      %get3A_604 = arith.index_cast %sub3A_603 : i32 to index
      %get3A_605 = arith.constant 64 : index
      %get3A_606 = tpu.vector_load %arg15[%get3A_604, %get3A_605] {strides = array<i32>} : memref<146x128xf32, #tpu.memory_space<vmem>>, vector<16xf32>,
      %mul3A_607 = arith.mulf %gather3A_156, %get3A_606 : vector<16xf32>
      %add3A_608 = arith.addf %add3A_597, %mul3A_607 : vector<16xf32>
      %mul3A_609 = arith.constant 8 : i32
      %mul3A_610 = arith.muli %scan3A_130, %mul3A_609 : i32
      %add3A_611 = arith.constant 7 : i32
      %add3A_612 = arith.addi %mul3A_610, %add3A_611 : i32
      %sub3A_613 = arith.constant 0 : i32
      %sub3A_614 = arith.subi %add3A_612, %sub3A_613 : i32
      %get3A_615 = arith.index_cast %sub3A_614 : i32 to index
      %get3A_616 = arith.constant 64 : index
      %get3A_617 = tpu.vector_load %arg15[%get3A_615, %get3A_616] {strides = array<i32>} : memref<146x128xf32, #tpu.memory_space<vmem>>, vector<16xf32>,
      %mul3A_618 = arith.mulf %gather3A_160, %get3A_617 : vector<16xf32>
      %add3A_619 = arith.addf %add3A_608, %mul3A_618 : vector<16xf32>
      %swap3A_620 = arith.index_cast %scan3A_130 : i32 to index
      %swap3A_621 = arith.constant 64 : index
      %swap3A_622 = tpu.vector_load %arg11[%swap3A_620, %swap3A_621] {strides = array<i32>} : memref<26x128xf32, #tpu.memory_space<vmem>>, vector<16xf32>,
      tpu.vector_store %arg11[%swap3A_620, %swap3A_621], %add3A_619 {strides = array<i32>} : memref<26x128xf32, #tpu.memory_space<vmem>>, vector<16xf32>,
      %broadcast_in_dim3A_623 = arith.constant 0.000000e+00 : f32
      %broadcast_in_dim3A_624 = vector.broadcast %broadcast_in_dim3A_623 : f32 to vector<16xf32>
      %mul3A_625 = arith.constant 8 : i32
      %mul3A_626 = arith.muli %scan3A_130, %mul3A_625 : i32
      %add3A_627 = arith.constant 0 : i32
      %add3A_628 = arith.addi %mul3A_626, %add3A_627 : i32
      %sub3A_629 = arith.constant 0 : i32
      %sub3A_630 = arith.subi %add3A_628, %sub3A_629 : i32
      %get3A_631 = arith.index_cast %sub3A_630 : i32 to index
      %get3A_632 = arith.constant 80 : index
      %get3A_633 = tpu.vector_load %arg15[%get3A_631, %get3A_632] {strides = array<i32>} : memref<146x128xf32, #tpu.memory_space<vmem>>, vector<16xf32>,
      %mul3A_634 = arith.mulf %gather3A, %get3A_633 : vector<16xf32>
      %add3A_635 = arith.addf %broadcast_in_dim3A_624, %mul3A_634 : vector<16xf32>
      %mul3A_636 = arith.constant 8 : i32
      %mul3A_637 = arith.muli %scan3A_130, %mul3A_636 : i32
      %add3A_638 = arith.constant 1 : i32
      %add3A_639 = arith.addi %mul3A_637, %add3A_638 : i32
      %sub3A_640 = arith.constant 0 : i32
      %sub3A_641 = arith.subi %add3A_639, %sub3A_640 : i32
      %get3A_642 = arith.index_cast %sub3A_641 : i32 to index
      %get3A_643 = arith.constant 80 : index
      %get3A_644 = tpu.vector_load %arg15[%get3A_642, %get3A_643] {strides = array<i32>} : memref<146x128xf32, #tpu.memory_space<vmem>>, vector<16xf32>,
      %mul3A_645 = arith.mulf %gather3A_136, %get3A_644 : vector<16xf32>
      %add3A_646 = arith.addf %add3A_635, %mul3A_645 : vector<16xf32>
      %mul3A_647 = arith.constant 8 : i32
      %mul3A_648 = arith.muli %scan3A_130, %mul3A_647 : i32
      %add3A_649 = arith.constant 2 : i32
      %add3A_650 = arith.addi %mul3A_648, %add3A_649 : i32
      %sub3A_651 = arith.constant 0 : i32
      %sub3A_652 = arith.subi %add3A_650, %sub3A_651 : i32
      %get3A_653 = arith.index_cast %sub3A_652 : i32 to index
      %get3A_654 = arith.constant 80 : index
      %get3A_655 = tpu.vector_load %arg15[%get3A_653, %get3A_654] {strides = array<i32>} : memref<146x128xf32, #tpu.memory_space<vmem>>, vector<16xf32>,
      %mul3A_656 = arith.mulf %gather3A_140, %get3A_655 : vector<16xf32>
      %add3A_657 = arith.addf %add3A_646, %mul3A_656 : vector<16xf32>
      %mul3A_658 = arith.constant 8 : i32
      %mul3A_659 = arith.muli %scan3A_130, %mul3A_658 : i32
      %add3A_660 = arith.constant 3 : i32
      %add3A_661 = arith.addi %mul3A_659, %add3A_660 : i32
      %sub3A_662 = arith.constant 0 : i32
      %sub3A_663 = arith.subi %add3A_661, %sub3A_662 : i32
      %get3A_664 = arith.index_cast %sub3A_663 : i32 to index
      %get3A_665 = arith.constant 80 : index
      %get3A_666 = tpu.vector_load %arg15[%get3A_664, %get3A_665] {strides = array<i32>} : memref<146x128xf32, #tpu.memory_space<vmem>>, vector<16xf32>,
      %mul3A_667 = arith.mulf %gather3A_144, %get3A_666 : vector<16xf32>
      %add3A_668 = arith.addf %add3A_657, %mul3A_667 : vector<16xf32>
      %mul3A_669 = arith.constant 8 : i32
      %mul3A_670 = arith.muli %scan3A_130, %mul3A_669 : i32
      %add3A_671 = arith.constant 4 : i32
      %add3A_672 = arith.addi %mul3A_670, %add3A_671 : i32
      %sub3A_673 = arith.constant 0 : i32
      %sub3A_674 = arith.subi %add3A_672, %sub3A_673 : i32
      %get3A_675 = arith.index_cast %sub3A_674 : i32 to index
      %get3A_676 = arith.constant 80 : index
      %get3A_677 = tpu.vector_load %arg15[%get3A_675, %get3A_676] {strides = array<i32>} : memref<146x128xf32, #tpu.memory_space<vmem>>, vector<16xf32>,
      %mul3A_678 = arith.mulf %gather3A_148, %get3A_677 : vector<16xf32>
      %add3A_679 = arith.addf %add3A_668, %mul3A_678 : vector<16xf32>
      %mul3A_680 = arith.constant 8 : i32
      %mul3A_681 = arith.muli %scan3A_130, %mul3A_680 : i32
      %add3A_682 = arith.constant 5 : i32
      %add3A_683 = arith.addi %mul3A_681, %add3A_682 : i32
      %sub3A_684 = arith.constant 0 : i32
      %sub3A_685 = arith.subi %add3A_683, %sub3A_684 : i32
      %get3A_686 = arith.index_cast %sub3A_685 : i32 to index
      %get3A_687 = arith.constant 80 : index
      %get3A_688 = tpu.vector_load %arg15[%get3A_686, %get3A_687] {strides = array<i32>} : memref<146x128xf32, #tpu.memory_space<vmem>>, vector<16xf32>,
      %mul3A_689 = arith.mulf %gather3A_152, %get3A_688 : vector<16xf32>
      %add3A_690 = arith.addf %add3A_679, %mul3A_689 : vector<16xf32>
      %mul3A_691 = arith.constant 8 : i32
      %mul3A_692 = arith.muli %scan3A_130, %mul3A_691 : i32
      %add3A_693 = arith.constant 6 : i32
      %add3A_694 = arith.addi %mul3A_692, %add3A_693 : i32
      %sub3A_695 = arith.constant 0 : i32
      %sub3A_696 = arith.subi %add3A_694, %sub3A_695 : i32
      %get3A_697 = arith.index_cast %sub3A_696 : i32 to index
      %get3A_698 = arith.constant 80 : index
      %get3A_699 = tpu.vector_load %arg15[%get3A_697, %get3A_698] {strides = array<i32>} : memref<146x128xf32, #tpu.memory_space<vmem>>, vector<16xf32>,
      %mul3A_700 = arith.mulf %gather3A_156, %get3A_699 : vector<16xf32>
      %add3A_701 = arith.addf %add3A_690, %mul3A_700 : vector<16xf32>
      %mul3A_702 = arith.constant 8 : i32
      %mul3A_703 = arith.muli %scan3A_130, %mul3A_702 : i32
      %add3A_704 = arith.constant 7 : i32
      %add3A_705 = arith.addi %mul3A_703, %add3A_704 : i32
      %sub3A_706 = arith.constant 0 : i32
      %sub3A_707 = arith.subi %add3A_705, %sub3A_706 : i32
      %get3A_708 = arith.index_cast %sub3A_707 : i32 to index
      %get3A_709 = arith.constant 80 : index
      %get3A_710 = tpu.vector_load %arg15[%get3A_708, %get3A_709] {strides = array<i32>} : memref<146x128xf32, #tpu.memory_space<vmem>>, vector<16xf32>,
      %mul3A_711 = arith.mulf %gather3A_160, %get3A_710 : vector<16xf32>
      %add3A_712 = arith.addf %add3A_701, %mul3A_711 : vector<16xf32>
      %swap3A_713 = arith.index_cast %scan3A_130 : i32 to index
      %swap3A_714 = arith.constant 80 : index
      %swap3A_715 = tpu.vector_load %arg11[%swap3A_713, %swap3A_714] {strides = array<i32>} : memref<26x128xf32, #tpu.memory_space<vmem>>, vector<16xf32>,
      tpu.vector_store %arg11[%swap3A_713, %swap3A_714], %add3A_712 {strides = array<i32>} : memref<26x128xf32, #tpu.memory_space<vmem>>, vector<16xf32>,
      %broadcast_in_dim3A_716 = arith.constant 0.000000e+00 : f32
      %broadcast_in_dim3A_717 = vector.broadcast %broadcast_in_dim3A_716 : f32 to vector<16xf32>
      %mul3A_718 = arith.constant 8 : i32
      %mul3A_719 = arith.muli %scan3A_130, %mul3A_718 : i32
      %add3A_720 = arith.constant 0 : i32
      %add3A_721 = arith.addi %mul3A_719, %add3A_720 : i32
      %sub3A_722 = arith.constant 0 : i32
      %sub3A_723 = arith.subi %add3A_721, %sub3A_722 : i32
      %get3A_724 = arith.index_cast %sub3A_723 : i32 to index
      %get3A_725 = arith.constant 96 : index
      %get3A_726 = tpu.vector_load %arg15[%get3A_724, %get3A_725] {strides = array<i32>} : memref<146x128xf32, #tpu.memory_space<vmem>>, vector<16xf32>,
      %mul3A_727 = arith.mulf %gather3A, %get3A_726 : vector<16xf32>
      %add3A_728 = arith.addf %broadcast_in_dim3A_717, %mul3A_727 : vector<16xf32>
      %mul3A_729 = arith.constant 8 : i32
      %mul3A_730 = arith.muli %scan3A_130, %mul3A_729 : i32
      %add3A_731 = arith.constant 1 : i32
      %add3A_732 = arith.addi %mul3A_730, %add3A_731 : i32
      %sub3A_733 = arith.constant 0 : i32
      %sub3A_734 = arith.subi %add3A_732, %sub3A_733 : i32
      %get3A_735 = arith.index_cast %sub3A_734 : i32 to index
      %get3A_736 = arith.constant 96 : index
      %get3A_737 = tpu.vector_load %arg15[%get3A_735, %get3A_736] {strides = array<i32>} : memref<146x128xf32, #tpu.memory_space<vmem>>, vector<16xf32>,
      %mul3A_738 = arith.mulf %gather3A_136, %get3A_737 : vector<16xf32>
      %add3A_739 = arith.addf %add3A_728, %mul3A_738 : vector<16xf32>
      %mul3A_740 = arith.constant 8 : i32
      %mul3A_741 = arith.muli %scan3A_130, %mul3A_740 : i32
      %add3A_742 = arith.constant 2 : i32
      %add3A_743 = arith.addi %mul3A_741, %add3A_742 : i32
      %sub3A_744 = arith.constant 0 : i32
      %sub3A_745 = arith.subi %add3A_743, %sub3A_744 : i32
      %get3A_746 = arith.index_cast %sub3A_745 : i32 to index
      %get3A_747 = arith.constant 96 : index
      %get3A_748 = tpu.vector_load %arg15[%get3A_746, %get3A_747] {strides = array<i32>} : memref<146x128xf32, #tpu.memory_space<vmem>>, vector<16xf32>,
      %mul3A_749 = arith.mulf %gather3A_140, %get3A_748 : vector<16xf32>
      %add3A_750 = arith.addf %add3A_739, %mul3A_749 : vector<16xf32>
      %mul3A_751 = arith.constant 8 : i32
      %mul3A_752 = arith.muli %scan3A_130, %mul3A_751 : i32
      %add3A_753 = arith.constant 3 : i32
      %add3A_754 = arith.addi %mul3A_752, %add3A_753 : i32
      %sub3A_755 = arith.constant 0 : i32
      %sub3A_756 = arith.subi %add3A_754, %sub3A_755 : i32
      %get3A_757 = arith.index_cast %sub3A_756 : i32 to index
      %get3A_758 = arith.constant 96 : index
      %get3A_759 = tpu.vector_load %arg15[%get3A_757, %get3A_758] {strides = array<i32>} : memref<146x128xf32, #tpu.memory_space<vmem>>, vector<16xf32>,
      %mul3A_760 = arith.mulf %gather3A_144, %get3A_759 : vector<16xf32>
      %add3A_761 = arith.addf %add3A_750, %mul3A_760 : vector<16xf32>
      %mul3A_762 = arith.constant 8 : i32
      %mul3A_763 = arith.muli %scan3A_130, %mul3A_762 : i32
      %add3A_764 = arith.constant 4 : i32
      %add3A_765 = arith.addi %mul3A_763, %add3A_764 : i32
      %sub3A_766 = arith.constant 0 : i32
      %sub3A_767 = arith.subi %add3A_765, %sub3A_766 : i32
      %get3A_768 = arith.index_cast %sub3A_767 : i32 to index
      %get3A_769 = arith.constant 96 : index
      %get3A_770 = tpu.vector_load %arg15[%get3A_768, %get3A_769] {strides = array<i32>} : memref<146x128xf32, #tpu.memory_space<vmem>>, vector<16xf32>,
      %mul3A_771 = arith.mulf %gather3A_148, %get3A_770 : vector<16xf32>
      %add3A_772 = arith.addf %add3A_761, %mul3A_771 : vector<16xf32>
      %mul3A_773 = arith.constant 8 : i32
      %mul3A_774 = arith.muli %scan3A_130, %mul3A_773 : i32
      %add3A_775 = arith.constant 5 : i32
      %add3A_776 = arith.addi %mul3A_774, %add3A_775 : i32
      %sub3A_777 = arith.constant 0 : i32
      %sub3A_778 = arith.subi %add3A_776, %sub3A_777 : i32
      %get3A_779 = arith.index_cast %sub3A_778 : i32 to index
      %get3A_780 = arith.constant 96 : index
      %get3A_781 = tpu.vector_load %arg15[%get3A_779, %get3A_780] {strides = array<i32>} : memref<146x128xf32, #tpu.memory_space<vmem>>, vector<16xf32>,
      %mul3A_782 = arith.mulf %gather3A_152, %get3A_781 : vector<16xf32>
      %add3A_783 = arith.addf %add3A_772, %mul3A_782 : vector<16xf32>
      %mul3A_784 = arith.constant 8 : i32
      %mul3A_785 = arith.muli %scan3A_130, %mul3A_784 : i32
      %add3A_786 = arith.constant 6 : i32
      %add3A_787 = arith.addi %mul3A_785, %add3A_786 : i32
      %sub3A_788 = arith.constant 0 : i32
      %sub3A_789 = arith.subi %add3A_787, %sub3A_788 : i32
      %get3A_790 = arith.index_cast %sub3A_789 : i32 to index
      %get3A_791 = arith.constant 96 : index
      %get3A_792 = tpu.vector_load %arg15[%get3A_790, %get3A_791] {strides = array<i32>} : memref<146x128xf32, #tpu.memory_space<vmem>>, vector<16xf32>,
      %mul3A_793 = arith.mulf %gather3A_156, %get3A_792 : vector<16xf32>
      %add3A_794 = arith.addf %add3A_783, %mul3A_793 : vector<16xf32>
      %mul3A_795 = arith.constant 8 : i32
      %mul3A_796 = arith.muli %scan3A_130, %mul3A_795 : i32
      %add3A_797 = arith.constant 7 : i32
      %add3A_798 = arith.addi %mul3A_796, %add3A_797 : i32
      %sub3A_799 = arith.constant 0 : i32
      %sub3A_800 = arith.subi %add3A_798, %sub3A_799 : i32
      %get3A_801 = arith.index_cast %sub3A_800 : i32 to index
      %get3A_802 = arith.constant 96 : index
      %get3A_803 = tpu.vector_load %arg15[%get3A_801, %get3A_802] {strides = array<i32>} : memref<146x128xf32, #tpu.memory_space<vmem>>, vector<16xf32>,
      %mul3A_804 = arith.mulf %gather3A_160, %get3A_803 : vector<16xf32>
      %add3A_805 = arith.addf %add3A_794, %mul3A_804 : vector<16xf32>
      %swap3A_806 = arith.index_cast %scan3A_130 : i32 to index
      %swap3A_807 = arith.constant 96 : index
      %swap3A_808 = tpu.vector_load %arg11[%swap3A_806, %swap3A_807] {strides = array<i32>} : memref<26x128xf32, #tpu.memory_space<vmem>>, vector<16xf32>,
      tpu.vector_store %arg11[%swap3A_806, %swap3A_807], %add3A_805 {strides = array<i32>} : memref<26x128xf32, #tpu.memory_space<vmem>>, vector<16xf32>,
      %broadcast_in_dim3A_809 = arith.constant 0.000000e+00 : f32
      %broadcast_in_dim3A_810 = vector.broadcast %broadcast_in_dim3A_809 : f32 to vector<16xf32>
      %mul3A_811 = arith.constant 8 : i32
      %mul3A_812 = arith.muli %scan3A_130, %mul3A_811 : i32
      %add3A_813 = arith.constant 0 : i32
      %add3A_814 = arith.addi %mul3A_812, %add3A_813 : i32
      %sub3A_815 = arith.constant 0 : i32
      %sub3A_816 = arith.subi %add3A_814, %sub3A_815 : i32
      %get3A_817 = arith.index_cast %sub3A_816 : i32 to index
      %get3A_818 = arith.constant 112 : index
      %get3A_819 = tpu.vector_load %arg15[%get3A_817, %get3A_818] {strides = array<i32>} : memref<146x128xf32, #tpu.memory_space<vmem>>, vector<16xf32>,
      %mul3A_820 = arith.mulf %gather3A, %get3A_819 : vector<16xf32>
      %add3A_821 = arith.addf %broadcast_in_dim3A_810, %mul3A_820 : vector<16xf32>
      %mul3A_822 = arith.constant 8 : i32
      %mul3A_823 = arith.muli %scan3A_130, %mul3A_822 : i32
      %add3A_824 = arith.constant 1 : i32
      %add3A_825 = arith.addi %mul3A_823, %add3A_824 : i32
      %sub3A_826 = arith.constant 0 : i32
      %sub3A_827 = arith.subi %add3A_825, %sub3A_826 : i32
      %get3A_828 = arith.index_cast %sub3A_827 : i32 to index
      %get3A_829 = arith.constant 112 : index
      %get3A_830 = tpu.vector_load %arg15[%get3A_828, %get3A_829] {strides = array<i32>} : memref<146x128xf32, #tpu.memory_space<vmem>>, vector<16xf32>,
      %mul3A_831 = arith.mulf %gather3A_136, %get3A_830 : vector<16xf32>
      %add3A_832 = arith.addf %add3A_821, %mul3A_831 : vector<16xf32>
      %mul3A_833 = arith.constant 8 : i32
      %mul3A_834 = arith.muli %scan3A_130, %mul3A_833 : i32
      %add3A_835 = arith.constant 2 : i32
      %add3A_836 = arith.addi %mul3A_834, %add3A_835 : i32
      %sub3A_837 = arith.constant 0 : i32
      %sub3A_838 = arith.subi %add3A_836, %sub3A_837 : i32
      %get3A_839 = arith.index_cast %sub3A_838 : i32 to index
      %get3A_840 = arith.constant 112 : index
      %get3A_841 = tpu.vector_load %arg15[%get3A_839, %get3A_840] {strides = array<i32>} : memref<146x128xf32, #tpu.memory_space<vmem>>, vector<16xf32>,
      %mul3A_842 = arith.mulf %gather3A_140, %get3A_841 : vector<16xf32>
      %add3A_843 = arith.addf %add3A_832, %mul3A_842 : vector<16xf32>
      %mul3A_844 = arith.constant 8 : i32
      %mul3A_845 = arith.muli %scan3A_130, %mul3A_844 : i32
      %add3A_846 = arith.constant 3 : i32
      %add3A_847 = arith.addi %mul3A_845, %add3A_846 : i32
      %sub3A_848 = arith.constant 0 : i32
      %sub3A_849 = arith.subi %add3A_847, %sub3A_848 : i32
      %get3A_850 = arith.index_cast %sub3A_849 : i32 to index
      %get3A_851 = arith.constant 112 : index
      %get3A_852 = tpu.vector_load %arg15[%get3A_850, %get3A_851] {strides = array<i32>} : memref<146x128xf32, #tpu.memory_space<vmem>>, vector<16xf32>,
      %mul3A_853 = arith.mulf %gather3A_144, %get3A_852 : vector<16xf32>
      %add3A_854 = arith.addf %add3A_843, %mul3A_853 : vector<16xf32>
      %mul3A_855 = arith.constant 8 : i32
      %mul3A_856 = arith.muli %scan3A_130, %mul3A_855 : i32
      %add3A_857 = arith.constant 4 : i32
      %add3A_858 = arith.addi %mul3A_856, %add3A_857 : i32
      %sub3A_859 = arith.constant 0 : i32
      %sub3A_860 = arith.subi %add3A_858, %sub3A_859 : i32
      %get3A_861 = arith.index_cast %sub3A_860 : i32 to index
      %get3A_862 = arith.constant 112 : index
      %get3A_863 = tpu.vector_load %arg15[%get3A_861, %get3A_862] {strides = array<i32>} : memref<146x128xf32, #tpu.memory_space<vmem>>, vector<16xf32>,
      %mul3A_864 = arith.mulf %gather3A_148, %get3A_863 : vector<16xf32>
      %add3A_865 = arith.addf %add3A_854, %mul3A_864 : vector<16xf32>
      %mul3A_866 = arith.constant 8 : i32
      %mul3A_867 = arith.muli %scan3A_130, %mul3A_866 : i32
      %add3A_868 = arith.constant 5 : i32
      %add3A_869 = arith.addi %mul3A_867, %add3A_868 : i32
      %sub3A_870 = arith.constant 0 : i32
      %sub3A_871 = arith.subi %add3A_869, %sub3A_870 : i32
      %get3A_872 = arith.index_cast %sub3A_871 : i32 to index
      %get3A_873 = arith.constant 112 : index
      %get3A_874 = tpu.vector_load %arg15[%get3A_872, %get3A_873] {strides = array<i32>} : memref<146x128xf32, #tpu.memory_space<vmem>>, vector<16xf32>,
      %mul3A_875 = arith.mulf %gather3A_152, %get3A_874 : vector<16xf32>
      %add3A_876 = arith.addf %add3A_865, %mul3A_875 : vector<16xf32>
      %mul3A_877 = arith.constant 8 : i32
      %mul3A_878 = arith.muli %scan3A_130, %mul3A_877 : i32
      %add3A_879 = arith.constant 6 : i32
      %add3A_880 = arith.addi %mul3A_878, %add3A_879 : i32
      %sub3A_881 = arith.constant 0 : i32
      %sub3A_882 = arith.subi %add3A_880, %sub3A_881 : i32
      %get3A_883 = arith.index_cast %sub3A_882 : i32 to index
      %get3A_884 = arith.constant 112 : index
      %get3A_885 = tpu.vector_load %arg15[%get3A_883, %get3A_884] {strides = array<i32>} : memref<146x128xf32, #tpu.memory_space<vmem>>, vector<16xf32>,
      %mul3A_886 = arith.mulf %gather3A_156, %get3A_885 : vector<16xf32>
      %add3A_887 = arith.addf %add3A_876, %mul3A_886 : vector<16xf32>
      %mul3A_888 = arith.constant 8 : i32
      %mul3A_889 = arith.muli %scan3A_130, %mul3A_888 : i32
      %add3A_890 = arith.constant 7 : i32
      %add3A_891 = arith.addi %mul3A_889, %add3A_890 : i32
      %sub3A_892 = arith.constant 0 : i32
      %sub3A_893 = arith.subi %add3A_891, %sub3A_892 : i32
      %get3A_894 = arith.index_cast %sub3A_893 : i32 to index
      %get3A_895 = arith.constant 112 : index
      %get3A_896 = tpu.vector_load %arg15[%get3A_894, %get3A_895] {strides = array<i32>} : memref<146x128xf32, #tpu.memory_space<vmem>>, vector<16xf32>,
      %mul3A_897 = arith.mulf %gather3A_160, %get3A_896 : vector<16xf32>
      %add3A_898 = arith.addf %add3A_887, %mul3A_897 : vector<16xf32>
      %swap3A_899 = arith.index_cast %scan3A_130 : i32 to index
      %swap3A_900 = arith.constant 112 : index
      %swap3A_901 = tpu.vector_load %arg11[%swap3A_899, %swap3A_900] {strides = array<i32>} : memref<26x128xf32, #tpu.memory_space<vmem>>, vector<16xf32>,
      tpu.vector_store %arg11[%swap3A_899, %swap3A_900], %add3A_898 {strides = array<i32>} : memref<26x128xf32, #tpu.memory_space<vmem>>, vector<16xf32>,
    }
    %scan3A_37 = arith.constant 13 : i32
    %scan3A_38 = arith.constant 0 : i32
    %scan3A_39 = arith.constant 13 : i32
    %scan3A_40 = arith.constant 13 : i32
    %scan3A_41 = arith.addi %scan3A_39, %scan3A_40 : i32
    %scan3A_42 = arith.constant 1 : i32
    scf.for %scan3A_130 = %scan3A_39 to %scan3A_41 step %scan3A_42  : i32 {
      %broadcast_in_dim3A = vector.broadcast %scan3A_130 : i32 to vector<16xi32>
      %broadcast_in_dim3A_131 = arith.constant 0 : i32
      %broadcast_in_dim3A_132 = vector.broadcast %broadcast_in_dim3A_131 : i32 to vector<16xi32>
      %gather3A = tpu.vector_load_idx %arg12[%broadcast_in_dim3A, %broadcast_in_dim3A_132] : memref<26x8xf32, #tpu.memory_space<vmem>>[vector<16xi32>, vector<16xi32>], vector<16xf32>,
      %broadcast_in_dim3A_133 = vector.broadcast %scan3A_130 : i32 to vector<16xi32>
      %broadcast_in_dim3A_134 = arith.constant 1 : i32
      %broadcast_in_dim3A_135 = vector.broadcast %broadcast_in_dim3A_134 : i32 to vector<16xi32>
      %gather3A_136 = tpu.vector_load_idx %arg12[%broadcast_in_dim3A_133, %broadcast_in_dim3A_135] : memref<26x8xf32, #tpu.memory_space<vmem>>[vector<16xi32>, vector<16xi32>], vector<16xf32>,
      %broadcast_in_dim3A_137 = vector.broadcast %scan3A_130 : i32 to vector<16xi32>
      %broadcast_in_dim3A_138 = arith.constant 2 : i32
      %broadcast_in_dim3A_139 = vector.broadcast %broadcast_in_dim3A_138 : i32 to vector<16xi32>
      %gather3A_140 = tpu.vector_load_idx %arg12[%broadcast_in_dim3A_137, %broadcast_in_dim3A_139] : memref<26x8xf32, #tpu.memory_space<vmem>>[vector<16xi32>, vector<16xi32>], vector<16xf32>,
      %broadcast_in_dim3A_141 = vector.broadcast %scan3A_130 : i32 to vector<16xi32>
      %broadcast_in_dim3A_142 = arith.constant 3 : i32
      %broadcast_in_dim3A_143 = vector.broadcast %broadcast_in_dim3A_142 : i32 to vector<16xi32>
      %gather3A_144 = tpu.vector_load_idx %arg12[%broadcast_in_dim3A_141, %broadcast_in_dim3A_143] : memref<26x8xf32, #tpu.memory_space<vmem>>[vector<16xi32>, vector<16xi32>], vector<16xf32>,
      %broadcast_in_dim3A_145 = vector.broadcast %scan3A_130 : i32 to vector<16xi32>
      %broadcast_in_dim3A_146 = arith.constant 4 : i32
      %broadcast_in_dim3A_147 = vector.broadcast %broadcast_in_dim3A_146 : i32 to vector<16xi32>
      %gather3A_148 = tpu.vector_load_idx %arg12[%broadcast_in_dim3A_145, %broadcast_in_dim3A_147] : memref<26x8xf32, #tpu.memory_space<vmem>>[vector<16xi32>, vector<16xi32>], vector<16xf32>,
      %broadcast_in_dim3A_149 = vector.broadcast %scan3A_130 : i32 to vector<16xi32>
      %broadcast_in_dim3A_150 = arith.constant 5 : i32
      %broadcast_in_dim3A_151 = vector.broadcast %broadcast_in_dim3A_150 : i32 to vector<16xi32>
      %gather3A_152 = tpu.vector_load_idx %arg12[%broadcast_in_dim3A_149, %broadcast_in_dim3A_151] : memref<26x8xf32, #tpu.memory_space<vmem>>[vector<16xi32>, vector<16xi32>], vector<16xf32>,
      %broadcast_in_dim3A_153 = vector.broadcast %scan3A_130 : i32 to vector<16xi32>
      %broadcast_in_dim3A_154 = arith.constant 6 : i32
      %broadcast_in_dim3A_155 = vector.broadcast %broadcast_in_dim3A_154 : i32 to vector<16xi32>
      %gather3A_156 = tpu.vector_load_idx %arg12[%broadcast_in_dim3A_153, %broadcast_in_dim3A_155] : memref<26x8xf32, #tpu.memory_space<vmem>>[vector<16xi32>, vector<16xi32>], vector<16xf32>,
      %broadcast_in_dim3A_157 = vector.broadcast %scan3A_130 : i32 to vector<16xi32>
      %broadcast_in_dim3A_158 = arith.constant 7 : i32
      %broadcast_in_dim3A_159 = vector.broadcast %broadcast_in_dim3A_158 : i32 to vector<16xi32>
      %gather3A_160 = tpu.vector_load_idx %arg12[%broadcast_in_dim3A_157, %broadcast_in_dim3A_159] : memref<26x8xf32, #tpu.memory_space<vmem>>[vector<16xi32>, vector<16xi32>], vector<16xf32>,
      %broadcast_in_dim3A_161 = arith.constant 0.000000e+00 : f32
      %broadcast_in_dim3A_162 = vector.broadcast %broadcast_in_dim3A_161 : f32 to vector<16xf32>
      %mul3A_163 = arith.constant 8 : i32
      %mul3A_164 = arith.muli %scan3A_130, %mul3A_163 : i32
      %add3A_165 = arith.constant 0 : i32
      %add3A_166 = arith.addi %mul3A_164, %add3A_165 : i32
      %sub3A = arith.constant 104 : i32
      %sub3A_167 = arith.subi %add3A_166, %sub3A : i32
      %get3A = arith.index_cast %sub3A_167 : i32 to index
      %get3A_168 = arith.constant 0 : index
      %get3A_169 = tpu.vector_load %arg16[%get3A, %get3A_168] {strides = array<i32>} : memref<146x128xf32, #tpu.memory_space<vmem>>, vector<16xf32>,
      %mul3A_170 = arith.mulf %gather3A, %get3A_169 : vector<16xf32>
      %add3A_171 = arith.addf %broadcast_in_dim3A_162, %mul3A_170 : vector<16xf32>
      %mul3A_172 = arith.constant 8 : i32
      %mul3A_173 = arith.muli %scan3A_130, %mul3A_172 : i32
      %add3A_174 = arith.constant 1 : i32
      %add3A_175 = arith.addi %mul3A_173, %add3A_174 : i32
      %sub3A_176 = arith.constant 104 : i32
      %sub3A_177 = arith.subi %add3A_175, %sub3A_176 : i32
      %get3A_178 = arith.index_cast %sub3A_177 : i32 to index
      %get3A_179 = arith.constant 0 : index
      %get3A_180 = tpu.vector_load %arg16[%get3A_178, %get3A_179] {strides = array<i32>} : memref<146x128xf32, #tpu.memory_space<vmem>>, vector<16xf32>,
      %mul3A_181 = arith.mulf %gather3A_136, %get3A_180 : vector<16xf32>
      %add3A_182 = arith.addf %add3A_171, %mul3A_181 : vector<16xf32>
      %mul3A_183 = arith.constant 8 : i32
      %mul3A_184 = arith.muli %scan3A_130, %mul3A_183 : i32
      %add3A_185 = arith.constant 2 : i32
      %add3A_186 = arith.addi %mul3A_184, %add3A_185 : i32
      %sub3A_187 = arith.constant 104 : i32
      %sub3A_188 = arith.subi %add3A_186, %sub3A_187 : i32
      %get3A_189 = arith.index_cast %sub3A_188 : i32 to index
      %get3A_190 = arith.constant 0 : index
      %get3A_191 = tpu.vector_load %arg16[%get3A_189, %get3A_190] {strides = array<i32>} : memref<146x128xf32, #tpu.memory_space<vmem>>, vector<16xf32>,
      %mul3A_192 = arith.mulf %gather3A_140, %get3A_191 : vector<16xf32>
      %add3A_193 = arith.addf %add3A_182, %mul3A_192 : vector<16xf32>
      %mul3A_194 = arith.constant 8 : i32
      %mul3A_195 = arith.muli %scan3A_130, %mul3A_194 : i32
      %add3A_196 = arith.constant 3 : i32
      %add3A_197 = arith.addi %mul3A_195, %add3A_196 : i32
      %sub3A_198 = arith.constant 104 : i32
      %sub3A_199 = arith.subi %add3A_197, %sub3A_198 : i32
      %get3A_200 = arith.index_cast %sub3A_199 : i32 to index
      %get3A_201 = arith.constant 0 : index
      %get3A_202 = tpu.vector_load %arg16[%get3A_200, %get3A_201] {strides = array<i32>} : memref<146x128xf32, #tpu.memory_space<vmem>>, vector<16xf32>,
      %mul3A_203 = arith.mulf %gather3A_144, %get3A_202 : vector<16xf32>
      %add3A_204 = arith.addf %add3A_193, %mul3A_203 : vector<16xf32>
      %mul3A_205 = arith.constant 8 : i32
      %mul3A_206 = arith.muli %scan3A_130, %mul3A_205 : i32
      %add3A_207 = arith.constant 4 : i32
      %add3A_208 = arith.addi %mul3A_206, %add3A_207 : i32
      %sub3A_209 = arith.constant 104 : i32
      %sub3A_210 = arith.subi %add3A_208, %sub3A_209 : i32
      %get3A_211 = arith.index_cast %sub3A_210 : i32 to index
      %get3A_212 = arith.constant 0 : index
      %get3A_213 = tpu.vector_load %arg16[%get3A_211, %get3A_212] {strides = array<i32>} : memref<146x128xf32, #tpu.memory_space<vmem>>, vector<16xf32>,
      %mul3A_214 = arith.mulf %gather3A_148, %get3A_213 : vector<16xf32>
      %add3A_215 = arith.addf %add3A_204, %mul3A_214 : vector<16xf32>
      %mul3A_216 = arith.constant 8 : i32
      %mul3A_217 = arith.muli %scan3A_130, %mul3A_216 : i32
      %add3A_218 = arith.constant 5 : i32
      %add3A_219 = arith.addi %mul3A_217, %add3A_218 : i32
      %sub3A_220 = arith.constant 104 : i32
      %sub3A_221 = arith.subi %add3A_219, %sub3A_220 : i32
      %get3A_222 = arith.index_cast %sub3A_221 : i32 to index
      %get3A_223 = arith.constant 0 : index
      %get3A_224 = tpu.vector_load %arg16[%get3A_222, %get3A_223] {strides = array<i32>} : memref<146x128xf32, #tpu.memory_space<vmem>>, vector<16xf32>,
      %mul3A_225 = arith.mulf %gather3A_152, %get3A_224 : vector<16xf32>
      %add3A_226 = arith.addf %add3A_215, %mul3A_225 : vector<16xf32>
      %mul3A_227 = arith.constant 8 : i32
      %mul3A_228 = arith.muli %scan3A_130, %mul3A_227 : i32
      %add3A_229 = arith.constant 6 : i32
      %add3A_230 = arith.addi %mul3A_228, %add3A_229 : i32
      %sub3A_231 = arith.constant 104 : i32
      %sub3A_232 = arith.subi %add3A_230, %sub3A_231 : i32
      %get3A_233 = arith.index_cast %sub3A_232 : i32 to index
      %get3A_234 = arith.constant 0 : index
      %get3A_235 = tpu.vector_load %arg16[%get3A_233, %get3A_234] {strides = array<i32>} : memref<146x128xf32, #tpu.memory_space<vmem>>, vector<16xf32>,
      %mul3A_236 = arith.mulf %gather3A_156, %get3A_235 : vector<16xf32>
      %add3A_237 = arith.addf %add3A_226, %mul3A_236 : vector<16xf32>
      %mul3A_238 = arith.constant 8 : i32
      %mul3A_239 = arith.muli %scan3A_130, %mul3A_238 : i32
      %add3A_240 = arith.constant 7 : i32
      %add3A_241 = arith.addi %mul3A_239, %add3A_240 : i32
      %sub3A_242 = arith.constant 104 : i32
      %sub3A_243 = arith.subi %add3A_241, %sub3A_242 : i32
      %get3A_244 = arith.index_cast %sub3A_243 : i32 to index
      %get3A_245 = arith.constant 0 : index
      %get3A_246 = tpu.vector_load %arg16[%get3A_244, %get3A_245] {strides = array<i32>} : memref<146x128xf32, #tpu.memory_space<vmem>>, vector<16xf32>,
      %mul3A_247 = arith.mulf %gather3A_160, %get3A_246 : vector<16xf32>
      %add3A_248 = arith.addf %add3A_237, %mul3A_247 : vector<16xf32>
      %swap3A = arith.index_cast %scan3A_130 : i32 to index
      %swap3A_249 = arith.constant 0 : index
      %swap3A_250 = tpu.vector_load %arg11[%swap3A, %swap3A_249] {strides = array<i32>} : memref<26x128xf32, #tpu.memory_space<vmem>>, vector<16xf32>,
      tpu.vector_store %arg11[%swap3A, %swap3A_249], %add3A_248 {strides = array<i32>} : memref<26x128xf32, #tpu.memory_space<vmem>>, vector<16xf32>,
      %broadcast_in_dim3A_251 = arith.constant 0.000000e+00 : f32
      %broadcast_in_dim3A_252 = vector.broadcast %broadcast_in_dim3A_251 : f32 to vector<16xf32>
      %mul3A_253 = arith.constant 8 : i32
      %mul3A_254 = arith.muli %scan3A_130, %mul3A_253 : i32
      %add3A_255 = arith.constant 0 : i32
      %add3A_256 = arith.addi %mul3A_254, %add3A_255 : i32
      %sub3A_257 = arith.constant 104 : i32
      %sub3A_258 = arith.subi %add3A_256, %sub3A_257 : i32
      %get3A_259 = arith.index_cast %sub3A_258 : i32 to index
      %get3A_260 = arith.constant 16 : index
      %get3A_261 = tpu.vector_load %arg16[%get3A_259, %get3A_260] {strides = array<i32>} : memref<146x128xf32, #tpu.memory_space<vmem>>, vector<16xf32>,
      %mul3A_262 = arith.mulf %gather3A, %get3A_261 : vector<16xf32>
      %add3A_263 = arith.addf %broadcast_in_dim3A_252, %mul3A_262 : vector<16xf32>
      %mul3A_264 = arith.constant 8 : i32
      %mul3A_265 = arith.muli %scan3A_130, %mul3A_264 : i32
      %add3A_266 = arith.constant 1 : i32
      %add3A_267 = arith.addi %mul3A_265, %add3A_266 : i32
      %sub3A_268 = arith.constant 104 : i32
      %sub3A_269 = arith.subi %add3A_267, %sub3A_268 : i32
      %get3A_270 = arith.index_cast %sub3A_269 : i32 to index
      %get3A_271 = arith.constant 16 : index
      %get3A_272 = tpu.vector_load %arg16[%get3A_270, %get3A_271] {strides = array<i32>} : memref<146x128xf32, #tpu.memory_space<vmem>>, vector<16xf32>,
      %mul3A_273 = arith.mulf %gather3A_136, %get3A_272 : vector<16xf32>
      %add3A_274 = arith.addf %add3A_263, %mul3A_273 : vector<16xf32>
      %mul3A_275 = arith.constant 8 : i32
      %mul3A_276 = arith.muli %scan3A_130, %mul3A_275 : i32
      %add3A_277 = arith.constant 2 : i32
      %add3A_278 = arith.addi %mul3A_276, %add3A_277 : i32
      %sub3A_279 = arith.constant 104 : i32
      %sub3A_280 = arith.subi %add3A_278, %sub3A_279 : i32
      %get3A_281 = arith.index_cast %sub3A_280 : i32 to index
      %get3A_282 = arith.constant 16 : index
      %get3A_283 = tpu.vector_load %arg16[%get3A_281, %get3A_282] {strides = array<i32>} : memref<146x128xf32, #tpu.memory_space<vmem>>, vector<16xf32>,
      %mul3A_284 = arith.mulf %gather3A_140, %get3A_283 : vector<16xf32>
      %add3A_285 = arith.addf %add3A_274, %mul3A_284 : vector<16xf32>
      %mul3A_286 = arith.constant 8 : i32
      %mul3A_287 = arith.muli %scan3A_130, %mul3A_286 : i32
      %add3A_288 = arith.constant 3 : i32
      %add3A_289 = arith.addi %mul3A_287, %add3A_288 : i32
      %sub3A_290 = arith.constant 104 : i32
      %sub3A_291 = arith.subi %add3A_289, %sub3A_290 : i32
      %get3A_292 = arith.index_cast %sub3A_291 : i32 to index
      %get3A_293 = arith.constant 16 : index
      %get3A_294 = tpu.vector_load %arg16[%get3A_292, %get3A_293] {strides = array<i32>} : memref<146x128xf32, #tpu.memory_space<vmem>>, vector<16xf32>,
      %mul3A_295 = arith.mulf %gather3A_144, %get3A_294 : vector<16xf32>
      %add3A_296 = arith.addf %add3A_285, %mul3A_295 : vector<16xf32>
      %mul3A_297 = arith.constant 8 : i32
      %mul3A_298 = arith.muli %scan3A_130, %mul3A_297 : i32
      %add3A_299 = arith.constant 4 : i32
      %add3A_300 = arith.addi %mul3A_298, %add3A_299 : i32
      %sub3A_301 = arith.constant 104 : i32
      %sub3A_302 = arith.subi %add3A_300, %sub3A_301 : i32
      %get3A_303 = arith.index_cast %sub3A_302 : i32 to index
      %get3A_304 = arith.constant 16 : index
      %get3A_305 = tpu.vector_load %arg16[%get3A_303, %get3A_304] {strides = array<i32>} : memref<146x128xf32, #tpu.memory_space<vmem>>, vector<16xf32>,
      %mul3A_306 = arith.mulf %gather3A_148, %get3A_305 : vector<16xf32>
      %add3A_307 = arith.addf %add3A_296, %mul3A_306 : vector<16xf32>
      %mul3A_308 = arith.constant 8 : i32
      %mul3A_309 = arith.muli %scan3A_130, %mul3A_308 : i32
      %add3A_310 = arith.constant 5 : i32
      %add3A_311 = arith.addi %mul3A_309, %add3A_310 : i32
      %sub3A_312 = arith.constant 104 : i32
      %sub3A_313 = arith.subi %add3A_311, %sub3A_312 : i32
      %get3A_314 = arith.index_cast %sub3A_313 : i32 to index
      %get3A_315 = arith.constant 16 : index
      %get3A_316 = tpu.vector_load %arg16[%get3A_314, %get3A_315] {strides = array<i32>} : memref<146x128xf32, #tpu.memory_space<vmem>>, vector<16xf32>,
      %mul3A_317 = arith.mulf %gather3A_152, %get3A_316 : vector<16xf32>
      %add3A_318 = arith.addf %add3A_307, %mul3A_317 : vector<16xf32>
      %mul3A_319 = arith.constant 8 : i32
      %mul3A_320 = arith.muli %scan3A_130, %mul3A_319 : i32
      %add3A_321 = arith.constant 6 : i32
      %add3A_322 = arith.addi %mul3A_320, %add3A_321 : i32
      %sub3A_323 = arith.constant 104 : i32
      %sub3A_324 = arith.subi %add3A_322, %sub3A_323 : i32
      %get3A_325 = arith.index_cast %sub3A_324 : i32 to index
      %get3A_326 = arith.constant 16 : index
      %get3A_327 = tpu.vector_load %arg16[%get3A_325, %get3A_326] {strides = array<i32>} : memref<146x128xf32, #tpu.memory_space<vmem>>, vector<16xf32>,
      %mul3A_328 = arith.mulf %gather3A_156, %get3A_327 : vector<16xf32>
      %add3A_329 = arith.addf %add3A_318, %mul3A_328 : vector<16xf32>
      %mul3A_330 = arith.constant 8 : i32
      %mul3A_331 = arith.muli %scan3A_130, %mul3A_330 : i32
      %add3A_332 = arith.constant 7 : i32
      %add3A_333 = arith.addi %mul3A_331, %add3A_332 : i32
      %sub3A_334 = arith.constant 104 : i32
      %sub3A_335 = arith.subi %add3A_333, %sub3A_334 : i32
      %get3A_336 = arith.index_cast %sub3A_335 : i32 to index
      %get3A_337 = arith.constant 16 : index
      %get3A_338 = tpu.vector_load %arg16[%get3A_336, %get3A_337] {strides = array<i32>} : memref<146x128xf32, #tpu.memory_space<vmem>>, vector<16xf32>,
      %mul3A_339 = arith.mulf %gather3A_160, %get3A_338 : vector<16xf32>
      %add3A_340 = arith.addf %add3A_329, %mul3A_339 : vector<16xf32>
      %swap3A_341 = arith.index_cast %scan3A_130 : i32 to index
      %swap3A_342 = arith.constant 16 : index
      %swap3A_343 = tpu.vector_load %arg11[%swap3A_341, %swap3A_342] {strides = array<i32>} : memref<26x128xf32, #tpu.memory_space<vmem>>, vector<16xf32>,
      tpu.vector_store %arg11[%swap3A_341, %swap3A_342], %add3A_340 {strides = array<i32>} : memref<26x128xf32, #tpu.memory_space<vmem>>, vector<16xf32>,
      %broadcast_in_dim3A_344 = arith.constant 0.000000e+00 : f32
      %broadcast_in_dim3A_345 = vector.broadcast %broadcast_in_dim3A_344 : f32 to vector<16xf32>
      %mul3A_346 = arith.constant 8 : i32
      %mul3A_347 = arith.muli %scan3A_130, %mul3A_346 : i32
      %add3A_348 = arith.constant 0 : i32
      %add3A_349 = arith.addi %mul3A_347, %add3A_348 : i32
      %sub3A_350 = arith.constant 104 : i32
      %sub3A_351 = arith.subi %add3A_349, %sub3A_350 : i32
      %get3A_352 = arith.index_cast %sub3A_351 : i32 to index
      %get3A_353 = arith.constant 32 : index
      %get3A_354 = tpu.vector_load %arg16[%get3A_352, %get3A_353] {strides = array<i32>} : memref<146x128xf32, #tpu.memory_space<vmem>>, vector<16xf32>,
      %mul3A_355 = arith.mulf %gather3A, %get3A_354 : vector<16xf32>
      %add3A_356 = arith.addf %broadcast_in_dim3A_345, %mul3A_355 : vector<16xf32>
      %mul3A_357 = arith.constant 8 : i32
      %mul3A_358 = arith.muli %scan3A_130, %mul3A_357 : i32
      %add3A_359 = arith.constant 1 : i32
      %add3A_360 = arith.addi %mul3A_358, %add3A_359 : i32
      %sub3A_361 = arith.constant 104 : i32
      %sub3A_362 = arith.subi %add3A_360, %sub3A_361 : i32
      %get3A_363 = arith.index_cast %sub3A_362 : i32 to index
      %get3A_364 = arith.constant 32 : index
      %get3A_365 = tpu.vector_load %arg16[%get3A_363, %get3A_364] {strides = array<i32>} : memref<146x128xf32, #tpu.memory_space<vmem>>, vector<16xf32>,
      %mul3A_366 = arith.mulf %gather3A_136, %get3A_365 : vector<16xf32>
      %add3A_367 = arith.addf %add3A_356, %mul3A_366 : vector<16xf32>
      %mul3A_368 = arith.constant 8 : i32
      %mul3A_369 = arith.muli %scan3A_130, %mul3A_368 : i32
      %add3A_370 = arith.constant 2 : i32
      %add3A_371 = arith.addi %mul3A_369, %add3A_370 : i32
      %sub3A_372 = arith.constant 104 : i32
      %sub3A_373 = arith.subi %add3A_371, %sub3A_372 : i32
      %get3A_374 = arith.index_cast %sub3A_373 : i32 to index
      %get3A_375 = arith.constant 32 : index
      %get3A_376 = tpu.vector_load %arg16[%get3A_374, %get3A_375] {strides = array<i32>} : memref<146x128xf32, #tpu.memory_space<vmem>>, vector<16xf32>,
      %mul3A_377 = arith.mulf %gather3A_140, %get3A_376 : vector<16xf32>
      %add3A_378 = arith.addf %add3A_367, %mul3A_377 : vector<16xf32>
      %mul3A_379 = arith.constant 8 : i32
      %mul3A_380 = arith.muli %scan3A_130, %mul3A_379 : i32
      %add3A_381 = arith.constant 3 : i32
      %add3A_382 = arith.addi %mul3A_380, %add3A_381 : i32
      %sub3A_383 = arith.constant 104 : i32
      %sub3A_384 = arith.subi %add3A_382, %sub3A_383 : i32
      %get3A_385 = arith.index_cast %sub3A_384 : i32 to index
      %get3A_386 = arith.constant 32 : index
      %get3A_387 = tpu.vector_load %arg16[%get3A_385, %get3A_386] {strides = array<i32>} : memref<146x128xf32, #tpu.memory_space<vmem>>, vector<16xf32>,
      %mul3A_388 = arith.mulf %gather3A_144, %get3A_387 : vector<16xf32>
      %add3A_389 = arith.addf %add3A_378, %mul3A_388 : vector<16xf32>
      %mul3A_390 = arith.constant 8 : i32
      %mul3A_391 = arith.muli %scan3A_130, %mul3A_390 : i32
      %add3A_392 = arith.constant 4 : i32
      %add3A_393 = arith.addi %mul3A_391, %add3A_392 : i32
      %sub3A_394 = arith.constant 104 : i32
      %sub3A_395 = arith.subi %add3A_393, %sub3A_394 : i32
      %get3A_396 = arith.index_cast %sub3A_395 : i32 to index
      %get3A_397 = arith.constant 32 : index
      %get3A_398 = tpu.vector_load %arg16[%get3A_396, %get3A_397] {strides = array<i32>} : memref<146x128xf32, #tpu.memory_space<vmem>>, vector<16xf32>,
      %mul3A_399 = arith.mulf %gather3A_148, %get3A_398 : vector<16xf32>
      %add3A_400 = arith.addf %add3A_389, %mul3A_399 : vector<16xf32>
      %mul3A_401 = arith.constant 8 : i32
      %mul3A_402 = arith.muli %scan3A_130, %mul3A_401 : i32
      %add3A_403 = arith.constant 5 : i32
      %add3A_404 = arith.addi %mul3A_402, %add3A_403 : i32
      %sub3A_405 = arith.constant 104 : i32
      %sub3A_406 = arith.subi %add3A_404, %sub3A_405 : i32
      %get3A_407 = arith.index_cast %sub3A_406 : i32 to index
      %get3A_408 = arith.constant 32 : index
      %get3A_409 = tpu.vector_load %arg16[%get3A_407, %get3A_408] {strides = array<i32>} : memref<146x128xf32, #tpu.memory_space<vmem>>, vector<16xf32>,
      %mul3A_410 = arith.mulf %gather3A_152, %get3A_409 : vector<16xf32>
      %add3A_411 = arith.addf %add3A_400, %mul3A_410 : vector<16xf32>
      %mul3A_412 = arith.constant 8 : i32
      %mul3A_413 = arith.muli %scan3A_130, %mul3A_412 : i32
      %add3A_414 = arith.constant 6 : i32
      %add3A_415 = arith.addi %mul3A_413, %add3A_414 : i32
      %sub3A_416 = arith.constant 104 : i32
      %sub3A_417 = arith.subi %add3A_415, %sub3A_416 : i32
      %get3A_418 = arith.index_cast %sub3A_417 : i32 to index
      %get3A_419 = arith.constant 32 : index
      %get3A_420 = tpu.vector_load %arg16[%get3A_418, %get3A_419] {strides = array<i32>} : memref<146x128xf32, #tpu.memory_space<vmem>>, vector<16xf32>,
      %mul3A_421 = arith.mulf %gather3A_156, %get3A_420 : vector<16xf32>
      %add3A_422 = arith.addf %add3A_411, %mul3A_421 : vector<16xf32>
      %mul3A_423 = arith.constant 8 : i32
      %mul3A_424 = arith.muli %scan3A_130, %mul3A_423 : i32
      %add3A_425 = arith.constant 7 : i32
      %add3A_426 = arith.addi %mul3A_424, %add3A_425 : i32
      %sub3A_427 = arith.constant 104 : i32
      %sub3A_428 = arith.subi %add3A_426, %sub3A_427 : i32
      %get3A_429 = arith.index_cast %sub3A_428 : i32 to index
      %get3A_430 = arith.constant 32 : index
      %get3A_431 = tpu.vector_load %arg16[%get3A_429, %get3A_430] {strides = array<i32>} : memref<146x128xf32, #tpu.memory_space<vmem>>, vector<16xf32>,
      %mul3A_432 = arith.mulf %gather3A_160, %get3A_431 : vector<16xf32>
      %add3A_433 = arith.addf %add3A_422, %mul3A_432 : vector<16xf32>
      %swap3A_434 = arith.index_cast %scan3A_130 : i32 to index
      %swap3A_435 = arith.constant 32 : index
      %swap3A_436 = tpu.vector_load %arg11[%swap3A_434, %swap3A_435] {strides = array<i32>} : memref<26x128xf32, #tpu.memory_space<vmem>>, vector<16xf32>,
      tpu.vector_store %arg11[%swap3A_434, %swap3A_435], %add3A_433 {strides = array<i32>} : memref<26x128xf32, #tpu.memory_space<vmem>>, vector<16xf32>,
      %broadcast_in_dim3A_437 = arith.constant 0.000000e+00 : f32
      %broadcast_in_dim3A_438 = vector.broadcast %broadcast_in_dim3A_437 : f32 to vector<16xf32>
      %mul3A_439 = arith.constant 8 : i32
      %mul3A_440 = arith.muli %scan3A_130, %mul3A_439 : i32
      %add3A_441 = arith.constant 0 : i32
      %add3A_442 = arith.addi %mul3A_440, %add3A_441 : i32
      %sub3A_443 = arith.constant 104 : i32
      %sub3A_444 = arith.subi %add3A_442, %sub3A_443 : i32
      %get3A_445 = arith.index_cast %sub3A_444 : i32 to index
      %get3A_446 = arith.constant 48 : index
      %get3A_447 = tpu.vector_load %arg16[%get3A_445, %get3A_446] {strides = array<i32>} : memref<146x128xf32, #tpu.memory_space<vmem>>, vector<16xf32>,
      %mul3A_448 = arith.mulf %gather3A, %get3A_447 : vector<16xf32>
      %add3A_449 = arith.addf %broadcast_in_dim3A_438, %mul3A_448 : vector<16xf32>
      %mul3A_450 = arith.constant 8 : i32
      %mul3A_451 = arith.muli %scan3A_130, %mul3A_450 : i32
      %add3A_452 = arith.constant 1 : i32
      %add3A_453 = arith.addi %mul3A_451, %add3A_452 : i32
      %sub3A_454 = arith.constant 104 : i32
      %sub3A_455 = arith.subi %add3A_453, %sub3A_454 : i32
      %get3A_456 = arith.index_cast %sub3A_455 : i32 to index
      %get3A_457 = arith.constant 48 : index
      %get3A_458 = tpu.vector_load %arg16[%get3A_456, %get3A_457] {strides = array<i32>} : memref<146x128xf32, #tpu.memory_space<vmem>>, vector<16xf32>,
      %mul3A_459 = arith.mulf %gather3A_136, %get3A_458 : vector<16xf32>
      %add3A_460 = arith.addf %add3A_449, %mul3A_459 : vector<16xf32>
      %mul3A_461 = arith.constant 8 : i32
      %mul3A_462 = arith.muli %scan3A_130, %mul3A_461 : i32
      %add3A_463 = arith.constant 2 : i32
      %add3A_464 = arith.addi %mul3A_462, %add3A_463 : i32
      %sub3A_465 = arith.constant 104 : i32
      %sub3A_466 = arith.subi %add3A_464, %sub3A_465 : i32
      %get3A_467 = arith.index_cast %sub3A_466 : i32 to index
      %get3A_468 = arith.constant 48 : index
      %get3A_469 = tpu.vector_load %arg16[%get3A_467, %get3A_468] {strides = array<i32>} : memref<146x128xf32, #tpu.memory_space<vmem>>, vector<16xf32>,
      %mul3A_470 = arith.mulf %gather3A_140, %get3A_469 : vector<16xf32>
      %add3A_471 = arith.addf %add3A_460, %mul3A_470 : vector<16xf32>
      %mul3A_472 = arith.constant 8 : i32
      %mul3A_473 = arith.muli %scan3A_130, %mul3A_472 : i32
      %add3A_474 = arith.constant 3 : i32
      %add3A_475 = arith.addi %mul3A_473, %add3A_474 : i32
      %sub3A_476 = arith.constant 104 : i32
      %sub3A_477 = arith.subi %add3A_475, %sub3A_476 : i32
      %get3A_478 = arith.index_cast %sub3A_477 : i32 to index
      %get3A_479 = arith.constant 48 : index
      %get3A_480 = tpu.vector_load %arg16[%get3A_478, %get3A_479] {strides = array<i32>} : memref<146x128xf32, #tpu.memory_space<vmem>>, vector<16xf32>,
      %mul3A_481 = arith.mulf %gather3A_144, %get3A_480 : vector<16xf32>
      %add3A_482 = arith.addf %add3A_471, %mul3A_481 : vector<16xf32>
      %mul3A_483 = arith.constant 8 : i32
      %mul3A_484 = arith.muli %scan3A_130, %mul3A_483 : i32
      %add3A_485 = arith.constant 4 : i32
      %add3A_486 = arith.addi %mul3A_484, %add3A_485 : i32
      %sub3A_487 = arith.constant 104 : i32
      %sub3A_488 = arith.subi %add3A_486, %sub3A_487 : i32
      %get3A_489 = arith.index_cast %sub3A_488 : i32 to index
      %get3A_490 = arith.constant 48 : index
      %get3A_491 = tpu.vector_load %arg16[%get3A_489, %get3A_490] {strides = array<i32>} : memref<146x128xf32, #tpu.memory_space<vmem>>, vector<16xf32>,
      %mul3A_492 = arith.mulf %gather3A_148, %get3A_491 : vector<16xf32>
      %add3A_493 = arith.addf %add3A_482, %mul3A_492 : vector<16xf32>
      %mul3A_494 = arith.constant 8 : i32
      %mul3A_495 = arith.muli %scan3A_130, %mul3A_494 : i32
      %add3A_496 = arith.constant 5 : i32
      %add3A_497 = arith.addi %mul3A_495, %add3A_496 : i32
      %sub3A_498 = arith.constant 104 : i32
      %sub3A_499 = arith.subi %add3A_497, %sub3A_498 : i32
      %get3A_500 = arith.index_cast %sub3A_499 : i32 to index
      %get3A_501 = arith.constant 48 : index
      %get3A_502 = tpu.vector_load %arg16[%get3A_500, %get3A_501] {strides = array<i32>} : memref<146x128xf32, #tpu.memory_space<vmem>>, vector<16xf32>,
      %mul3A_503 = arith.mulf %gather3A_152, %get3A_502 : vector<16xf32>
      %add3A_504 = arith.addf %add3A_493, %mul3A_503 : vector<16xf32>
      %mul3A_505 = arith.constant 8 : i32
      %mul3A_506 = arith.muli %scan3A_130, %mul3A_505 : i32
      %add3A_507 = arith.constant 6 : i32
      %add3A_508 = arith.addi %mul3A_506, %add3A_507 : i32
      %sub3A_509 = arith.constant 104 : i32
      %sub3A_510 = arith.subi %add3A_508, %sub3A_509 : i32
      %get3A_511 = arith.index_cast %sub3A_510 : i32 to index
      %get3A_512 = arith.constant 48 : index
      %get3A_513 = tpu.vector_load %arg16[%get3A_511, %get3A_512] {strides = array<i32>} : memref<146x128xf32, #tpu.memory_space<vmem>>, vector<16xf32>,
      %mul3A_514 = arith.mulf %gather3A_156, %get3A_513 : vector<16xf32>
      %add3A_515 = arith.addf %add3A_504, %mul3A_514 : vector<16xf32>
      %mul3A_516 = arith.constant 8 : i32
      %mul3A_517 = arith.muli %scan3A_130, %mul3A_516 : i32
      %add3A_518 = arith.constant 7 : i32
      %add3A_519 = arith.addi %mul3A_517, %add3A_518 : i32
      %sub3A_520 = arith.constant 104 : i32
      %sub3A_521 = arith.subi %add3A_519, %sub3A_520 : i32
      %get3A_522 = arith.index_cast %sub3A_521 : i32 to index
      %get3A_523 = arith.constant 48 : index
      %get3A_524 = tpu.vector_load %arg16[%get3A_522, %get3A_523] {strides = array<i32>} : memref<146x128xf32, #tpu.memory_space<vmem>>, vector<16xf32>,
      %mul3A_525 = arith.mulf %gather3A_160, %get3A_524 : vector<16xf32>
      %add3A_526 = arith.addf %add3A_515, %mul3A_525 : vector<16xf32>
      %swap3A_527 = arith.index_cast %scan3A_130 : i32 to index
      %swap3A_528 = arith.constant 48 : index
      %swap3A_529 = tpu.vector_load %arg11[%swap3A_527, %swap3A_528] {strides = array<i32>} : memref<26x128xf32, #tpu.memory_space<vmem>>, vector<16xf32>,
      tpu.vector_store %arg11[%swap3A_527, %swap3A_528], %add3A_526 {strides = array<i32>} : memref<26x128xf32, #tpu.memory_space<vmem>>, vector<16xf32>,
      %broadcast_in_dim3A_530 = arith.constant 0.000000e+00 : f32
      %broadcast_in_dim3A_531 = vector.broadcast %broadcast_in_dim3A_530 : f32 to vector<16xf32>
      %mul3A_532 = arith.constant 8 : i32
      %mul3A_533 = arith.muli %scan3A_130, %mul3A_532 : i32
      %add3A_534 = arith.constant 0 : i32
      %add3A_535 = arith.addi %mul3A_533, %add3A_534 : i32
      %sub3A_536 = arith.constant 104 : i32
      %sub3A_537 = arith.subi %add3A_535, %sub3A_536 : i32
      %get3A_538 = arith.index_cast %sub3A_537 : i32 to index
      %get3A_539 = arith.constant 64 : index
      %get3A_540 = tpu.vector_load %arg16[%get3A_538, %get3A_539] {strides = array<i32>} : memref<146x128xf32, #tpu.memory_space<vmem>>, vector<16xf32>,
      %mul3A_541 = arith.mulf %gather3A, %get3A_540 : vector<16xf32>
      %add3A_542 = arith.addf %broadcast_in_dim3A_531, %mul3A_541 : vector<16xf32>
      %mul3A_543 = arith.constant 8 : i32
      %mul3A_544 = arith.muli %scan3A_130, %mul3A_543 : i32
      %add3A_545 = arith.constant 1 : i32
      %add3A_546 = arith.addi %mul3A_544, %add3A_545 : i32
      %sub3A_547 = arith.constant 104 : i32
      %sub3A_548 = arith.subi %add3A_546, %sub3A_547 : i32
      %get3A_549 = arith.index_cast %sub3A_548 : i32 to index
      %get3A_550 = arith.constant 64 : index
      %get3A_551 = tpu.vector_load %arg16[%get3A_549, %get3A_550] {strides = array<i32>} : memref<146x128xf32, #tpu.memory_space<vmem>>, vector<16xf32>,
      %mul3A_552 = arith.mulf %gather3A_136, %get3A_551 : vector<16xf32>
      %add3A_553 = arith.addf %add3A_542, %mul3A_552 : vector<16xf32>
      %mul3A_554 = arith.constant 8 : i32
      %mul3A_555 = arith.muli %scan3A_130, %mul3A_554 : i32
      %add3A_556 = arith.constant 2 : i32
      %add3A_557 = arith.addi %mul3A_555, %add3A_556 : i32
      %sub3A_558 = arith.constant 104 : i32
      %sub3A_559 = arith.subi %add3A_557, %sub3A_558 : i32
      %get3A_560 = arith.index_cast %sub3A_559 : i32 to index
      %get3A_561 = arith.constant 64 : index
      %get3A_562 = tpu.vector_load %arg16[%get3A_560, %get3A_561] {strides = array<i32>} : memref<146x128xf32, #tpu.memory_space<vmem>>, vector<16xf32>,
      %mul3A_563 = arith.mulf %gather3A_140, %get3A_562 : vector<16xf32>
      %add3A_564 = arith.addf %add3A_553, %mul3A_563 : vector<16xf32>
      %mul3A_565 = arith.constant 8 : i32
      %mul3A_566 = arith.muli %scan3A_130, %mul3A_565 : i32
      %add3A_567 = arith.constant 3 : i32
      %add3A_568 = arith.addi %mul3A_566, %add3A_567 : i32
      %sub3A_569 = arith.constant 104 : i32
      %sub3A_570 = arith.subi %add3A_568, %sub3A_569 : i32
      %get3A_571 = arith.index_cast %sub3A_570 : i32 to index
      %get3A_572 = arith.constant 64 : index
      %get3A_573 = tpu.vector_load %arg16[%get3A_571, %get3A_572] {strides = array<i32>} : memref<146x128xf32, #tpu.memory_space<vmem>>, vector<16xf32>,
      %mul3A_574 = arith.mulf %gather3A_144, %get3A_573 : vector<16xf32>
      %add3A_575 = arith.addf %add3A_564, %mul3A_574 : vector<16xf32>
      %mul3A_576 = arith.constant 8 : i32
      %mul3A_577 = arith.muli %scan3A_130, %mul3A_576 : i32
      %add3A_578 = arith.constant 4 : i32
      %add3A_579 = arith.addi %mul3A_577, %add3A_578 : i32
      %sub3A_580 = arith.constant 104 : i32
      %sub3A_581 = arith.subi %add3A_579, %sub3A_580 : i32
      %get3A_582 = arith.index_cast %sub3A_581 : i32 to index
      %get3A_583 = arith.constant 64 : index
      %get3A_584 = tpu.vector_load %arg16[%get3A_582, %get3A_583] {strides = array<i32>} : memref<146x128xf32, #tpu.memory_space<vmem>>, vector<16xf32>,
      %mul3A_585 = arith.mulf %gather3A_148, %get3A_584 : vector<16xf32>
      %add3A_586 = arith.addf %add3A_575, %mul3A_585 : vector<16xf32>
      %mul3A_587 = arith.constant 8 : i32
      %mul3A_588 = arith.muli %scan3A_130, %mul3A_587 : i32
      %add3A_589 = arith.constant 5 : i32
      %add3A_590 = arith.addi %mul3A_588, %add3A_589 : i32
      %sub3A_591 = arith.constant 104 : i32
      %sub3A_592 = arith.subi %add3A_590, %sub3A_591 : i32
      %get3A_593 = arith.index_cast %sub3A_592 : i32 to index
      %get3A_594 = arith.constant 64 : index
      %get3A_595 = tpu.vector_load %arg16[%get3A_593, %get3A_594] {strides = array<i32>} : memref<146x128xf32, #tpu.memory_space<vmem>>, vector<16xf32>,
      %mul3A_596 = arith.mulf %gather3A_152, %get3A_595 : vector<16xf32>
      %add3A_597 = arith.addf %add3A_586, %mul3A_596 : vector<16xf32>
      %mul3A_598 = arith.constant 8 : i32
      %mul3A_599 = arith.muli %scan3A_130, %mul3A_598 : i32
      %add3A_600 = arith.constant 6 : i32
      %add3A_601 = arith.addi %mul3A_599, %add3A_600 : i32
      %sub3A_602 = arith.constant 104 : i32
      %sub3A_603 = arith.subi %add3A_601, %sub3A_602 : i32
      %get3A_604 = arith.index_cast %sub3A_603 : i32 to index
      %get3A_605 = arith.constant 64 : index
      %get3A_606 = tpu.vector_load %arg16[%get3A_604, %get3A_605] {strides = array<i32>} : memref<146x128xf32, #tpu.memory_space<vmem>>, vector<16xf32>,
      %mul3A_607 = arith.mulf %gather3A_156, %get3A_606 : vector<16xf32>
      %add3A_608 = arith.addf %add3A_597, %mul3A_607 : vector<16xf32>
      %mul3A_609 = arith.constant 8 : i32
      %mul3A_610 = arith.muli %scan3A_130, %mul3A_609 : i32
      %add3A_611 = arith.constant 7 : i32
      %add3A_612 = arith.addi %mul3A_610, %add3A_611 : i32
      %sub3A_613 = arith.constant 104 : i32
      %sub3A_614 = arith.subi %add3A_612, %sub3A_613 : i32
      %get3A_615 = arith.index_cast %sub3A_614 : i32 to index
      %get3A_616 = arith.constant 64 : index
      %get3A_617 = tpu.vector_load %arg16[%get3A_615, %get3A_616] {strides = array<i32>} : memref<146x128xf32, #tpu.memory_space<vmem>>, vector<16xf32>,
      %mul3A_618 = arith.mulf %gather3A_160, %get3A_617 : vector<16xf32>
      %add3A_619 = arith.addf %add3A_608, %mul3A_618 : vector<16xf32>
      %swap3A_620 = arith.index_cast %scan3A_130 : i32 to index
      %swap3A_621 = arith.constant 64 : index
      %swap3A_622 = tpu.vector_load %arg11[%swap3A_620, %swap3A_621] {strides = array<i32>} : memref<26x128xf32, #tpu.memory_space<vmem>>, vector<16xf32>,
      tpu.vector_store %arg11[%swap3A_620, %swap3A_621], %add3A_619 {strides = array<i32>} : memref<26x128xf32, #tpu.memory_space<vmem>>, vector<16xf32>,
      %broadcast_in_dim3A_623 = arith.constant 0.000000e+00 : f32
      %broadcast_in_dim3A_624 = vector.broadcast %broadcast_in_dim3A_623 : f32 to vector<16xf32>
      %mul3A_625 = arith.constant 8 : i32
      %mul3A_626 = arith.muli %scan3A_130, %mul3A_625 : i32
      %add3A_627 = arith.constant 0 : i32
      %add3A_628 = arith.addi %mul3A_626, %add3A_627 : i32
      %sub3A_629 = arith.constant 104 : i32
      %sub3A_630 = arith.subi %add3A_628, %sub3A_629 : i32
      %get3A_631 = arith.index_cast %sub3A_630 : i32 to index
      %get3A_632 = arith.constant 80 : index
      %get3A_633 = tpu.vector_load %arg16[%get3A_631, %get3A_632] {strides = array<i32>} : memref<146x128xf32, #tpu.memory_space<vmem>>, vector<16xf32>,
      %mul3A_634 = arith.mulf %gather3A, %get3A_633 : vector<16xf32>
      %add3A_635 = arith.addf %broadcast_in_dim3A_624, %mul3A_634 : vector<16xf32>
      %mul3A_636 = arith.constant 8 : i32
      %mul3A_637 = arith.muli %scan3A_130, %mul3A_636 : i32
      %add3A_638 = arith.constant 1 : i32
      %add3A_639 = arith.addi %mul3A_637, %add3A_638 : i32
      %sub3A_640 = arith.constant 104 : i32
      %sub3A_641 = arith.subi %add3A_639, %sub3A_640 : i32
      %get3A_642 = arith.index_cast %sub3A_641 : i32 to index
      %get3A_643 = arith.constant 80 : index
      %get3A_644 = tpu.vector_load %arg16[%get3A_642, %get3A_643] {strides = array<i32>} : memref<146x128xf32, #tpu.memory_space<vmem>>, vector<16xf32>,
      %mul3A_645 = arith.mulf %gather3A_136, %get3A_644 : vector<16xf32>
      %add3A_646 = arith.addf %add3A_635, %mul3A_645 : vector<16xf32>
      %mul3A_647 = arith.constant 8 : i32
      %mul3A_648 = arith.muli %scan3A_130, %mul3A_647 : i32
      %add3A_649 = arith.constant 2 : i32
      %add3A_650 = arith.addi %mul3A_648, %add3A_649 : i32
      %sub3A_651 = arith.constant 104 : i32
      %sub3A_652 = arith.subi %add3A_650, %sub3A_651 : i32
      %get3A_653 = arith.index_cast %sub3A_652 : i32 to index
      %get3A_654 = arith.constant 80 : index
      %get3A_655 = tpu.vector_load %arg16[%get3A_653, %get3A_654] {strides = array<i32>} : memref<146x128xf32, #tpu.memory_space<vmem>>, vector<16xf32>,
      %mul3A_656 = arith.mulf %gather3A_140, %get3A_655 : vector<16xf32>
      %add3A_657 = arith.addf %add3A_646, %mul3A_656 : vector<16xf32>
      %mul3A_658 = arith.constant 8 : i32
      %mul3A_659 = arith.muli %scan3A_130, %mul3A_658 : i32
      %add3A_660 = arith.constant 3 : i32
      %add3A_661 = arith.addi %mul3A_659, %add3A_660 : i32
      %sub3A_662 = arith.constant 104 : i32
      %sub3A_663 = arith.subi %add3A_661, %sub3A_662 : i32
      %get3A_664 = arith.index_cast %sub3A_663 : i32 to index
      %get3A_665 = arith.constant 80 : index
      %get3A_666 = tpu.vector_load %arg16[%get3A_664, %get3A_665] {strides = array<i32>} : memref<146x128xf32, #tpu.memory_space<vmem>>, vector<16xf32>,
      %mul3A_667 = arith.mulf %gather3A_144, %get3A_666 : vector<16xf32>
      %add3A_668 = arith.addf %add3A_657, %mul3A_667 : vector<16xf32>
      %mul3A_669 = arith.constant 8 : i32
      %mul3A_670 = arith.muli %scan3A_130, %mul3A_669 : i32
      %add3A_671 = arith.constant 4 : i32
      %add3A_672 = arith.addi %mul3A_670, %add3A_671 : i32
      %sub3A_673 = arith.constant 104 : i32
      %sub3A_674 = arith.subi %add3A_672, %sub3A_673 : i32
      %get3A_675 = arith.index_cast %sub3A_674 : i32 to index
      %get3A_676 = arith.constant 80 : index
      %get3A_677 = tpu.vector_load %arg16[%get3A_675, %get3A_676] {strides = array<i32>} : memref<146x128xf32, #tpu.memory_space<vmem>>, vector<16xf32>,
      %mul3A_678 = arith.mulf %gather3A_148, %get3A_677 : vector<16xf32>
      %add3A_679 = arith.addf %add3A_668, %mul3A_678 : vector<16xf32>
      %mul3A_680 = arith.constant 8 : i32
      %mul3A_681 = arith.muli %scan3A_130, %mul3A_680 : i32
      %add3A_682 = arith.constant 5 : i32
      %add3A_683 = arith.addi %mul3A_681, %add3A_682 : i32
      %sub3A_684 = arith.constant 104 : i32
      %sub3A_685 = arith.subi %add3A_683, %sub3A_684 : i32
      %get3A_686 = arith.index_cast %sub3A_685 : i32 to index
      %get3A_687 = arith.constant 80 : index
      %get3A_688 = tpu.vector_load %arg16[%get3A_686, %get3A_687] {strides = array<i32>} : memref<146x128xf32, #tpu.memory_space<vmem>>, vector<16xf32>,
      %mul3A_689 = arith.mulf %gather3A_152, %get3A_688 : vector<16xf32>
      %add3A_690 = arith.addf %add3A_679, %mul3A_689 : vector<16xf32>
      %mul3A_691 = arith.constant 8 : i32
      %mul3A_692 = arith.muli %scan3A_130, %mul3A_691 : i32
      %add3A_693 = arith.constant 6 : i32
      %add3A_694 = arith.addi %mul3A_692, %add3A_693 : i32
      %sub3A_695 = arith.constant 104 : i32
      %sub3A_696 = arith.subi %add3A_694, %sub3A_695 : i32
      %get3A_697 = arith.index_cast %sub3A_696 : i32 to index
      %get3A_698 = arith.constant 80 : index
      %get3A_699 = tpu.vector_load %arg16[%get3A_697, %get3A_698] {strides = array<i32>} : memref<146x128xf32, #tpu.memory_space<vmem>>, vector<16xf32>,
      %mul3A_700 = arith.mulf %gather3A_156, %get3A_699 : vector<16xf32>
      %add3A_701 = arith.addf %add3A_690, %mul3A_700 : vector<16xf32>
      %mul3A_702 = arith.constant 8 : i32
      %mul3A_703 = arith.muli %scan3A_130, %mul3A_702 : i32
      %add3A_704 = arith.constant 7 : i32
      %add3A_705 = arith.addi %mul3A_703, %add3A_704 : i32
      %sub3A_706 = arith.constant 104 : i32
      %sub3A_707 = arith.subi %add3A_705, %sub3A_706 : i32
      %get3A_708 = arith.index_cast %sub3A_707 : i32 to index
      %get3A_709 = arith.constant 80 : index
      %get3A_710 = tpu.vector_load %arg16[%get3A_708, %get3A_709] {strides = array<i32>} : memref<146x128xf32, #tpu.memory_space<vmem>>, vector<16xf32>,
      %mul3A_711 = arith.mulf %gather3A_160, %get3A_710 : vector<16xf32>
      %add3A_712 = arith.addf %add3A_701, %mul3A_711 : vector<16xf32>
      %swap3A_713 = arith.index_cast %scan3A_130 : i32 to index
      %swap3A_714 = arith.constant 80 : index
      %swap3A_715 = tpu.vector_load %arg11[%swap3A_713, %swap3A_714] {strides = array<i32>} : memref<26x128xf32, #tpu.memory_space<vmem>>, vector<16xf32>,
      tpu.vector_store %arg11[%swap3A_713, %swap3A_714], %add3A_712 {strides = array<i32>} : memref<26x128xf32, #tpu.memory_space<vmem>>, vector<16xf32>,
      %broadcast_in_dim3A_716 = arith.constant 0.000000e+00 : f32
      %broadcast_in_dim3A_717 = vector.broadcast %broadcast_in_dim3A_716 : f32 to vector<16xf32>
      %mul3A_718 = arith.constant 8 : i32
      %mul3A_719 = arith.muli %scan3A_130, %mul3A_718 : i32
      %add3A_720 = arith.constant 0 : i32
      %add3A_721 = arith.addi %mul3A_719, %add3A_720 : i32
      %sub3A_722 = arith.constant 104 : i32
      %sub3A_723 = arith.subi %add3A_721, %sub3A_722 : i32
      %get3A_724 = arith.index_cast %sub3A_723 : i32 to index
      %get3A_725 = arith.constant 96 : index
      %get3A_726 = tpu.vector_load %arg16[%get3A_724, %get3A_725] {strides = array<i32>} : memref<146x128xf32, #tpu.memory_space<vmem>>, vector<16xf32>,
      %mul3A_727 = arith.mulf %gather3A, %get3A_726 : vector<16xf32>
      %add3A_728 = arith.addf %broadcast_in_dim3A_717, %mul3A_727 : vector<16xf32>
      %mul3A_729 = arith.constant 8 : i32
      %mul3A_730 = arith.muli %scan3A_130, %mul3A_729 : i32
      %add3A_731 = arith.constant 1 : i32
      %add3A_732 = arith.addi %mul3A_730, %add3A_731 : i32
      %sub3A_733 = arith.constant 104 : i32
      %sub3A_734 = arith.subi %add3A_732, %sub3A_733 : i32
      %get3A_735 = arith.index_cast %sub3A_734 : i32 to index
      %get3A_736 = arith.constant 96 : index
      %get3A_737 = tpu.vector_load %arg16[%get3A_735, %get3A_736] {strides = array<i32>} : memref<146x128xf32, #tpu.memory_space<vmem>>, vector<16xf32>,
      %mul3A_738 = arith.mulf %gather3A_136, %get3A_737 : vector<16xf32>
      %add3A_739 = arith.addf %add3A_728, %mul3A_738 : vector<16xf32>
      %mul3A_740 = arith.constant 8 : i32
      %mul3A_741 = arith.muli %scan3A_130, %mul3A_740 : i32
      %add3A_742 = arith.constant 2 : i32
      %add3A_743 = arith.addi %mul3A_741, %add3A_742 : i32
      %sub3A_744 = arith.constant 104 : i32
      %sub3A_745 = arith.subi %add3A_743, %sub3A_744 : i32
      %get3A_746 = arith.index_cast %sub3A_745 : i32 to index
      %get3A_747 = arith.constant 96 : index
      %get3A_748 = tpu.vector_load %arg16[%get3A_746, %get3A_747] {strides = array<i32>} : memref<146x128xf32, #tpu.memory_space<vmem>>, vector<16xf32>,
      %mul3A_749 = arith.mulf %gather3A_140, %get3A_748 : vector<16xf32>
      %add3A_750 = arith.addf %add3A_739, %mul3A_749 : vector<16xf32>
      %mul3A_751 = arith.constant 8 : i32
      %mul3A_752 = arith.muli %scan3A_130, %mul3A_751 : i32
      %add3A_753 = arith.constant 3 : i32
      %add3A_754 = arith.addi %mul3A_752, %add3A_753 : i32
      %sub3A_755 = arith.constant 104 : i32
      %sub3A_756 = arith.subi %add3A_754, %sub3A_755 : i32
      %get3A_757 = arith.index_cast %sub3A_756 : i32 to index
      %get3A_758 = arith.constant 96 : index
      %get3A_759 = tpu.vector_load %arg16[%get3A_757, %get3A_758] {strides = array<i32>} : memref<146x128xf32, #tpu.memory_space<vmem>>, vector<16xf32>,
      %mul3A_760 = arith.mulf %gather3A_144, %get3A_759 : vector<16xf32>
      %add3A_761 = arith.addf %add3A_750, %mul3A_760 : vector<16xf32>
      %mul3A_762 = arith.constant 8 : i32
      %mul3A_763 = arith.muli %scan3A_130, %mul3A_762 : i32
      %add3A_764 = arith.constant 4 : i32
      %add3A_765 = arith.addi %mul3A_763, %add3A_764 : i32
      %sub3A_766 = arith.constant 104 : i32
      %sub3A_767 = arith.subi %add3A_765, %sub3A_766 : i32
      %get3A_768 = arith.index_cast %sub3A_767 : i32 to index
      %get3A_769 = arith.constant 96 : index
      %get3A_770 = tpu.vector_load %arg16[%get3A_768, %get3A_769] {strides = array<i32>} : memref<146x128xf32, #tpu.memory_space<vmem>>, vector<16xf32>,
      %mul3A_771 = arith.mulf %gather3A_148, %get3A_770 : vector<16xf32>
      %add3A_772 = arith.addf %add3A_761, %mul3A_771 : vector<16xf32>
      %mul3A_773 = arith.constant 8 : i32
      %mul3A_774 = arith.muli %scan3A_130, %mul3A_773 : i32
      %add3A_775 = arith.constant 5 : i32
      %add3A_776 = arith.addi %mul3A_774, %add3A_775 : i32
      %sub3A_777 = arith.constant 104 : i32
      %sub3A_778 = arith.subi %add3A_776, %sub3A_777 : i32
      %get3A_779 = arith.index_cast %sub3A_778 : i32 to index
      %get3A_780 = arith.constant 96 : index
      %get3A_781 = tpu.vector_load %arg16[%get3A_779, %get3A_780] {strides = array<i32>} : memref<146x128xf32, #tpu.memory_space<vmem>>, vector<16xf32>,
      %mul3A_782 = arith.mulf %gather3A_152, %get3A_781 : vector<16xf32>
      %add3A_783 = arith.addf %add3A_772, %mul3A_782 : vector<16xf32>
      %mul3A_784 = arith.constant 8 : i32
      %mul3A_785 = arith.muli %scan3A_130, %mul3A_784 : i32
      %add3A_786 = arith.constant 6 : i32
      %add3A_787 = arith.addi %mul3A_785, %add3A_786 : i32
      %sub3A_788 = arith.constant 104 : i32
      %sub3A_789 = arith.subi %add3A_787, %sub3A_788 : i32
      %get3A_790 = arith.index_cast %sub3A_789 : i32 to index
      %get3A_791 = arith.constant 96 : index
      %get3A_792 = tpu.vector_load %arg16[%get3A_790, %get3A_791] {strides = array<i32>} : memref<146x128xf32, #tpu.memory_space<vmem>>, vector<16xf32>,
      %mul3A_793 = arith.mulf %gather3A_156, %get3A_792 : vector<16xf32>
      %add3A_794 = arith.addf %add3A_783, %mul3A_793 : vector<16xf32>
      %mul3A_795 = arith.constant 8 : i32
      %mul3A_796 = arith.muli %scan3A_130, %mul3A_795 : i32
      %add3A_797 = arith.constant 7 : i32
      %add3A_798 = arith.addi %mul3A_796, %add3A_797 : i32
      %sub3A_799 = arith.constant 104 : i32
      %sub3A_800 = arith.subi %add3A_798, %sub3A_799 : i32
      %get3A_801 = arith.index_cast %sub3A_800 : i32 to index
      %get3A_802 = arith.constant 96 : index
      %get3A_803 = tpu.vector_load %arg16[%get3A_801, %get3A_802] {strides = array<i32>} : memref<146x128xf32, #tpu.memory_space<vmem>>, vector<16xf32>,
      %mul3A_804 = arith.mulf %gather3A_160, %get3A_803 : vector<16xf32>
      %add3A_805 = arith.addf %add3A_794, %mul3A_804 : vector<16xf32>
      %swap3A_806 = arith.index_cast %scan3A_130 : i32 to index
      %swap3A_807 = arith.constant 96 : index
      %swap3A_808 = tpu.vector_load %arg11[%swap3A_806, %swap3A_807] {strides = array<i32>} : memref<26x128xf32, #tpu.memory_space<vmem>>, vector<16xf32>,
      tpu.vector_store %arg11[%swap3A_806, %swap3A_807], %add3A_805 {strides = array<i32>} : memref<26x128xf32, #tpu.memory_space<vmem>>, vector<16xf32>,
      %broadcast_in_dim3A_809 = arith.constant 0.000000e+00 : f32
      %broadcast_in_dim3A_810 = vector.broadcast %broadcast_in_dim3A_809 : f32 to vector<16xf32>
      %mul3A_811 = arith.constant 8 : i32
      %mul3A_812 = arith.muli %scan3A_130, %mul3A_811 : i32
      %add3A_813 = arith.constant 0 : i32
      %add3A_814 = arith.addi %mul3A_812, %add3A_813 : i32
      %sub3A_815 = arith.constant 104 : i32
      %sub3A_816 = arith.subi %add3A_814, %sub3A_815 : i32
      %get3A_817 = arith.index_cast %sub3A_816 : i32 to index
      %get3A_818 = arith.constant 112 : index
      %get3A_819 = tpu.vector_load %arg16[%get3A_817, %get3A_818] {strides = array<i32>} : memref<146x128xf32, #tpu.memory_space<vmem>>, vector<16xf32>,
      %mul3A_820 = arith.mulf %gather3A, %get3A_819 : vector<16xf32>
      %add3A_821 = arith.addf %broadcast_in_dim3A_810, %mul3A_820 : vector<16xf32>
      %mul3A_822 = arith.constant 8 : i32
      %mul3A_823 = arith.muli %scan3A_130, %mul3A_822 : i32
      %add3A_824 = arith.constant 1 : i32
      %add3A_825 = arith.addi %mul3A_823, %add3A_824 : i32
      %sub3A_826 = arith.constant 104 : i32
      %sub3A_827 = arith.subi %add3A_825, %sub3A_826 : i32
      %get3A_828 = arith.index_cast %sub3A_827 : i32 to index
      %get3A_829 = arith.constant 112 : index
      %get3A_830 = tpu.vector_load %arg16[%get3A_828, %get3A_829] {strides = array<i32>} : memref<146x128xf32, #tpu.memory_space<vmem>>, vector<16xf32>,
      %mul3A_831 = arith.mulf %gather3A_136, %get3A_830 : vector<16xf32>
      %add3A_832 = arith.addf %add3A_821, %mul3A_831 : vector<16xf32>
      %mul3A_833 = arith.constant 8 : i32
      %mul3A_834 = arith.muli %scan3A_130, %mul3A_833 : i32
      %add3A_835 = arith.constant 2 : i32
      %add3A_836 = arith.addi %mul3A_834, %add3A_835 : i32
      %sub3A_837 = arith.constant 104 : i32
      %sub3A_838 = arith.subi %add3A_836, %sub3A_837 : i32
      %get3A_839 = arith.index_cast %sub3A_838 : i32 to index
      %get3A_840 = arith.constant 112 : index
      %get3A_841 = tpu.vector_load %arg16[%get3A_839, %get3A_840] {strides = array<i32>} : memref<146x128xf32, #tpu.memory_space<vmem>>, vector<16xf32>,
      %mul3A_842 = arith.mulf %gather3A_140, %get3A_841 : vector<16xf32>
      %add3A_843 = arith.addf %add3A_832, %mul3A_842 : vector<16xf32>
      %mul3A_844 = arith.constant 8 : i32
      %mul3A_845 = arith.muli %scan3A_130, %mul3A_844 : i32
      %add3A_846 = arith.constant 3 : i32
      %add3A_847 = arith.addi %mul3A_845, %add3A_846 : i32
      %sub3A_848 = arith.constant 104 : i32
      %sub3A_849 = arith.subi %add3A_847, %sub3A_848 : i32
      %get3A_850 = arith.index_cast %sub3A_849 : i32 to index
      %get3A_851 = arith.constant 112 : index
      %get3A_852 = tpu.vector_load %arg16[%get3A_850, %get3A_851] {strides = array<i32>} : memref<146x128xf32, #tpu.memory_space<vmem>>, vector<16xf32>,
      %mul3A_853 = arith.mulf %gather3A_144, %get3A_852 : vector<16xf32>
      %add3A_854 = arith.addf %add3A_843, %mul3A_853 : vector<16xf32>
      %mul3A_855 = arith.constant 8 : i32
      %mul3A_856 = arith.muli %scan3A_130, %mul3A_855 : i32
      %add3A_857 = arith.constant 4 : i32
      %add3A_858 = arith.addi %mul3A_856, %add3A_857 : i32
      %sub3A_859 = arith.constant 104 : i32
      %sub3A_860 = arith.subi %add3A_858, %sub3A_859 : i32
      %get3A_861 = arith.index_cast %sub3A_860 : i32 to index
      %get3A_862 = arith.constant 112 : index
      %get3A_863 = tpu.vector_load %arg16[%get3A_861, %get3A_862] {strides = array<i32>} : memref<146x128xf32, #tpu.memory_space<vmem>>, vector<16xf32>,
      %mul3A_864 = arith.mulf %gather3A_148, %get3A_863 : vector<16xf32>
      %add3A_865 = arith.addf %add3A_854, %mul3A_864 : vector<16xf32>
      %mul3A_866 = arith.constant 8 : i32
      %mul3A_867 = arith.muli %scan3A_130, %mul3A_866 : i32
      %add3A_868 = arith.constant 5 : i32
      %add3A_869 = arith.addi %mul3A_867, %add3A_868 : i32
      %sub3A_870 = arith.constant 104 : i32
      %sub3A_871 = arith.subi %add3A_869, %sub3A_870 : i32
      %get3A_872 = arith.index_cast %sub3A_871 : i32 to index
      %get3A_873 = arith.constant 112 : index
      %get3A_874 = tpu.vector_load %arg16[%get3A_872, %get3A_873] {strides = array<i32>} : memref<146x128xf32, #tpu.memory_space<vmem>>, vector<16xf32>,
      %mul3A_875 = arith.mulf %gather3A_152, %get3A_874 : vector<16xf32>
      %add3A_876 = arith.addf %add3A_865, %mul3A_875 : vector<16xf32>
      %mul3A_877 = arith.constant 8 : i32
      %mul3A_878 = arith.muli %scan3A_130, %mul3A_877 : i32
      %add3A_879 = arith.constant 6 : i32
      %add3A_880 = arith.addi %mul3A_878, %add3A_879 : i32
      %sub3A_881 = arith.constant 104 : i32
      %sub3A_882 = arith.subi %add3A_880, %sub3A_881 : i32
      %get3A_883 = arith.index_cast %sub3A_882 : i32 to index
      %get3A_884 = arith.constant 112 : index
      %get3A_885 = tpu.vector_load %arg16[%get3A_883, %get3A_884] {strides = array<i32>} : memref<146x128xf32, #tpu.memory_space<vmem>>, vector<16xf32>,
      %mul3A_886 = arith.mulf %gather3A_156, %get3A_885 : vector<16xf32>
      %add3A_887 = arith.addf %add3A_876, %mul3A_886 : vector<16xf32>
      %mul3A_888 = arith.constant 8 : i32
      %mul3A_889 = arith.muli %scan3A_130, %mul3A_888 : i32
      %add3A_890 = arith.constant 7 : i32
      %add3A_891 = arith.addi %mul3A_889, %add3A_890 : i32
      %sub3A_892 = arith.constant 104 : i32
      %sub3A_893 = arith.subi %add3A_891, %sub3A_892 : i32
      %get3A_894 = arith.index_cast %sub3A_893 : i32 to index
      %get3A_895 = arith.constant 112 : index
      %get3A_896 = tpu.vector_load %arg16[%get3A_894, %get3A_895] {strides = array<i32>} : memref<146x128xf32, #tpu.memory_space<vmem>>, vector<16xf32>,
      %mul3A_897 = arith.mulf %gather3A_160, %get3A_896 : vector<16xf32>
      %add3A_898 = arith.addf %add3A_887, %mul3A_897 : vector<16xf32>
      %swap3A_899 = arith.index_cast %scan3A_130 : i32 to index
      %swap3A_900 = arith.constant 112 : index
      %swap3A_901 = tpu.vector_load %arg11[%swap3A_899, %swap3A_900] {strides = array<i32>} : memref<26x128xf32, #tpu.memory_space<vmem>>, vector<16xf32>,
      tpu.vector_store %arg11[%swap3A_899, %swap3A_900], %add3A_898 {strides = array<i32>} : memref<26x128xf32, #tpu.memory_space<vmem>>, vector<16xf32>,
    }
    %scan3A_43 = arith.constant 13 : i32
    %dma_start3A_44 = arith.constant 0 : i32
    %dma_start3A_45 = arith.constant 26 : i32
    %dma_start3A_46 = arith.constant 0 : i32
    %dma_start3A_47 = tpu.memref_slice %arg15[%dma_start3A_45, %dma_start3A_46] : memref<146x128xf32, #tpu.memory_space<vmem>> -> memref<120x128xf32, #tpu.memory_space<vmem>>
    %dma_start3A_48 = arith.constant 0 : i32
    %dma_start3A_49 = tpu.memref_slice %arg9[%dma_start3A_44, %dma_start3A_48] : memref<128x120xi32, #tpu.memory_space<vmem>> -> memref<1x120xi32, #tpu.memory_space<vmem>>
    %dma_start3A_50 = tpu.memref_squeeze %dma_start3A_49 : memref<1x120xi32, #tpu.memory_space<vmem>> -> memref<120xi32, #tpu.memory_space<vmem>>
    %dma_start3A_51 = arith.constant 0 : i32
    %dma_start3A_52 = arith.constant 0 : i32
    %dma_start3A_53 = tpu.memref_slice %arg3[%dma_start3A_51, %dma_start3A_52] : memref<100000x128xf32, #tpu.memory_space<hbm>> -> memref<100000x128xf32, #tpu.memory_space<hbm>>
    tpu.enqueue_indirect_dma source(%dma_start3A_53 : memref<100000x128xf32, #tpu.memory_space<hbm>>) target(%dma_start3A_47 : memref<120x128xf32, #tpu.memory_space<vmem>>) offsets(%dma_start3A_50 : memref<120xi32, #tpu.memory_space<vmem>>) semaphore(%arg19 : memref<!tpu.dma_semaphore, #tpu.memory_space<semaphore_mem>>)
    %dma_start3A_54 = arith.constant 1 : i32
    %dma_start3A_55 = arith.constant 26 : i32
    %dma_start3A_56 = arith.constant 0 : i32
    %dma_start3A_57 = tpu.memref_slice %arg16[%dma_start3A_55, %dma_start3A_56] : memref<146x128xf32, #tpu.memory_space<vmem>> -> memref<120x128xf32, #tpu.memory_space<vmem>>
    %dma_start3A_58 = arith.constant 0 : i32
    %dma_start3A_59 = tpu.memref_slice %arg9[%dma_start3A_54, %dma_start3A_58] : memref<128x120xi32, #tpu.memory_space<vmem>> -> memref<1x120xi32, #tpu.memory_space<vmem>>
    %dma_start3A_60 = tpu.memref_squeeze %dma_start3A_59 : memref<1x120xi32, #tpu.memory_space<vmem>> -> memref<120xi32, #tpu.memory_space<vmem>>
    %dma_start3A_61 = arith.constant 0 : i32
    %dma_start3A_62 = arith.constant 0 : i32
    %dma_start3A_63 = tpu.memref_slice %arg3[%dma_start3A_61, %dma_start3A_62] : memref<100000x128xf32, #tpu.memory_space<hbm>> -> memref<100000x128xf32, #tpu.memory_space<hbm>>
    tpu.enqueue_indirect_dma source(%dma_start3A_63 : memref<100000x128xf32, #tpu.memory_space<hbm>>) target(%dma_start3A_57 : memref<120x128xf32, #tpu.memory_space<vmem>>) offsets(%dma_start3A_60 : memref<120xi32, #tpu.memory_space<vmem>>) semaphore(%arg20 : memref<!tpu.dma_semaphore, #tpu.memory_space<semaphore_mem>>)
    %dma_start3A_64 = arith.constant 2 : i32
    %dma_start3A_65 = arith.constant 26 : i32
    %dma_start3A_66 = arith.constant 0 : i32
    %dma_start3A_67 = tpu.memref_slice %arg17[%dma_start3A_65, %dma_start3A_66] : memref<146x128xf32, #tpu.memory_space<vmem>> -> memref<120x128xf32, #tpu.memory_space<vmem>>
    %dma_start3A_68 = arith.constant 0 : i32
    %dma_start3A_69 = tpu.memref_slice %arg9[%dma_start3A_64, %dma_start3A_68] : memref<128x120xi32, #tpu.memory_space<vmem>> -> memref<1x120xi32, #tpu.memory_space<vmem>>
    %dma_start3A_70 = tpu.memref_squeeze %dma_start3A_69 : memref<1x120xi32, #tpu.memory_space<vmem>> -> memref<120xi32, #tpu.memory_space<vmem>>
    %dma_start3A_71 = arith.constant 0 : i32
    %dma_start3A_72 = arith.constant 0 : i32
    %dma_start3A_73 = tpu.memref_slice %arg3[%dma_start3A_71, %dma_start3A_72] : memref<100000x128xf32, #tpu.memory_space<hbm>> -> memref<100000x128xf32, #tpu.memory_space<hbm>>
    tpu.enqueue_indirect_dma source(%dma_start3A_73 : memref<100000x128xf32, #tpu.memory_space<hbm>>) target(%dma_start3A_67 : memref<120x128xf32, #tpu.memory_space<vmem>>) offsets(%dma_start3A_70 : memref<120xi32, #tpu.memory_space<vmem>>) semaphore(%arg21 : memref<!tpu.dma_semaphore, #tpu.memory_space<semaphore_mem>>)
    %dma_start3A_74 = arith.constant 3 : i32
    %dma_start3A_75 = arith.constant 26 : i32
    %dma_start3A_76 = arith.constant 0 : i32
    %dma_start3A_77 = tpu.memref_slice %arg18[%dma_start3A_75, %dma_start3A_76] : memref<146x128xf32, #tpu.memory_space<vmem>> -> memref<120x128xf32, #tpu.memory_space<vmem>>
    %dma_start3A_78 = arith.constant 0 : i32
    %dma_start3A_79 = tpu.memref_slice %arg9[%dma_start3A_74, %dma_start3A_78] : memref<128x120xi32, #tpu.memory_space<vmem>> -> memref<1x120xi32, #tpu.memory_space<vmem>>
    %dma_start3A_80 = tpu.memref_squeeze %dma_start3A_79 : memref<1x120xi32, #tpu.memory_space<vmem>> -> memref<120xi32, #tpu.memory_space<vmem>>
    %dma_start3A_81 = arith.constant 0 : i32
    %dma_start3A_82 = arith.constant 0 : i32
    %dma_start3A_83 = tpu.memref_slice %arg3[%dma_start3A_81, %dma_start3A_82] : memref<100000x128xf32, #tpu.memory_space<hbm>> -> memref<100000x128xf32, #tpu.memory_space<hbm>>
    tpu.enqueue_indirect_dma source(%dma_start3A_83 : memref<100000x128xf32, #tpu.memory_space<hbm>>) target(%dma_start3A_77 : memref<120x128xf32, #tpu.memory_space<vmem>>) offsets(%dma_start3A_80 : memref<120xi32, #tpu.memory_space<vmem>>) semaphore(%arg22 : memref<!tpu.dma_semaphore, #tpu.memory_space<semaphore_mem>>)
    %scan3A_84 = arith.constant 0 : i32
    %scan3A_85 = arith.constant 0 : i32
    %scan3A_86 = arith.constant 32 : i32
    %scan3A_87 = arith.addi %scan3A_85, %scan3A_86 : i32
    %scan3A_88 = arith.constant 1 : i32
    scf.for %scan3A_130 = %scan3A_85 to %scan3A_87 step %scan3A_88  : i32 {
      %mul3A_131 = arith.constant 4 : i32
      %mul3A_132 = arith.muli %scan3A_130, %mul3A_131 : i32
      %add3A_133 = arith.constant 0 : i32
      %add3A_134 = arith.addi %add3A_133, %mul3A_132 : i32
      %add3A_135 = arith.constant 0 : i32
      %add3A_136 = arith.addi %add3A_134, %add3A_135 : i32
      %dma_wait3A_137 = arith.constant 26 : i32
      %dma_wait3A_138 = arith.constant 0 : i32
      %dma_wait3A_139 = tpu.memref_slice %arg15[%dma_wait3A_137, %dma_wait3A_138] : memref<146x128xf32, #tpu.memory_space<vmem>> -> memref<120x128xf32, #tpu.memory_space<vmem>>
      %dma_wait3A_140 = arith.constant 0 : i32
      %dma_wait3A_141 = tpu.memref_slice %arg9[%add3A_136, %dma_wait3A_140] : memref<128x120xi32, #tpu.memory_space<vmem>> -> memref<1x120xi32, #tpu.memory_space<vmem>>
      %dma_wait3A_142 = tpu.memref_squeeze %dma_wait3A_141 : memref<1x120xi32, #tpu.memory_space<vmem>> -> memref<120xi32, #tpu.memory_space<vmem>>
      %dma_wait3A_143 = arith.constant 0 : i32
      %dma_wait3A_144 = arith.constant 0 : i32
      %dma_wait3A_145 = tpu.memref_slice %arg3[%dma_wait3A_143, %dma_wait3A_144] : memref<100000x128xf32, #tpu.memory_space<hbm>> -> memref<100000x128xf32, #tpu.memory_space<hbm>>
      tpu.wait_indirect_dma semaphore(%arg19 : memref<!tpu.dma_semaphore, #tpu.memory_space<semaphore_mem>>) src(%dma_wait3A_145 : memref<100000x128xf32, #tpu.memory_space<hbm>>) dst(%dma_wait3A_139 : memref<120x128xf32, #tpu.memory_space<vmem>>)
      %add3A_146 = arith.constant 0 : i32
      %add3A_147 = arith.addi %add3A_134, %add3A_146 : i32
      %scan3A_148 = arith.constant 0 : i32
      %scan3A_149 = arith.constant 0 : i32
      %scan3A_150 = arith.constant 26 : i32
      %scan3A_151 = arith.addi %scan3A_149, %scan3A_150 : i32
      %scan3A_152 = arith.constant 1 : i32
      scf.for %scan3A_288 = %scan3A_149 to %scan3A_151 step %scan3A_152  : i32 {
        %broadcast_in_dim3A = vector.broadcast %add3A_147 : i32 to vector<16xi32>
        %broadcast_in_dim3A_289 = vector.broadcast %scan3A_288 : i32 to vector<16xi32>
        %gather3A = tpu.vector_load_idx %arg14[%broadcast_in_dim3A, %broadcast_in_dim3A_289] : memref<128x26xf32, #tpu.memory_space<vmem>>[vector<16xi32>, vector<16xi32>], vector<16xf32>,
        %get3A = arith.index_cast %scan3A_288 : i32 to index
        %get3A_290 = arith.constant 0 : index
        %get3A_291 = tpu.vector_load %arg11[%get3A, %get3A_290] {strides = array<i32>} : memref<26x128xf32, #tpu.memory_space<vmem>>, vector<16xf32>,
        %mul3A_292 = arith.mulf %gather3A, %get3A_291 : vector<16xf32>
        %get3A_293 = arith.constant 0 : index
        %get3A_294 = tpu.vector_load %arg13[%get3A_293] {strides = array<i32>} : memref<128xf32, #tpu.memory_space<vmem>>, vector<16xf32>,
        %add3A_295 = arith.addf %mul3A_292, %get3A_294 : vector<16xf32>
        %swap3A = arith.index_cast %scan3A_288 : i32 to index
        %swap3A_296 = arith.constant 0 : index
        %swap3A_297 = tpu.vector_load %arg15[%swap3A, %swap3A_296] {strides = array<i32>} : memref<146x128xf32, #tpu.memory_space<vmem>>, vector<16xf32>,
        tpu.vector_store %arg15[%swap3A, %swap3A_296], %add3A_295 {strides = array<i32>} : memref<146x128xf32, #tpu.memory_space<vmem>>, vector<16xf32>,
        %get3A_298 = arith.index_cast %scan3A_288 : i32 to index
        %get3A_299 = arith.constant 16 : index
        %get3A_300 = tpu.vector_load %arg11[%get3A_298, %get3A_299] {strides = array<i32>} : memref<26x128xf32, #tpu.memory_space<vmem>>, vector<16xf32>,
        %mul3A_301 = arith.mulf %gather3A, %get3A_300 : vector<16xf32>
        %get3A_302 = arith.constant 16 : index
        %get3A_303 = tpu.vector_load %arg13[%get3A_302] {strides = array<i32>} : memref<128xf32, #tpu.memory_space<vmem>>, vector<16xf32>,
        %add3A_304 = arith.addf %mul3A_301, %get3A_303 : vector<16xf32>
        %swap3A_305 = arith.index_cast %scan3A_288 : i32 to index
        %swap3A_306 = arith.constant 16 : index
        %swap3A_307 = tpu.vector_load %arg15[%swap3A_305, %swap3A_306] {strides = array<i32>} : memref<146x128xf32, #tpu.memory_space<vmem>>, vector<16xf32>,
        tpu.vector_store %arg15[%swap3A_305, %swap3A_306], %add3A_304 {strides = array<i32>} : memref<146x128xf32, #tpu.memory_space<vmem>>, vector<16xf32>,
        %get3A_308 = arith.index_cast %scan3A_288 : i32 to index
        %get3A_309 = arith.constant 32 : index
        %get3A_310 = tpu.vector_load %arg11[%get3A_308, %get3A_309] {strides = array<i32>} : memref<26x128xf32, #tpu.memory_space<vmem>>, vector<16xf32>,
        %mul3A_311 = arith.mulf %gather3A, %get3A_310 : vector<16xf32>
        %get3A_312 = arith.constant 32 : index
        %get3A_313 = tpu.vector_load %arg13[%get3A_312] {strides = array<i32>} : memref<128xf32, #tpu.memory_space<vmem>>, vector<16xf32>,
        %add3A_314 = arith.addf %mul3A_311, %get3A_313 : vector<16xf32>
        %swap3A_315 = arith.index_cast %scan3A_288 : i32 to index
        %swap3A_316 = arith.constant 32 : index
        %swap3A_317 = tpu.vector_load %arg15[%swap3A_315, %swap3A_316] {strides = array<i32>} : memref<146x128xf32, #tpu.memory_space<vmem>>, vector<16xf32>,
        tpu.vector_store %arg15[%swap3A_315, %swap3A_316], %add3A_314 {strides = array<i32>} : memref<146x128xf32, #tpu.memory_space<vmem>>, vector<16xf32>,
        %get3A_318 = arith.index_cast %scan3A_288 : i32 to index
        %get3A_319 = arith.constant 48 : index
        %get3A_320 = tpu.vector_load %arg11[%get3A_318, %get3A_319] {strides = array<i32>} : memref<26x128xf32, #tpu.memory_space<vmem>>, vector<16xf32>,
        %mul3A_321 = arith.mulf %gather3A, %get3A_320 : vector<16xf32>
        %get3A_322 = arith.constant 48 : index
        %get3A_323 = tpu.vector_load %arg13[%get3A_322] {strides = array<i32>} : memref<128xf32, #tpu.memory_space<vmem>>, vector<16xf32>,
        %add3A_324 = arith.addf %mul3A_321, %get3A_323 : vector<16xf32>
        %swap3A_325 = arith.index_cast %scan3A_288 : i32 to index
        %swap3A_326 = arith.constant 48 : index
        %swap3A_327 = tpu.vector_load %arg15[%swap3A_325, %swap3A_326] {strides = array<i32>} : memref<146x128xf32, #tpu.memory_space<vmem>>, vector<16xf32>,
        tpu.vector_store %arg15[%swap3A_325, %swap3A_326], %add3A_324 {strides = array<i32>} : memref<146x128xf32, #tpu.memory_space<vmem>>, vector<16xf32>,
        %get3A_328 = arith.index_cast %scan3A_288 : i32 to index
        %get3A_329 = arith.constant 64 : index
        %get3A_330 = tpu.vector_load %arg11[%get3A_328, %get3A_329] {strides = array<i32>} : memref<26x128xf32, #tpu.memory_space<vmem>>, vector<16xf32>,
        %mul3A_331 = arith.mulf %gather3A, %get3A_330 : vector<16xf32>
        %get3A_332 = arith.constant 64 : index
        %get3A_333 = tpu.vector_load %arg13[%get3A_332] {strides = array<i32>} : memref<128xf32, #tpu.memory_space<vmem>>, vector<16xf32>,
        %add3A_334 = arith.addf %mul3A_331, %get3A_333 : vector<16xf32>
        %swap3A_335 = arith.index_cast %scan3A_288 : i32 to index
        %swap3A_336 = arith.constant 64 : index
        %swap3A_337 = tpu.vector_load %arg15[%swap3A_335, %swap3A_336] {strides = array<i32>} : memref<146x128xf32, #tpu.memory_space<vmem>>, vector<16xf32>,
        tpu.vector_store %arg15[%swap3A_335, %swap3A_336], %add3A_334 {strides = array<i32>} : memref<146x128xf32, #tpu.memory_space<vmem>>, vector<16xf32>,
        %get3A_338 = arith.index_cast %scan3A_288 : i32 to index
        %get3A_339 = arith.constant 80 : index
        %get3A_340 = tpu.vector_load %arg11[%get3A_338, %get3A_339] {strides = array<i32>} : memref<26x128xf32, #tpu.memory_space<vmem>>, vector<16xf32>,
        %mul3A_341 = arith.mulf %gather3A, %get3A_340 : vector<16xf32>
        %get3A_342 = arith.constant 80 : index
        %get3A_343 = tpu.vector_load %arg13[%get3A_342] {strides = array<i32>} : memref<128xf32, #tpu.memory_space<vmem>>, vector<16xf32>,
        %add3A_344 = arith.addf %mul3A_341, %get3A_343 : vector<16xf32>
        %swap3A_345 = arith.index_cast %scan3A_288 : i32 to index
        %swap3A_346 = arith.constant 80 : index
        %swap3A_347 = tpu.vector_load %arg15[%swap3A_345, %swap3A_346] {strides = array<i32>} : memref<146x128xf32, #tpu.memory_space<vmem>>, vector<16xf32>,
        tpu.vector_store %arg15[%swap3A_345, %swap3A_346], %add3A_344 {strides = array<i32>} : memref<146x128xf32, #tpu.memory_space<vmem>>, vector<16xf32>,
        %get3A_348 = arith.index_cast %scan3A_288 : i32 to index
        %get3A_349 = arith.constant 96 : index
        %get3A_350 = tpu.vector_load %arg11[%get3A_348, %get3A_349] {strides = array<i32>} : memref<26x128xf32, #tpu.memory_space<vmem>>, vector<16xf32>,
        %mul3A_351 = arith.mulf %gather3A, %get3A_350 : vector<16xf32>
        %get3A_352 = arith.constant 96 : index
        %get3A_353 = tpu.vector_load %arg13[%get3A_352] {strides = array<i32>} : memref<128xf32, #tpu.memory_space<vmem>>, vector<16xf32>,
        %add3A_354 = arith.addf %mul3A_351, %get3A_353 : vector<16xf32>
        %swap3A_355 = arith.index_cast %scan3A_288 : i32 to index
        %swap3A_356 = arith.constant 96 : index
        %swap3A_357 = tpu.vector_load %arg15[%swap3A_355, %swap3A_356] {strides = array<i32>} : memref<146x128xf32, #tpu.memory_space<vmem>>, vector<16xf32>,
        tpu.vector_store %arg15[%swap3A_355, %swap3A_356], %add3A_354 {strides = array<i32>} : memref<146x128xf32, #tpu.memory_space<vmem>>, vector<16xf32>,
        %get3A_358 = arith.index_cast %scan3A_288 : i32 to index
        %get3A_359 = arith.constant 112 : index
        %get3A_360 = tpu.vector_load %arg11[%get3A_358, %get3A_359] {strides = array<i32>} : memref<26x128xf32, #tpu.memory_space<vmem>>, vector<16xf32>,
        %mul3A_361 = arith.mulf %gather3A, %get3A_360 : vector<16xf32>
        %get3A_362 = arith.constant 112 : index
        %get3A_363 = tpu.vector_load %arg13[%get3A_362] {strides = array<i32>} : memref<128xf32, #tpu.memory_space<vmem>>, vector<16xf32>,
        %add3A_364 = arith.addf %mul3A_361, %get3A_363 : vector<16xf32>
        %swap3A_365 = arith.index_cast %scan3A_288 : i32 to index
        %swap3A_366 = arith.constant 112 : index
        %swap3A_367 = tpu.vector_load %arg15[%swap3A_365, %swap3A_366] {strides = array<i32>} : memref<146x128xf32, #tpu.memory_space<vmem>>, vector<16xf32>,
        tpu.vector_store %arg15[%swap3A_365, %swap3A_366], %add3A_364 {strides = array<i32>} : memref<146x128xf32, #tpu.memory_space<vmem>>, vector<16xf32>,
      }
      %scan3A_153 = arith.constant 26 : i32
      %add3A_154 = arith.constant 0 : i32
      %add3A_155 = arith.addi %add3A_134, %add3A_154 : i32
      %add3A_156 = arith.addi %mul3A_2, %add3A_155 : i32
      %dma_start3A_157 = arith.constant 0 : i32
      %dma_start3A_158 = arith.constant 0 : i32
      %dma_start3A_159 = tpu.memref_slice %arg8[%add3A_156, %dma_start3A_157, %dma_start3A_158] : memref<4096x146x128xf32, #tpu.memory_space<hbm>> -> memref<1x146x128xf32, #tpu.memory_space<hbm>>
      %dma_start3A_160 = tpu.memref_squeeze %dma_start3A_159 : memref<1x146x128xf32, #tpu.memory_space<hbm>> -> memref<146x128xf32, #tpu.memory_space<hbm>>
      %dma_start3A_161 = arith.constant 0 : i32
      %dma_start3A_162 = arith.constant 0 : i32
      %dma_start3A_163 = tpu.memref_slice %arg8[%add3A_156, %dma_start3A_161, %dma_start3A_162] : memref<4096x146x128xf32, #tpu.memory_space<hbm>> -> memref<1x146x128xf32, #tpu.memory_space<hbm>>
      %dma_start3A_164 = tpu.memref_squeeze %dma_start3A_163 : memref<1x146x128xf32, #tpu.memory_space<hbm>> -> memref<146x128xf32, #tpu.memory_space<hbm>>
      tpu.enqueue_dma source(%arg15 : memref<146x128xf32, #tpu.memory_space<vmem>>) target(%dma_start3A_164 : memref<146x128xf32, #tpu.memory_space<hbm>>) target_semaphore(%arg23 : memref<!tpu.dma_semaphore, #tpu.memory_space<semaphore_mem>>)
      %add3A_165 = arith.constant 1 : i32
      %add3A_166 = arith.addi %add3A_134, %add3A_165 : i32
      %dma_wait3A_167 = arith.constant 26 : i32
      %dma_wait3A_168 = arith.constant 0 : i32
      %dma_wait3A_169 = tpu.memref_slice %arg16[%dma_wait3A_167, %dma_wait3A_168] : memref<146x128xf32, #tpu.memory_space<vmem>> -> memref<120x128xf32, #tpu.memory_space<vmem>>
      %dma_wait3A_170 = arith.constant 0 : i32
      %dma_wait3A_171 = tpu.memref_slice %arg9[%add3A_166, %dma_wait3A_170] : memref<128x120xi32, #tpu.memory_space<vmem>> -> memref<1x120xi32, #tpu.memory_space<vmem>>
      %dma_wait3A_172 = tpu.memref_squeeze %dma_wait3A_171 : memref<1x120xi32, #tpu.memory_space<vmem>> -> memref<120xi32, #tpu.memory_space<vmem>>
      %dma_wait3A_173 = arith.constant 0 : i32
      %dma_wait3A_174 = arith.constant 0 : i32
      %dma_wait3A_175 = tpu.memref_slice %arg3[%dma_wait3A_173, %dma_wait3A_174] : memref<100000x128xf32, #tpu.memory_space<hbm>> -> memref<100000x128xf32, #tpu.memory_space<hbm>>
      tpu.wait_indirect_dma semaphore(%arg20 : memref<!tpu.dma_semaphore, #tpu.memory_space<semaphore_mem>>) src(%dma_wait3A_175 : memref<100000x128xf32, #tpu.memory_space<hbm>>) dst(%dma_wait3A_169 : memref<120x128xf32, #tpu.memory_space<vmem>>)
      %add3A_176 = arith.constant 1 : i32
      %add3A_177 = arith.addi %add3A_134, %add3A_176 : i32
      %scan3A_178 = arith.constant 0 : i32
      %scan3A_179 = arith.constant 0 : i32
      %scan3A_180 = arith.constant 26 : i32
      %scan3A_181 = arith.addi %scan3A_179, %scan3A_180 : i32
      %scan3A_182 = arith.constant 1 : i32
      scf.for %scan3A_288 = %scan3A_179 to %scan3A_181 step %scan3A_182  : i32 {
        %broadcast_in_dim3A = vector.broadcast %add3A_177 : i32 to vector<16xi32>
        %broadcast_in_dim3A_289 = vector.broadcast %scan3A_288 : i32 to vector<16xi32>
        %gather3A = tpu.vector_load_idx %arg14[%broadcast_in_dim3A, %broadcast_in_dim3A_289] : memref<128x26xf32, #tpu.memory_space<vmem>>[vector<16xi32>, vector<16xi32>], vector<16xf32>,
        %get3A = arith.index_cast %scan3A_288 : i32 to index
        %get3A_290 = arith.constant 0 : index
        %get3A_291 = tpu.vector_load %arg11[%get3A, %get3A_290] {strides = array<i32>} : memref<26x128xf32, #tpu.memory_space<vmem>>, vector<16xf32>,
        %mul3A_292 = arith.mulf %gather3A, %get3A_291 : vector<16xf32>
        %get3A_293 = arith.constant 0 : index
        %get3A_294 = tpu.vector_load %arg13[%get3A_293] {strides = array<i32>} : memref<128xf32, #tpu.memory_space<vmem>>, vector<16xf32>,
        %add3A_295 = arith.addf %mul3A_292, %get3A_294 : vector<16xf32>
        %swap3A = arith.index_cast %scan3A_288 : i32 to index
        %swap3A_296 = arith.constant 0 : index
        %swap3A_297 = tpu.vector_load %arg16[%swap3A, %swap3A_296] {strides = array<i32>} : memref<146x128xf32, #tpu.memory_space<vmem>>, vector<16xf32>,
        tpu.vector_store %arg16[%swap3A, %swap3A_296], %add3A_295 {strides = array<i32>} : memref<146x128xf32, #tpu.memory_space<vmem>>, vector<16xf32>,
        %get3A_298 = arith.index_cast %scan3A_288 : i32 to index
        %get3A_299 = arith.constant 16 : index
        %get3A_300 = tpu.vector_load %arg11[%get3A_298, %get3A_299] {strides = array<i32>} : memref<26x128xf32, #tpu.memory_space<vmem>>, vector<16xf32>,
        %mul3A_301 = arith.mulf %gather3A, %get3A_300 : vector<16xf32>
        %get3A_302 = arith.constant 16 : index
        %get3A_303 = tpu.vector_load %arg13[%get3A_302] {strides = array<i32>} : memref<128xf32, #tpu.memory_space<vmem>>, vector<16xf32>,
        %add3A_304 = arith.addf %mul3A_301, %get3A_303 : vector<16xf32>
        %swap3A_305 = arith.index_cast %scan3A_288 : i32 to index
        %swap3A_306 = arith.constant 16 : index
        %swap3A_307 = tpu.vector_load %arg16[%swap3A_305, %swap3A_306] {strides = array<i32>} : memref<146x128xf32, #tpu.memory_space<vmem>>, vector<16xf32>,
        tpu.vector_store %arg16[%swap3A_305, %swap3A_306], %add3A_304 {strides = array<i32>} : memref<146x128xf32, #tpu.memory_space<vmem>>, vector<16xf32>,
        %get3A_308 = arith.index_cast %scan3A_288 : i32 to index
        %get3A_309 = arith.constant 32 : index
        %get3A_310 = tpu.vector_load %arg11[%get3A_308, %get3A_309] {strides = array<i32>} : memref<26x128xf32, #tpu.memory_space<vmem>>, vector<16xf32>,
        %mul3A_311 = arith.mulf %gather3A, %get3A_310 : vector<16xf32>
        %get3A_312 = arith.constant 32 : index
        %get3A_313 = tpu.vector_load %arg13[%get3A_312] {strides = array<i32>} : memref<128xf32, #tpu.memory_space<vmem>>, vector<16xf32>,
        %add3A_314 = arith.addf %mul3A_311, %get3A_313 : vector<16xf32>
        %swap3A_315 = arith.index_cast %scan3A_288 : i32 to index
        %swap3A_316 = arith.constant 32 : index
        %swap3A_317 = tpu.vector_load %arg16[%swap3A_315, %swap3A_316] {strides = array<i32>} : memref<146x128xf32, #tpu.memory_space<vmem>>, vector<16xf32>,
        tpu.vector_store %arg16[%swap3A_315, %swap3A_316], %add3A_314 {strides = array<i32>} : memref<146x128xf32, #tpu.memory_space<vmem>>, vector<16xf32>,
        %get3A_318 = arith.index_cast %scan3A_288 : i32 to index
        %get3A_319 = arith.constant 48 : index
        %get3A_320 = tpu.vector_load %arg11[%get3A_318, %get3A_319] {strides = array<i32>} : memref<26x128xf32, #tpu.memory_space<vmem>>, vector<16xf32>,
        %mul3A_321 = arith.mulf %gather3A, %get3A_320 : vector<16xf32>
        %get3A_322 = arith.constant 48 : index
        %get3A_323 = tpu.vector_load %arg13[%get3A_322] {strides = array<i32>} : memref<128xf32, #tpu.memory_space<vmem>>, vector<16xf32>,
        %add3A_324 = arith.addf %mul3A_321, %get3A_323 : vector<16xf32>
        %swap3A_325 = arith.index_cast %scan3A_288 : i32 to index
        %swap3A_326 = arith.constant 48 : index
        %swap3A_327 = tpu.vector_load %arg16[%swap3A_325, %swap3A_326] {strides = array<i32>} : memref<146x128xf32, #tpu.memory_space<vmem>>, vector<16xf32>,
        tpu.vector_store %arg16[%swap3A_325, %swap3A_326], %add3A_324 {strides = array<i32>} : memref<146x128xf32, #tpu.memory_space<vmem>>, vector<16xf32>,
        %get3A_328 = arith.index_cast %scan3A_288 : i32 to index
        %get3A_329 = arith.constant 64 : index
        %get3A_330 = tpu.vector_load %arg11[%get3A_328, %get3A_329] {strides = array<i32>} : memref<26x128xf32, #tpu.memory_space<vmem>>, vector<16xf32>,
        %mul3A_331 = arith.mulf %gather3A, %get3A_330 : vector<16xf32>
        %get3A_332 = arith.constant 64 : index
        %get3A_333 = tpu.vector_load %arg13[%get3A_332] {strides = array<i32>} : memref<128xf32, #tpu.memory_space<vmem>>, vector<16xf32>,
        %add3A_334 = arith.addf %mul3A_331, %get3A_333 : vector<16xf32>
        %swap3A_335 = arith.index_cast %scan3A_288 : i32 to index
        %swap3A_336 = arith.constant 64 : index
        %swap3A_337 = tpu.vector_load %arg16[%swap3A_335, %swap3A_336] {strides = array<i32>} : memref<146x128xf32, #tpu.memory_space<vmem>>, vector<16xf32>,
        tpu.vector_store %arg16[%swap3A_335, %swap3A_336], %add3A_334 {strides = array<i32>} : memref<146x128xf32, #tpu.memory_space<vmem>>, vector<16xf32>,
        %get3A_338 = arith.index_cast %scan3A_288 : i32 to index
        %get3A_339 = arith.constant 80 : index
        %get3A_340 = tpu.vector_load %arg11[%get3A_338, %get3A_339] {strides = array<i32>} : memref<26x128xf32, #tpu.memory_space<vmem>>, vector<16xf32>,
        %mul3A_341 = arith.mulf %gather3A, %get3A_340 : vector<16xf32>
        %get3A_342 = arith.constant 80 : index
        %get3A_343 = tpu.vector_load %arg13[%get3A_342] {strides = array<i32>} : memref<128xf32, #tpu.memory_space<vmem>>, vector<16xf32>,
        %add3A_344 = arith.addf %mul3A_341, %get3A_343 : vector<16xf32>
        %swap3A_345 = arith.index_cast %scan3A_288 : i32 to index
        %swap3A_346 = arith.constant 80 : index
        %swap3A_347 = tpu.vector_load %arg16[%swap3A_345, %swap3A_346] {strides = array<i32>} : memref<146x128xf32, #tpu.memory_space<vmem>>, vector<16xf32>,
        tpu.vector_store %arg16[%swap3A_345, %swap3A_346], %add3A_344 {strides = array<i32>} : memref<146x128xf32, #tpu.memory_space<vmem>>, vector<16xf32>,
        %get3A_348 = arith.index_cast %scan3A_288 : i32 to index
        %get3A_349 = arith.constant 96 : index
        %get3A_350 = tpu.vector_load %arg11[%get3A_348, %get3A_349] {strides = array<i32>} : memref<26x128xf32, #tpu.memory_space<vmem>>, vector<16xf32>,
        %mul3A_351 = arith.mulf %gather3A, %get3A_350 : vector<16xf32>
        %get3A_352 = arith.constant 96 : index
        %get3A_353 = tpu.vector_load %arg13[%get3A_352] {strides = array<i32>} : memref<128xf32, #tpu.memory_space<vmem>>, vector<16xf32>,
        %add3A_354 = arith.addf %mul3A_351, %get3A_353 : vector<16xf32>
        %swap3A_355 = arith.index_cast %scan3A_288 : i32 to index
        %swap3A_356 = arith.constant 96 : index
        %swap3A_357 = tpu.vector_load %arg16[%swap3A_355, %swap3A_356] {strides = array<i32>} : memref<146x128xf32, #tpu.memory_space<vmem>>, vector<16xf32>,
        tpu.vector_store %arg16[%swap3A_355, %swap3A_356], %add3A_354 {strides = array<i32>} : memref<146x128xf32, #tpu.memory_space<vmem>>, vector<16xf32>,
        %get3A_358 = arith.index_cast %scan3A_288 : i32 to index
        %get3A_359 = arith.constant 112 : index
        %get3A_360 = tpu.vector_load %arg11[%get3A_358, %get3A_359] {strides = array<i32>} : memref<26x128xf32, #tpu.memory_space<vmem>>, vector<16xf32>,
        %mul3A_361 = arith.mulf %gather3A, %get3A_360 : vector<16xf32>
        %get3A_362 = arith.constant 112 : index
        %get3A_363 = tpu.vector_load %arg13[%get3A_362] {strides = array<i32>} : memref<128xf32, #tpu.memory_space<vmem>>, vector<16xf32>,
        %add3A_364 = arith.addf %mul3A_361, %get3A_363 : vector<16xf32>
        %swap3A_365 = arith.index_cast %scan3A_288 : i32 to index
        %swap3A_366 = arith.constant 112 : index
        %swap3A_367 = tpu.vector_load %arg16[%swap3A_365, %swap3A_366] {strides = array<i32>} : memref<146x128xf32, #tpu.memory_space<vmem>>, vector<16xf32>,
        tpu.vector_store %arg16[%swap3A_365, %swap3A_366], %add3A_364 {strides = array<i32>} : memref<146x128xf32, #tpu.memory_space<vmem>>, vector<16xf32>,
      }
      %scan3A_183 = arith.constant 26 : i32
      %add3A_184 = arith.constant 1 : i32
      %add3A_185 = arith.addi %add3A_134, %add3A_184 : i32
      %add3A_186 = arith.addi %mul3A_2, %add3A_185 : i32
      %dma_start3A_187 = arith.constant 0 : i32
      %dma_start3A_188 = arith.constant 0 : i32
      %dma_start3A_189 = tpu.memref_slice %arg8[%add3A_186, %dma_start3A_187, %dma_start3A_188] : memref<4096x146x128xf32, #tpu.memory_space<hbm>> -> memref<1x146x128xf32, #tpu.memory_space<hbm>>
      %dma_start3A_190 = tpu.memref_squeeze %dma_start3A_189 : memref<1x146x128xf32, #tpu.memory_space<hbm>> -> memref<146x128xf32, #tpu.memory_space<hbm>>
      %dma_start3A_191 = arith.constant 0 : i32
      %dma_start3A_192 = arith.constant 0 : i32
      %dma_start3A_193 = tpu.memref_slice %arg8[%add3A_186, %dma_start3A_191, %dma_start3A_192] : memref<4096x146x128xf32, #tpu.memory_space<hbm>> -> memref<1x146x128xf32, #tpu.memory_space<hbm>>
      %dma_start3A_194 = tpu.memref_squeeze %dma_start3A_193 : memref<1x146x128xf32, #tpu.memory_space<hbm>> -> memref<146x128xf32, #tpu.memory_space<hbm>>
      tpu.enqueue_dma source(%arg16 : memref<146x128xf32, #tpu.memory_space<vmem>>) target(%dma_start3A_194 : memref<146x128xf32, #tpu.memory_space<hbm>>) target_semaphore(%arg24 : memref<!tpu.dma_semaphore, #tpu.memory_space<semaphore_mem>>)
      %add3A_195 = arith.constant 2 : i32
      %add3A_196 = arith.addi %add3A_134, %add3A_195 : i32
      %dma_wait3A_197 = arith.constant 26 : i32
      %dma_wait3A_198 = arith.constant 0 : i32
      %dma_wait3A_199 = tpu.memref_slice %arg17[%dma_wait3A_197, %dma_wait3A_198] : memref<146x128xf32, #tpu.memory_space<vmem>> -> memref<120x128xf32, #tpu.memory_space<vmem>>
      %dma_wait3A_200 = arith.constant 0 : i32
      %dma_wait3A_201 = tpu.memref_slice %arg9[%add3A_196, %dma_wait3A_200] : memref<128x120xi32, #tpu.memory_space<vmem>> -> memref<1x120xi32, #tpu.memory_space<vmem>>
      %dma_wait3A_202 = tpu.memref_squeeze %dma_wait3A_201 : memref<1x120xi32, #tpu.memory_space<vmem>> -> memref<120xi32, #tpu.memory_space<vmem>>
      %dma_wait3A_203 = arith.constant 0 : i32
      %dma_wait3A_204 = arith.constant 0 : i32
      %dma_wait3A_205 = tpu.memref_slice %arg3[%dma_wait3A_203, %dma_wait3A_204] : memref<100000x128xf32, #tpu.memory_space<hbm>> -> memref<100000x128xf32, #tpu.memory_space<hbm>>
      tpu.wait_indirect_dma semaphore(%arg21 : memref<!tpu.dma_semaphore, #tpu.memory_space<semaphore_mem>>) src(%dma_wait3A_205 : memref<100000x128xf32, #tpu.memory_space<hbm>>) dst(%dma_wait3A_199 : memref<120x128xf32, #tpu.memory_space<vmem>>)
      %add3A_206 = arith.constant 2 : i32
      %add3A_207 = arith.addi %add3A_134, %add3A_206 : i32
      %scan3A_208 = arith.constant 0 : i32
      %scan3A_209 = arith.constant 0 : i32
      %scan3A_210 = arith.constant 26 : i32
      %scan3A_211 = arith.addi %scan3A_209, %scan3A_210 : i32
      %scan3A_212 = arith.constant 1 : i32
      scf.for %scan3A_288 = %scan3A_209 to %scan3A_211 step %scan3A_212  : i32 {
        %broadcast_in_dim3A = vector.broadcast %add3A_207 : i32 to vector<16xi32>
        %broadcast_in_dim3A_289 = vector.broadcast %scan3A_288 : i32 to vector<16xi32>
        %gather3A = tpu.vector_load_idx %arg14[%broadcast_in_dim3A, %broadcast_in_dim3A_289] : memref<128x26xf32, #tpu.memory_space<vmem>>[vector<16xi32>, vector<16xi32>], vector<16xf32>,
        %get3A = arith.index_cast %scan3A_288 : i32 to index
        %get3A_290 = arith.constant 0 : index
        %get3A_291 = tpu.vector_load %arg11[%get3A, %get3A_290] {strides = array<i32>} : memref<26x128xf32, #tpu.memory_space<vmem>>, vector<16xf32>,
        %mul3A_292 = arith.mulf %gather3A, %get3A_291 : vector<16xf32>
        %get3A_293 = arith.constant 0 : index
        %get3A_294 = tpu.vector_load %arg13[%get3A_293] {strides = array<i32>} : memref<128xf32, #tpu.memory_space<vmem>>, vector<16xf32>,
        %add3A_295 = arith.addf %mul3A_292, %get3A_294 : vector<16xf32>
        %swap3A = arith.index_cast %scan3A_288 : i32 to index
        %swap3A_296 = arith.constant 0 : index
        %swap3A_297 = tpu.vector_load %arg17[%swap3A, %swap3A_296] {strides = array<i32>} : memref<146x128xf32, #tpu.memory_space<vmem>>, vector<16xf32>,
        tpu.vector_store %arg17[%swap3A, %swap3A_296], %add3A_295 {strides = array<i32>} : memref<146x128xf32, #tpu.memory_space<vmem>>, vector<16xf32>,
        %get3A_298 = arith.index_cast %scan3A_288 : i32 to index
        %get3A_299 = arith.constant 16 : index
        %get3A_300 = tpu.vector_load %arg11[%get3A_298, %get3A_299] {strides = array<i32>} : memref<26x128xf32, #tpu.memory_space<vmem>>, vector<16xf32>,
        %mul3A_301 = arith.mulf %gather3A, %get3A_300 : vector<16xf32>
        %get3A_302 = arith.constant 16 : index
        %get3A_303 = tpu.vector_load %arg13[%get3A_302] {strides = array<i32>} : memref<128xf32, #tpu.memory_space<vmem>>, vector<16xf32>,
        %add3A_304 = arith.addf %mul3A_301, %get3A_303 : vector<16xf32>
        %swap3A_305 = arith.index_cast %scan3A_288 : i32 to index
        %swap3A_306 = arith.constant 16 : index
        %swap3A_307 = tpu.vector_load %arg17[%swap3A_305, %swap3A_306] {strides = array<i32>} : memref<146x128xf32, #tpu.memory_space<vmem>>, vector<16xf32>,
        tpu.vector_store %arg17[%swap3A_305, %swap3A_306], %add3A_304 {strides = array<i32>} : memref<146x128xf32, #tpu.memory_space<vmem>>, vector<16xf32>,
        %get3A_308 = arith.index_cast %scan3A_288 : i32 to index
        %get3A_309 = arith.constant 32 : index
        %get3A_310 = tpu.vector_load %arg11[%get3A_308, %get3A_309] {strides = array<i32>} : memref<26x128xf32, #tpu.memory_space<vmem>>, vector<16xf32>,
        %mul3A_311 = arith.mulf %gather3A, %get3A_310 : vector<16xf32>
        %get3A_312 = arith.constant 32 : index
        %get3A_313 = tpu.vector_load %arg13[%get3A_312] {strides = array<i32>} : memref<128xf32, #tpu.memory_space<vmem>>, vector<16xf32>,
        %add3A_314 = arith.addf %mul3A_311, %get3A_313 : vector<16xf32>
        %swap3A_315 = arith.index_cast %scan3A_288 : i32 to index
        %swap3A_316 = arith.constant 32 : index
        %swap3A_317 = tpu.vector_load %arg17[%swap3A_315, %swap3A_316] {strides = array<i32>} : memref<146x128xf32, #tpu.memory_space<vmem>>, vector<16xf32>,
        tpu.vector_store %arg17[%swap3A_315, %swap3A_316], %add3A_314 {strides = array<i32>} : memref<146x128xf32, #tpu.memory_space<vmem>>, vector<16xf32>,
        %get3A_318 = arith.index_cast %scan3A_288 : i32 to index
        %get3A_319 = arith.constant 48 : index
        %get3A_320 = tpu.vector_load %arg11[%get3A_318, %get3A_319] {strides = array<i32>} : memref<26x128xf32, #tpu.memory_space<vmem>>, vector<16xf32>,
        %mul3A_321 = arith.mulf %gather3A, %get3A_320 : vector<16xf32>
        %get3A_322 = arith.constant 48 : index
        %get3A_323 = tpu.vector_load %arg13[%get3A_322] {strides = array<i32>} : memref<128xf32, #tpu.memory_space<vmem>>, vector<16xf32>,
        %add3A_324 = arith.addf %mul3A_321, %get3A_323 : vector<16xf32>
        %swap3A_325 = arith.index_cast %scan3A_288 : i32 to index
        %swap3A_326 = arith.constant 48 : index
        %swap3A_327 = tpu.vector_load %arg17[%swap3A_325, %swap3A_326] {strides = array<i32>} : memref<146x128xf32, #tpu.memory_space<vmem>>, vector<16xf32>,
        tpu.vector_store %arg17[%swap3A_325, %swap3A_326], %add3A_324 {strides = array<i32>} : memref<146x128xf32, #tpu.memory_space<vmem>>, vector<16xf32>,
        %get3A_328 = arith.index_cast %scan3A_288 : i32 to index
        %get3A_329 = arith.constant 64 : index
        %get3A_330 = tpu.vector_load %arg11[%get3A_328, %get3A_329] {strides = array<i32>} : memref<26x128xf32, #tpu.memory_space<vmem>>, vector<16xf32>,
        %mul3A_331 = arith.mulf %gather3A, %get3A_330 : vector<16xf32>
        %get3A_332 = arith.constant 64 : index
        %get3A_333 = tpu.vector_load %arg13[%get3A_332] {strides = array<i32>} : memref<128xf32, #tpu.memory_space<vmem>>, vector<16xf32>,
        %add3A_334 = arith.addf %mul3A_331, %get3A_333 : vector<16xf32>
        %swap3A_335 = arith.index_cast %scan3A_288 : i32 to index
        %swap3A_336 = arith.constant 64 : index
        %swap3A_337 = tpu.vector_load %arg17[%swap3A_335, %swap3A_336] {strides = array<i32>} : memref<146x128xf32, #tpu.memory_space<vmem>>, vector<16xf32>,
        tpu.vector_store %arg17[%swap3A_335, %swap3A_336], %add3A_334 {strides = array<i32>} : memref<146x128xf32, #tpu.memory_space<vmem>>, vector<16xf32>,
        %get3A_338 = arith.index_cast %scan3A_288 : i32 to index
        %get3A_339 = arith.constant 80 : index
        %get3A_340 = tpu.vector_load %arg11[%get3A_338, %get3A_339] {strides = array<i32>} : memref<26x128xf32, #tpu.memory_space<vmem>>, vector<16xf32>,
        %mul3A_341 = arith.mulf %gather3A, %get3A_340 : vector<16xf32>
        %get3A_342 = arith.constant 80 : index
        %get3A_343 = tpu.vector_load %arg13[%get3A_342] {strides = array<i32>} : memref<128xf32, #tpu.memory_space<vmem>>, vector<16xf32>,
        %add3A_344 = arith.addf %mul3A_341, %get3A_343 : vector<16xf32>
        %swap3A_345 = arith.index_cast %scan3A_288 : i32 to index
        %swap3A_346 = arith.constant 80 : index
        %swap3A_347 = tpu.vector_load %arg17[%swap3A_345, %swap3A_346] {strides = array<i32>} : memref<146x128xf32, #tpu.memory_space<vmem>>, vector<16xf32>,
        tpu.vector_store %arg17[%swap3A_345, %swap3A_346], %add3A_344 {strides = array<i32>} : memref<146x128xf32, #tpu.memory_space<vmem>>, vector<16xf32>,
        %get3A_348 = arith.index_cast %scan3A_288 : i32 to index
        %get3A_349 = arith.constant 96 : index
        %get3A_350 = tpu.vector_load %arg11[%get3A_348, %get3A_349] {strides = array<i32>} : memref<26x128xf32, #tpu.memory_space<vmem>>, vector<16xf32>,
        %mul3A_351 = arith.mulf %gather3A, %get3A_350 : vector<16xf32>
        %get3A_352 = arith.constant 96 : index
        %get3A_353 = tpu.vector_load %arg13[%get3A_352] {strides = array<i32>} : memref<128xf32, #tpu.memory_space<vmem>>, vector<16xf32>,
        %add3A_354 = arith.addf %mul3A_351, %get3A_353 : vector<16xf32>
        %swap3A_355 = arith.index_cast %scan3A_288 : i32 to index
        %swap3A_356 = arith.constant 96 : index
        %swap3A_357 = tpu.vector_load %arg17[%swap3A_355, %swap3A_356] {strides = array<i32>} : memref<146x128xf32, #tpu.memory_space<vmem>>, vector<16xf32>,
        tpu.vector_store %arg17[%swap3A_355, %swap3A_356], %add3A_354 {strides = array<i32>} : memref<146x128xf32, #tpu.memory_space<vmem>>, vector<16xf32>,
        %get3A_358 = arith.index_cast %scan3A_288 : i32 to index
        %get3A_359 = arith.constant 112 : index
        %get3A_360 = tpu.vector_load %arg11[%get3A_358, %get3A_359] {strides = array<i32>} : memref<26x128xf32, #tpu.memory_space<vmem>>, vector<16xf32>,
        %mul3A_361 = arith.mulf %gather3A, %get3A_360 : vector<16xf32>
        %get3A_362 = arith.constant 112 : index
        %get3A_363 = tpu.vector_load %arg13[%get3A_362] {strides = array<i32>} : memref<128xf32, #tpu.memory_space<vmem>>, vector<16xf32>,
        %add3A_364 = arith.addf %mul3A_361, %get3A_363 : vector<16xf32>
        %swap3A_365 = arith.index_cast %scan3A_288 : i32 to index
        %swap3A_366 = arith.constant 112 : index
        %swap3A_367 = tpu.vector_load %arg17[%swap3A_365, %swap3A_366] {strides = array<i32>} : memref<146x128xf32, #tpu.memory_space<vmem>>, vector<16xf32>,
        tpu.vector_store %arg17[%swap3A_365, %swap3A_366], %add3A_364 {strides = array<i32>} : memref<146x128xf32, #tpu.memory_space<vmem>>, vector<16xf32>,
      }
      %scan3A_213 = arith.constant 26 : i32
      %add3A_214 = arith.constant 2 : i32
      %add3A_215 = arith.addi %add3A_134, %add3A_214 : i32
      %add3A_216 = arith.addi %mul3A_2, %add3A_215 : i32
      %dma_start3A_217 = arith.constant 0 : i32
      %dma_start3A_218 = arith.constant 0 : i32
      %dma_start3A_219 = tpu.memref_slice %arg8[%add3A_216, %dma_start3A_217, %dma_start3A_218] : memref<4096x146x128xf32, #tpu.memory_space<hbm>> -> memref<1x146x128xf32, #tpu.memory_space<hbm>>
      %dma_start3A_220 = tpu.memref_squeeze %dma_start3A_219 : memref<1x146x128xf32, #tpu.memory_space<hbm>> -> memref<146x128xf32, #tpu.memory_space<hbm>>
      %dma_start3A_221 = arith.constant 0 : i32
      %dma_start3A_222 = arith.constant 0 : i32
      %dma_start3A_223 = tpu.memref_slice %arg8[%add3A_216, %dma_start3A_221, %dma_start3A_222] : memref<4096x146x128xf32, #tpu.memory_space<hbm>> -> memref<1x146x128xf32, #tpu.memory_space<hbm>>
      %dma_start3A_224 = tpu.memref_squeeze %dma_start3A_223 : memref<1x146x128xf32, #tpu.memory_space<hbm>> -> memref<146x128xf32, #tpu.memory_space<hbm>>
      tpu.enqueue_dma source(%arg17 : memref<146x128xf32, #tpu.memory_space<vmem>>) target(%dma_start3A_224 : memref<146x128xf32, #tpu.memory_space<hbm>>) target_semaphore(%arg25 : memref<!tpu.dma_semaphore, #tpu.memory_space<semaphore_mem>>)
      %add3A_225 = arith.constant 3 : i32
      %add3A_226 = arith.addi %add3A_134, %add3A_225 : i32
      %dma_wait3A_227 = arith.constant 26 : i32
      %dma_wait3A_228 = arith.constant 0 : i32
      %dma_wait3A_229 = tpu.memref_slice %arg18[%dma_wait3A_227, %dma_wait3A_228] : memref<146x128xf32, #tpu.memory_space<vmem>> -> memref<120x128xf32, #tpu.memory_space<vmem>>
      %dma_wait3A_230 = arith.constant 0 : i32
      %dma_wait3A_231 = tpu.memref_slice %arg9[%add3A_226, %dma_wait3A_230] : memref<128x120xi32, #tpu.memory_space<vmem>> -> memref<1x120xi32, #tpu.memory_space<vmem>>
      %dma_wait3A_232 = tpu.memref_squeeze %dma_wait3A_231 : memref<1x120xi32, #tpu.memory_space<vmem>> -> memref<120xi32, #tpu.memory_space<vmem>>
      %dma_wait3A_233 = arith.constant 0 : i32
      %dma_wait3A_234 = arith.constant 0 : i32
      %dma_wait3A_235 = tpu.memref_slice %arg3[%dma_wait3A_233, %dma_wait3A_234] : memref<100000x128xf32, #tpu.memory_space<hbm>> -> memref<100000x128xf32, #tpu.memory_space<hbm>>
      tpu.wait_indirect_dma semaphore(%arg22 : memref<!tpu.dma_semaphore, #tpu.memory_space<semaphore_mem>>) src(%dma_wait3A_235 : memref<100000x128xf32, #tpu.memory_space<hbm>>) dst(%dma_wait3A_229 : memref<120x128xf32, #tpu.memory_space<vmem>>)
      %add3A_236 = arith.constant 3 : i32
      %add3A_237 = arith.addi %add3A_134, %add3A_236 : i32
      %scan3A_238 = arith.constant 0 : i32
      %scan3A_239 = arith.constant 0 : i32
      %scan3A_240 = arith.constant 26 : i32
      %scan3A_241 = arith.addi %scan3A_239, %scan3A_240 : i32
      %scan3A_242 = arith.constant 1 : i32
      scf.for %scan3A_288 = %scan3A_239 to %scan3A_241 step %scan3A_242  : i32 {
        %broadcast_in_dim3A = vector.broadcast %add3A_237 : i32 to vector<16xi32>
        %broadcast_in_dim3A_289 = vector.broadcast %scan3A_288 : i32 to vector<16xi32>
        %gather3A = tpu.vector_load_idx %arg14[%broadcast_in_dim3A, %broadcast_in_dim3A_289] : memref<128x26xf32, #tpu.memory_space<vmem>>[vector<16xi32>, vector<16xi32>], vector<16xf32>,
        %get3A = arith.index_cast %scan3A_288 : i32 to index
        %get3A_290 = arith.constant 0 : index
        %get3A_291 = tpu.vector_load %arg11[%get3A, %get3A_290] {strides = array<i32>} : memref<26x128xf32, #tpu.memory_space<vmem>>, vector<16xf32>,
        %mul3A_292 = arith.mulf %gather3A, %get3A_291 : vector<16xf32>
        %get3A_293 = arith.constant 0 : index
        %get3A_294 = tpu.vector_load %arg13[%get3A_293] {strides = array<i32>} : memref<128xf32, #tpu.memory_space<vmem>>, vector<16xf32>,
        %add3A_295 = arith.addf %mul3A_292, %get3A_294 : vector<16xf32>
        %swap3A = arith.index_cast %scan3A_288 : i32 to index
        %swap3A_296 = arith.constant 0 : index
        %swap3A_297 = tpu.vector_load %arg18[%swap3A, %swap3A_296] {strides = array<i32>} : memref<146x128xf32, #tpu.memory_space<vmem>>, vector<16xf32>,
        tpu.vector_store %arg18[%swap3A, %swap3A_296], %add3A_295 {strides = array<i32>} : memref<146x128xf32, #tpu.memory_space<vmem>>, vector<16xf32>,
        %get3A_298 = arith.index_cast %scan3A_288 : i32 to index
        %get3A_299 = arith.constant 16 : index
        %get3A_300 = tpu.vector_load %arg11[%get3A_298, %get3A_299] {strides = array<i32>} : memref<26x128xf32, #tpu.memory_space<vmem>>, vector<16xf32>,
        %mul3A_301 = arith.mulf %gather3A, %get3A_300 : vector<16xf32>
        %get3A_302 = arith.constant 16 : index
        %get3A_303 = tpu.vector_load %arg13[%get3A_302] {strides = array<i32>} : memref<128xf32, #tpu.memory_space<vmem>>, vector<16xf32>,
        %add3A_304 = arith.addf %mul3A_301, %get3A_303 : vector<16xf32>
        %swap3A_305 = arith.index_cast %scan3A_288 : i32 to index
        %swap3A_306 = arith.constant 16 : index
        %swap3A_307 = tpu.vector_load %arg18[%swap3A_305, %swap3A_306] {strides = array<i32>} : memref<146x128xf32, #tpu.memory_space<vmem>>, vector<16xf32>,
        tpu.vector_store %arg18[%swap3A_305, %swap3A_306], %add3A_304 {strides = array<i32>} : memref<146x128xf32, #tpu.memory_space<vmem>>, vector<16xf32>,
        %get3A_308 = arith.index_cast %scan3A_288 : i32 to index
        %get3A_309 = arith.constant 32 : index
        %get3A_310 = tpu.vector_load %arg11[%get3A_308, %get3A_309] {strides = array<i32>} : memref<26x128xf32, #tpu.memory_space<vmem>>, vector<16xf32>,
        %mul3A_311 = arith.mulf %gather3A, %get3A_310 : vector<16xf32>
        %get3A_312 = arith.constant 32 : index
        %get3A_313 = tpu.vector_load %arg13[%get3A_312] {strides = array<i32>} : memref<128xf32, #tpu.memory_space<vmem>>, vector<16xf32>,
        %add3A_314 = arith.addf %mul3A_311, %get3A_313 : vector<16xf32>
        %swap3A_315 = arith.index_cast %scan3A_288 : i32 to index
        %swap3A_316 = arith.constant 32 : index
        %swap3A_317 = tpu.vector_load %arg18[%swap3A_315, %swap3A_316] {strides = array<i32>} : memref<146x128xf32, #tpu.memory_space<vmem>>, vector<16xf32>,
        tpu.vector_store %arg18[%swap3A_315, %swap3A_316], %add3A_314 {strides = array<i32>} : memref<146x128xf32, #tpu.memory_space<vmem>>, vector<16xf32>,
        %get3A_318 = arith.index_cast %scan3A_288 : i32 to index
        %get3A_319 = arith.constant 48 : index
        %get3A_320 = tpu.vector_load %arg11[%get3A_318, %get3A_319] {strides = array<i32>} : memref<26x128xf32, #tpu.memory_space<vmem>>, vector<16xf32>,
        %mul3A_321 = arith.mulf %gather3A, %get3A_320 : vector<16xf32>
        %get3A_322 = arith.constant 48 : index
        %get3A_323 = tpu.vector_load %arg13[%get3A_322] {strides = array<i32>} : memref<128xf32, #tpu.memory_space<vmem>>, vector<16xf32>,
        %add3A_324 = arith.addf %mul3A_321, %get3A_323 : vector<16xf32>
        %swap3A_325 = arith.index_cast %scan3A_288 : i32 to index
        %swap3A_326 = arith.constant 48 : index
        %swap3A_327 = tpu.vector_load %arg18[%swap3A_325, %swap3A_326] {strides = array<i32>} : memref<146x128xf32, #tpu.memory_space<vmem>>, vector<16xf32>,
        tpu.vector_store %arg18[%swap3A_325, %swap3A_326], %add3A_324 {strides = array<i32>} : memref<146x128xf32, #tpu.memory_space<vmem>>, vector<16xf32>,
        %get3A_328 = arith.index_cast %scan3A_288 : i32 to index
        %get3A_329 = arith.constant 64 : index
        %get3A_330 = tpu.vector_load %arg11[%get3A_328, %get3A_329] {strides = array<i32>} : memref<26x128xf32, #tpu.memory_space<vmem>>, vector<16xf32>,
        %mul3A_331 = arith.mulf %gather3A, %get3A_330 : vector<16xf32>
        %get3A_332 = arith.constant 64 : index
        %get3A_333 = tpu.vector_load %arg13[%get3A_332] {strides = array<i32>} : memref<128xf32, #tpu.memory_space<vmem>>, vector<16xf32>,
        %add3A_334 = arith.addf %mul3A_331, %get3A_333 : vector<16xf32>
        %swap3A_335 = arith.index_cast %scan3A_288 : i32 to index
        %swap3A_336 = arith.constant 64 : index
        %swap3A_337 = tpu.vector_load %arg18[%swap3A_335, %swap3A_336] {strides = array<i32>} : memref<146x128xf32, #tpu.memory_space<vmem>>, vector<16xf32>,
        tpu.vector_store %arg18[%swap3A_335, %swap3A_336], %add3A_334 {strides = array<i32>} : memref<146x128xf32, #tpu.memory_space<vmem>>, vector<16xf32>,
        %get3A_338 = arith.index_cast %scan3A_288 : i32 to index
        %get3A_339 = arith.constant 80 : index
        %get3A_340 = tpu.vector_load %arg11[%get3A_338, %get3A_339] {strides = array<i32>} : memref<26x128xf32, #tpu.memory_space<vmem>>, vector<16xf32>,
        %mul3A_341 = arith.mulf %gather3A, %get3A_340 : vector<16xf32>
        %get3A_342 = arith.constant 80 : index
        %get3A_343 = tpu.vector_load %arg13[%get3A_342] {strides = array<i32>} : memref<128xf32, #tpu.memory_space<vmem>>, vector<16xf32>,
        %add3A_344 = arith.addf %mul3A_341, %get3A_343 : vector<16xf32>
        %swap3A_345 = arith.index_cast %scan3A_288 : i32 to index
        %swap3A_346 = arith.constant 80 : index
        %swap3A_347 = tpu.vector_load %arg18[%swap3A_345, %swap3A_346] {strides = array<i32>} : memref<146x128xf32, #tpu.memory_space<vmem>>, vector<16xf32>,
        tpu.vector_store %arg18[%swap3A_345, %swap3A_346], %add3A_344 {strides = array<i32>} : memref<146x128xf32, #tpu.memory_space<vmem>>, vector<16xf32>,
        %get3A_348 = arith.index_cast %scan3A_288 : i32 to index
        %get3A_349 = arith.constant 96 : index
        %get3A_350 = tpu.vector_load %arg11[%get3A_348, %get3A_349] {strides = array<i32>} : memref<26x128xf32, #tpu.memory_space<vmem>>, vector<16xf32>,
        %mul3A_351 = arith.mulf %gather3A, %get3A_350 : vector<16xf32>
        %get3A_352 = arith.constant 96 : index
        %get3A_353 = tpu.vector_load %arg13[%get3A_352] {strides = array<i32>} : memref<128xf32, #tpu.memory_space<vmem>>, vector<16xf32>,
        %add3A_354 = arith.addf %mul3A_351, %get3A_353 : vector<16xf32>
        %swap3A_355 = arith.index_cast %scan3A_288 : i32 to index
        %swap3A_356 = arith.constant 96 : index
        %swap3A_357 = tpu.vector_load %arg18[%swap3A_355, %swap3A_356] {strides = array<i32>} : memref<146x128xf32, #tpu.memory_space<vmem>>, vector<16xf32>,
        tpu.vector_store %arg18[%swap3A_355, %swap3A_356], %add3A_354 {strides = array<i32>} : memref<146x128xf32, #tpu.memory_space<vmem>>, vector<16xf32>,
        %get3A_358 = arith.index_cast %scan3A_288 : i32 to index
        %get3A_359 = arith.constant 112 : index
        %get3A_360 = tpu.vector_load %arg11[%get3A_358, %get3A_359] {strides = array<i32>} : memref<26x128xf32, #tpu.memory_space<vmem>>, vector<16xf32>,
        %mul3A_361 = arith.mulf %gather3A, %get3A_360 : vector<16xf32>
        %get3A_362 = arith.constant 112 : index
        %get3A_363 = tpu.vector_load %arg13[%get3A_362] {strides = array<i32>} : memref<128xf32, #tpu.memory_space<vmem>>, vector<16xf32>,
        %add3A_364 = arith.addf %mul3A_361, %get3A_363 : vector<16xf32>
        %swap3A_365 = arith.index_cast %scan3A_288 : i32 to index
        %swap3A_366 = arith.constant 112 : index
        %swap3A_367 = tpu.vector_load %arg18[%swap3A_365, %swap3A_366] {strides = array<i32>} : memref<146x128xf32, #tpu.memory_space<vmem>>, vector<16xf32>,
        tpu.vector_store %arg18[%swap3A_365, %swap3A_366], %add3A_364 {strides = array<i32>} : memref<146x128xf32, #tpu.memory_space<vmem>>, vector<16xf32>,
      }
      %scan3A_243 = arith.constant 26 : i32
      %add3A_244 = arith.constant 3 : i32
      %add3A_245 = arith.addi %add3A_134, %add3A_244 : i32
      %add3A_246 = arith.addi %mul3A_2, %add3A_245 : i32
      %dma_start3A_247 = arith.constant 0 : i32
      %dma_start3A_248 = arith.constant 0 : i32
      %dma_start3A_249 = tpu.memref_slice %arg8[%add3A_246, %dma_start3A_247, %dma_start3A_248] : memref<4096x146x128xf32, #tpu.memory_space<hbm>> -> memref<1x146x128xf32, #tpu.memory_space<hbm>>
      %dma_start3A_250 = tpu.memref_squeeze %dma_start3A_249 : memref<1x146x128xf32, #tpu.memory_space<hbm>> -> memref<146x128xf32, #tpu.memory_space<hbm>>
      %dma_start3A_251 = arith.constant 0 : i32
      %dma_start3A_252 = arith.constant 0 : i32
      %dma_start3A_253 = tpu.memref_slice %arg8[%add3A_246, %dma_start3A_251, %dma_start3A_252] : memref<4096x146x128xf32, #tpu.memory_space<hbm>> -> memref<1x146x128xf32, #tpu.memory_space<hbm>>
      %dma_start3A_254 = tpu.memref_squeeze %dma_start3A_253 : memref<1x146x128xf32, #tpu.memory_space<hbm>> -> memref<146x128xf32, #tpu.memory_space<hbm>>
      tpu.enqueue_dma source(%arg18 : memref<146x128xf32, #tpu.memory_space<vmem>>) target(%dma_start3A_254 : memref<146x128xf32, #tpu.memory_space<hbm>>) target_semaphore(%arg26 : memref<!tpu.dma_semaphore, #tpu.memory_space<semaphore_mem>>)
      %add3A_255 = arith.constant 0 : i32
      %add3A_256 = arith.addi %add3A_134, %add3A_255 : i32
      %add3A_257 = arith.constant 4 : i32
      %add3A_258 = arith.addi %add3A_256, %add3A_257 : i32
      %lt3A = arith.constant 128 : i32
      %lt3A_259 = arith.cmpi slt, %add3A_258, %lt3A : i32
      %convert_element_type3A = arith.extui %lt3A_259 : i1 to i32
      %cond3A = arith.constant 0 : i32
      %cond3A_260 = arith.cmpi ne, %convert_element_type3A, %cond3A : i32
      scf.if %cond3A_260 {
        %add3A_288 = arith.constant 0 : i32
        %add3A_289 = arith.addi %add3A_134, %add3A_288 : i32
        %add3A_290 = arith.addi %mul3A_2, %add3A_289 : i32
        %dma_wait3A_291 = arith.constant 0 : i32
        %dma_wait3A_292 = arith.constant 0 : i32
        %dma_wait3A_293 = tpu.memref_slice %arg8[%add3A_290, %dma_wait3A_291, %dma_wait3A_292] : memref<4096x146x128xf32, #tpu.memory_space<hbm>> -> memref<1x146x128xf32, #tpu.memory_space<hbm>>
        %dma_wait3A_294 = tpu.memref_squeeze %dma_wait3A_293 : memref<1x146x128xf32, #tpu.memory_space<hbm>> -> memref<146x128xf32, #tpu.memory_space<hbm>>
        %dma_wait3A_295 = arith.constant 0 : i32
        %dma_wait3A_296 = arith.constant 0 : i32
        %dma_wait3A_297 = tpu.memref_slice %arg8[%add3A_290, %dma_wait3A_295, %dma_wait3A_296] : memref<4096x146x128xf32, #tpu.memory_space<hbm>> -> memref<1x146x128xf32, #tpu.memory_space<hbm>>
        %dma_wait3A_298 = tpu.memref_squeeze %dma_wait3A_297 : memref<1x146x128xf32, #tpu.memory_space<hbm>> -> memref<146x128xf32, #tpu.memory_space<hbm>>
        tpu.wait_dma2 semaphore(%arg23 : memref<!tpu.dma_semaphore, #tpu.memory_space<semaphore_mem>>) src(%arg15 : memref<146x128xf32, #tpu.memory_space<vmem>>) dst(%dma_wait3A_298 : memref<146x128xf32, #tpu.memory_space<hbm>>)
        %dma_start3A_299 = arith.constant 26 : i32
        %dma_start3A_300 = arith.constant 0 : i32
        %dma_start3A_301 = tpu.memref_slice %arg15[%dma_start3A_299, %dma_start3A_300] : memref<146x128xf32, #tpu.memory_space<vmem>> -> memref<120x128xf32, #tpu.memory_space<vmem>>
        %dma_start3A_302 = arith.constant 0 : i32
        %dma_start3A_303 = tpu.memref_slice %arg9[%add3A_258, %dma_start3A_302] : memref<128x120xi32, #tpu.memory_space<vmem>> -> memref<1x120xi32, #tpu.memory_space<vmem>>
        %dma_start3A_304 = tpu.memref_squeeze %dma_start3A_303 : memref<1x120xi32, #tpu.memory_space<vmem>> -> memref<120xi32, #tpu.memory_space<vmem>>
        %dma_start3A_305 = arith.constant 0 : i32
        %dma_start3A_306 = arith.constant 0 : i32
        %dma_start3A_307 = tpu.memref_slice %arg3[%dma_start3A_305, %dma_start3A_306] : memref<100000x128xf32, #tpu.memory_space<hbm>> -> memref<100000x128xf32, #tpu.memory_space<hbm>>
        tpu.enqueue_indirect_dma source(%dma_start3A_307 : memref<100000x128xf32, #tpu.memory_space<hbm>>) target(%dma_start3A_301 : memref<120x128xf32, #tpu.memory_space<vmem>>) offsets(%dma_start3A_304 : memref<120xi32, #tpu.memory_space<vmem>>) semaphore(%arg19 : memref<!tpu.dma_semaphore, #tpu.memory_space<semaphore_mem>>)
      } else {
      }
      %add3A_261 = arith.constant 1 : i32
      %add3A_262 = arith.addi %add3A_134, %add3A_261 : i32
      %add3A_263 = arith.constant 4 : i32
      %add3A_264 = arith.addi %add3A_262, %add3A_263 : i32
      %lt3A_265 = arith.constant 128 : i32
      %lt3A_266 = arith.cmpi slt, %add3A_264, %lt3A_265 : i32
      %convert_element_type3A_267 = arith.extui %lt3A_266 : i1 to i32
      %cond3A_268 = arith.constant 0 : i32
      %cond3A_269 = arith.cmpi ne, %convert_element_type3A_267, %cond3A_268 : i32
      scf.if %cond3A_269 {
        %add3A_288 = arith.constant 1 : i32
        %add3A_289 = arith.addi %add3A_134, %add3A_288 : i32
        %add3A_290 = arith.addi %mul3A_2, %add3A_289 : i32
        %dma_wait3A_291 = arith.constant 0 : i32
        %dma_wait3A_292 = arith.constant 0 : i32
        %dma_wait3A_293 = tpu.memref_slice %arg8[%add3A_290, %dma_wait3A_291, %dma_wait3A_292] : memref<4096x146x128xf32, #tpu.memory_space<hbm>> -> memref<1x146x128xf32, #tpu.memory_space<hbm>>
        %dma_wait3A_294 = tpu.memref_squeeze %dma_wait3A_293 : memref<1x146x128xf32, #tpu.memory_space<hbm>> -> memref<146x128xf32, #tpu.memory_space<hbm>>
        %dma_wait3A_295 = arith.constant 0 : i32
        %dma_wait3A_296 = arith.constant 0 : i32
        %dma_wait3A_297 = tpu.memref_slice %arg8[%add3A_290, %dma_wait3A_295, %dma_wait3A_296] : memref<4096x146x128xf32, #tpu.memory_space<hbm>> -> memref<1x146x128xf32, #tpu.memory_space<hbm>>
        %dma_wait3A_298 = tpu.memref_squeeze %dma_wait3A_297 : memref<1x146x128xf32, #tpu.memory_space<hbm>> -> memref<146x128xf32, #tpu.memory_space<hbm>>
        tpu.wait_dma2 semaphore(%arg24 : memref<!tpu.dma_semaphore, #tpu.memory_space<semaphore_mem>>) src(%arg16 : memref<146x128xf32, #tpu.memory_space<vmem>>) dst(%dma_wait3A_298 : memref<146x128xf32, #tpu.memory_space<hbm>>)
        %dma_start3A_299 = arith.constant 26 : i32
        %dma_start3A_300 = arith.constant 0 : i32
        %dma_start3A_301 = tpu.memref_slice %arg16[%dma_start3A_299, %dma_start3A_300] : memref<146x128xf32, #tpu.memory_space<vmem>> -> memref<120x128xf32, #tpu.memory_space<vmem>>
        %dma_start3A_302 = arith.constant 0 : i32
        %dma_start3A_303 = tpu.memref_slice %arg9[%add3A_264, %dma_start3A_302] : memref<128x120xi32, #tpu.memory_space<vmem>> -> memref<1x120xi32, #tpu.memory_space<vmem>>
        %dma_start3A_304 = tpu.memref_squeeze %dma_start3A_303 : memref<1x120xi32, #tpu.memory_space<vmem>> -> memref<120xi32, #tpu.memory_space<vmem>>
        %dma_start3A_305 = arith.constant 0 : i32
        %dma_start3A_306 = arith.constant 0 : i32
        %dma_start3A_307 = tpu.memref_slice %arg3[%dma_start3A_305, %dma_start3A_306] : memref<100000x128xf32, #tpu.memory_space<hbm>> -> memref<100000x128xf32, #tpu.memory_space<hbm>>
        tpu.enqueue_indirect_dma source(%dma_start3A_307 : memref<100000x128xf32, #tpu.memory_space<hbm>>) target(%dma_start3A_301 : memref<120x128xf32, #tpu.memory_space<vmem>>) offsets(%dma_start3A_304 : memref<120xi32, #tpu.memory_space<vmem>>) semaphore(%arg20 : memref<!tpu.dma_semaphore, #tpu.memory_space<semaphore_mem>>)
      } else {
      }
      %add3A_270 = arith.constant 2 : i32
      %add3A_271 = arith.addi %add3A_134, %add3A_270 : i32
      %add3A_272 = arith.constant 4 : i32
      %add3A_273 = arith.addi %add3A_271, %add3A_272 : i32
      %lt3A_274 = arith.constant 128 : i32
      %lt3A_275 = arith.cmpi slt, %add3A_273, %lt3A_274 : i32
      %convert_element_type3A_276 = arith.extui %lt3A_275 : i1 to i32
      %cond3A_277 = arith.constant 0 : i32
      %cond3A_278 = arith.cmpi ne, %convert_element_type3A_276, %cond3A_277 : i32
      scf.if %cond3A_278 {
        %add3A_288 = arith.constant 2 : i32
        %add3A_289 = arith.addi %add3A_134, %add3A_288 : i32
        %add3A_290 = arith.addi %mul3A_2, %add3A_289 : i32
        %dma_wait3A_291 = arith.constant 0 : i32
        %dma_wait3A_292 = arith.constant 0 : i32
        %dma_wait3A_293 = tpu.memref_slice %arg8[%add3A_290, %dma_wait3A_291, %dma_wait3A_292] : memref<4096x146x128xf32, #tpu.memory_space<hbm>> -> memref<1x146x128xf32, #tpu.memory_space<hbm>>
        %dma_wait3A_294 = tpu.memref_squeeze %dma_wait3A_293 : memref<1x146x128xf32, #tpu.memory_space<hbm>> -> memref<146x128xf32, #tpu.memory_space<hbm>>
        %dma_wait3A_295 = arith.constant 0 : i32
        %dma_wait3A_296 = arith.constant 0 : i32
        %dma_wait3A_297 = tpu.memref_slice %arg8[%add3A_290, %dma_wait3A_295, %dma_wait3A_296] : memref<4096x146x128xf32, #tpu.memory_space<hbm>> -> memref<1x146x128xf32, #tpu.memory_space<hbm>>
        %dma_wait3A_298 = tpu.memref_squeeze %dma_wait3A_297 : memref<1x146x128xf32, #tpu.memory_space<hbm>> -> memref<146x128xf32, #tpu.memory_space<hbm>>
        tpu.wait_dma2 semaphore(%arg25 : memref<!tpu.dma_semaphore, #tpu.memory_space<semaphore_mem>>) src(%arg17 : memref<146x128xf32, #tpu.memory_space<vmem>>) dst(%dma_wait3A_298 : memref<146x128xf32, #tpu.memory_space<hbm>>)
        %dma_start3A_299 = arith.constant 26 : i32
        %dma_start3A_300 = arith.constant 0 : i32
        %dma_start3A_301 = tpu.memref_slice %arg17[%dma_start3A_299, %dma_start3A_300] : memref<146x128xf32, #tpu.memory_space<vmem>> -> memref<120x128xf32, #tpu.memory_space<vmem>>
        %dma_start3A_302 = arith.constant 0 : i32
        %dma_start3A_303 = tpu.memref_slice %arg9[%add3A_273, %dma_start3A_302] : memref<128x120xi32, #tpu.memory_space<vmem>> -> memref<1x120xi32, #tpu.memory_space<vmem>>
        %dma_start3A_304 = tpu.memref_squeeze %dma_start3A_303 : memref<1x120xi32, #tpu.memory_space<vmem>> -> memref<120xi32, #tpu.memory_space<vmem>>
        %dma_start3A_305 = arith.constant 0 : i32
        %dma_start3A_306 = arith.constant 0 : i32
        %dma_start3A_307 = tpu.memref_slice %arg3[%dma_start3A_305, %dma_start3A_306] : memref<100000x128xf32, #tpu.memory_space<hbm>> -> memref<100000x128xf32, #tpu.memory_space<hbm>>
        tpu.enqueue_indirect_dma source(%dma_start3A_307 : memref<100000x128xf32, #tpu.memory_space<hbm>>) target(%dma_start3A_301 : memref<120x128xf32, #tpu.memory_space<vmem>>) offsets(%dma_start3A_304 : memref<120xi32, #tpu.memory_space<vmem>>) semaphore(%arg21 : memref<!tpu.dma_semaphore, #tpu.memory_space<semaphore_mem>>)
      } else {
      }
      %add3A_279 = arith.constant 3 : i32
      %add3A_280 = arith.addi %add3A_134, %add3A_279 : i32
      %add3A_281 = arith.constant 4 : i32
      %add3A_282 = arith.addi %add3A_280, %add3A_281 : i32
      %lt3A_283 = arith.constant 128 : i32
      %lt3A_284 = arith.cmpi slt, %add3A_282, %lt3A_283 : i32
      %convert_element_type3A_285 = arith.extui %lt3A_284 : i1 to i32
      %cond3A_286 = arith.constant 0 : i32
      %cond3A_287 = arith.cmpi ne, %convert_element_type3A_285, %cond3A_286 : i32
      scf.if %cond3A_287 {
        %add3A_288 = arith.constant 3 : i32
        %add3A_289 = arith.addi %add3A_134, %add3A_288 : i32
        %add3A_290 = arith.addi %mul3A_2, %add3A_289 : i32
        %dma_wait3A_291 = arith.constant 0 : i32
        %dma_wait3A_292 = arith.constant 0 : i32
        %dma_wait3A_293 = tpu.memref_slice %arg8[%add3A_290, %dma_wait3A_291, %dma_wait3A_292] : memref<4096x146x128xf32, #tpu.memory_space<hbm>> -> memref<1x146x128xf32, #tpu.memory_space<hbm>>
        %dma_wait3A_294 = tpu.memref_squeeze %dma_wait3A_293 : memref<1x146x128xf32, #tpu.memory_space<hbm>> -> memref<146x128xf32, #tpu.memory_space<hbm>>
        %dma_wait3A_295 = arith.constant 0 : i32
        %dma_wait3A_296 = arith.constant 0 : i32
        %dma_wait3A_297 = tpu.memref_slice %arg8[%add3A_290, %dma_wait3A_295, %dma_wait3A_296] : memref<4096x146x128xf32, #tpu.memory_space<hbm>> -> memref<1x146x128xf32, #tpu.memory_space<hbm>>
        %dma_wait3A_298 = tpu.memref_squeeze %dma_wait3A_297 : memref<1x146x128xf32, #tpu.memory_space<hbm>> -> memref<146x128xf32, #tpu.memory_space<hbm>>
        tpu.wait_dma2 semaphore(%arg26 : memref<!tpu.dma_semaphore, #tpu.memory_space<semaphore_mem>>) src(%arg18 : memref<146x128xf32, #tpu.memory_space<vmem>>) dst(%dma_wait3A_298 : memref<146x128xf32, #tpu.memory_space<hbm>>)
        %dma_start3A_299 = arith.constant 26 : i32
        %dma_start3A_300 = arith.constant 0 : i32
        %dma_start3A_301 = tpu.memref_slice %arg18[%dma_start3A_299, %dma_start3A_300] : memref<146x128xf32, #tpu.memory_space<vmem>> -> memref<120x128xf32, #tpu.memory_space<vmem>>
        %dma_start3A_302 = arith.constant 0 : i32
        %dma_start3A_303 = tpu.memref_slice %arg9[%add3A_282, %dma_start3A_302] : memref<128x120xi32, #tpu.memory_space<vmem>> -> memref<1x120xi32, #tpu.memory_space<vmem>>
        %dma_start3A_304 = tpu.memref_squeeze %dma_start3A_303 : memref<1x120xi32, #tpu.memory_space<vmem>> -> memref<120xi32, #tpu.memory_space<vmem>>
        %dma_start3A_305 = arith.constant 0 : i32
        %dma_start3A_306 = arith.constant 0 : i32
        %dma_start3A_307 = tpu.memref_slice %arg3[%dma_start3A_305, %dma_start3A_306] : memref<100000x128xf32, #tpu.memory_space<hbm>> -> memref<100000x128xf32, #tpu.memory_space<hbm>>
        tpu.enqueue_indirect_dma source(%dma_start3A_307 : memref<100000x128xf32, #tpu.memory_space<hbm>>) target(%dma_start3A_301 : memref<120x128xf32, #tpu.memory_space<vmem>>) offsets(%dma_start3A_304 : memref<120xi32, #tpu.memory_space<vmem>>) semaphore(%arg22 : memref<!tpu.dma_semaphore, #tpu.memory_space<semaphore_mem>>)
      } else {
      }
    }
    %scan3A_89 = arith.constant 32 : i32
    %add3A_90 = arith.constant 124 : i32
    %add3A_91 = arith.addi %mul3A_2, %add3A_90 : i32
    %dma_wait3A_92 = arith.constant 0 : i32
    %dma_wait3A_93 = arith.constant 0 : i32
    %dma_wait3A_94 = tpu.memref_slice %arg8[%add3A_91, %dma_wait3A_92, %dma_wait3A_93] : memref<4096x146x128xf32, #tpu.memory_space<hbm>> -> memref<1x146x128xf32, #tpu.memory_space<hbm>>
    %dma_wait3A_95 = tpu.memref_squeeze %dma_wait3A_94 : memref<1x146x128xf32, #tpu.memory_space<hbm>> -> memref<146x128xf32, #tpu.memory_space<hbm>>
    %dma_wait3A_96 = arith.constant 0 : i32
    %dma_wait3A_97 = arith.constant 0 : i32
    %dma_wait3A_98 = tpu.memref_slice %arg8[%add3A_91, %dma_wait3A_96, %dma_wait3A_97] : memref<4096x146x128xf32, #tpu.memory_space<hbm>> -> memref<1x146x128xf32, #tpu.memory_space<hbm>>
    %dma_wait3A_99 = tpu.memref_squeeze %dma_wait3A_98 : memref<1x146x128xf32, #tpu.memory_space<hbm>> -> memref<146x128xf32, #tpu.memory_space<hbm>>
    tpu.wait_dma2 semaphore(%arg23 : memref<!tpu.dma_semaphore, #tpu.memory_space<semaphore_mem>>) src(%arg15 : memref<146x128xf32, #tpu.memory_space<vmem>>) dst(%dma_wait3A_99 : memref<146x128xf32, #tpu.memory_space<hbm>>)
    %add3A_100 = arith.constant 125 : i32
    %add3A_101 = arith.addi %mul3A_2, %add3A_100 : i32
    %dma_wait3A_102 = arith.constant 0 : i32
    %dma_wait3A_103 = arith.constant 0 : i32
    %dma_wait3A_104 = tpu.memref_slice %arg8[%add3A_101, %dma_wait3A_102, %dma_wait3A_103] : memref<4096x146x128xf32, #tpu.memory_space<hbm>> -> memref<1x146x128xf32, #tpu.memory_space<hbm>>
    %dma_wait3A_105 = tpu.memref_squeeze %dma_wait3A_104 : memref<1x146x128xf32, #tpu.memory_space<hbm>> -> memref<146x128xf32, #tpu.memory_space<hbm>>
    %dma_wait3A_106 = arith.constant 0 : i32
    %dma_wait3A_107 = arith.constant 0 : i32
    %dma_wait3A_108 = tpu.memref_slice %arg8[%add3A_101, %dma_wait3A_106, %dma_wait3A_107] : memref<4096x146x128xf32, #tpu.memory_space<hbm>> -> memref<1x146x128xf32, #tpu.memory_space<hbm>>
    %dma_wait3A_109 = tpu.memref_squeeze %dma_wait3A_108 : memref<1x146x128xf32, #tpu.memory_space<hbm>> -> memref<146x128xf32, #tpu.memory_space<hbm>>
    tpu.wait_dma2 semaphore(%arg24 : memref<!tpu.dma_semaphore, #tpu.memory_space<semaphore_mem>>) src(%arg16 : memref<146x128xf32, #tpu.memory_space<vmem>>) dst(%dma_wait3A_109 : memref<146x128xf32, #tpu.memory_space<hbm>>)
    %add3A_110 = arith.constant 126 : i32
    %add3A_111 = arith.addi %mul3A_2, %add3A_110 : i32
    %dma_wait3A_112 = arith.constant 0 : i32
    %dma_wait3A_113 = arith.constant 0 : i32
    %dma_wait3A_114 = tpu.memref_slice %arg8[%add3A_111, %dma_wait3A_112, %dma_wait3A_113] : memref<4096x146x128xf32, #tpu.memory_space<hbm>> -> memref<1x146x128xf32, #tpu.memory_space<hbm>>
    %dma_wait3A_115 = tpu.memref_squeeze %dma_wait3A_114 : memref<1x146x128xf32, #tpu.memory_space<hbm>> -> memref<146x128xf32, #tpu.memory_space<hbm>>
    %dma_wait3A_116 = arith.constant 0 : i32
    %dma_wait3A_117 = arith.constant 0 : i32
    %dma_wait3A_118 = tpu.memref_slice %arg8[%add3A_111, %dma_wait3A_116, %dma_wait3A_117] : memref<4096x146x128xf32, #tpu.memory_space<hbm>> -> memref<1x146x128xf32, #tpu.memory_space<hbm>>
    %dma_wait3A_119 = tpu.memref_squeeze %dma_wait3A_118 : memref<1x146x128xf32, #tpu.memory_space<hbm>> -> memref<146x128xf32, #tpu.memory_space<hbm>>
    tpu.wait_dma2 semaphore(%arg25 : memref<!tpu.dma_semaphore, #tpu.memory_space<semaphore_mem>>) src(%arg17 : memref<146x128xf32, #tpu.memory_space<vmem>>) dst(%dma_wait3A_119 : memref<146x128xf32, #tpu.memory_space<hbm>>)
    %add3A_120 = arith.constant 127 : i32
    %add3A_121 = arith.addi %mul3A_2, %add3A_120 : i32
    %dma_wait3A_122 = arith.constant 0 : i32
    %dma_wait3A_123 = arith.constant 0 : i32
    %dma_wait3A_124 = tpu.memref_slice %arg8[%add3A_121, %dma_wait3A_122, %dma_wait3A_123] : memref<4096x146x128xf32, #tpu.memory_space<hbm>> -> memref<1x146x128xf32, #tpu.memory_space<hbm>>
    %dma_wait3A_125 = tpu.memref_squeeze %dma_wait3A_124 : memref<1x146x128xf32, #tpu.memory_space<hbm>> -> memref<146x128xf32, #tpu.memory_space<hbm>>
    %dma_wait3A_126 = arith.constant 0 : i32
    %dma_wait3A_127 = arith.constant 0 : i32
    %dma_wait3A_128 = tpu.memref_slice %arg8[%add3A_121, %dma_wait3A_126, %dma_wait3A_127] : memref<4096x146x128xf32, #tpu.memory_space<hbm>> -> memref<1x146x128xf32, #tpu.memory_space<hbm>>
    %dma_wait3A_129 = tpu.memref_squeeze %dma_wait3A_128 : memref<1x146x128xf32, #tpu.memory_space<hbm>> -> memref<146x128xf32, #tpu.memory_space<hbm>>
    tpu.wait_dma2 semaphore(%arg26 : memref<!tpu.dma_semaphore, #tpu.memory_space<semaphore_mem>>) src(%arg18 : memref<146x128xf32, #tpu.memory_space<vmem>>) dst(%dma_wait3A_129 : memref<146x128xf32, #tpu.memory_space<hbm>>)
    return
  }
}

module attributes {stable_mosaic.version = 14 : i64} {
  func.func @_table_body(%arg0: i32, %arg1: memref<2000x128xf32, #tpu.memory_space<vmem>>, %arg2: memref<1x128xf32, #tpu.memory_space<vmem>>, %arg3: memref<1x128xf32, #tpu.memory_space<vmem>>, %arg4: memref<128x128xf32, #tpu.memory_space<vmem>>, %arg5: memref<2000x128xf32, #tpu.memory_space<vmem>>) attributes {dimension_semantics = [#tpu.dimension_semantics<arbitrary>], iteration_bounds = array<i64: 50>, scalar_prefetch = 0 : i64, scratch_operands = 0 : i64, tpu.core_type = #tpu.core_type<tc>, window_params = [{transform_indices = @transform_0, window_bounds = array<i64: 2000, 128>}, {pipeline_mode = #tpu.pipeline_mode<synchronous>, transform_indices = @transform_1, window_bounds = array<i64: 1, 128>}, {pipeline_mode = #tpu.pipeline_mode<synchronous>, transform_indices = @transform_2, window_bounds = array<i64: 1, 128>}, {pipeline_mode = #tpu.pipeline_mode<synchronous>, transform_indices = @transform_3, window_bounds = array<i64: 128, 128>}, {transform_indices = @transform_4, window_bounds = array<i64: 2000, 128>}]} {
    %get3A = arith.constant 0 : index
    %get3A_0 = arith.constant 0 : index
    %get3A_1 = vector.load %arg1[%get3A, %get3A_0] : memref<2000x128xf32, #tpu.memory_space<vmem>>, vector<2000x128xf32>
    %reduce_sum3A = arith.constant dense<0.000000e+00> : vector<2000xf32>
    %reduce_sum3A_2 = vector.multi_reduction <add>, %get3A_1, %reduce_sum3A [1] : vector<2000x128xf32> to vector<2000xf32>
    %broadcast_in_dim3A = vector.shape_cast %reduce_sum3A_2 : vector<2000xf32> to vector<2000x1xf32>
    %div3A = arith.constant 1.280000e+02 : f32
    %div3A_3 = vector.broadcast %div3A : f32 to vector<2000x1xf32>
    %div3A_4 = arith.divf %broadcast_in_dim3A, %div3A_3 : vector<2000x1xf32>
    %sub3A = vector.broadcast %div3A_4 : vector<2000x1xf32> to vector<2000x128xf32>
    %sub3A_5 = arith.subf %get3A_1, %sub3A : vector<2000x128xf32>
    %mul3A = arith.mulf %sub3A_5, %sub3A_5 : vector<2000x128xf32>
    %reduce_sum3A_6 = arith.constant dense<0.000000e+00> : vector<2000xf32>
    %reduce_sum3A_7 = vector.multi_reduction <add>, %mul3A, %reduce_sum3A_6 [1] : vector<2000x128xf32> to vector<2000xf32>
    %broadcast_in_dim3A_8 = vector.shape_cast %reduce_sum3A_7 : vector<2000xf32> to vector<2000x1xf32>
    %div3A_9 = arith.constant 1.280000e+02 : f32
    %div3A_10 = vector.broadcast %div3A_9 : f32 to vector<2000x1xf32>
    %div3A_11 = arith.divf %broadcast_in_dim3A_8, %div3A_10 : vector<2000x1xf32>
    %add3A = arith.constant 9.99999974E-6 : f32
    %add3A_12 = vector.broadcast %add3A : f32 to vector<2000x1xf32>
    %add3A_13 = arith.addf %div3A_11, %add3A_12 : vector<2000x1xf32>
    %rsqrt3A = math.rsqrt %add3A_13 : vector<2000x1xf32>
    %mul3A_14 = vector.broadcast %rsqrt3A : vector<2000x1xf32> to vector<2000x128xf32>
    %mul3A_15 = arith.mulf %sub3A_5, %mul3A_14 : vector<2000x128xf32>
    %get3A_16 = arith.constant 0 : index
    %get3A_17 = arith.constant 0 : index
    %get3A_18 = vector.load %arg2[%get3A_16, %get3A_17] : memref<1x128xf32, #tpu.memory_space<vmem>>, vector<1x128xf32>
    %mul3A_19 = vector.broadcast %get3A_18 : vector<1x128xf32> to vector<2000x128xf32>
    %mul3A_20 = arith.mulf %mul3A_15, %mul3A_19 : vector<2000x128xf32>
    %get3A_21 = arith.constant 0 : index
    %get3A_22 = arith.constant 0 : index
    %get3A_23 = vector.load %arg4[%get3A_21, %get3A_22] : memref<128x128xf32, #tpu.memory_space<vmem>>, vector<128x128xf32>
    %dot_general3A = arith.constant dense<0.000000e+00> : vector<2000x128xf32>
    %dot_general3A_24 = tpu.matmul %mul3A_20, %get3A_23, %dot_general3A {dimension_numbers = #tpu.dot_dimension_numbers<[1], [1], [0], [0], [0, 0, 1, 0], [], []>, precision = #tpu.contract_precision<fp32>, transpose_lhs_hint = false} : vector<2000x128xf32>, vector<128x128xf32>, vector<2000x128xf32> -> vector<2000x128xf32>
    %get3A_25 = arith.constant 0 : index
    %get3A_26 = arith.constant 0 : index
    %get3A_27 = vector.load %arg3[%get3A_25, %get3A_26] : memref<1x128xf32, #tpu.memory_space<vmem>>, vector<1x128xf32>
    %get3A_28 = arith.constant 0 : index
    %get3A_29 = arith.constant 0 : index
    %get3A_30 = vector.load %arg4[%get3A_28, %get3A_29] : memref<128x128xf32, #tpu.memory_space<vmem>>, vector<128x128xf32>
    %dot_general3A_31 = arith.constant dense<0.000000e+00> : vector<1x128xf32>
    %dot_general3A_32 = tpu.matmul %get3A_27, %get3A_30, %dot_general3A_31 {dimension_numbers = #tpu.dot_dimension_numbers<[1], [1], [0], [0], [0, 0, 1, 0], [], []>, precision = #tpu.contract_precision<fp32>, transpose_lhs_hint = false} : vector<1x128xf32>, vector<128x128xf32>, vector<1x128xf32> -> vector<1x128xf32>
    %add3A_33 = vector.broadcast %dot_general3A_32 : vector<1x128xf32> to vector<2000x128xf32>
    %add3A_34 = arith.addf %dot_general3A_24, %add3A_33 : vector<2000x128xf32>
    %swap3A = arith.constant 0 : index
    %swap3A_35 = arith.constant 0 : index
    %swap3A_36 = vector.load %arg5[%swap3A, %swap3A_35] : memref<2000x128xf32, #tpu.memory_space<vmem>>, vector<2000x128xf32>
    tpu.vector_store %arg5[%swap3A, %swap3A_35], %add3A_34 {strides = array<i32>} : memref<2000x128xf32, #tpu.memory_space<vmem>>, vector<2000x128xf32>,
    return
  }
  func.func @transform_0(%arg0: i32) -> (i32, i32) {
    %c0_i32 = arith.constant 0 : i32
    %c0_i32_0 = arith.constant 0 : i32
    return %arg0, %c0_i32 : i32, i32
  }
  func.func @transform_1(%arg0: i32) -> (i32, i32) {
    %c0_i32 = arith.constant 0 : i32
    %c0_i32_0 = arith.constant 0 : i32
    %c0_i32_1 = arith.constant 0 : i32
    return %c0_i32, %c0_i32_0 : i32, i32
  }
  func.func @transform_2(%arg0: i32) -> (i32, i32) {
    %c0_i32 = arith.constant 0 : i32
    %c0_i32_0 = arith.constant 0 : i32
    %c0_i32_1 = arith.constant 0 : i32
    return %c0_i32, %c0_i32_0 : i32, i32
  }
  func.func @transform_3(%arg0: i32) -> (i32, i32) {
    %c0_i32 = arith.constant 0 : i32
    %c0_i32_0 = arith.constant 0 : i32
    %c0_i32_1 = arith.constant 0 : i32
    return %c0_i32, %c0_i32_0 : i32, i32
  }
  func.func @transform_4(%arg0: i32) -> (i32, i32) {
    %c0_i32 = arith.constant 0 : i32
    %c0_i32_0 = arith.constant 0 : i32
    return %arg0, %c0_i32 : i32, i32
  }
}

</mosaic_0001>

<sc_bundles>
// kernel: kernel.4.cloned.1.call-start
scs
__scs_entry_jumppad:
0x0: {  	(pc) =	sbr.rel $0x88, $3  }
0x1: {  	(tag) =	ssettag $0x0;
	lr =	simm.s32 $0x1  }
0x2: {  	[smem:$0x3F95] =	sst lr;
	_ =	strace $0xD0000000  }
0x3: {  	_ = 	snop  }
0x4: {  	_ = 	snop  }
0x5: {  	_ = 	snop  }
0x6: {  	_ = 	snop  }
0x7: {  	_ = 	snop  }
__scs_overlays_trampoline_lowered:
0x8: {  	[smem:$0x3FA4] =	sst s0  }
0x9: {  	[smem:$0x3FA5] =	sst s1  }
0xa: {  	[smem:$0x3FA6] =	sst s2  }
0xb: {  	[smem:$0x3FA7] =	sst s3  }
0xc: {  	[smem:$0x3FA8] =	sst s4  }
0xd: {  	[smem:$0x3FA9] =	sst s5  }
0xe: {  	[smem:$0x3FAA] =	sst s6  }
0xf: {  	[smem:$0x3FAB] =	sst s7  }
0x10: {  	[smem:$0x3FAC] =	sst s8  }
0x11: {  	[smem:$0x3FAD] =	sst s9;
	s0 =	simm.s32 @!p0 $0x0  }
0x12: {  	s1 =	sld [smem:$0x3F93];
	s0 =	simm.s32 @p0 $0x1  }
0x13: {  	[smem:$0x3FAE] =	sst s0;
	s0 =	simm.s32 @!p1 $0x0  }
0x14: {  	s2 =	sld [smem:$0x3F92];
	s0 =	simm.s32 @p1 $0x1  }
0x15: {  	[smem:$0x3FAF] =	sst s0;
	s0 =	simm.s32 @!p2 $0x0  }
0x16: {  	s3 =	sld [smem:$0x3FDB];
	s0 =	simm.s32 @p2 $0x1  }
0x17: {  	s4 =	simm.s32 $0x1BF5;
	[smem:$0x3FB1] =	sst s0  }
0x18: {  	s0 =	sld [smem:$0x3F94];
	_ =	swait.ge [sflag:s4], $0x0  }
0x19: {  	s7 =	sld [smem:$0x3F95]  }
0x1a: {  	s8 =	sadd.s32 $0xFFFFE003, lr  }
0x1b: {  	s9 =	sadd.s32 $0xFFFFFEF7, lr;
	s5 =	simm.s32 $0xFFFFFFFF;
	p2 =	slt.u32 s8, $0xFFFFF086  }
0x1c: {  	p1 =	slt.u32 s9, $0xF7A;
	s5 =	simm.s32 @!p2 $0x0  }
0x1d: {  	s5 =	simm.s32 @p1 $0x1;
	p0 =	seq.s32 s7, s2  }
0x1e: {  	s7 =	smul.u32 @!p0 $0xF7A, s2;
	p2 =	seq.s32 @!p0 s5, $0x0  }
0x1f: {  	s9 =	smul.u32 $0xF7A, s1;
	s8 =	simm.s32 @!p0 $0x1BF5;
	p2 =	por !p2, p0  }
0x20: {  	[sflag:s8] =	ssyncset.s32 @!p0 $0xFFFFF086;
	s6 =	sadd.s32 @!p0 s3, s7;
	s7 =	simm.s32 @!p0 $0x108  }
0x21: {  	s3 =	sadd.s32 s3, s9;
	s6 =	sadd.s32 @!p0 $0x88, s6;
	s7 =	simm.s32 @p2 $0x1082  }
0x22: {  	[simem:s7], [sflag:s8] =	dma.local @!p0 [hbm:s6], $0xF7A  }
0x23: {  	s9 =	sor.u32 $0xD0000000, s2;
	s6 =	simm.s32 $0x108;
	_ =	swait.ge @!p0 [sflag:s8], $0x0  }
0x24: {  	s3 =	sadd.s32 $0x88, s3;
	s6 =	simm.s32 @!p1 $0x1082;
	[sflag:s4] =	ssyncset.s32 $0xFFFFF086  }
0x25: {  	[simem:s6], [sflag:s4] =	dma.local [hbm:s3], $0xF7A  }
0x26: {  	[smem:$0x3F95] =	sst s1;
	(tag) =	ssettag s2;
	_ =	strace s9  }
0x27: {  	s1 =	sld [smem:$0x3FA5]  }
0x28: {  	s2 =	sld [smem:$0x3FA6]  }
0x29: {  	s4 =	sld [smem:$0x3FA8]  }
0x2a: {  	p0 =	seq.s32 s5, $0x0;
	s5 =	sld [smem:$0x3FA9]  }
0x2b: {  	s6 =	sld [smem:$0x3FAA]  }
0x2c: {  	s7 =	sld [smem:$0x3FAB]  }
0x2d: {  	s3 =	simm.s32 $0x108;
	s8 =	sld [smem:$0x3FAC]  }
0x2e: {  	s3 =	simm.s32 @!p0 $0x1082;
	s9 =	sld [smem:$0x3FAD]  }
0x2f: {  	lr =	sadd.s32 s0, s3;
	s0 =	sld [smem:$0x3FA4]  }
0x30: {  	s3 =	sld [smem:$0x3FA7]  }
0x31: {  	[smem:$0x3FB0] =	sst s10  }
0x32: {  	s10 =	sld [smem:$0x3FAE];
	_ =	sdelay $0x3  }
0x33: {  	p0 =	seq.s32 s10, $0x1;
	s10 =	sld [smem:$0x3FB0];
	_ =	sdelay $0x3  }
0x34: {  	[smem:$0x3FB0] =	sst s10  }
0x35: {  	s10 =	sld [smem:$0x3FAF];
	_ =	sdelay $0x3  }
0x36: {  	p1 =	seq.s32 s10, $0x1;
	s10 =	sld [smem:$0x3FB0];
	_ =	sdelay $0x3  }
0x37: {  	[smem:$0x3FB0] =	sst s10  }
0x38: {  	s10 =	sld [smem:$0x3FB1]  }
0x39: {  	_ = 	snop;
	(pc) =	sbr.ind lr, $3  }
0x3a: {  	_ = 	snop  }
0x3b: {  	_ = 	snop  }
0x3c: {  	p2 =	seq.s32 s10, $0x1;
	s10 =	sld [smem:$0x3FB0]  }
0x3d: {  	_ =	shalt  }
0x3e: {  	_ =	shalt  }
0x3f: {  	_ =	shalt  }
0x40: {  	_ =	shalt  }
0x41: {  	_ =	shalt  }
0x42: {  	_ =	shalt  }
0x43: {  	_ =	shalt  }
0x44: {  	_ =	shalt  }
0x45: {  	_ =	shalt  }
0x46: {  	_ =	shalt  }
0x47: {  	_ =	shalt  }
0x48: {  	_ =	shalt  }
0x49: {  	_ =	shalt  }
0x4a: {  	_ =	shalt  }
0x4b: {  	_ =	shalt  }
0x4c: {  	_ =	shalt  }
0x4d: {  	_ =	shalt  }
0x4e: {  	_ =	shalt  }
0x4f: {  	_ =	shalt  }
0x50: {  	_ =	shalt  }
0x51: {  	_ =	shalt  }
0x52: {  	_ =	shalt  }
0x53: {  	_ =	shalt  }
0x54: {  	_ =	shalt  }
0x55: {  	_ =	shalt  }
0x56: {  	_ =	shalt  }
0x57: {  	_ =	shalt  }
0x58: {  	_ =	shalt  }
0x59: {  	_ =	shalt  }
0x5a: {  	_ =	shalt  }
0x5b: {  	_ =	shalt  }
0x5c: {  	_ =	shalt  }
0x5d: {  	_ =	shalt  }
0x5e: {  	_ =	shalt  }
0x5f: {  	_ =	shalt  }
0x60: {  	_ =	shalt  }
0x61: {  	_ =	shalt  }
0x62: {  	_ =	shalt  }
0x63: {  	_ =	shalt  }
0x64: {  	_ =	shalt  }
0x65: {  	_ =	shalt  }
0x66: {  	_ =	shalt  }
0x67: {  	_ =	shalt  }
0x68: {  	_ =	shalt  }
0x69: {  	_ =	shalt  }
0x6a: {  	_ =	shalt  }
0x6b: {  	_ =	shalt  }
0x6c: {  	_ =	shalt  }
0x6d: {  	_ =	shalt  }
0x6e: {  	_ =	shalt  }
0x6f: {  	_ =	shalt  }
0x70: {  	_ =	shalt  }
0x71: {  	_ =	shalt  }
0x72: {  	_ =	shalt  }
0x73: {  	_ =	shalt  }
0x74: {  	_ =	shalt  }
0x75: {  	_ =	shalt  }
0x76: {  	_ =	shalt  }
0x77: {  	_ =	shalt  }
0x78: {  	_ =	shalt  }
0x79: {  	_ =	shalt  }
0x7a: {  	_ =	shalt  }
0x7b: {  	_ =	shalt  }
0x7c: {  	_ =	shalt  }
0x7d: {  	_ =	shalt  }
0x7e: {  	_ =	shalt  }
0x7f: {  	_ =	shalt  }
0x80: {  	_ =	shalt  }
0x81: {  	_ =	shalt  }
0x82: {  	_ =	shalt  }
0x83: {  	_ =	shalt  }
0x84: {  	_ =	shalt  }
0x85: {  	_ =	shalt  }
0x86: {  	_ =	shalt  }
0x87: {  	_ =	shalt  }
.Lfunc_end0:
.L_simem_size_0:
called_computation_lowered:
.L_overlay_start_0:
0x88: {  	s2 =	sld [smem:$0x3FD9]  }
0x89: {  	s3 =	sld [smem:$0x3FFE];
	_ =	sdelay $0x1  }
0x8a: {  	s1 =	srdreg.scid  }
0x8b: {  	s0 =	sand.u32 $0x1, s1  }
0x8c: {  	s14 =	sshll.u32 s0, $0xA;
	s2 =	sadd.s32 s3, s2  }
0x8d: {  	s2 =	sadd.s32 s2, s14  }
0x8e: {  	[smem:$0x3FBC] =	sst s2  }
0x8f: {  	_ = 	snop  }
0x90: {  	s2 =	sld [smem:$0x3FD0];
	_ =	sdelay $0x2  }
0x91: {  	s15 =	simm.s32 $0xA;
	s4 =	simm.s32 $0x10  }
0x92: {  	[smem:s4], [sflag:s15] =	dma.local [hbm:s2], $0x1  }
0x93: {  	_ =	swait.eq [sflag:s15], $0x1  }
0x94: {  	[sflag:s15] =	ssyncset.done $0x0  }
0x95: {  	[sflag:s15] =	ssyncadd.s32 $0xFFFFFFFF  }
0x96: {  	s16 =	sld [smem:$0x10];
	(tm) =	ssettm $0x1  }
0x97: {  	s17 =	sld [smem:$0x3FFB];
	_ =	sdelay $0x3  }
0x98: {  	_ =	strace s17  }
0x99: {  	s3 =	sld [smem:$0x3FFC];
	_ =	sdelay $0x3  }
0x9a: {  	_ =	strace s3  }
0x9b: {  	s3 =	sld [smem:$0x3FFD];
	_ =	sdelay $0x3  }
0x9c: {  	_ =	strace s3  }
0x9d: {  	_ =	strace $0x8FFFFFFF  }
0x9e: {  	s18 =	sld [smem:$0x3FDB];
	_ =	sdelay $0x1  }
0x9f: {  	s19 =	simm.s32 $_scs_section_size  }
0xa0: {  	s5 =	simm.s32 $_size__tile_overlayer_lowered;
	s6 =	simm.s32 $_tile_overlayer_lowered  }
0xa1: {  	s22 =	simm.s32 $0x1BFF;
	s21 =	sshll.u32 s6, $0x1;
	s3 =	sadd.s32 s19, s18  }
0xa2: {  	s7 =	simm.s32 $0x0;
	s20 =	sshll.u32 s5, $0x1;
	s5 =	sadd.s32 s21, s3  }
0xa3: {  	[timem:s7], [sflag:s22] =	dma.local [hbm:s5], s20  }
0xa4: {  	_ =	swait.ge [sflag:s22], s20  }
0xa5: {  	s4 =	ssub.s32 $0x0, s20;
	[sflag:s22] =	ssyncset.done $0x0  }
0xa6: {  	[sflag:s22] =	ssyncadd.s32 s4;
	_ =	sdelay $0x1  }
0xa7: {  	s23 =	simm.s32 $0x1B8B  }
0xa8: {  	_ =	swait.ge [sflag:s23], $0x1  }
0xa9: {  	[sflag:s23] =	ssyncset.done $0x0  }
0xaa: {  	s25 =	simm.s32 $0x1B8E;
	s24 =	sld [smem:$0x3FFE];
	[sflag:s23] =	ssyncadd.s32 $0xFFFFFFFF  }
0xab: {  	s26 =	simm.s32 $execute0_lowered;
	[smem:$0x3FD2] =	sst s25  }
0xac: {  	s5 =	sshll.u32 s26, $0x1;
	_ =	strace $0x80000046;
	[dreg:$0x1] =	wrdreg $0xFFFFFFFF  }
0xad: {  	s28 =	simm.s32 $_size_execute0_lowered;
	s3 =	sadd.s32 s3, s5;
	[dreg:$0x0] =	wrdreg $0x0  }
0xae: {  	s5 =	sshll.u32 s28, $0x1;
	[dreg:$0x2] =	wrdreg s3  }
0xaf: {  	[dreg:$0x3] =	wrdreg s5  }
0xb0: {  	[dreg:$0x4] =	wrdreg $0xC0  }
0xb1: {  	_ =	task [dreg:s7], $0x5FFFF  }
0xb2: {  	[dreg:$0x1] =	wrdreg $0xFFFFFFFF  }
0xb3: {  	[dreg:$0x0] =	wrdreg $0x60  }
0xb4: {  	[dreg:$0x2] =	wrdreg s24  }
0xb5: {  	[dreg:$0x3] =	wrdreg s16  }
0xb6: {  	[dreg:$0x4] =	wrdreg $0x9  }
0xb7: {  	_ =	task.clear_ibuf [dreg:s7], $0x5FFFF;
	_ =	strace $0x90000046  }
0xb8: {  	s29 =	simm.s32 $0x9;
	_ =	strace $0x80000048  }
0xb9: {  	_ =	swait.ge [sflag:s29], $0x1  }
0xba: {  	[sflag:s29] =	ssyncadd.s32 $0xFFFFFFFF  }
0xbb: {  	_ =	strace $0x90000048  }
0xbc: {  	_ =	sfence  }
0xbd: {  	s30 =	sld [smem:$0x0];
	_ =	sdelay $0x2  }
0xbe: {  	s31 =	sshll.u32 s1, $0xD;
	s1 =	sshrl.u32 s1, $0x2  }
0xbf: {  	s3 =	sand.u32 $0x4000, s31;
	s1 =	sadd.s32 s1, s30  }
0xc0: {  	s0 =	sor.u32 s3, s0;
	s1 =	sshll.u32 s1, $0x11  }
0xc1: {  	s0 =	sor.u32 s1, s0  }
0xc2: {  	s0 =	sadd.s32 $0x8F2B, s0  }
0xc3: {  	[sflag:s0] =	ssyncadd.remote.s32 $0x1  }
0xc4: {  	_ =	sfence.sel $0xFFFF  }
0xc5: {  	[dreg:$0x0] =	wrdreg $0xFFFFFFFF;
	(pc) =	sbr.abs _section_cstart, $3  }
0xc6: {  	[dreg:$0x1] =	wrdreg $0xFFFFFFFF  }
0xc7: {  	_ =	task.clear_ibuf [dreg:s7], $0x2FFFF;
	_ =	strace $0x9FFFFFFF  }
0xc8: {  	(tm) =	ssettm $0x7FFFFFFF  }
0xc9: {  	_ =	shalt  }
tec
execute0_lowered:
.L_overlay_start_1:
0x0: {  	(tag) =	ssettag $0x1  }
0x1: {  	s0 =	rddreg [dreg:$0x0]  }
0x2: {  	s2 =	rddreg [dreg:$0x1];
	s1 =	srdreg.scid  }
0x3: {  	s4 =	stileid.u32;
	s3 =	simm.s32 $0x0;
	s13 =	simm.s32 $0x6180  }
0x4: {  	s15 =	simm.s32 $0x5100;
	s18 =	simm.s32 $0xA180;
	s28 =	simm.s32 $0x14680  }
0x5: {  	s30 =	simm.s32 $0x19280;
	s31 =	simm.s32 $0x1;
	s16 =	simm.s32 $0x13980  }
0x6: {  	s20 =	simm.s32 $0x4;
	s29 =	simm.s32 $0x6;
	s14 =	simm.s32 $0x7  }
0x7: {  	s17 =	simm.s32 $0x8;
	s1 =	sand.u32 $0x1, s1;
	s4 =	sshll.u32 s4, $0x8  }
0x8: {  	[smem:$0x7FF] =	sst s3;
	s21 =	sadd.s32 $0x11600, s0;
	s6 =	sadd.s32 $0x21800, s0  }
0x9: {  	s23 =	sadd.s32 $0x21A00, s0;
	_ =	strace $0x80000047;
	[dreg:$0x3] =	wrdreg s21  }
0xa: {  	s8 =	sadd.s32 $0x21C00, s0;
	s5 =	sshll.u32 s1, $0x7;
	[dreg:$0x4] =	wrdreg s6  }
0xb: {  	s1 =	ssub.s32 $0x2, s1;
	[dreg:$0x5] =	wrdreg s23;
	s4 =	sor.u32 s5, s4  }
0xc: {  	s21 =	simm.s32 $0xED80;
	s6 =	simm.s32 $0x0;
	s22 =	sshll.u32 s4, $0x4  }
.Ltmp0:
0xd: {  	s24 =	sshrl.u32 s1, $0x1;
	s5 =	sadd.s32 s22, s0;
	(pc) =	sbr.rel .LBB2_1-.Ltmp0, $4  }
0xe: {  	s0 =	ssub.s32 s1, s24;
	s22 =	simm.s32 $0x78;
	s25 =	sadd.s32 $0x11800, s5  }
0xf: {  	s1 =	simm.s32 $0x3;
	s26 =	sadd.s32 $0x1600, s5;
	[dreg:$0x6] =	wrdreg s25  }
0x10: {  	s24 =	simm.s32 $0x18580;
	s0 =	smax.u32 s0, $0x1;
	[dreg:$0x7] =	wrdreg s26  }
0x11: {  	[dreg:$0x8] =	wrdreg s0;
	s0 =	simm.s32 $0x2;
	s26 =	simm.s32 $0x5  }
.LBB2_16:
0x12: {  	_ =	swait.ge [sflag:s29], $0x4900  }
0x13: {  	[sflag:s29] =	ssyncset.done $0x0  }
0x14: {  	[sflag:s29] =	ssyncadd.s32 $0xFFFFB700  }
0x15: {  	_ =	swait.ge [sflag:s14], $0x4900  }
0x16: {  	[sflag:s14] =	ssyncset.done $0x0  }
0x17: {  	[sflag:s14] =	ssyncadd.s32 $0xFFFFB700  }
0x18: {  	_ =	swait.ge [sflag:s17], $0x4900  }
0x19: {  	s6 =	rddreg [dreg:$0x9]  }
0x1a: {  	s5 =	rddreg [dreg:$0x8];
	s6 =	sadd.s32 $0x1, s6  }
0x1b: {  	p0 =	sne.s32 s6, s5  }
.Ltmp1:
0x1c: {  	_ = 	snop;
	(pc) =	sbr.rel @!p0 .LBB2_17-.Ltmp1, $3  }
0x1d: {  	_ =	sdelay $0x1  }
0x1e: {  	[sflag:s17] =	ssyncset.done $0x0  }
0x1f: {  	[sflag:s17] =	ssyncadd.s32 $0xFFFFB700  }
.LBB2_1:
0x20: {  	[dreg:$0x9] =	wrdreg s6  }
0x21: {  	s5 =	rddreg [dreg:$0x6];
	s19 =	simm.s32 $0xA  }
0x22: {  	[tilespmem:s3], [sflag:$0xA] =	stream.linear.gather [hbm4b:s5+s3], $0x4000, $0x38;
	[tilespmem:$0x1D180] =	vst v63  }
0x23: {  	_ =	swait.ge [sflag:s19], $0x4000  }
0x24: {  	[sflag:s19] =	ssyncset.done $0x0  }
0x25: {  	s23 =	rddreg [dreg:$0x7];
	[sflag:s19] =	ssyncadd.s32 $0xFFFFC000  }
0x26: {  	[tilespmem:s13], [sflag:$0xA] =	stream.linear.gather [hbm4b:s23+s3], $0x4000, $0x38;
	[tilespmem:$0x1D180] =	vst v63  }
0x27: {  	_ =	swait.ge [sflag:s19], $0x4000  }
0x28: {  	[sflag:s19] =	ssyncset.done $0x0  }
0x29: {  	s7 =	simm.s32 $0x4000;
	s25 =	rddreg [dreg:$0x3];
	[sflag:s19] =	ssyncadd.s32 $0xFFFFC000  }
0x2a: {  	[tilespmem:s7], [sflag:$0xA] =	stream.linear.gather [hbm4b:s25+s3], $0x100, $0x38;
	[tilespmem:$0x1D180] =	vst v63  }
0x2b: {  	_ =	swait.ge [sflag:s19], $0x100  }
0x2c: {  	[sflag:s19] =	ssyncset.done $0x0  }
0x2d: {  	s9 =	rddreg [dreg:$0x4];
	[sflag:s19] =	ssyncadd.s32 $0xFFFFFF00  }
0x2e: {  	[tilespmem:s15], [sflag:$0xA] =	stream.linear.gather [hbm4b:s9+s3], $0xD00, $0x38;
	[tilespmem:$0x1D180] =	vst v63  }
0x2f: {  	_ =	swait.ge [sflag:s19], $0xD00  }
0x30: {  	[sflag:s19] =	ssyncset.done $0x0  }
0x31: {  	s9 =	simm.s32 $0x6100;
	s10 =	rddreg [dreg:$0x5];
	[sflag:s19] =	ssyncadd.s32 $0xFFFFF300  }
0x32: {  	[tilespmem:s9], [sflag:$0xA] =	stream.linear.gather [hbm4b:s10+s3], $0x80, $0x38;
	[tilespmem:$0x1D180] =	vst v63  }
0x33: {  	_ =	swait.ge [sflag:s19], $0x80  }
0x34: {  	[sflag:s19] =	ssyncset.done $0x0  }
0x35: {  	s11 =	simm.s32 $0x68;
	s12 =	simm.s32 $0x9;
	[sflag:s19] =	ssyncadd.s32 $0xFFFFFF80  }
0x36: {  	[tilespmem:s18], [sflag:$0x9] =	stream.indirect.gather [hbm4b:s2+s11], $0x80, s7, s11, $0xb8;
	[tilespmem:$0x1D180] =	vst v63  }
0x37: {  	_ =	swait.ge [sflag:s12], $0x3400  }
0x38: {  	s19 =	simm.s32 $0x0;
	[sflag:s12] =	ssyncset.done $0x0  }
0x39: {  	s23 =	simm.s32 $0x4068;
	v5 =	vmov s19;
	[sflag:s12] =	ssyncadd.s32 $0xFFFFCC00  }
0x3a: {  	[tilespmem:s21], [sflag:$0x9] =	stream.indirect.gather [hbm4b:s2+s11], $0x80, s23, s11, $0xb8;
	[tilespmem:$0x1D180] =	vst v63  }
0x3b: {  	v1 =	vor.u32 $0x1, v5;
	_ =	swait.ge [sflag:s12], $0x3400  }
0x3c: {  	[sflag:s12] =	ssyncset.done $0x0  }
0x3d: {  	v2 =	vor.u32 $0x2, v5;
	[sflag:s12] =	ssyncadd.s32 $0xFFFFCC00  }
0x3e: {  	s6 =	simm.s32 $0xA380;
	v0 =	vld.idx.msk [tilespmem:v5+s15+$0x0], $0xffff  }
0x3f: {  	v3 =	vor.u32 $0x3, v5;
	v4 =	vld [tilespmem:s6+$0xFFFFFE00]  }
0x40: {  	v1 =	vld.idx.msk [tilespmem:v1+s15+$0x0], $0xffff  }
0x41: {  	v6 =	vor.u32 $0x4, v5;
	v7 =	vld [tilespmem:s6+$0xFFFFFE80]  }
0x42: {  	v2 =	vld.idx.msk [tilespmem:v2+s15+$0x0], $0xffff  }
0x43: {  	v8 =	vor.u32 $0x5, v5;
	v9 =	vld [tilespmem:s6+$0xFFFFFF00]  }
0x44: {  	v3 =	vld.idx.msk [tilespmem:v3+s15+$0x0], $0xffff;
	v10 =	vmul.f32 v4, v0  }
0x45: {  	v11 =	vor.u32 $0x6, v5;
	v12 =	vld [tilespmem:s6+$0xFFFFFF80]  }
0x46: {  	v4 =	vld.idx.msk [tilespmem:v6+s15+$0x0], $0xffff;
	v7 =	vmul.f32 v7, v1;
	v6 =	vadd.f32 $0.0e+00, v10  }
0x47: {  	v13 =	vld [tilespmem:s6+$0x0];
	v10 =	vor.u32 $0x7, v5  }
0x48: {  	v5 =	vld.idx.msk [tilespmem:v8+s15+$0x0], $0xffff;
	v8 =	vmul.f32 v9, v2;
	v7 =	vadd.f32 v7, v6  }
0x49: {  	v9 =	vld [tilespmem:s6+$0x80]  }
0x4a: {  	v6 =	vld.idx.msk [tilespmem:v11+s15+$0x0], $0xffff;
	v11 =	vmul.f32 v12, v3;
	v8 =	vadd.f32 v8, v7  }
0x4b: {  	v53 =	vld [tilespmem:s6+$0x100]  }
0x4c: {  	v7 =	vld.idx.msk [tilespmem:v10+s15+$0x0], $0xffff;
	v10 =	vmul.f32 v13, v4;
	v8 =	vadd.f32 v11, v8  }
0x4d: {  	v11 =	vld [tilespmem:s6+$0x180]  }
0x4e: {  	v9 =	vmul.f32 v9, v5;
	v8 =	vadd.f32 v10, v8;
	_ =	sdelay $0x1  }
0x4f: {  	v8 =	vadd.f32 v9, v8;
	v9 =	vmul.f32 v53, v6;
	_ =	sdelay $0x1  }
0x50: {  	v8 =	vadd.f32 v9, v8;
	v9 =	vmul.f32 v11, v7;
	_ =	sdelay $0x1  }
0x51: {  	v8 =	vadd.f32 v9, v8  }
0x52: {  	s7 =	simm.s32 $0x4140  }
0x53: {  	[tilespmem:s7+$0xFFFFFFC0] =	vst v8  }
0x54: {  	v8 =	vld [tilespmem:s6+$0xFFFFFE10];
	_ =	sdelay $0x1  }
0x55: {  	v9 =	vld [tilespmem:s6+$0xFFFFFE90];
	_ =	sdelay $0x1  }
0x56: {  	v10 =	vld [tilespmem:s6+$0xFFFFFF10]  }
0x57: {  	v8 =	vmul.f32 v8, v0  }
0x58: {  	v11 =	vld [tilespmem:s6+$0xFFFFFF90]  }
0x59: {  	v9 =	vmul.f32 v9, v1;
	v8 =	vadd.f32 $0.0e+00, v8  }
0x5a: {  	v54 =	vld [tilespmem:s6+$0x10]  }
0x5b: {  	v8 =	vadd.f32 v9, v8;
	v9 =	vmul.f32 v10, v2  }
0x5c: {  	v10 =	vld [tilespmem:s6+$0x90]  }
0x5d: {  	v8 =	vadd.f32 v9, v8;
	v9 =	vmul.f32 v11, v3  }
0x5e: {  	v11 =	vld [tilespmem:s6+$0x110]  }
0x5f: {  	v8 =	vadd.f32 v9, v8;
	v9 =	vmul.f32 v54, v4  }
0x60: {  	v55 =	vld [tilespmem:s6+$0x190]  }
0x61: {  	v8 =	vadd.f32 v9, v8;
	v9 =	vmul.f32 v10, v5;
	_ =	sdelay $0x1  }
0x62: {  	v8 =	vadd.f32 v9, v8;
	v9 =	vmul.f32 v11, v6;
	_ =	sdelay $0x1  }
0x63: {  	v8 =	vadd.f32 v9, v8;
	v9 =	vmul.f32 v55, v7;
	_ =	sdelay $0x1  }
0x64: {  	v8 =	vadd.f32 v9, v8;
	_ =	sdelay $0x1  }
0x65: {  	[tilespmem:s7+$0xFFFFFFD0] =	vst v8  }
0x66: {  	v8 =	vld [tilespmem:s6+$0xFFFFFE20];
	_ =	sdelay $0x1  }
0x67: {  	v9 =	vld [tilespmem:s6+$0xFFFFFEA0];
	_ =	sdelay $0x1  }
0x68: {  	v10 =	vld [tilespmem:s6+$0xFFFFFF20]  }
0x69: {  	v8 =	vmul.f32 v8, v0  }
0x6a: {  	v11 =	vld [tilespmem:s6+$0xFFFFFFA0]  }
0x6b: {  	v9 =	vmul.f32 v9, v1;
	v8 =	vadd.f32 $0.0e+00, v8  }
0x6c: {  	v56 =	vld [tilespmem:s6+$0x20]  }
0x6d: {  	v8 =	vadd.f32 v9, v8;
	v9 =	vmul.f32 v10, v2  }
0x6e: {  	v10 =	vld [tilespmem:s6+$0xA0]  }
0x6f: {  	v8 =	vadd.f32 v9, v8;
	v9 =	vmul.f32 v11, v3  }
0x70: {  	v11 =	vld [tilespmem:s6+$0x120]  }
0x71: {  	v8 =	vadd.f32 v9, v8;
	v9 =	vmul.f32 v56, v4  }
0x72: {  	v57 =	vld [tilespmem:s6+$0x1A0]  }
0x73: {  	v8 =	vadd.f32 v9, v8;
	v9 =	vmul.f32 v10, v5;
	_ =	sdelay $0x1  }
0x74: {  	v8 =	vadd.f32 v9, v8;
	v9 =	vmul.f32 v11, v6;
	_ =	sdelay $0x1  }
0x75: {  	v8 =	vadd.f32 v9, v8;
	v9 =	vmul.f32 v57, v7;
	_ =	sdelay $0x1  }
0x76: {  	v8 =	vadd.f32 v9, v8;
	_ =	sdelay $0x1  }
0x77: {  	[tilespmem:s7+$0xFFFFFFE0] =	vst v8  }
0x78: {  	v8 =	vld [tilespmem:s6+$0xFFFFFE30];
	_ =	sdelay $0x1  }
0x79: {  	v9 =	vld [tilespmem:s6+$0xFFFFFEB0];
	_ =	sdelay $0x1  }
0x7a: {  	v10 =	vld [tilespmem:s6+$0xFFFFFF30]  }
0x7b: {  	v8 =	vmul.f32 v8, v0  }
0x7c: {  	v11 =	vld [tilespmem:s6+$0xFFFFFFB0]  }
0x7d: {  	v9 =	vmul.f32 v9, v1;
	v8 =	vadd.f32 $0.0e+00, v8  }
0x7e: {  	v58 =	vld [tilespmem:s6+$0x30]  }
0x7f: {  	v8 =	vadd.f32 v9, v8;
	v9 =	vmul.f32 v10, v2  }
0x80: {  	v10 =	vld [tilespmem:s6+$0xB0]  }
0x81: {  	v8 =	vadd.f32 v9, v8;
	v9 =	vmul.f32 v11, v3  }
0x82: {  	v11 =	vld [tilespmem:s6+$0x130]  }
0x83: {  	v8 =	vadd.f32 v9, v8;
	v9 =	vmul.f32 v58, v4  }
0x84: {  	v59 =	vld [tilespmem:s6+$0x1B0]  }
0x85: {  	v8 =	vadd.f32 v9, v8;
	v9 =	vmul.f32 v10, v5;
	_ =	sdelay $0x1  }
0x86: {  	v8 =	vadd.f32 v9, v8;
	v9 =	vmul.f32 v11, v6;
	_ =	sdelay $0x1  }
0x87: {  	v8 =	vadd.f32 v9, v8;
	v9 =	vmul.f32 v59, v7;
	_ =	sdelay $0x1  }
0x88: {  	v8 =	vadd.f32 v9, v8;
	_ =	sdelay $0x1  }
0x89: {  	[tilespmem:s7+$0xFFFFFFF0] =	vst v8  }
0x8a: {  	v8 =	vld [tilespmem:s6+$0xFFFFFE40];
	_ =	sdelay $0x1  }
0x8b: {  	v9 =	vld [tilespmem:s6+$0xFFFFFEC0];
	_ =	sdelay $0x1  }
0x8c: {  	v10 =	vld [tilespmem:s6+$0xFFFFFF40]  }
0x8d: {  	v8 =	vmul.f32 v8, v0  }
0x8e: {  	v11 =	vld [tilespmem:s6+$0xFFFFFFC0]  }
0x8f: {  	v9 =	vmul.f32 v9, v1;
	v8 =	vadd.f32 $0.0e+00, v8  }
0x90: {  	v60 =	vld [tilespmem:s6+$0x40]  }
0x91: {  	v8 =	vadd.f32 v9, v8;
	v9 =	vmul.f32 v10, v2  }
0x92: {  	v10 =	vld [tilespmem:s6+$0xC0]  }
0x93: {  	v8 =	vadd.f32 v9, v8;
	v9 =	vmul.f32 v11, v3  }
0x94: {  	v11 =	vld [tilespmem:s6+$0x140]  }
0x95: {  	v8 =	vadd.f32 v9, v8;
	v9 =	vmul.f32 v60, v4  }
0x96: {  	v61 =	vld [tilespmem:s6+$0x1C0]  }
0x97: {  	v8 =	vadd.f32 v9, v8;
	v9 =	vmul.f32 v10, v5;
	_ =	sdelay $0x1  }
0x98: {  	v8 =	vadd.f32 v9, v8;
	v9 =	vmul.f32 v11, v6;
	_ =	sdelay $0x1  }
0x99: {  	v8 =	vadd.f32 v9, v8;
	v9 =	vmul.f32 v61, v7;
	_ =	sdelay $0x1  }
0x9a: {  	v8 =	vadd.f32 v9, v8;
	_ =	sdelay $0x1  }
0x9b: {  	[tilespmem:s7+$0x0] =	vst v8  }
0x9c: {  	v8 =	vld [tilespmem:s6+$0xFFFFFE50];
	_ =	sdelay $0x1  }
0x9d: {  	v9 =	vld [tilespmem:s6+$0xFFFFFED0];
	_ =	sdelay $0x1  }
0x9e: {  	v10 =	vld [tilespmem:s6+$0xFFFFFF50]  }
0x9f: {  	v8 =	vmul.f32 v8, v0  }
0xa0: {  	v11 =	vld [tilespmem:s6+$0xFFFFFFD0]  }
0xa1: {  	v9 =	vmul.f32 v9, v1;
	v8 =	vadd.f32 $0.0e+00, v8  }
0xa2: {  	v62 =	vld [tilespmem:s6+$0x50]  }
0xa3: {  	v10 =	vmul.f32 v10, v2;
	v8 =	vadd.f32 v9, v8  }
0xa4: {  	v9 =	vld [tilespmem:s6+$0xD0]  }
0xa5: {  	v11 =	vmul.f32 v11, v3;
	v8 =	vadd.f32 v10, v8  }
0xa6: {  	v10 =	vld [tilespmem:s6+$0x150]  }
0xa7: {  	v12 =	vmul.f32 v62, v4;
	v8 =	vadd.f32 v11, v8  }
0xa8: {  	v11 =	vld [tilespmem:s6+$0x1D0]  }
0xa9: {  	v9 =	vmul.f32 v9, v5;
	v8 =	vadd.f32 v12, v8;
	_ =	sdelay $0x1  }
0xaa: {  	v10 =	vmul.f32 v10, v6;
	v8 =	vadd.f32 v9, v8;
	_ =	sdelay $0x1  }
0xab: {  	v9 =	vmul.f32 v11, v7;
	v8 =	vadd.f32 v10, v8;
	_ =	sdelay $0x1  }
0xac: {  	v8 =	vadd.f32 v9, v8;
	_ =	sdelay $0x1  }
0xad: {  	[tilespmem:s7+$0x10] =	vst v8  }
0xae: {  	v8 =	vld [tilespmem:s6+$0xFFFFFE60];
	_ =	sdelay $0x1  }
0xaf: {  	v9 =	vld [tilespmem:s6+$0xFFFFFEE0];
	_ =	sdelay $0x1  }
0xb0: {  	v10 =	vld [tilespmem:s6+$0xFFFFFF60]  }
0xb1: {  	v8 =	vmul.f32 v8, v0  }
0xb2: {  	v11 =	vld [tilespmem:s6+$0xFFFFFFE0]  }
0xb3: {  	v9 =	vmul.f32 v9, v1;
	v8 =	vadd.f32 $0.0e+00, v8  }
0xb4: {  	v63 =	vld [tilespmem:s6+$0x60]  }
0xb5: {  	v10 =	vmul.f32 v10, v2;
	v8 =	vadd.f32 v9, v8  }
0xb6: {  	v9 =	vld [tilespmem:s6+$0xE0]  }
0xb7: {  	v11 =	vmul.f32 v11, v3;
	v8 =	vadd.f32 v10, v8  }
0xb8: {  	v10 =	vld [tilespmem:s6+$0x160]  }
0xb9: {  	v12 =	vmul.f32 v63, v4;
	v8 =	vadd.f32 v11, v8  }
0xba: {  	v11 =	vld [tilespmem:s6+$0x1E0]  }
0xbb: {  	v9 =	vmul.f32 v9, v5;
	v8 =	vadd.f32 v12, v8;
	_ =	sdelay $0x1  }
0xbc: {  	v10 =	vmul.f32 v10, v6;
	v8 =	vadd.f32 v9, v8;
	_ =	sdelay $0x1  }
0xbd: {  	v9 =	vmul.f32 v11, v7;
	v8 =	vadd.f32 v10, v8;
	_ =	sdelay $0x1  }
0xbe: {  	v8 =	vadd.f32 v9, v8;
	_ =	sdelay $0x1  }
0xbf: {  	[tilespmem:s7+$0x20] =	vst v8  }
0xc0: {  	v8 =	vld [tilespmem:s6+$0xFFFFFE70];
	_ =	sdelay $0x1  }
0xc1: {  	v9 =	vld [tilespmem:s6+$0xFFFFFEF0];
	_ =	sdelay $0x1  }
0xc2: {  	v10 =	vld [tilespmem:s6+$0xFFFFFF70]  }
0xc3: {  	v0 =	vmul.f32 v8, v0  }
0xc4: {  	v8 =	vld [tilespmem:s6+$0xFFFFFFF0]  }
0xc5: {  	v1 =	vmul.f32 v9, v1;
	v0 =	vadd.f32 $0.0e+00, v0  }
0xc6: {  	v9 =	vld [tilespmem:s6+$0x70]  }
0xc7: {  	v2 =	vmul.f32 v10, v2;
	v0 =	vadd.f32 v1, v0  }
0xc8: {  	v1 =	vld [tilespmem:s6+$0xF0]  }
0xc9: {  	v3 =	vmul.f32 v8, v3;
	v0 =	vadd.f32 v2, v0  }
0xca: {  	v2 =	vld [tilespmem:s6+$0x170]  }
0xcb: {  	v4 =	vmul.f32 v9, v4;
	v0 =	vadd.f32 v3, v0  }
0xcc: {  	v8 =	vld [tilespmem:s6+$0x1F0]  }
0xcd: {  	v1 =	vmul.f32 v1, v5;
	v0 =	vadd.f32 v4, v0;
	_ =	sdelay $0x1  }
0xce: {  	v2 =	vmul.f32 v2, v6;
	v1 =	vadd.f32 v1, v0  }
0xcf: {  	s25 =	simm.s32 $0x80  }
0xd0: {  	v4 =	vmul.f32 v8, v7;
	v0 =	vmov s25;
	v5 =	vadd.f32 v2, v1  }
0xd1: {  	v3 =	vor.u32 $0x3, v0;
	v9 =	vor.u32 $0x4, v0  }
0xd2: {  	v8 =	vor.u32 $0x5, v0;
	v6 =	vor.u32 $0x6, v0;
	v4 =	vadd.f32 v4, v5  }
0xd3: {  	s5 =	simm.s32 $0x2;
	v7 =	vor.u32 $0x7, v0;
	v1 =	vor.u32 $0x1, v0;
	v2 =	vor.u32 $0x2, v0  }
.LBB2_2:
0xd4: {  	[tilespmem:s7+$0x30] =	vst v4;
	s7 =	sadd.s32 $0x80, s7  }
0xd5: {  	s6 =	sadd.s32 $0x400, s6;
	s10 =	smov.u32 s5;
	s9 =	sadd.s32 $0x1, s5  }
0xd6: {  	p0 =	sne.s32 s5, $0xC;
	v0 =	vld.idx.msk [tilespmem:v0+s15+$0x0], $0xffff  }
0xd7: {  	v4 =	vld [tilespmem:s6+$0xFFFFFE00]  }
0xd8: {  	v1 =	vld.idx.msk [tilespmem:v1+s15+$0x0], $0xffff  }
0xd9: {  	v5 =	vld [tilespmem:s6+$0xFFFFFE80]  }
0xda: {  	v2 =	vld.idx.msk [tilespmem:v2+s15+$0x0], $0xffff  }
0xdb: {  	v10 =	vld [tilespmem:s6+$0xFFFFFF00]  }
0xdc: {  	v3 =	vld.idx.msk [tilespmem:v3+s15+$0x0], $0xffff;
	v11 =	vmul.f32 v4, v0  }
0xdd: {  	v12 =	vld [tilespmem:s6+$0xFFFFFF80]  }
0xde: {  	v4 =	vld.idx.msk [tilespmem:v9+s15+$0x0], $0xffff;
	v9 =	vadd.f32 $0.0e+00, v11;
	v11 =	vmul.f32 v5, v1  }
0xdf: {  	v13 =	vld [tilespmem:s6+$0x0]  }
0xe0: {  	v5 =	vld.idx.msk [tilespmem:v8+s15+$0x0], $0xffff;
	v8 =	vadd.f32 v11, v9;
	v9 =	vmul.f32 v10, v2  }
0xe1: {  	v10 =	vld [tilespmem:s6+$0x80]  }
0xe2: {  	v6 =	vld.idx.msk [tilespmem:v6+s15+$0x0], $0xffff;
	v8 =	vadd.f32 v9, v8;
	v9 =	vmul.f32 v12, v3  }
0xe3: {  	v11 =	vld [tilespmem:s6+$0x100]  }
0xe4: {  	v7 =	vld.idx.msk [tilespmem:v7+s15+$0x0], $0xffff;
	v8 =	vadd.f32 v9, v8;
	v9 =	vmul.f32 v13, v4  }
0xe5: {  	v12 =	vld [tilespmem:s6+$0x180]  }
0xe6: {  	v8 =	vadd.f32 v9, v8;
	v9 =	vmul.f32 v10, v5;
	_ =	sdelay $0x1  }
0xe7: {  	v8 =	vadd.f32 v9, v8;
	v9 =	vmul.f32 v11, v6;
	_ =	sdelay $0x1  }
0xe8: {  	v8 =	vadd.f32 v9, v8;
	v9 =	vmul.f32 v12, v7;
	_ =	sdelay $0x1  }
0xe9: {  	v8 =	vadd.f32 v9, v8;
	_ =	sdelay $0x1  }
0xea: {  	[tilespmem:s7+$0xFFFFFFC0] =	vst v8  }
0xeb: {  	v8 =	vld [tilespmem:s6+$0xFFFFFE10];
	_ =	sdelay $0x1  }
0xec: {  	v9 =	vld [tilespmem:s6+$0xFFFFFE90];
	_ =	sdelay $0x1  }
0xed: {  	v10 =	vld [tilespmem:s6+$0xFFFFFF10]  }
0xee: {  	v8 =	vmul.f32 v8, v0  }
0xef: {  	v11 =	vld [tilespmem:s6+$0xFFFFFF90]  }
0xf0: {  	v8 =	vadd.f32 $0.0e+00, v8;
	v9 =	vmul.f32 v9, v1  }
0xf1: {  	v12 =	vld [tilespmem:s6+$0x10]  }
0xf2: {  	v8 =	vadd.f32 v9, v8;
	v9 =	vmul.f32 v10, v2  }
0xf3: {  	v10 =	vld [tilespmem:s6+$0x90]  }
0xf4: {  	v8 =	vadd.f32 v9, v8;
	v9 =	vmul.f32 v11, v3  }
0xf5: {  	v11 =	vld [tilespmem:s6+$0x110]  }
0xf6: {  	v8 =	vadd.f32 v9, v8;
	v9 =	vmul.f32 v12, v4  }
0xf7: {  	v12 =	vld [tilespmem:s6+$0x190]  }
0xf8: {  	v8 =	vadd.f32 v9, v8;
	v9 =	vmul.f32 v10, v5;
	_ =	sdelay $0x1  }
0xf9: {  	v8 =	vadd.f32 v9, v8;
	v9 =	vmul.f32 v11, v6;
	_ =	sdelay $0x1  }
0xfa: {  	v8 =	vadd.f32 v9, v8;
	v9 =	vmul.f32 v12, v7;
	_ =	sdelay $0x1  }
0xfb: {  	v8 =	vadd.f32 v9, v8;
	_ =	sdelay $0x1  }
0xfc: {  	[tilespmem:s7+$0xFFFFFFD0] =	vst v8  }
0xfd: {  	v8 =	vld [tilespmem:s6+$0xFFFFFE20];
	_ =	sdelay $0x1  }
0xfe: {  	v9 =	vld [tilespmem:s6+$0xFFFFFEA0];
	_ =	sdelay $0x1  }
0xff: {  	v10 =	vld [tilespmem:s6+$0xFFFFFF20]  }
0x100: {  	v8 =	vmul.f32 v8, v0  }
0x101: {  	v11 =	vld [tilespmem:s6+$0xFFFFFFA0]  }
0x102: {  	v8 =	vadd.f32 $0.0e+00, v8;
	v9 =	vmul.f32 v9, v1  }
0x103: {  	v12 =	vld [tilespmem:s6+$0x20]  }
0x104: {  	v8 =	vadd.f32 v9, v8;
	v9 =	vmul.f32 v10, v2  }
0x105: {  	v10 =	vld [tilespmem:s6+$0xA0]  }
0x106: {  	v8 =	vadd.f32 v9, v8;
	v9 =	vmul.f32 v11, v3  }
0x107: {  	v11 =	vld [tilespmem:s6+$0x120]  }
0x108: {  	v8 =	vadd.f32 v9, v8;
	v9 =	vmul.f32 v12, v4  }
0x109: {  	v12 =	vld [tilespmem:s6+$0x1A0]  }
0x10a: {  	v8 =	vadd.f32 v9, v8;
	v9 =	vmul.f32 v10, v5;
	_ =	sdelay $0x1  }
0x10b: {  	v8 =	vadd.f32 v9, v8;
	v9 =	vmul.f32 v11, v6;
	_ =	sdelay $0x1  }
0x10c: {  	v8 =	vadd.f32 v9, v8;
	v9 =	vmul.f32 v12, v7;
	_ =	sdelay $0x1  }
0x10d: {  	v8 =	vadd.f32 v9, v8;
	_ =	sdelay $0x1  }
0x10e: {  	[tilespmem:s7+$0xFFFFFFE0] =	vst v8  }
0x10f: {  	v8 =	vld [tilespmem:s6+$0xFFFFFE30];
	_ =	sdelay $0x1  }
0x110: {  	v9 =	vld [tilespmem:s6+$0xFFFFFEB0];
	_ =	sdelay $0x1  }
0x111: {  	v10 =	vld [tilespmem:s6+$0xFFFFFF30]  }
0x112: {  	v8 =	vmul.f32 v8, v0  }
0x113: {  	v11 =	vld [tilespmem:s6+$0xFFFFFFB0]  }
0x114: {  	v8 =	vadd.f32 $0.0e+00, v8;
	v9 =	vmul.f32 v9, v1  }
0x115: {  	v12 =	vld [tilespmem:s6+$0x30]  }
0x116: {  	v8 =	vadd.f32 v9, v8;
	v9 =	vmul.f32 v10, v2  }
0x117: {  	v10 =	vld [tilespmem:s6+$0xB0]  }
0x118: {  	v8 =	vadd.f32 v9, v8;
	v9 =	vmul.f32 v11, v3  }
0x119: {  	v11 =	vld [tilespmem:s6+$0x130]  }
0x11a: {  	v8 =	vadd.f32 v9, v8;
	v9 =	vmul.f32 v12, v4  }
0x11b: {  	v12 =	vld [tilespmem:s6+$0x1B0]  }
0x11c: {  	v8 =	vadd.f32 v9, v8;
	v9 =	vmul.f32 v10, v5;
	_ =	sdelay $0x1  }
0x11d: {  	v8 =	vadd.f32 v9, v8;
	v9 =	vmul.f32 v11, v6;
	_ =	sdelay $0x1  }
0x11e: {  	v8 =	vadd.f32 v9, v8;
	v9 =	vmul.f32 v12, v7;
	_ =	sdelay $0x1  }
0x11f: {  	v8 =	vadd.f32 v9, v8;
	_ =	sdelay $0x1  }
0x120: {  	[tilespmem:s7+$0xFFFFFFF0] =	vst v8  }
0x121: {  	v8 =	vld [tilespmem:s6+$0xFFFFFE40];
	_ =	sdelay $0x1  }
0x122: {  	v9 =	vld [tilespmem:s6+$0xFFFFFEC0];
	_ =	sdelay $0x1  }
0x123: {  	v10 =	vld [tilespmem:s6+$0xFFFFFF40]  }
0x124: {  	v8 =	vmul.f32 v8, v0  }
0x125: {  	v11 =	vld [tilespmem:s6+$0xFFFFFFC0]  }
0x126: {  	v8 =	vadd.f32 $0.0e+00, v8;
	v9 =	vmul.f32 v9, v1  }
0x127: {  	v12 =	vld [tilespmem:s6+$0x40]  }
0x128: {  	v8 =	vadd.f32 v9, v8;
	v9 =	vmul.f32 v10, v2  }
0x129: {  	v10 =	vld [tilespmem:s6+$0xC0]  }
0x12a: {  	v8 =	vadd.f32 v9, v8;
	v9 =	vmul.f32 v11, v3  }
0x12b: {  	v11 =	vld [tilespmem:s6+$0x140]  }
0x12c: {  	v8 =	vadd.f32 v9, v8;
	v9 =	vmul.f32 v12, v4  }
0x12d: {  	v12 =	vld [tilespmem:s6+$0x1C0]  }
0x12e: {  	v8 =	vadd.f32 v9, v8;
	v9 =	vmul.f32 v10, v5;
	_ =	sdelay $0x1  }
0x12f: {  	v8 =	vadd.f32 v9, v8;
	v9 =	vmul.f32 v11, v6;
	_ =	sdelay $0x1  }
0x130: {  	v8 =	vadd.f32 v9, v8;
	v9 =	vmul.f32 v12, v7;
	_ =	sdelay $0x1  }
0x131: {  	v8 =	vadd.f32 v9, v8;
	_ =	sdelay $0x1  }
0x132: {  	[tilespmem:s7+$0x0] =	vst v8  }
0x133: {  	v8 =	vld [tilespmem:s6+$0xFFFFFE50]  }
0x134: {  	v9 =	vld [tilespmem:s6+$0xFFFFFED0]  }
0x135: {  	v10 =	vld [tilespmem:s6+$0xFFFFFF50]  }
0x136: {  	v11 =	vld [tilespmem:s6+$0xFFFFFFD0]  }
0x137: {  	v12 =	vld [tilespmem:s6+$0x50]  }
0x138: {  	v8 =	vmul.f32 v8, v0;
	v13 =	vld [tilespmem:s6+$0xD0]  }
0x139: {  	v9 =	vmul.f32 v9, v1;
	v14 =	vld [tilespmem:s6+$0x150]  }
0x13a: {  	v8 =	vadd.f32 $0.0e+00, v8;
	v10 =	vmul.f32 v10, v2;
	v15 =	vld [tilespmem:s6+$0x1D0]  }
0x13b: {  	v11 =	vmul.f32 v11, v3  }
0x13c: {  	v8 =	vadd.f32 v9, v8;
	v9 =	vmul.f32 v12, v4  }
0x13d: {  	v12 =	vmul.f32 v13, v5  }
0x13e: {  	v8 =	vadd.f32 v10, v8;
	v10 =	vmul.f32 v14, v6  }
0x13f: {  	v13 =	vmul.f32 v15, v7  }
0x140: {  	v8 =	vadd.f32 v11, v8;
	_ =	sdelay $0x1  }
0x141: {  	v8 =	vadd.f32 v9, v8;
	_ =	sdelay $0x1  }
0x142: {  	v8 =	vadd.f32 v12, v8;
	_ =	sdelay $0x1  }
0x143: {  	v8 =	vadd.f32 v10, v8;
	_ =	sdelay $0x1  }
0x144: {  	v8 =	vadd.f32 v13, v8;
	_ =	sdelay $0x1  }
0x145: {  	[tilespmem:s7+$0x10] =	vst v8  }
0x146: {  	v8 =	vld [tilespmem:s6+$0xFFFFFE60]  }
0x147: {  	v9 =	vld [tilespmem:s6+$0xFFFFFEE0]  }
0x148: {  	v10 =	vld [tilespmem:s6+$0xFFFFFF60]  }
0x149: {  	v11 =	vld [tilespmem:s6+$0xFFFFFFE0]  }
0x14a: {  	v12 =	vld [tilespmem:s6+$0x60]  }
0x14b: {  	v8 =	vmul.f32 v8, v0;
	v13 =	vld [tilespmem:s6+$0xE0]  }
0x14c: {  	v9 =	vmul.f32 v9, v1;
	v14 =	vld [tilespmem:s6+$0x160]  }
0x14d: {  	v8 =	vadd.f32 $0.0e+00, v8;
	v10 =	vmul.f32 v10, v2;
	v15 =	vld [tilespmem:s6+$0x1E0]  }
0x14e: {  	v11 =	vmul.f32 v11, v3  }
0x14f: {  	v8 =	vadd.f32 v9, v8;
	v9 =	vmul.f32 v12, v4  }
0x150: {  	v12 =	vmul.f32 v13, v5  }
0x151: {  	v8 =	vadd.f32 v10, v8;
	v10 =	vmul.f32 v14, v6  }
0x152: {  	v13 =	vmul.f32 v15, v7  }
0x153: {  	v8 =	vadd.f32 v11, v8;
	_ =	sdelay $0x1  }
0x154: {  	v8 =	vadd.f32 v9, v8;
	_ =	sdelay $0x1  }
0x155: {  	v8 =	vadd.f32 v12, v8;
	_ =	sdelay $0x1  }
0x156: {  	v8 =	vadd.f32 v10, v8;
	_ =	sdelay $0x1  }
0x157: {  	v8 =	vadd.f32 v13, v8;
	_ =	sdelay $0x1  }
0x158: {  	[tilespmem:s7+$0x20] =	vst v8  }
0x159: {  	v8 =	vld [tilespmem:s6+$0xFFFFFE70]  }
0x15a: {  	v9 =	vld [tilespmem:s6+$0xFFFFFEF0]  }
0x15b: {  	v10 =	vld [tilespmem:s6+$0xFFFFFF70]  }
0x15c: {  	v11 =	vld [tilespmem:s6+$0xFFFFFFF0]  }
0x15d: {  	v12 =	vld [tilespmem:s6+$0x70]  }
0x15e: {  	v0 =	vmul.f32 v8, v0;
	v8 =	vld [tilespmem:s6+$0xF0]  }
0x15f: {  	v1 =	vmul.f32 v9, v1;
	v9 =	vld [tilespmem:s6+$0x170]  }
0x160: {  	v0 =	vadd.f32 $0.0e+00, v0;
	v2 =	vmul.f32 v10, v2;
	v10 =	vld [tilespmem:s6+$0x1F0]  }
0x161: {  	v3 =	vmul.f32 v11, v3  }
0x162: {  	v0 =	vadd.f32 v1, v0;
	v1 =	vmul.f32 v12, v4  }
0x163: {  	v4 =	vmul.f32 v8, v5  }
0x164: {  	v0 =	vadd.f32 v2, v0;
	v2 =	vmul.f32 v9, v6  }
0x165: {  	v5 =	vmul.f32 v10, v7  }
0x166: {  	v0 =	vadd.f32 v3, v0;
	_ =	sdelay $0x1  }
0x167: {  	v0 =	vadd.f32 v1, v0;
	_ =	sdelay $0x1  }
0x168: {  	v1 =	vadd.f32 v4, v0  }
.Ltmp2:
0x169: {  	s5 =	sshll.u32 s10, $0x7;
	(pc) =	sbr.rel @p0 .LBB2_2-.Ltmp2, $4  }
0x16a: {  	v0 =	vmov s5;
	v4 =	vadd.f32 v2, v1  }
0x16b: {  	v3 =	vor.u32 $0x3, v0;
	v1 =	vor.u32 $0x1, v0;
	v2 =	vor.u32 $0x2, v0  }
0x16c: {  	v9 =	vor.u32 $0x4, v0;
	v8 =	vor.u32 $0x5, v0;
	v4 =	vadd.f32 v5, v4  }
0x16d: {  	s5 =	smov.u32 s9;
	v6 =	vor.u32 $0x6, v0;
	v7 =	vor.u32 $0x7, v0  }
0x16e: {  	_ =	sdelay $0x2  }
0x16f: {  	[tilespmem:s7+$0x30] =	vst v4  }
0x170: {  	s6 =	sadd.s32 $0x400, s6;
	v4 =	vld.idx.msk [tilespmem:v0+s15+$0x0], $0xffff  }
0x171: {  	v10 =	vld [tilespmem:s6+$0xFFFFFE00]  }
0x172: {  	v5 =	vld.idx.msk [tilespmem:v1+s15+$0x0], $0xffff  }
0x173: {  	v11 =	vld [tilespmem:s6+$0xFFFFFE80]  }
0x174: {  	v2 =	vld.idx.msk [tilespmem:v2+s15+$0x0], $0xffff  }
0x175: {  	v12 =	vld [tilespmem:s6+$0xFFFFFF00]  }
0x176: {  	v0 =	vld.idx.msk [tilespmem:v3+s15+$0x0], $0xffff;
	v3 =	vmul.f32 v10, v4  }
0x177: {  	v10 =	vld [tilespmem:s6+$0xFFFFFF80]  }
0x178: {  	v1 =	vld.idx.msk [tilespmem:v9+s15+$0x0], $0xffff;
	v11 =	vmul.f32 v11, v5;
	v9 =	vadd.f32 $0.0e+00, v3  }
0x179: {  	v13 =	vld [tilespmem:s6+$0x0]  }
0x17a: {  	v3 =	vld.idx.msk [tilespmem:v8+s15+$0x0], $0xffff;
	v8 =	vadd.f32 v11, v9;
	v9 =	vmul.f32 v12, v2  }
0x17b: {  	v11 =	vld [tilespmem:s6+$0x80]  }
0x17c: {  	v6 =	vld.idx.msk [tilespmem:v6+s15+$0x0], $0xffff;
	v8 =	vadd.f32 v9, v8;
	v9 =	vmul.f32 v10, v0  }
0x17d: {  	v10 =	vld [tilespmem:s6+$0x100]  }
0x17e: {  	v7 =	vld.idx.msk [tilespmem:v7+s15+$0x0], $0xffff;
	v8 =	vadd.f32 v9, v8;
	v9 =	vmul.f32 v13, v1  }
0x17f: {  	v40 =	vld [tilespmem:s6+$0x180]  }
0x180: {  	v8 =	vadd.f32 v9, v8;
	v9 =	vmul.f32 v11, v3;
	_ =	sdelay $0x1  }
0x181: {  	v8 =	vadd.f32 v9, v8;
	v9 =	vmul.f32 v10, v6;
	_ =	sdelay $0x1  }
0x182: {  	v8 =	vadd.f32 v9, v8;
	v9 =	vmul.f32 v40, v7;
	_ =	sdelay $0x1  }
0x183: {  	v8 =	vadd.f32 v9, v8  }
0x184: {  	s5 =	sadd.s32 $0x80, s7  }
0x185: {  	[tilespmem:s5+$0xFFFFFFC0] =	vst v8  }
0x186: {  	v8 =	vld [tilespmem:s6+$0xFFFFFE10];
	_ =	sdelay $0x1  }
0x187: {  	v9 =	vld [tilespmem:s6+$0xFFFFFE90];
	_ =	sdelay $0x1  }
0x188: {  	v10 =	vld [tilespmem:s6+$0xFFFFFF10]  }
0x189: {  	v8 =	vmul.f32 v8, v4  }
0x18a: {  	v11 =	vld [tilespmem:s6+$0xFFFFFF90]  }
0x18b: {  	v9 =	vmul.f32 v9, v5;
	v8 =	vadd.f32 $0.0e+00, v8  }
0x18c: {  	v41 =	vld [tilespmem:s6+$0x10]  }
0x18d: {  	v8 =	vadd.f32 v9, v8;
	v9 =	vmul.f32 v10, v2  }
0x18e: {  	v10 =	vld [tilespmem:s6+$0x90]  }
0x18f: {  	v8 =	vadd.f32 v9, v8;
	v9 =	vmul.f32 v11, v0  }
0x190: {  	v11 =	vld [tilespmem:s6+$0x110]  }
0x191: {  	v8 =	vadd.f32 v9, v8;
	v9 =	vmul.f32 v41, v1  }
0x192: {  	v42 =	vld [tilespmem:s6+$0x190]  }
0x193: {  	v8 =	vadd.f32 v9, v8;
	v9 =	vmul.f32 v10, v3;
	_ =	sdelay $0x1  }
0x194: {  	v8 =	vadd.f32 v9, v8;
	v9 =	vmul.f32 v11, v6;
	_ =	sdelay $0x1  }
0x195: {  	v8 =	vadd.f32 v9, v8;
	v9 =	vmul.f32 v42, v7;
	_ =	sdelay $0x1  }
0x196: {  	v8 =	vadd.f32 v9, v8;
	_ =	sdelay $0x1  }
0x197: {  	[tilespmem:s5+$0xFFFFFFD0] =	vst v8  }
0x198: {  	v8 =	vld [tilespmem:s6+$0xFFFFFE20];
	_ =	sdelay $0x1  }
0x199: {  	v9 =	vld [tilespmem:s6+$0xFFFFFEA0];
	_ =	sdelay $0x1  }
0x19a: {  	v10 =	vld [tilespmem:s6+$0xFFFFFF20]  }
0x19b: {  	v8 =	vmul.f32 v8, v4  }
0x19c: {  	v11 =	vld [tilespmem:s6+$0xFFFFFFA0]  }
0x19d: {  	v9 =	vmul.f32 v9, v5;
	v8 =	vadd.f32 $0.0e+00, v8  }
0x19e: {  	v43 =	vld [tilespmem:s6+$0x20]  }
0x19f: {  	v8 =	vadd.f32 v9, v8;
	v9 =	vmul.f32 v10, v2  }
0x1a0: {  	v10 =	vld [tilespmem:s6+$0xA0]  }
0x1a1: {  	v8 =	vadd.f32 v9, v8;
	v9 =	vmul.f32 v11, v0  }
0x1a2: {  	v11 =	vld [tilespmem:s6+$0x120]  }
0x1a3: {  	v8 =	vadd.f32 v9, v8;
	v9 =	vmul.f32 v43, v1  }
0x1a4: {  	v44 =	vld [tilespmem:s6+$0x1A0]  }
0x1a5: {  	v8 =	vadd.f32 v9, v8;
	v9 =	vmul.f32 v10, v3;
	_ =	sdelay $0x1  }
0x1a6: {  	v8 =	vadd.f32 v9, v8;
	v9 =	vmul.f32 v11, v6;
	_ =	sdelay $0x1  }
0x1a7: {  	v8 =	vadd.f32 v9, v8;
	v9 =	vmul.f32 v44, v7;
	_ =	sdelay $0x1  }
0x1a8: {  	v8 =	vadd.f32 v9, v8;
	_ =	sdelay $0x1  }
0x1a9: {  	[tilespmem:s5+$0xFFFFFFE0] =	vst v8  }
0x1aa: {  	v8 =	vld [tilespmem:s6+$0xFFFFFE30];
	_ =	sdelay $0x1  }
0x1ab: {  	v9 =	vld [tilespmem:s6+$0xFFFFFEB0];
	_ =	sdelay $0x1  }
0x1ac: {  	v10 =	vld [tilespmem:s6+$0xFFFFFF30]  }
0x1ad: {  	v8 =	vmul.f32 v8, v4  }
0x1ae: {  	v11 =	vld [tilespmem:s6+$0xFFFFFFB0]  }
0x1af: {  	v9 =	vmul.f32 v9, v5;
	v8 =	vadd.f32 $0.0e+00, v8  }
0x1b0: {  	v45 =	vld [tilespmem:s6+$0x30]  }
0x1b1: {  	v8 =	vadd.f32 v9, v8;
	v9 =	vmul.f32 v10, v2  }
0x1b2: {  	v10 =	vld [tilespmem:s6+$0xB0]  }
0x1b3: {  	v8 =	vadd.f32 v9, v8;
	v9 =	vmul.f32 v11, v0  }
0x1b4: {  	v11 =	vld [tilespmem:s6+$0x130]  }
0x1b5: {  	v8 =	vadd.f32 v9, v8;
	v9 =	vmul.f32 v45, v1  }
0x1b6: {  	v46 =	vld [tilespmem:s6+$0x1B0]  }
0x1b7: {  	v8 =	vadd.f32 v9, v8;
	v9 =	vmul.f32 v10, v3;
	_ =	sdelay $0x1  }
0x1b8: {  	v8 =	vadd.f32 v9, v8;
	v9 =	vmul.f32 v11, v6;
	_ =	sdelay $0x1  }
0x1b9: {  	v8 =	vadd.f32 v9, v8;
	v9 =	vmul.f32 v46, v7;
	_ =	sdelay $0x1  }
0x1ba: {  	v8 =	vadd.f32 v9, v8;
	_ =	sdelay $0x1  }
0x1bb: {  	[tilespmem:s5+$0xFFFFFFF0] =	vst v8  }
0x1bc: {  	v8 =	vld [tilespmem:s6+$0xFFFFFE40];
	_ =	sdelay $0x1  }
0x1bd: {  	v9 =	vld [tilespmem:s6+$0xFFFFFEC0];
	_ =	sdelay $0x1  }
0x1be: {  	v10 =	vld [tilespmem:s6+$0xFFFFFF40]  }
0x1bf: {  	v8 =	vmul.f32 v8, v4  }
0x1c0: {  	v11 =	vld [tilespmem:s6+$0xFFFFFFC0]  }
0x1c1: {  	v9 =	vmul.f32 v9, v5;
	v8 =	vadd.f32 $0.0e+00, v8  }
0x1c2: {  	v47 =	vld [tilespmem:s6+$0x40]  }
0x1c3: {  	v8 =	vadd.f32 v9, v8;
	v9 =	vmul.f32 v10, v2  }
0x1c4: {  	v10 =	vld [tilespmem:s6+$0xC0]  }
0x1c5: {  	v8 =	vadd.f32 v9, v8;
	v9 =	vmul.f32 v11, v0  }
0x1c6: {  	v11 =	vld [tilespmem:s6+$0x140]  }
0x1c7: {  	v8 =	vadd.f32 v9, v8;
	v9 =	vmul.f32 v47, v1  }
0x1c8: {  	v48 =	vld [tilespmem:s6+$0x1C0]  }
0x1c9: {  	v8 =	vadd.f32 v9, v8;
	v9 =	vmul.f32 v10, v3;
	_ =	sdelay $0x1  }
0x1ca: {  	v8 =	vadd.f32 v9, v8;
	v9 =	vmul.f32 v11, v6;
	_ =	sdelay $0x1  }
0x1cb: {  	v8 =	vadd.f32 v9, v8;
	v9 =	vmul.f32 v48, v7;
	_ =	sdelay $0x1  }
0x1cc: {  	v8 =	vadd.f32 v9, v8;
	_ =	sdelay $0x1  }
0x1cd: {  	[tilespmem:s5+$0x0] =	vst v8  }
0x1ce: {  	v8 =	vld [tilespmem:s6+$0xFFFFFE50];
	_ =	sdelay $0x1  }
0x1cf: {  	v9 =	vld [tilespmem:s6+$0xFFFFFED0];
	_ =	sdelay $0x1  }
0x1d0: {  	v10 =	vld [tilespmem:s6+$0xFFFFFF50]  }
0x1d1: {  	v8 =	vmul.f32 v8, v4  }
0x1d2: {  	v11 =	vld [tilespmem:s6+$0xFFFFFFD0]  }
0x1d3: {  	v9 =	vmul.f32 v9, v5;
	v8 =	vadd.f32 $0.0e+00, v8  }
0x1d4: {  	v49 =	vld [tilespmem:s6+$0x50]  }
0x1d5: {  	v10 =	vmul.f32 v10, v2;
	v8 =	vadd.f32 v9, v8  }
0x1d6: {  	v9 =	vld [tilespmem:s6+$0xD0]  }
0x1d7: {  	v11 =	vmul.f32 v11, v0;
	v8 =	vadd.f32 v10, v8  }
0x1d8: {  	v10 =	vld [tilespmem:s6+$0x150]  }
0x1d9: {  	v12 =	vmul.f32 v49, v1;
	v8 =	vadd.f32 v11, v8  }
0x1da: {  	v11 =	vld [tilespmem:s6+$0x1D0]  }
0x1db: {  	v9 =	vmul.f32 v9, v3;
	v8 =	vadd.f32 v12, v8;
	_ =	sdelay $0x1  }
0x1dc: {  	v10 =	vmul.f32 v10, v6;
	v8 =	vadd.f32 v9, v8;
	_ =	sdelay $0x1  }
0x1dd: {  	v9 =	vmul.f32 v11, v7;
	v8 =	vadd.f32 v10, v8;
	_ =	sdelay $0x1  }
0x1de: {  	v8 =	vadd.f32 v9, v8;
	_ =	sdelay $0x1  }
0x1df: {  	[tilespmem:s5+$0x10] =	vst v8  }
0x1e0: {  	v8 =	vld [tilespmem:s6+$0xFFFFFE60];
	_ =	sdelay $0x1  }
0x1e1: {  	v9 =	vld [tilespmem:s6+$0xFFFFFEE0];
	_ =	sdelay $0x1  }
0x1e2: {  	v10 =	vld [tilespmem:s6+$0xFFFFFF60]  }
0x1e3: {  	v8 =	vmul.f32 v8, v4  }
0x1e4: {  	v11 =	vld [tilespmem:s6+$0xFFFFFFE0]  }
0x1e5: {  	v9 =	vmul.f32 v9, v5;
	v8 =	vadd.f32 $0.0e+00, v8  }
0x1e6: {  	v50 =	vld [tilespmem:s6+$0x60]  }
0x1e7: {  	v10 =	vmul.f32 v10, v2;
	v8 =	vadd.f32 v9, v8  }
0x1e8: {  	v9 =	vld [tilespmem:s6+$0xE0]  }
0x1e9: {  	v11 =	vmul.f32 v11, v0;
	v8 =	vadd.f32 v10, v8  }
0x1ea: {  	v10 =	vld [tilespmem:s6+$0x160]  }
0x1eb: {  	v12 =	vmul.f32 v50, v1;
	v8 =	vadd.f32 v11, v8  }
0x1ec: {  	v11 =	vld [tilespmem:s6+$0x1E0]  }
0x1ed: {  	v9 =	vmul.f32 v9, v3;
	v8 =	vadd.f32 v12, v8;
	_ =	sdelay $0x1  }
0x1ee: {  	v10 =	vmul.f32 v10, v6;
	v8 =	vadd.f32 v9, v8;
	_ =	sdelay $0x1  }
0x1ef: {  	v9 =	vmul.f32 v11, v7;
	v8 =	vadd.f32 v10, v8;
	_ =	sdelay $0x1  }
0x1f0: {  	v8 =	vadd.f32 v9, v8;
	_ =	sdelay $0x1  }
0x1f1: {  	[tilespmem:s5+$0x20] =	vst v8  }
0x1f2: {  	v8 =	vld [tilespmem:s6+$0xFFFFFE70];
	_ =	sdelay $0x1  }
0x1f3: {  	v9 =	vld [tilespmem:s6+$0xFFFFFEF0];
	_ =	sdelay $0x1  }
0x1f4: {  	v10 =	vld [tilespmem:s6+$0xFFFFFF70]  }
0x1f5: {  	v4 =	vmul.f32 v8, v4  }
0x1f6: {  	v8 =	vld [tilespmem:s6+$0xFFFFFFF0]  }
0x1f7: {  	v5 =	vmul.f32 v9, v5;
	v4 =	vadd.f32 $0.0e+00, v4  }
0x1f8: {  	v9 =	vld [tilespmem:s6+$0x70]  }
0x1f9: {  	v2 =	vmul.f32 v10, v2;
	v4 =	vadd.f32 v5, v4  }
0x1fa: {  	v5 =	vld [tilespmem:s6+$0xF0]  }
0x1fb: {  	v0 =	vmul.f32 v8, v0;
	v2 =	vadd.f32 v2, v4  }
0x1fc: {  	v4 =	vld [tilespmem:s6+$0x170]  }
0x1fd: {  	v1 =	vmul.f32 v9, v1;
	v0 =	vadd.f32 v0, v2  }
0x1fe: {  	v2 =	vld [tilespmem:s6+$0x1F0]  }
0x1ff: {  	v3 =	vmul.f32 v5, v3;
	v0 =	vadd.f32 v1, v0;
	_ =	sdelay $0x1  }
0x200: {  	v1 =	vmul.f32 v4, v6;
	v0 =	vadd.f32 v3, v0  }
0x201: {  	s23 =	simm.s32 $0x680  }
0x202: {  	v5 =	vmov s23;
	v2 =	vmul.f32 v2, v7;
	v0 =	vadd.f32 v1, v0;
	_ =	sdelay $0x1  }
0x203: {  	v1 =	vor.u32 $0x1, v5;
	v0 =	vadd.f32 v2, v0;
	_ =	sdelay $0x1  }
0x204: {  	[tilespmem:s5+$0x30] =	vst v0  }
0x205: {  	s6 =	simm.s32 $0xEF80;
	v2 =	vor.u32 $0x2, v5;
	v0 =	vld.idx.msk [tilespmem:v5+s15+$0x0], $0xffff  }
0x206: {  	v3 =	vor.u32 $0x3, v5;
	v4 =	vld [tilespmem:s6+$0xFFFFFE00]  }
0x207: {  	v1 =	vld.idx.msk [tilespmem:v1+s15+$0x0], $0xffff  }
0x208: {  	v6 =	vor.u32 $0x4, v5;
	v7 =	vld [tilespmem:s6+$0xFFFFFE80]  }
0x209: {  	v9 =	vld [tilespmem:s6+$0xFFFFFF00]  }
0x20a: {  	v8 =	vor.u32 $0x5, v5;
	v2 =	vld.idx.msk [tilespmem:v2+s15+$0x0], $0xffff  }
0x20b: {  	v3 =	vld.idx.msk [tilespmem:v3+s15+$0x0], $0xffff;
	v10 =	vmul.f32 v4, v0  }
0x20c: {  	v11 =	vor.u32 $0x6, v5;
	v51 =	vld [tilespmem:s6+$0xFFFFFF80]  }
0x20d: {  	v4 =	vld.idx.msk [tilespmem:v6+s15+$0x0], $0xffff;
	v7 =	vmul.f32 v7, v1;
	v6 =	vadd.f32 $0.0e+00, v10  }
0x20e: {  	v52 =	vld [tilespmem:s6+$0x0];
	v10 =	vor.u32 $0x7, v5  }
0x20f: {  	v5 =	vld.idx.msk [tilespmem:v8+s15+$0x0], $0xffff;
	v8 =	vmul.f32 v9, v2;
	v7 =	vadd.f32 v7, v6  }
0x210: {  	v9 =	vld [tilespmem:s6+$0x80]  }
0x211: {  	v6 =	vld.idx.msk [tilespmem:v11+s15+$0x0], $0xffff;
	v11 =	vmul.f32 v51, v3;
	v8 =	vadd.f32 v8, v7  }
0x212: {  	v53 =	vld [tilespmem:s6+$0x100]  }
0x213: {  	v7 =	vld.idx.msk [tilespmem:v10+s15+$0x0], $0xffff;
	v10 =	vmul.f32 v52, v4;
	v8 =	vadd.f32 v11, v8  }
0x214: {  	v11 =	vld [tilespmem:s6+$0x180]  }
0x215: {  	v9 =	vmul.f32 v9, v5;
	v8 =	vadd.f32 v10, v8;
	_ =	sdelay $0x1  }
0x216: {  	v8 =	vadd.f32 v9, v8;
	v9 =	vmul.f32 v53, v6;
	_ =	sdelay $0x1  }
0x217: {  	v8 =	vadd.f32 v9, v8;
	v9 =	vmul.f32 v11, v7;
	_ =	sdelay $0x1  }
0x218: {  	v8 =	vadd.f32 v9, v8  }
0x219: {  	s7 =	simm.s32 $0x47F0  }
0x21a: {  	[tilespmem:s7+$0xFFFFFF90] =	vst v8  }
0x21b: {  	v8 =	vld [tilespmem:s6+$0xFFFFFE10];
	_ =	sdelay $0x1  }
0x21c: {  	v9 =	vld [tilespmem:s6+$0xFFFFFE90];
	_ =	sdelay $0x1  }
0x21d: {  	v10 =	vld [tilespmem:s6+$0xFFFFFF10]  }
0x21e: {  	v8 =	vmul.f32 v8, v0  }
0x21f: {  	v11 =	vld [tilespmem:s6+$0xFFFFFF90]  }
0x220: {  	v9 =	vmul.f32 v9, v1;
	v8 =	vadd.f32 $0.0e+00, v8  }
0x221: {  	v54 =	vld [tilespmem:s6+$0x10]  }
0x222: {  	v8 =	vadd.f32 v9, v8;
	v9 =	vmul.f32 v10, v2  }
0x223: {  	v10 =	vld [tilespmem:s6+$0x90]  }
0x224: {  	v8 =	vadd.f32 v9, v8;
	v9 =	vmul.f32 v11, v3  }
0x225: {  	v11 =	vld [tilespmem:s6+$0x110]  }
0x226: {  	v8 =	vadd.f32 v9, v8;
	v9 =	vmul.f32 v54, v4  }
0x227: {  	v55 =	vld [tilespmem:s6+$0x190]  }
0x228: {  	v8 =	vadd.f32 v9, v8;
	v9 =	vmul.f32 v10, v5;
	_ =	sdelay $0x1  }
0x229: {  	v8 =	vadd.f32 v9, v8;
	v9 =	vmul.f32 v11, v6;
	_ =	sdelay $0x1  }
0x22a: {  	v8 =	vadd.f32 v9, v8;
	v9 =	vmul.f32 v55, v7;
	_ =	sdelay $0x1  }
0x22b: {  	v8 =	vadd.f32 v9, v8;
	_ =	sdelay $0x1  }
0x22c: {  	[tilespmem:s7+$0xFFFFFFA0] =	vst v8  }
0x22d: {  	v8 =	vld [tilespmem:s6+$0xFFFFFE20];
	_ =	sdelay $0x1  }
0x22e: {  	v9 =	vld [tilespmem:s6+$0xFFFFFEA0];
	_ =	sdelay $0x1  }
0x22f: {  	v10 =	vld [tilespmem:s6+$0xFFFFFF20]  }
0x230: {  	v8 =	vmul.f32 v8, v0  }
0x231: {  	v11 =	vld [tilespmem:s6+$0xFFFFFFA0]  }
0x232: {  	v9 =	vmul.f32 v9, v1;
	v8 =	vadd.f32 $0.0e+00, v8  }
0x233: {  	v56 =	vld [tilespmem:s6+$0x20]  }
0x234: {  	v8 =	vadd.f32 v9, v8;
	v9 =	vmul.f32 v10, v2  }
0x235: {  	v10 =	vld [tilespmem:s6+$0xA0]  }
0x236: {  	v8 =	vadd.f32 v9, v8;
	v9 =	vmul.f32 v11, v3  }
0x237: {  	v11 =	vld [tilespmem:s6+$0x120]  }
0x238: {  	v8 =	vadd.f32 v9, v8;
	v9 =	vmul.f32 v56, v4  }
0x239: {  	v57 =	vld [tilespmem:s6+$0x1A0]  }
0x23a: {  	v8 =	vadd.f32 v9, v8;
	v9 =	vmul.f32 v10, v5;
	_ =	sdelay $0x1  }
0x23b: {  	v8 =	vadd.f32 v9, v8;
	v9 =	vmul.f32 v11, v6;
	_ =	sdelay $0x1  }
0x23c: {  	v8 =	vadd.f32 v9, v8;
	v9 =	vmul.f32 v57, v7;
	_ =	sdelay $0x1  }
0x23d: {  	v8 =	vadd.f32 v9, v8;
	_ =	sdelay $0x1  }
0x23e: {  	[tilespmem:s7+$0xFFFFFFB0] =	vst v8  }
0x23f: {  	v8 =	vld [tilespmem:s6+$0xFFFFFE30];
	_ =	sdelay $0x1  }
0x240: {  	v9 =	vld [tilespmem:s6+$0xFFFFFEB0];
	_ =	sdelay $0x1  }
0x241: {  	v10 =	vld [tilespmem:s6+$0xFFFFFF30]  }
0x242: {  	v8 =	vmul.f32 v8, v0  }
0x243: {  	v11 =	vld [tilespmem:s6+$0xFFFFFFB0]  }
0x244: {  	v9 =	vmul.f32 v9, v1;
	v8 =	vadd.f32 $0.0e+00, v8  }
0x245: {  	v58 =	vld [tilespmem:s6+$0x30]  }
0x246: {  	v8 =	vadd.f32 v9, v8;
	v9 =	vmul.f32 v10, v2  }
0x247: {  	v10 =	vld [tilespmem:s6+$0xB0]  }
0x248: {  	v8 =	vadd.f32 v9, v8;
	v9 =	vmul.f32 v11, v3  }
0x249: {  	v11 =	vld [tilespmem:s6+$0x130]  }
0x24a: {  	v8 =	vadd.f32 v9, v8;
	v9 =	vmul.f32 v58, v4  }
0x24b: {  	v59 =	vld [tilespmem:s6+$0x1B0]  }
0x24c: {  	v8 =	vadd.f32 v9, v8;
	v9 =	vmul.f32 v10, v5;
	_ =	sdelay $0x1  }
0x24d: {  	v8 =	vadd.f32 v9, v8;
	v9 =	vmul.f32 v11, v6;
	_ =	sdelay $0x1  }
0x24e: {  	v8 =	vadd.f32 v9, v8;
	v9 =	vmul.f32 v59, v7;
	_ =	sdelay $0x1  }
0x24f: {  	v8 =	vadd.f32 v9, v8;
	_ =	sdelay $0x1  }
0x250: {  	[tilespmem:s7+$0xFFFFFFC0] =	vst v8  }
0x251: {  	v8 =	vld [tilespmem:s6+$0xFFFFFE40];
	_ =	sdelay $0x1  }
0x252: {  	v9 =	vld [tilespmem:s6+$0xFFFFFEC0];
	_ =	sdelay $0x1  }
0x253: {  	v10 =	vld [tilespmem:s6+$0xFFFFFF40]  }
0x254: {  	v8 =	vmul.f32 v8, v0  }
0x255: {  	v11 =	vld [tilespmem:s6+$0xFFFFFFC0]  }
0x256: {  	v9 =	vmul.f32 v9, v1;
	v8 =	vadd.f32 $0.0e+00, v8  }
0x257: {  	v60 =	vld [tilespmem:s6+$0x40]  }
0x258: {  	v8 =	vadd.f32 v9, v8;
	v9 =	vmul.f32 v10, v2  }
0x259: {  	v10 =	vld [tilespmem:s6+$0xC0]  }
0x25a: {  	v8 =	vadd.f32 v9, v8;
	v9 =	vmul.f32 v11, v3  }
0x25b: {  	v11 =	vld [tilespmem:s6+$0x140]  }
0x25c: {  	v8 =	vadd.f32 v9, v8;
	v9 =	vmul.f32 v60, v4  }
0x25d: {  	v61 =	vld [tilespmem:s6+$0x1C0]  }
0x25e: {  	v8 =	vadd.f32 v9, v8;
	v9 =	vmul.f32 v10, v5;
	_ =	sdelay $0x1  }
0x25f: {  	v8 =	vadd.f32 v9, v8;
	v9 =	vmul.f32 v11, v6;
	_ =	sdelay $0x1  }
0x260: {  	v8 =	vadd.f32 v9, v8;
	v9 =	vmul.f32 v61, v7;
	_ =	sdelay $0x1  }
0x261: {  	v8 =	vadd.f32 v9, v8;
	_ =	sdelay $0x1  }
0x262: {  	[tilespmem:s7+$0xFFFFFFD0] =	vst v8  }
0x263: {  	v8 =	vld [tilespmem:s6+$0xFFFFFE50];
	_ =	sdelay $0x1  }
0x264: {  	v9 =	vld [tilespmem:s6+$0xFFFFFED0];
	_ =	sdelay $0x1  }
0x265: {  	v10 =	vld [tilespmem:s6+$0xFFFFFF50]  }
0x266: {  	v8 =	vmul.f32 v8, v0  }
0x267: {  	v11 =	vld [tilespmem:s6+$0xFFFFFFD0]  }
0x268: {  	v9 =	vmul.f32 v9, v1;
	v8 =	vadd.f32 $0.0e+00, v8  }
0x269: {  	v62 =	vld [tilespmem:s6+$0x50]  }
0x26a: {  	v10 =	vmul.f32 v10, v2;
	v8 =	vadd.f32 v9, v8  }
0x26b: {  	v9 =	vld [tilespmem:s6+$0xD0]  }
0x26c: {  	v11 =	vmul.f32 v11, v3;
	v8 =	vadd.f32 v10, v8  }
0x26d: {  	v10 =	vld [tilespmem:s6+$0x150]  }
0x26e: {  	v12 =	vmul.f32 v62, v4;
	v8 =	vadd.f32 v11, v8  }
0x26f: {  	v11 =	vld [tilespmem:s6+$0x1D0]  }
0x270: {  	v9 =	vmul.f32 v9, v5;
	v8 =	vadd.f32 v12, v8;
	_ =	sdelay $0x1  }
0x271: {  	v10 =	vmul.f32 v10, v6;
	v8 =	vadd.f32 v9, v8;
	_ =	sdelay $0x1  }
0x272: {  	v9 =	vmul.f32 v11, v7;
	v8 =	vadd.f32 v10, v8;
	_ =	sdelay $0x1  }
0x273: {  	v8 =	vadd.f32 v9, v8;
	_ =	sdelay $0x1  }
0x274: {  	[tilespmem:s7+$0xFFFFFFE0] =	vst v8  }
0x275: {  	v8 =	vld [tilespmem:s6+$0xFFFFFE60];
	_ =	sdelay $0x1  }
0x276: {  	v9 =	vld [tilespmem:s6+$0xFFFFFEE0];
	_ =	sdelay $0x1  }
0x277: {  	v10 =	vld [tilespmem:s6+$0xFFFFFF60]  }
0x278: {  	v8 =	vmul.f32 v8, v0  }
0x279: {  	v11 =	vld [tilespmem:s6+$0xFFFFFFE0]  }
0x27a: {  	v9 =	vmul.f32 v9, v1;
	v8 =	vadd.f32 $0.0e+00, v8  }
0x27b: {  	v63 =	vld [tilespmem:s6+$0x60]  }
0x27c: {  	v10 =	vmul.f32 v10, v2;
	v8 =	vadd.f32 v9, v8  }
0x27d: {  	v9 =	vld [tilespmem:s6+$0xE0]  }
0x27e: {  	v11 =	vmul.f32 v11, v3;
	v8 =	vadd.f32 v10, v8  }
0x27f: {  	v10 =	vld [tilespmem:s6+$0x160]  }
0x280: {  	v12 =	vmul.f32 v63, v4;
	v8 =	vadd.f32 v11, v8  }
0x281: {  	v11 =	vld [tilespmem:s6+$0x1E0]  }
0x282: {  	v9 =	vmul.f32 v9, v5;
	v8 =	vadd.f32 v12, v8;
	_ =	sdelay $0x1  }
0x283: {  	v10 =	vmul.f32 v10, v6;
	v8 =	vadd.f32 v9, v8;
	_ =	sdelay $0x1  }
0x284: {  	v9 =	vmul.f32 v11, v7;
	v8 =	vadd.f32 v10, v8;
	_ =	sdelay $0x1  }
0x285: {  	v8 =	vadd.f32 v9, v8;
	_ =	sdelay $0x1  }
0x286: {  	[tilespmem:s7+$0xFFFFFFF0] =	vst v8  }
0x287: {  	v8 =	vld [tilespmem:s6+$0xFFFFFE70];
	_ =	sdelay $0x1  }
0x288: {  	v9 =	vld [tilespmem:s6+$0xFFFFFEF0];
	_ =	sdelay $0x1  }
0x289: {  	v10 =	vld [tilespmem:s6+$0xFFFFFF70]  }
0x28a: {  	v0 =	vmul.f32 v8, v0  }
0x28b: {  	v8 =	vld [tilespmem:s6+$0xFFFFFFF0]  }
0x28c: {  	v1 =	vmul.f32 v9, v1;
	v0 =	vadd.f32 $0.0e+00, v0  }
0x28d: {  	v9 =	vld [tilespmem:s6+$0x70]  }
0x28e: {  	v2 =	vmul.f32 v10, v2;
	v0 =	vadd.f32 v1, v0  }
0x28f: {  	v1 =	vld [tilespmem:s6+$0xF0]  }
0x290: {  	v3 =	vmul.f32 v8, v3;
	v0 =	vadd.f32 v2, v0  }
0x291: {  	v2 =	vld [tilespmem:s6+$0x170]  }
0x292: {  	v4 =	vmul.f32 v9, v4;
	v0 =	vadd.f32 v3, v0  }
0x293: {  	v8 =	vld [tilespmem:s6+$0x1F0]  }
0x294: {  	v1 =	vmul.f32 v1, v5;
	v0 =	vadd.f32 v4, v0;
	_ =	sdelay $0x1  }
0x295: {  	v2 =	vmul.f32 v2, v6;
	v1 =	vadd.f32 v1, v0  }
0x296: {  	s25 =	simm.s32 $0x700  }
0x297: {  	v4 =	vmul.f32 v8, v7;
	v0 =	vmov s25;
	v5 =	vadd.f32 v2, v1  }
0x298: {  	v3 =	vor.u32 $0x3, v0;
	v9 =	vor.u32 $0x4, v0  }
0x299: {  	v8 =	vor.u32 $0x5, v0;
	v6 =	vor.u32 $0x6, v0;
	v4 =	vadd.f32 v4, v5  }
0x29a: {  	s5 =	simm.s32 $0xF;
	v7 =	vor.u32 $0x7, v0;
	v1 =	vor.u32 $0x1, v0;
	v2 =	vor.u32 $0x2, v0  }
.LBB2_4:
0x29b: {  	[tilespmem:s7+$0x0] =	vst v4;
	s7 =	sadd.s32 $0x80, s7  }
0x29c: {  	s6 =	sadd.s32 $0x400, s6;
	s10 =	smov.u32 s5;
	s9 =	sadd.s32 $0x1, s5  }
0x29d: {  	p0 =	sne.s32 s5, $0x19;
	v0 =	vld.idx.msk [tilespmem:v0+s15+$0x0], $0xffff  }
0x29e: {  	v4 =	vld [tilespmem:s6+$0xFFFFFE00]  }
0x29f: {  	v1 =	vld.idx.msk [tilespmem:v1+s15+$0x0], $0xffff  }
0x2a0: {  	v5 =	vld [tilespmem:s6+$0xFFFFFE80]  }
0x2a1: {  	v2 =	vld.idx.msk [tilespmem:v2+s15+$0x0], $0xffff  }
0x2a2: {  	v10 =	vld [tilespmem:s6+$0xFFFFFF00]  }
0x2a3: {  	v3 =	vld.idx.msk [tilespmem:v3+s15+$0x0], $0xffff;
	v11 =	vmul.f32 v4, v0  }
0x2a4: {  	v12 =	vld [tilespmem:s6+$0xFFFFFF80]  }
0x2a5: {  	v4 =	vld.idx.msk [tilespmem:v9+s15+$0x0], $0xffff;
	v9 =	vadd.f32 $0.0e+00, v11;
	v11 =	vmul.f32 v5, v1  }
0x2a6: {  	v13 =	vld [tilespmem:s6+$0x0]  }
0x2a7: {  	v5 =	vld.idx.msk [tilespmem:v8+s15+$0x0], $0xffff;
	v8 =	vadd.f32 v11, v9;
	v9 =	vmul.f32 v10, v2  }
0x2a8: {  	v10 =	vld [tilespmem:s6+$0x80]  }
0x2a9: {  	v6 =	vld.idx.msk [tilespmem:v6+s15+$0x0], $0xffff;
	v8 =	vadd.f32 v9, v8;
	v9 =	vmul.f32 v12, v3  }
0x2aa: {  	v11 =	vld [tilespmem:s6+$0x100]  }
0x2ab: {  	v7 =	vld.idx.msk [tilespmem:v7+s15+$0x0], $0xffff;
	v8 =	vadd.f32 v9, v8;
	v9 =	vmul.f32 v13, v4  }
0x2ac: {  	v12 =	vld [tilespmem:s6+$0x180]  }
0x2ad: {  	v8 =	vadd.f32 v9, v8;
	v9 =	vmul.f32 v10, v5;
	_ =	sdelay $0x1  }
0x2ae: {  	v8 =	vadd.f32 v9, v8;
	v9 =	vmul.f32 v11, v6;
	_ =	sdelay $0x1  }
0x2af: {  	v8 =	vadd.f32 v9, v8;
	v9 =	vmul.f32 v12, v7;
	_ =	sdelay $0x1  }
0x2b0: {  	v8 =	vadd.f32 v9, v8;
	_ =	sdelay $0x1  }
0x2b1: {  	[tilespmem:s7+$0xFFFFFF90] =	vst v8  }
0x2b2: {  	v8 =	vld [tilespmem:s6+$0xFFFFFE10];
	_ =	sdelay $0x1  }
0x2b3: {  	v9 =	vld [tilespmem:s6+$0xFFFFFE90];
	_ =	sdelay $0x1  }
0x2b4: {  	v10 =	vld [tilespmem:s6+$0xFFFFFF10]  }
0x2b5: {  	v8 =	vmul.f32 v8, v0  }
0x2b6: {  	v11 =	vld [tilespmem:s6+$0xFFFFFF90]  }
0x2b7: {  	v8 =	vadd.f32 $0.0e+00, v8;
	v9 =	vmul.f32 v9, v1  }
0x2b8: {  	v12 =	vld [tilespmem:s6+$0x10]  }
0x2b9: {  	v8 =	vadd.f32 v9, v8;
	v9 =	vmul.f32 v10, v2  }
0x2ba: {  	v10 =	vld [tilespmem:s6+$0x90]  }
0x2bb: {  	v8 =	vadd.f32 v9, v8;
	v9 =	vmul.f32 v11, v3  }
0x2bc: {  	v11 =	vld [tilespmem:s6+$0x110]  }
0x2bd: {  	v8 =	vadd.f32 v9, v8;
	v9 =	vmul.f32 v12, v4  }
0x2be: {  	v12 =	vld [tilespmem:s6+$0x190]  }
0x2bf: {  	v8 =	vadd.f32 v9, v8;
	v9 =	vmul.f32 v10, v5;
	_ =	sdelay $0x1  }
0x2c0: {  	v8 =	vadd.f32 v9, v8;
	v9 =	vmul.f32 v11, v6;
	_ =	sdelay $0x1  }
0x2c1: {  	v8 =	vadd.f32 v9, v8;
	v9 =	vmul.f32 v12, v7;
	_ =	sdelay $0x1  }
0x2c2: {  	v8 =	vadd.f32 v9, v8;
	_ =	sdelay $0x1  }
0x2c3: {  	[tilespmem:s7+$0xFFFFFFA0] =	vst v8  }
0x2c4: {  	v8 =	vld [tilespmem:s6+$0xFFFFFE20];
	_ =	sdelay $0x1  }
0x2c5: {  	v9 =	vld [tilespmem:s6+$0xFFFFFEA0];
	_ =	sdelay $0x1  }
0x2c6: {  	v10 =	vld [tilespmem:s6+$0xFFFFFF20]  }
0x2c7: {  	v8 =	vmul.f32 v8, v0  }
0x2c8: {  	v11 =	vld [tilespmem:s6+$0xFFFFFFA0]  }
0x2c9: {  	v8 =	vadd.f32 $0.0e+00, v8;
	v9 =	vmul.f32 v9, v1  }
0x2ca: {  	v12 =	vld [tilespmem:s6+$0x20]  }
0x2cb: {  	v8 =	vadd.f32 v9, v8;
	v9 =	vmul.f32 v10, v2  }
0x2cc: {  	v10 =	vld [tilespmem:s6+$0xA0]  }
0x2cd: {  	v8 =	vadd.f32 v9, v8;
	v9 =	vmul.f32 v11, v3  }
0x2ce: {  	v11 =	vld [tilespmem:s6+$0x120]  }
0x2cf: {  	v8 =	vadd.f32 v9, v8;
	v9 =	vmul.f32 v12, v4  }
0x2d0: {  	v12 =	vld [tilespmem:s6+$0x1A0]  }
0x2d1: {  	v8 =	vadd.f32 v9, v8;
	v9 =	vmul.f32 v10, v5;
	_ =	sdelay $0x1  }
0x2d2: {  	v8 =	vadd.f32 v9, v8;
	v9 =	vmul.f32 v11, v6;
	_ =	sdelay $0x1  }
0x2d3: {  	v8 =	vadd.f32 v9, v8;
	v9 =	vmul.f32 v12, v7;
	_ =	sdelay $0x1  }
0x2d4: {  	v8 =	vadd.f32 v9, v8;
	_ =	sdelay $0x1  }
0x2d5: {  	[tilespmem:s7+$0xFFFFFFB0] =	vst v8  }
0x2d6: {  	v8 =	vld [tilespmem:s6+$0xFFFFFE30];
	_ =	sdelay $0x1  }
0x2d7: {  	v9 =	vld [tilespmem:s6+$0xFFFFFEB0];
	_ =	sdelay $0x1  }
0x2d8: {  	v10 =	vld [tilespmem:s6+$0xFFFFFF30]  }
0x2d9: {  	v8 =	vmul.f32 v8, v0  }
0x2da: {  	v11 =	vld [tilespmem:s6+$0xFFFFFFB0]  }
0x2db: {  	v8 =	vadd.f32 $0.0e+00, v8;
	v9 =	vmul.f32 v9, v1  }
0x2dc: {  	v12 =	vld [tilespmem:s6+$0x30]  }
0x2dd: {  	v8 =	vadd.f32 v9, v8;
	v9 =	vmul.f32 v10, v2  }
0x2de: {  	v10 =	vld [tilespmem:s6+$0xB0]  }
0x2df: {  	v8 =	vadd.f32 v9, v8;
	v9 =	vmul.f32 v11, v3  }
0x2e0: {  	v11 =	vld [tilespmem:s6+$0x130]  }
0x2e1: {  	v8 =	vadd.f32 v9, v8;
	v9 =	vmul.f32 v12, v4  }
0x2e2: {  	v12 =	vld [tilespmem:s6+$0x1B0]  }
0x2e3: {  	v8 =	vadd.f32 v9, v8;
	v9 =	vmul.f32 v10, v5;
	_ =	sdelay $0x1  }
0x2e4: {  	v8 =	vadd.f32 v9, v8;
	v9 =	vmul.f32 v11, v6;
	_ =	sdelay $0x1  }
0x2e5: {  	v8 =	vadd.f32 v9, v8;
	v9 =	vmul.f32 v12, v7;
	_ =	sdelay $0x1  }
0x2e6: {  	v8 =	vadd.f32 v9, v8;
	_ =	sdelay $0x1  }
0x2e7: {  	[tilespmem:s7+$0xFFFFFFC0] =	vst v8  }
0x2e8: {  	v8 =	vld [tilespmem:s6+$0xFFFFFE40];
	_ =	sdelay $0x1  }
0x2e9: {  	v9 =	vld [tilespmem:s6+$0xFFFFFEC0];
	_ =	sdelay $0x1  }
0x2ea: {  	v10 =	vld [tilespmem:s6+$0xFFFFFF40]  }
0x2eb: {  	v8 =	vmul.f32 v8, v0  }
0x2ec: {  	v11 =	vld [tilespmem:s6+$0xFFFFFFC0]  }
0x2ed: {  	v8 =	vadd.f32 $0.0e+00, v8;
	v9 =	vmul.f32 v9, v1  }
0x2ee: {  	v12 =	vld [tilespmem:s6+$0x40]  }
0x2ef: {  	v8 =	vadd.f32 v9, v8;
	v9 =	vmul.f32 v10, v2  }
0x2f0: {  	v10 =	vld [tilespmem:s6+$0xC0]  }
0x2f1: {  	v8 =	vadd.f32 v9, v8;
	v9 =	vmul.f32 v11, v3  }
0x2f2: {  	v11 =	vld [tilespmem:s6+$0x140]  }
0x2f3: {  	v8 =	vadd.f32 v9, v8;
	v9 =	vmul.f32 v12, v4  }
0x2f4: {  	v12 =	vld [tilespmem:s6+$0x1C0]  }
0x2f5: {  	v8 =	vadd.f32 v9, v8;
	v9 =	vmul.f32 v10, v5;
	_ =	sdelay $0x1  }
0x2f6: {  	v8 =	vadd.f32 v9, v8;
	v9 =	vmul.f32 v11, v6;
	_ =	sdelay $0x1  }
0x2f7: {  	v8 =	vadd.f32 v9, v8;
	v9 =	vmul.f32 v12, v7;
	_ =	sdelay $0x1  }
0x2f8: {  	v8 =	vadd.f32 v9, v8;
	_ =	sdelay $0x1  }
0x2f9: {  	[tilespmem:s7+$0xFFFFFFD0] =	vst v8  }
0x2fa: {  	v8 =	vld [tilespmem:s6+$0xFFFFFE50]  }
0x2fb: {  	v9 =	vld [tilespmem:s6+$0xFFFFFED0]  }
0x2fc: {  	v10 =	vld [tilespmem:s6+$0xFFFFFF50]  }
0x2fd: {  	v11 =	vld [tilespmem:s6+$0xFFFFFFD0]  }
0x2fe: {  	v12 =	vld [tilespmem:s6+$0x50]  }
0x2ff: {  	v8 =	vmul.f32 v8, v0;
	v13 =	vld [tilespmem:s6+$0xD0]  }
0x300: {  	v9 =	vmul.f32 v9, v1;
	v14 =	vld [tilespmem:s6+$0x150]  }
0x301: {  	v8 =	vadd.f32 $0.0e+00, v8;
	v10 =	vmul.f32 v10, v2;
	v15 =	vld [tilespmem:s6+$0x1D0]  }
0x302: {  	v11 =	vmul.f32 v11, v3  }
0x303: {  	v8 =	vadd.f32 v9, v8;
	v9 =	vmul.f32 v12, v4  }
0x304: {  	v12 =	vmul.f32 v13, v5  }
0x305: {  	v8 =	vadd.f32 v10, v8;
	v10 =	vmul.f32 v14, v6  }
0x306: {  	v13 =	vmul.f32 v15, v7  }
0x307: {  	v8 =	vadd.f32 v11, v8;
	_ =	sdelay $0x1  }
0x308: {  	v8 =	vadd.f32 v9, v8;
	_ =	sdelay $0x1  }
0x309: {  	v8 =	vadd.f32 v12, v8;
	_ =	sdelay $0x1  }
0x30a: {  	v8 =	vadd.f32 v10, v8;
	_ =	sdelay $0x1  }
0x30b: {  	v8 =	vadd.f32 v13, v8;
	_ =	sdelay $0x1  }
0x30c: {  	[tilespmem:s7+$0xFFFFFFE0] =	vst v8  }
0x30d: {  	v8 =	vld [tilespmem:s6+$0xFFFFFE60]  }
0x30e: {  	v9 =	vld [tilespmem:s6+$0xFFFFFEE0]  }
0x30f: {  	v10 =	vld [tilespmem:s6+$0xFFFFFF60]  }
0x310: {  	v11 =	vld [tilespmem:s6+$0xFFFFFFE0]  }
0x311: {  	v12 =	vld [tilespmem:s6+$0x60]  }
0x312: {  	v8 =	vmul.f32 v8, v0;
	v13 =	vld [tilespmem:s6+$0xE0]  }
0x313: {  	v9 =	vmul.f32 v9, v1;
	v14 =	vld [tilespmem:s6+$0x160]  }
0x314: {  	v8 =	vadd.f32 $0.0e+00, v8;
	v10 =	vmul.f32 v10, v2;
	v15 =	vld [tilespmem:s6+$0x1E0]  }
0x315: {  	v11 =	vmul.f32 v11, v3  }
0x316: {  	v8 =	vadd.f32 v9, v8;
	v9 =	vmul.f32 v12, v4  }
0x317: {  	v12 =	vmul.f32 v13, v5  }
0x318: {  	v8 =	vadd.f32 v10, v8;
	v10 =	vmul.f32 v14, v6  }
0x319: {  	v13 =	vmul.f32 v15, v7  }
0x31a: {  	v8 =	vadd.f32 v11, v8;
	_ =	sdelay $0x1  }
0x31b: {  	v8 =	vadd.f32 v9, v8;
	_ =	sdelay $0x1  }
0x31c: {  	v8 =	vadd.f32 v12, v8;
	_ =	sdelay $0x1  }
0x31d: {  	v8 =	vadd.f32 v10, v8;
	_ =	sdelay $0x1  }
0x31e: {  	v8 =	vadd.f32 v13, v8;
	_ =	sdelay $0x1  }
0x31f: {  	[tilespmem:s7+$0xFFFFFFF0] =	vst v8  }
0x320: {  	v8 =	vld [tilespmem:s6+$0xFFFFFE70]  }
0x321: {  	v9 =	vld [tilespmem:s6+$0xFFFFFEF0]  }
0x322: {  	v10 =	vld [tilespmem:s6+$0xFFFFFF70]  }
0x323: {  	v11 =	vld [tilespmem:s6+$0xFFFFFFF0]  }
0x324: {  	v12 =	vld [tilespmem:s6+$0x70]  }
0x325: {  	v0 =	vmul.f32 v8, v0;
	v8 =	vld [tilespmem:s6+$0xF0]  }
0x326: {  	v1 =	vmul.f32 v9, v1;
	v9 =	vld [tilespmem:s6+$0x170]  }
0x327: {  	v0 =	vadd.f32 $0.0e+00, v0;
	v2 =	vmul.f32 v10, v2;
	v10 =	vld [tilespmem:s6+$0x1F0]  }
0x328: {  	v3 =	vmul.f32 v11, v3  }
0x329: {  	v0 =	vadd.f32 v1, v0;
	v1 =	vmul.f32 v12, v4  }
0x32a: {  	v4 =	vmul.f32 v8, v5  }
0x32b: {  	v0 =	vadd.f32 v2, v0;
	v2 =	vmul.f32 v9, v6  }
0x32c: {  	v5 =	vmul.f32 v10, v7  }
0x32d: {  	v0 =	vadd.f32 v3, v0;
	_ =	sdelay $0x1  }
0x32e: {  	v0 =	vadd.f32 v1, v0;
	_ =	sdelay $0x1  }
0x32f: {  	v1 =	vadd.f32 v4, v0  }
.Ltmp3:
0x330: {  	s5 =	sshll.u32 s10, $0x7;
	(pc) =	sbr.rel @p0 .LBB2_4-.Ltmp3, $4  }
0x331: {  	v0 =	vmov s5;
	v4 =	vadd.f32 v2, v1  }
0x332: {  	v3 =	vor.u32 $0x3, v0;
	v1 =	vor.u32 $0x1, v0;
	v2 =	vor.u32 $0x2, v0  }
0x333: {  	v9 =	vor.u32 $0x4, v0;
	v8 =	vor.u32 $0x5, v0;
	v4 =	vadd.f32 v5, v4  }
0x334: {  	s5 =	smov.u32 s9;
	v6 =	vor.u32 $0x6, v0;
	v7 =	vor.u32 $0x7, v0  }
0x335: {  	_ =	sdelay $0x2  }
0x336: {  	[tilespmem:s7+$0x0] =	vst v4  }
0x337: {  	s6 =	sadd.s32 $0x400, s6;
	v4 =	vld.idx.msk [tilespmem:v0+s15+$0x0], $0xffff  }
0x338: {  	v10 =	vld [tilespmem:s6+$0xFFFFFE00]  }
0x339: {  	v5 =	vld.idx.msk [tilespmem:v1+s15+$0x0], $0xffff  }
0x33a: {  	v11 =	vld [tilespmem:s6+$0xFFFFFE80]  }
0x33b: {  	v2 =	vld.idx.msk [tilespmem:v2+s15+$0x0], $0xffff  }
0x33c: {  	v12 =	vld [tilespmem:s6+$0xFFFFFF00]  }
0x33d: {  	v0 =	vld.idx.msk [tilespmem:v3+s15+$0x0], $0xffff;
	v23 =	vmul.f32 v10, v4  }
0x33e: {  	v24 =	vld [tilespmem:s6+$0xFFFFFF80]  }
0x33f: {  	v1 =	vld.idx.msk [tilespmem:v9+s15+$0x0], $0xffff;
	v11 =	vmul.f32 v11, v5;
	v25 =	vadd.f32 $0.0e+00, v23  }
0x340: {  	v13 =	vld [tilespmem:s6+$0x0]  }
0x341: {  	v3 =	vld.idx.msk [tilespmem:v8+s15+$0x0], $0xffff;
	v27 =	vmul.f32 v12, v2;
	v26 =	vadd.f32 v11, v25  }
0x342: {  	v28 =	vld [tilespmem:s6+$0x80]  }
0x343: {  	v6 =	vld.idx.msk [tilespmem:v6+s15+$0x0], $0xffff;
	v29 =	vmul.f32 v24, v0;
	v8 =	vadd.f32 v27, v26  }
0x344: {  	v30 =	vld [tilespmem:s6+$0x100]  }
0x345: {  	v7 =	vld.idx.msk [tilespmem:v7+s15+$0x0], $0xffff;
	v31 =	vmul.f32 v13, v1;
	v8 =	vadd.f32 v29, v8  }
0x346: {  	v32 =	vld [tilespmem:s6+$0x180]  }
0x347: {  	v33 =	vmul.f32 v28, v3;
	v8 =	vadd.f32 v31, v8;
	_ =	sdelay $0x1  }
0x348: {  	v34 =	vmul.f32 v30, v6;
	v8 =	vadd.f32 v33, v8;
	_ =	sdelay $0x1  }
0x349: {  	v35 =	vmul.f32 v32, v7;
	v8 =	vadd.f32 v34, v8;
	_ =	sdelay $0x1  }
0x34a: {  	v8 =	vadd.f32 v35, v8  }
0x34b: {  	s5 =	sadd.s32 $0x80, s7  }
0x34c: {  	[tilespmem:s5+$0xFFFFFF90] =	vst v8  }
0x34d: {  	v8 =	vld [tilespmem:s6+$0xFFFFFE10];
	_ =	sdelay $0x1  }
0x34e: {  	v36 =	vld [tilespmem:s6+$0xFFFFFE90];
	_ =	sdelay $0x1  }
0x34f: {  	v37 =	vld [tilespmem:s6+$0xFFFFFF10]  }
0x350: {  	v8 =	vmul.f32 v8, v4  }
0x351: {  	v38 =	vld [tilespmem:s6+$0xFFFFFF90]  }
0x352: {  	v9 =	vmul.f32 v36, v5;
	v8 =	vadd.f32 $0.0e+00, v8  }
0x353: {  	v39 =	vld [tilespmem:s6+$0x10]  }
0x354: {  	v40 =	vmul.f32 v37, v2;
	v8 =	vadd.f32 v9, v8  }
0x355: {  	v41 =	vld [tilespmem:s6+$0x90]  }
0x356: {  	v42 =	vmul.f32 v38, v0;
	v8 =	vadd.f32 v40, v8  }
0x357: {  	v43 =	vld [tilespmem:s6+$0x110]  }
0x358: {  	v44 =	vmul.f32 v39, v1;
	v8 =	vadd.f32 v42, v8  }
0x359: {  	v45 =	vld [tilespmem:s6+$0x190]  }
0x35a: {  	v46 =	vmul.f32 v41, v3;
	v8 =	vadd.f32 v44, v8;
	_ =	sdelay $0x1  }
0x35b: {  	v47 =	vmul.f32 v43, v6;
	v8 =	vadd.f32 v46, v8;
	_ =	sdelay $0x1  }
0x35c: {  	v48 =	vmul.f32 v45, v7;
	v8 =	vadd.f32 v47, v8;
	_ =	sdelay $0x1  }
0x35d: {  	v8 =	vadd.f32 v48, v8;
	_ =	sdelay $0x1  }
0x35e: {  	[tilespmem:s5+$0xFFFFFFA0] =	vst v8  }
0x35f: {  	v8 =	vld [tilespmem:s6+$0xFFFFFE20];
	_ =	sdelay $0x1  }
0x360: {  	v49 =	vld [tilespmem:s6+$0xFFFFFEA0];
	_ =	sdelay $0x1  }
0x361: {  	v50 =	vld [tilespmem:s6+$0xFFFFFF20]  }
0x362: {  	v8 =	vmul.f32 v8, v4  }
0x363: {  	v51 =	vld [tilespmem:s6+$0xFFFFFFA0]  }
0x364: {  	v9 =	vmul.f32 v49, v5;
	v8 =	vadd.f32 $0.0e+00, v8  }
0x365: {  	v52 =	vld [tilespmem:s6+$0x20]  }
0x366: {  	v53 =	vmul.f32 v50, v2;
	v8 =	vadd.f32 v9, v8  }
0x367: {  	v54 =	vld [tilespmem:s6+$0xA0]  }
0x368: {  	v55 =	vmul.f32 v51, v0;
	v8 =	vadd.f32 v53, v8  }
0x369: {  	v56 =	vld [tilespmem:s6+$0x120]  }
0x36a: {  	v57 =	vmul.f32 v52, v1;
	v8 =	vadd.f32 v55, v8  }
0x36b: {  	v58 =	vld [tilespmem:s6+$0x1A0]  }
0x36c: {  	v59 =	vmul.f32 v54, v3;
	v8 =	vadd.f32 v57, v8;
	_ =	sdelay $0x1  }
0x36d: {  	v60 =	vmul.f32 v56, v6;
	v8 =	vadd.f32 v59, v8;
	_ =	sdelay $0x1  }
0x36e: {  	v61 =	vmul.f32 v58, v7;
	v8 =	vadd.f32 v60, v8;
	_ =	sdelay $0x1  }
0x36f: {  	v8 =	vadd.f32 v61, v8;
	_ =	sdelay $0x1  }
0x370: {  	[tilespmem:s5+$0xFFFFFFB0] =	vst v8  }
0x371: {  	v8 =	vld [tilespmem:s6+$0xFFFFFE30];
	_ =	sdelay $0x1  }
0x372: {  	v62 =	vld [tilespmem:s6+$0xFFFFFEB0];
	_ =	sdelay $0x1  }
0x373: {  	v63 =	vld [tilespmem:s6+$0xFFFFFF30]  }
0x374: {  	v8 =	vmul.f32 v8, v4  }
0x375: {  	v16 =	vld [tilespmem:s6+$0xFFFFFFB0]  }
0x376: {  	v9 =	vmul.f32 v62, v5;
	v8 =	vadd.f32 $0.0e+00, v8  }
0x377: {  	v17 =	vld [tilespmem:s6+$0x30]  }
0x378: {  	v18 =	vmul.f32 v63, v2;
	v8 =	vadd.f32 v9, v8  }
0x379: {  	v19 =	vld [tilespmem:s6+$0xB0]  }
0x37a: {  	v20 =	vmul.f32 v16, v0;
	v8 =	vadd.f32 v18, v8  }
0x37b: {  	v21 =	vld [tilespmem:s6+$0x130]  }
0x37c: {  	v22 =	vmul.f32 v17, v1;
	v8 =	vadd.f32 v20, v8  }
0x37d: {  	v23 =	vld [tilespmem:s6+$0x1B0]  }
0x37e: {  	v24 =	vmul.f32 v19, v3;
	v8 =	vadd.f32 v22, v8;
	_ =	sdelay $0x1  }
0x37f: {  	v25 =	vmul.f32 v21, v6;
	v8 =	vadd.f32 v24, v8;
	_ =	sdelay $0x1  }
0x380: {  	v26 =	vmul.f32 v23, v7;
	v8 =	vadd.f32 v25, v8;
	_ =	sdelay $0x1  }
0x381: {  	v8 =	vadd.f32 v26, v8;
	_ =	sdelay $0x1  }
0x382: {  	[tilespmem:s5+$0xFFFFFFC0] =	vst v8  }
0x383: {  	v8 =	vld [tilespmem:s6+$0xFFFFFE40];
	_ =	sdelay $0x1  }
0x384: {  	v27 =	vld [tilespmem:s6+$0xFFFFFEC0];
	_ =	sdelay $0x1  }
0x385: {  	v28 =	vld [tilespmem:s6+$0xFFFFFF40]  }
0x386: {  	v8 =	vmul.f32 v8, v4  }
0x387: {  	v29 =	vld [tilespmem:s6+$0xFFFFFFC0]  }
0x388: {  	v9 =	vmul.f32 v27, v5;
	v8 =	vadd.f32 $0.0e+00, v8  }
0x389: {  	v30 =	vld [tilespmem:s6+$0x40]  }
0x38a: {  	v31 =	vmul.f32 v28, v2;
	v8 =	vadd.f32 v9, v8  }
0x38b: {  	v32 =	vld [tilespmem:s6+$0xC0]  }
0x38c: {  	v33 =	vmul.f32 v29, v0;
	v8 =	vadd.f32 v31, v8  }
0x38d: {  	v34 =	vld [tilespmem:s6+$0x140]  }
0x38e: {  	v35 =	vmul.f32 v30, v1;
	v8 =	vadd.f32 v33, v8  }
0x38f: {  	v36 =	vld [tilespmem:s6+$0x1C0]  }
0x390: {  	v37 =	vmul.f32 v32, v3;
	v8 =	vadd.f32 v35, v8;
	_ =	sdelay $0x1  }
0x391: {  	v38 =	vmul.f32 v34, v6;
	v8 =	vadd.f32 v37, v8;
	_ =	sdelay $0x1  }
0x392: {  	v39 =	vmul.f32 v36, v7;
	v8 =	vadd.f32 v38, v8;
	_ =	sdelay $0x1  }
0x393: {  	v8 =	vadd.f32 v39, v8;
	_ =	sdelay $0x1  }
0x394: {  	[tilespmem:s5+$0xFFFFFFD0] =	vst v8  }
0x395: {  	v8 =	vld [tilespmem:s6+$0xFFFFFE50];
	_ =	sdelay $0x1  }
0x396: {  	v40 =	vld [tilespmem:s6+$0xFFFFFED0];
	_ =	sdelay $0x1  }
0x397: {  	v41 =	vld [tilespmem:s6+$0xFFFFFF50]  }
0x398: {  	v8 =	vmul.f32 v8, v4  }
0x399: {  	v42 =	vld [tilespmem:s6+$0xFFFFFFD0]  }
0x39a: {  	v9 =	vmul.f32 v40, v5;
	v8 =	vadd.f32 $0.0e+00, v8  }
0x39b: {  	v43 =	vld [tilespmem:s6+$0x50]  }
0x39c: {  	v10 =	vmul.f32 v41, v2;
	v8 =	vadd.f32 v9, v8  }
0x39d: {  	v44 =	vld [tilespmem:s6+$0xD0]  }
0x39e: {  	v11 =	vmul.f32 v42, v0;
	v8 =	vadd.f32 v10, v8  }
0x39f: {  	v45 =	vld [tilespmem:s6+$0x150]  }
0x3a0: {  	v12 =	vmul.f32 v43, v1;
	v8 =	vadd.f32 v11, v8  }
0x3a1: {  	v46 =	vld [tilespmem:s6+$0x1D0]  }
0x3a2: {  	v9 =	vmul.f32 v44, v3;
	v8 =	vadd.f32 v12, v8;
	_ =	sdelay $0x1  }
0x3a3: {  	v10 =	vmul.f32 v45, v6;
	v8 =	vadd.f32 v9, v8;
	_ =	sdelay $0x1  }
0x3a4: {  	v47 =	vmul.f32 v46, v7;
	v8 =	vadd.f32 v10, v8;
	_ =	sdelay $0x1  }
0x3a5: {  	v8 =	vadd.f32 v47, v8;
	_ =	sdelay $0x1  }
0x3a6: {  	[tilespmem:s5+$0xFFFFFFE0] =	vst v8  }
0x3a7: {  	v8 =	vld [tilespmem:s6+$0xFFFFFE60];
	_ =	sdelay $0x1  }
0x3a8: {  	v48 =	vld [tilespmem:s6+$0xFFFFFEE0];
	_ =	sdelay $0x1  }
0x3a9: {  	v49 =	vld [tilespmem:s6+$0xFFFFFF60]  }
0x3aa: {  	v8 =	vmul.f32 v8, v4  }
0x3ab: {  	v50 =	vld [tilespmem:s6+$0xFFFFFFE0]  }
0x3ac: {  	v9 =	vmul.f32 v48, v5;
	v8 =	vadd.f32 $0.0e+00, v8  }
0x3ad: {  	v51 =	vld [tilespmem:s6+$0x60]  }
0x3ae: {  	v10 =	vmul.f32 v49, v2;
	v8 =	vadd.f32 v9, v8  }
0x3af: {  	v52 =	vld [tilespmem:s6+$0xE0]  }
0x3b0: {  	v11 =	vmul.f32 v50, v0;
	v8 =	vadd.f32 v10, v8  }
0x3b1: {  	v53 =	vld [tilespmem:s6+$0x160]  }
0x3b2: {  	v12 =	vmul.f32 v51, v1;
	v8 =	vadd.f32 v11, v8  }
0x3b3: {  	v54 =	vld [tilespmem:s6+$0x1E0]  }
0x3b4: {  	v9 =	vmul.f32 v52, v3;
	v8 =	vadd.f32 v12, v8;
	_ =	sdelay $0x1  }
0x3b5: {  	v10 =	vmul.f32 v53, v6;
	v8 =	vadd.f32 v9, v8;
	_ =	sdelay $0x1  }
0x3b6: {  	v55 =	vmul.f32 v54, v7;
	v8 =	vadd.f32 v10, v8;
	_ =	sdelay $0x1  }
0x3b7: {  	v8 =	vadd.f32 v55, v8;
	_ =	sdelay $0x1  }
0x3b8: {  	[tilespmem:s5+$0xFFFFFFF0] =	vst v8  }
0x3b9: {  	v8 =	vld [tilespmem:s6+$0xFFFFFE70];
	_ =	sdelay $0x1  }
0x3ba: {  	v56 =	vld [tilespmem:s6+$0xFFFFFEF0];
	_ =	sdelay $0x1  }
0x3bb: {  	v57 =	vld [tilespmem:s6+$0xFFFFFF70]  }
0x3bc: {  	v4 =	vmul.f32 v8, v4  }
0x3bd: {  	v58 =	vld [tilespmem:s6+$0xFFFFFFF0]  }
0x3be: {  	v5 =	vmul.f32 v56, v5;
	v4 =	vadd.f32 $0.0e+00, v4  }
0x3bf: {  	v59 =	vld [tilespmem:s6+$0x70]  }
0x3c0: {  	v2 =	vmul.f32 v57, v2;
	v4 =	vadd.f32 v5, v4  }
0x3c1: {  	v60 =	vld [tilespmem:s6+$0xF0]  }
0x3c2: {  	v0 =	vmul.f32 v58, v0;
	v2 =	vadd.f32 v2, v4  }
0x3c3: {  	v61 =	vld [tilespmem:s6+$0x170]  }
0x3c4: {  	v1 =	vmul.f32 v59, v1;
	v0 =	vadd.f32 v0, v2  }
0x3c5: {  	v62 =	vld [tilespmem:s6+$0x1F0]  }
0x3c6: {  	v3 =	vmul.f32 v60, v3;
	v0 =	vadd.f32 v1, v0;
	_ =	sdelay $0x1  }
0x3c7: {  	v63 =	vmul.f32 v61, v6;
	v0 =	vadd.f32 v3, v0;
	_ =	sdelay $0x1  }
0x3c8: {  	v2 =	vmul.f32 v62, v7;
	v0 =	vadd.f32 v63, v0;
	_ =	sdelay $0x1  }
0x3c9: {  	v0 =	vadd.f32 v2, v0;
	_ =	sdelay $0x1  }
0x3ca: {  	s11 =	simm.s32 $0xAE80;
	s6 =	simm.s32 $0x0;
	[tilespmem:s5+$0x0] =	vst v0  }
0x3cb: {  	[tilespmem:s11], [sflag:$0x1] =	stream.indirect.gather [hbm4b:s2+s22], $0x80, s6, s22, $0xb8;
	[tilespmem:$0x1D180] =	vst v63  }
0x3cc: {  	s12 =	simm.s32 $0x80;
	s19 =	simm.s32 $0xFA80  }
0x3cd: {  	[tilespmem:s19], [sflag:$0x2] =	stream.indirect.gather [hbm4b:s2+s22], $0x80, s12, s22, $0xb8;
	[tilespmem:$0x1D180] =	vst v63  }
0x3ce: {  	s23 =	simm.s32 $0x100  }
0x3cf: {  	[tilespmem:s28], [sflag:$0x3] =	stream.indirect.gather [hbm4b:s2+s22], $0x80, s23, s22, $0xb8;
	[tilespmem:$0x1D180] =	vst v63  }
0x3d0: {  	s25 =	simm.s32 $0x180;
	s7 =	simm.s32 $0x0  }
0x3d1: {  	[tilespmem:s30], [sflag:$0x4] =	stream.indirect.gather [hbm4b:s2+s22], $0x80, s25, s22, $0xb8;
	[tilespmem:$0x1D180] =	vst v63  }
.LBB2_6:
0x3d2: {  	s9 =	sshll.u32 s7, $0x9;
	v1 =	vmov s6  }
0x3d3: {  	v0 =	vmov s9;
	v1 =	vand.u32 $0x7F, v1  }
0x3d4: {  	v1 =	vadd.s32 v0, v1  }
0x3d5: {  	v1 =	vbroadcast v1, $0x0;
	_ =	sdelay $0x1  }
0x3d6: {  	_ =	swait.ge [sflag:s31], $0x3C00  }
0x3d7: {  	[sflag:s31] =	ssyncset.done $0x0  }
0x3d8: {  	s19 =	simm.s32 $0x4140;
	[sflag:s31] =	ssyncadd.s32 $0xFFFFC400  }
0x3d9: {  	v2 =	vld [tilespmem:s19+$0xFFFFFFC0]  }
0x3da: {  	v1 =	vld.idx.msk [tilespmem:v1+s13+$0x0], $0xffff;
	_ =	sdelay $0x1  }
0x3db: {  	v3 =	vld [tilespmem:$0x6100];
	_ =	sdelay $0x2  }
0x3dc: {  	v2 =	vmul.f32 v2, v1;
	_ =	sdelay $0x1  }
0x3dd: {  	v2 =	vadd.f32 v3, v2  }
0x3de: {  	s11 =	simm.s32 $0xA1C0  }
0x3df: {  	[tilespmem:s11+$0xFFFFFFC0] =	vst v2  }
0x3e0: {  	v2 =	vld [tilespmem:s19+$0xFFFFFFD0];
	_ =	sdelay $0x1  }
0x3e1: {  	v3 =	vld [tilespmem:$0x6110];
	_ =	sdelay $0x2  }
0x3e2: {  	v2 =	vmul.f32 v2, v1;
	_ =	sdelay $0x1  }
0x3e3: {  	v2 =	vadd.f32 v3, v2;
	_ =	sdelay $0x1  }
0x3e4: {  	[tilespmem:s11+$0xFFFFFFD0] =	vst v2  }
0x3e5: {  	v2 =	vld [tilespmem:s19+$0xFFFFFFE0];
	_ =	sdelay $0x1  }
0x3e6: {  	v3 =	vld [tilespmem:$0x6120];
	_ =	sdelay $0x2  }
0x3e7: {  	v2 =	vmul.f32 v2, v1;
	_ =	sdelay $0x1  }
0x3e8: {  	v2 =	vadd.f32 v3, v2;
	_ =	sdelay $0x1  }
0x3e9: {  	[tilespmem:s11+$0xFFFFFFE0] =	vst v2  }
0x3ea: {  	v2 =	vld [tilespmem:s19+$0xFFFFFFF0];
	_ =	sdelay $0x1  }
0x3eb: {  	v3 =	vld [tilespmem:$0x6130];
	_ =	sdelay $0x2  }
0x3ec: {  	v2 =	vmul.f32 v2, v1;
	_ =	sdelay $0x1  }
0x3ed: {  	v2 =	vadd.f32 v3, v2;
	_ =	sdelay $0x1  }
0x3ee: {  	[tilespmem:s11+$0xFFFFFFF0] =	vst v2  }
0x3ef: {  	v2 =	vld [tilespmem:s19+$0x0];
	_ =	sdelay $0x1  }
0x3f0: {  	v3 =	vld [tilespmem:$0x6140];
	_ =	sdelay $0x2  }
0x3f1: {  	v2 =	vmul.f32 v2, v1;
	_ =	sdelay $0x1  }
0x3f2: {  	v2 =	vadd.f32 v3, v2;
	_ =	sdelay $0x1  }
0x3f3: {  	[tilespmem:s11+$0x0] =	vst v2  }
0x3f4: {  	v2 =	vld [tilespmem:s19+$0x10];
	_ =	sdelay $0x1  }
0x3f5: {  	v3 =	vld [tilespmem:$0x6150];
	_ =	sdelay $0x2  }
0x3f6: {  	v2 =	vmul.f32 v2, v1;
	_ =	sdelay $0x1  }
0x3f7: {  	v2 =	vadd.f32 v3, v2;
	_ =	sdelay $0x1  }
0x3f8: {  	[tilespmem:s11+$0x10] =	vst v2  }
0x3f9: {  	v2 =	vld [tilespmem:s19+$0x20];
	_ =	sdelay $0x1  }
0x3fa: {  	v3 =	vld [tilespmem:$0x6160];
	_ =	sdelay $0x2  }
0x3fb: {  	v2 =	vmul.f32 v2, v1;
	_ =	sdelay $0x1  }
0x3fc: {  	v2 =	vadd.f32 v3, v2;
	_ =	sdelay $0x1  }
0x3fd: {  	[tilespmem:s11+$0x20] =	vst v2  }
0x3fe: {  	v2 =	vld [tilespmem:s19+$0x30];
	_ =	sdelay $0x1  }
0x3ff: {  	s5 =	simm.s32 $0x1  }
0x400: {  	v4 =	vmov s5  }
0x401: {  	v4 =	vand.u32 $0x7F, v4;
	v3 =	vld [tilespmem:$0x6170]  }
0x402: {  	v2 =	vmul.f32 v2, v1;
	v1 =	vadd.s32 v0, v4  }
0x403: {  	v1 =	vbroadcast v1, $0x0;
	_ =	sdelay $0x2  }
0x404: {  	s10 =	sshll.u32 s7, $0x2;
	s23 =	simm.s32 $0x2;
	v2 =	vadd.f32 v3, v2  }
.LBB2_7:
0x405: {  	s19 =	sadd.s32 $0x80, s19  }
0x406: {  	s12 =	smov.u32 s23;
	s5 =	sadd.s32 $0x1, s23;
	[tilespmem:s11+$0x30] =	vst v2;
	s11 =	sadd.s32 $0x80, s11  }
0x407: {  	p0 =	sne.s32 s23, $0x19;
	v2 =	vld.idx.msk [tilespmem:v1+s13+$0x0], $0xffff  }
0x408: {  	v1 =	vld [tilespmem:s19+$0xFFFFFFC0];
	_ =	sdelay $0x1  }
0x409: {  	v3 =	vld [tilespmem:$0x6100];
	_ =	sdelay $0x2  }
0x40a: {  	v1 =	vmul.f32 v1, v2;
	_ =	sdelay $0x1  }
0x40b: {  	v1 =	vadd.f32 v3, v1;
	_ =	sdelay $0x1  }
0x40c: {  	[tilespmem:s11+$0xFFFFFFC0] =	vst v1  }
0x40d: {  	v1 =	vld [tilespmem:s19+$0xFFFFFFD0];
	_ =	sdelay $0x1  }
0x40e: {  	v3 =	vld [tilespmem:$0x6110];
	_ =	sdelay $0x2  }
0x40f: {  	v1 =	vmul.f32 v1, v2;
	_ =	sdelay $0x1  }
0x410: {  	v1 =	vadd.f32 v3, v1;
	_ =	sdelay $0x1  }
0x411: {  	[tilespmem:s11+$0xFFFFFFD0] =	vst v1  }
0x412: {  	v1 =	vld [tilespmem:s19+$0xFFFFFFE0];
	_ =	sdelay $0x1  }
0x413: {  	v3 =	vld [tilespmem:$0x6120];
	_ =	sdelay $0x2  }
0x414: {  	v1 =	vmul.f32 v1, v2;
	_ =	sdelay $0x1  }
0x415: {  	v1 =	vadd.f32 v3, v1;
	_ =	sdelay $0x1  }
0x416: {  	[tilespmem:s11+$0xFFFFFFE0] =	vst v1  }
0x417: {  	v1 =	vld [tilespmem:s19+$0xFFFFFFF0];
	_ =	sdelay $0x1  }
0x418: {  	v3 =	vld [tilespmem:$0x6130];
	_ =	sdelay $0x2  }
0x419: {  	v1 =	vmul.f32 v1, v2;
	_ =	sdelay $0x1  }
0x41a: {  	v1 =	vadd.f32 v3, v1;
	_ =	sdelay $0x1  }
0x41b: {  	[tilespmem:s11+$0xFFFFFFF0] =	vst v1  }
0x41c: {  	v1 =	vld [tilespmem:s19+$0x0];
	_ =	sdelay $0x1  }
0x41d: {  	v3 =	vld [tilespmem:$0x6140];
	_ =	sdelay $0x2  }
0x41e: {  	v1 =	vmul.f32 v1, v2;
	_ =	sdelay $0x1  }
0x41f: {  	v1 =	vadd.f32 v3, v1;
	_ =	sdelay $0x1  }
0x420: {  	[tilespmem:s11+$0x0] =	vst v1  }
0x421: {  	v1 =	vld [tilespmem:s19+$0x10]  }
0x422: {  	v3 =	vld [tilespmem:$0x6150];
	_ =	sdelay $0x3  }
0x423: {  	v1 =	vmul.f32 v1, v2;
	_ =	sdelay $0x1  }
0x424: {  	v1 =	vadd.f32 v3, v1;
	_ =	sdelay $0x1  }
0x425: {  	[tilespmem:s11+$0x10] =	vst v1  }
0x426: {  	v1 =	vld [tilespmem:s19+$0x20]  }
0x427: {  	v3 =	vld [tilespmem:$0x6160];
	_ =	sdelay $0x3  }
0x428: {  	v1 =	vmul.f32 v1, v2;
	_ =	sdelay $0x1  }
0x429: {  	v1 =	vadd.f32 v3, v1;
	_ =	sdelay $0x1  }
0x42a: {  	[tilespmem:s11+$0x20] =	vst v1  }
0x42b: {  	v3 =	vld [tilespmem:s19+$0x30]  }
0x42c: {  	v1 =	vmov s12;
	v4 =	vld [tilespmem:$0x6170]  }
0x42d: {  	v1 =	vand.u32 $0x7F, v1  }
.Ltmp4:
0x42e: {  	v1 =	vadd.s32 v0, v1;
	(pc) =	sbr.rel @p0 .LBB2_7-.Ltmp4, $3  }
0x42f: {  	v1 =	vbroadcast v1, $0x0  }
0x430: {  	v2 =	vmul.f32 v3, v2;
	_ =	sdelay $0x1  }
0x431: {  	s23 =	smov.u32 s5;
	v2 =	vadd.f32 v4, v2  }
0x432: {  	_ =	sdelay $0x2  }
0x433: {  	[tilespmem:s11+$0x30] =	vst v2  }
0x434: {  	s5 =	sadd.s32 $0x80, s19;
	v0 =	vld.idx.msk [tilespmem:v1+s13+$0x0], $0xffff  }
0x435: {  	v1 =	vld [tilespmem:s5+$0xFFFFFFC0];
	_ =	sdelay $0x1  }
0x436: {  	v2 =	vld [tilespmem:$0x6100];
	_ =	sdelay $0x2  }
0x437: {  	v1 =	vmul.f32 v1, v0;
	_ =	sdelay $0x1  }
0x438: {  	v1 =	vadd.f32 v2, v1  }
0x439: {  	s12 =	sadd.s32 $0x80, s11  }
0x43a: {  	[tilespmem:s12+$0xFFFFFFC0] =	vst v1  }
0x43b: {  	v1 =	vld [tilespmem:s5+$0xFFFFFFD0];
	_ =	sdelay $0x1  }
0x43c: {  	v2 =	vld [tilespmem:$0x6110];
	_ =	sdelay $0x2  }
0x43d: {  	v1 =	vmul.f32 v1, v0;
	_ =	sdelay $0x1  }
0x43e: {  	v1 =	vadd.f32 v2, v1;
	_ =	sdelay $0x1  }
0x43f: {  	[tilespmem:s12+$0xFFFFFFD0] =	vst v1  }
0x440: {  	v1 =	vld [tilespmem:s5+$0xFFFFFFE0];
	_ =	sdelay $0x1  }
0x441: {  	v2 =	vld [tilespmem:$0x6120];
	_ =	sdelay $0x2  }
0x442: {  	v1 =	vmul.f32 v1, v0;
	_ =	sdelay $0x1  }
0x443: {  	v1 =	vadd.f32 v2, v1;
	_ =	sdelay $0x1  }
0x444: {  	[tilespmem:s12+$0xFFFFFFE0] =	vst v1  }
0x445: {  	v1 =	vld [tilespmem:s5+$0xFFFFFFF0];
	_ =	sdelay $0x1  }
0x446: {  	v2 =	vld [tilespmem:$0x6130];
	_ =	sdelay $0x2  }
0x447: {  	v1 =	vmul.f32 v1, v0;
	_ =	sdelay $0x1  }
0x448: {  	v1 =	vadd.f32 v2, v1;
	_ =	sdelay $0x1  }
0x449: {  	[tilespmem:s12+$0xFFFFFFF0] =	vst v1  }
0x44a: {  	v1 =	vld [tilespmem:s5+$0x0];
	_ =	sdelay $0x1  }
0x44b: {  	v2 =	vld [tilespmem:$0x6140];
	_ =	sdelay $0x2  }
0x44c: {  	v1 =	vmul.f32 v1, v0;
	_ =	sdelay $0x1  }
0x44d: {  	v1 =	vadd.f32 v2, v1;
	_ =	sdelay $0x1  }
0x44e: {  	[tilespmem:s12+$0x0] =	vst v1  }
0x44f: {  	v1 =	vld [tilespmem:s5+$0x10];
	_ =	sdelay $0x1  }
0x450: {  	v2 =	vld [tilespmem:$0x6150];
	_ =	sdelay $0x2  }
0x451: {  	v1 =	vmul.f32 v1, v0;
	_ =	sdelay $0x1  }
0x452: {  	v1 =	vadd.f32 v2, v1;
	_ =	sdelay $0x1  }
0x453: {  	[tilespmem:s12+$0x10] =	vst v1  }
0x454: {  	v1 =	vld [tilespmem:s5+$0x20];
	_ =	sdelay $0x1  }
0x455: {  	v2 =	vld [tilespmem:$0x6160];
	_ =	sdelay $0x2  }
0x456: {  	v1 =	vmul.f32 v1, v0;
	_ =	sdelay $0x1  }
0x457: {  	v1 =	vadd.f32 v2, v1;
	_ =	sdelay $0x1  }
0x458: {  	[tilespmem:s12+$0x20] =	vst v1  }
0x459: {  	v1 =	vld [tilespmem:s5+$0x30];
	_ =	sdelay $0x1  }
0x45a: {  	v2 =	vld [tilespmem:$0x6170];
	_ =	sdelay $0x1  }
0x45b: {  	s11 =	sor.u32 $0x1, s10;
	s5 =	simm.s32 $0x0  }
0x45c: {  	s25 =	sshll.u32 s11, $0x7;
	v3 =	vmov s5;
	v1 =	vmul.f32 v1, v0  }
0x45d: {  	s23 =	sadd.s32 s4, s10;
	v3 =	vand.u32 $0x7F, v3;
	v0 =	vmov s25  }
0x45e: {  	s25 =	smul.u32 $0x980, s23;
	v1 =	vadd.f32 v2, v1;
	v2 =	vadd.s32 v0, v3  }
0x45f: {  	v2 =	vbroadcast v2, $0x0  }
0x460: {  	s23 =	sadd.s32 s8, s25;
	[tilespmem:s12+$0x30] =	vst v1  }
0x461: {  	[hbm4b:s23+s5] =	stream.linear.scatter [tilespmem:s18], [sflag:$0x5], $0x4900, $0x38;
	[tilespmem:$0x1D180] =	vst v63  }
0x462: {  	_ =	swait.ge [sflag:s0], $0x3C00  }
0x463: {  	[sflag:s0] =	ssyncset.done $0x0  }
0x464: {  	[sflag:s0] =	ssyncadd.s32 $0xFFFFC400  }
0x465: {  	s5 =	simm.s32 $0x4140;
	v1 =	vld.idx.msk [tilespmem:v2+s13+$0x0], $0xffff  }
0x466: {  	v2 =	vld [tilespmem:s5+$0xFFFFFFC0];
	_ =	sdelay $0x1  }
0x467: {  	v3 =	vld [tilespmem:$0x6100];
	_ =	sdelay $0x2  }
0x468: {  	v2 =	vmul.f32 v2, v1;
	_ =	sdelay $0x1  }
0x469: {  	v2 =	vadd.f32 v3, v2  }
0x46a: {  	s19 =	simm.s32 $0xEDC0  }
0x46b: {  	[tilespmem:s19+$0xFFFFFFC0] =	vst v2  }
0x46c: {  	v2 =	vld [tilespmem:s5+$0xFFFFFFD0];
	_ =	sdelay $0x1  }
0x46d: {  	v3 =	vld [tilespmem:$0x6110];
	_ =	sdelay $0x2  }
0x46e: {  	v2 =	vmul.f32 v2, v1;
	_ =	sdelay $0x1  }
0x46f: {  	v2 =	vadd.f32 v3, v2;
	_ =	sdelay $0x1  }
0x470: {  	[tilespmem:s19+$0xFFFFFFD0] =	vst v2  }
0x471: {  	v2 =	vld [tilespmem:s5+$0xFFFFFFE0];
	_ =	sdelay $0x1  }
0x472: {  	v3 =	vld [tilespmem:$0x6120];
	_ =	sdelay $0x2  }
0x473: {  	v2 =	vmul.f32 v2, v1;
	_ =	sdelay $0x1  }
0x474: {  	v2 =	vadd.f32 v3, v2;
	_ =	sdelay $0x1  }
0x475: {  	[tilespmem:s19+$0xFFFFFFE0] =	vst v2  }
0x476: {  	v2 =	vld [tilespmem:s5+$0xFFFFFFF0];
	_ =	sdelay $0x1  }
0x477: {  	v3 =	vld [tilespmem:$0x6130];
	_ =	sdelay $0x2  }
0x478: {  	v2 =	vmul.f32 v2, v1;
	_ =	sdelay $0x1  }
0x479: {  	v2 =	vadd.f32 v3, v2;
	_ =	sdelay $0x1  }
0x47a: {  	[tilespmem:s19+$0xFFFFFFF0] =	vst v2  }
0x47b: {  	v2 =	vld [tilespmem:s5+$0x0];
	_ =	sdelay $0x1  }
0x47c: {  	v3 =	vld [tilespmem:$0x6140];
	_ =	sdelay $0x2  }
0x47d: {  	v2 =	vmul.f32 v2, v1;
	_ =	sdelay $0x1  }
0x47e: {  	v2 =	vadd.f32 v3, v2;
	_ =	sdelay $0x1  }
0x47f: {  	[tilespmem:s19+$0x0] =	vst v2  }
0x480: {  	v2 =	vld [tilespmem:s5+$0x10];
	_ =	sdelay $0x1  }
0x481: {  	v3 =	vld [tilespmem:$0x6150];
	_ =	sdelay $0x2  }
0x482: {  	v2 =	vmul.f32 v2, v1;
	_ =	sdelay $0x1  }
0x483: {  	v2 =	vadd.f32 v3, v2;
	_ =	sdelay $0x1  }
0x484: {  	[tilespmem:s19+$0x10] =	vst v2  }
0x485: {  	v2 =	vld [tilespmem:s5+$0x20];
	_ =	sdelay $0x1  }
0x486: {  	v3 =	vld [tilespmem:$0x6160];
	_ =	sdelay $0x2  }
0x487: {  	v2 =	vmul.f32 v2, v1;
	_ =	sdelay $0x1  }
0x488: {  	v2 =	vadd.f32 v3, v2;
	_ =	sdelay $0x1  }
0x489: {  	[tilespmem:s19+$0x20] =	vst v2  }
0x48a: {  	v2 =	vld [tilespmem:s5+$0x30];
	_ =	sdelay $0x1  }
0x48b: {  	s25 =	simm.s32 $0x1  }
0x48c: {  	v4 =	vmov s25  }
0x48d: {  	v4 =	vand.u32 $0x7F, v4;
	v3 =	vld [tilespmem:$0x6170]  }
0x48e: {  	v2 =	vmul.f32 v2, v1;
	v1 =	vadd.s32 v0, v4  }
0x48f: {  	v1 =	vbroadcast v1, $0x0;
	_ =	sdelay $0x2  }
0x490: {  	s12 =	simm.s32 $0x2;
	v2 =	vadd.f32 v3, v2  }
.LBB2_9:
0x491: {  	s5 =	sadd.s32 $0x80, s5  }
0x492: {  	s23 =	smov.u32 s12;
	s25 =	sadd.s32 $0x1, s12;
	[tilespmem:s19+$0x30] =	vst v2;
	s19 =	sadd.s32 $0x80, s19  }
0x493: {  	p0 =	sne.s32 s12, $0x19;
	v2 =	vld.idx.msk [tilespmem:v1+s13+$0x0], $0xffff  }
0x494: {  	v1 =	vld [tilespmem:s5+$0xFFFFFFC0];
	_ =	sdelay $0x1  }
0x495: {  	v3 =	vld [tilespmem:$0x6100];
	_ =	sdelay $0x2  }
0x496: {  	v1 =	vmul.f32 v1, v2;
	_ =	sdelay $0x1  }
0x497: {  	v1 =	vadd.f32 v3, v1;
	_ =	sdelay $0x1  }
0x498: {  	[tilespmem:s19+$0xFFFFFFC0] =	vst v1  }
0x499: {  	v1 =	vld [tilespmem:s5+$0xFFFFFFD0];
	_ =	sdelay $0x1  }
0x49a: {  	v3 =	vld [tilespmem:$0x6110];
	_ =	sdelay $0x2  }
0x49b: {  	v1 =	vmul.f32 v1, v2;
	_ =	sdelay $0x1  }
0x49c: {  	v1 =	vadd.f32 v3, v1;
	_ =	sdelay $0x1  }
0x49d: {  	[tilespmem:s19+$0xFFFFFFD0] =	vst v1  }
0x49e: {  	v1 =	vld [tilespmem:s5+$0xFFFFFFE0];
	_ =	sdelay $0x1  }
0x49f: {  	v3 =	vld [tilespmem:$0x6120];
	_ =	sdelay $0x2  }
0x4a0: {  	v1 =	vmul.f32 v1, v2;
	_ =	sdelay $0x1  }
0x4a1: {  	v1 =	vadd.f32 v3, v1;
	_ =	sdelay $0x1  }
0x4a2: {  	[tilespmem:s19+$0xFFFFFFE0] =	vst v1  }
0x4a3: {  	v1 =	vld [tilespmem:s5+$0xFFFFFFF0];
	_ =	sdelay $0x1  }
0x4a4: {  	v3 =	vld [tilespmem:$0x6130];
	_ =	sdelay $0x2  }
0x4a5: {  	v1 =	vmul.f32 v1, v2;
	_ =	sdelay $0x1  }
0x4a6: {  	v1 =	vadd.f32 v3, v1;
	_ =	sdelay $0x1  }
0x4a7: {  	[tilespmem:s19+$0xFFFFFFF0] =	vst v1  }
0x4a8: {  	v1 =	vld [tilespmem:s5+$0x0];
	_ =	sdelay $0x1  }
0x4a9: {  	v3 =	vld [tilespmem:$0x6140];
	_ =	sdelay $0x2  }
0x4aa: {  	v1 =	vmul.f32 v1, v2;
	_ =	sdelay $0x1  }
0x4ab: {  	v1 =	vadd.f32 v3, v1;
	_ =	sdelay $0x1  }
0x4ac: {  	[tilespmem:s19+$0x0] =	vst v1  }
0x4ad: {  	v1 =	vld [tilespmem:s5+$0x10]  }
0x4ae: {  	v3 =	vld [tilespmem:$0x6150];
	_ =	sdelay $0x3  }
0x4af: {  	v1 =	vmul.f32 v1, v2;
	_ =	sdelay $0x1  }
0x4b0: {  	v1 =	vadd.f32 v3, v1;
	_ =	sdelay $0x1  }
0x4b1: {  	[tilespmem:s19+$0x10] =	vst v1  }
0x4b2: {  	v1 =	vld [tilespmem:s5+$0x20]  }
0x4b3: {  	v3 =	vld [tilespmem:$0x6160];
	_ =	sdelay $0x3  }
0x4b4: {  	v1 =	vmul.f32 v1, v2;
	_ =	sdelay $0x1  }
0x4b5: {  	v1 =	vadd.f32 v3, v1;
	_ =	sdelay $0x1  }
0x4b6: {  	[tilespmem:s19+$0x20] =	vst v1  }
0x4b7: {  	v3 =	vld [tilespmem:s5+$0x30]  }
0x4b8: {  	v1 =	vmov s23;
	v4 =	vld [tilespmem:$0x6170]  }
0x4b9: {  	v1 =	vand.u32 $0x7F, v1  }
.Ltmp5:
0x4ba: {  	v1 =	vadd.s32 v0, v1;
	(pc) =	sbr.rel @p0 .LBB2_9-.Ltmp5, $3  }
0x4bb: {  	v1 =	vbroadcast v1, $0x0  }
0x4bc: {  	v2 =	vmul.f32 v3, v2;
	_ =	sdelay $0x1  }
0x4bd: {  	s12 =	smov.u32 s25;
	v2 =	vadd.f32 v4, v2  }
0x4be: {  	_ =	sdelay $0x2  }
0x4bf: {  	[tilespmem:s19+$0x30] =	vst v2  }
0x4c0: {  	s5 =	sadd.s32 $0x80, s5;
	v0 =	vld.idx.msk [tilespmem:v1+s13+$0x0], $0xffff  }
0x4c1: {  	v1 =	vld [tilespmem:s5+$0xFFFFFFC0];
	_ =	sdelay $0x1  }
0x4c2: {  	v2 =	vld [tilespmem:$0x6100];
	_ =	sdelay $0x2  }
0x4c3: {  	v1 =	vmul.f32 v1, v0;
	_ =	sdelay $0x1  }
0x4c4: {  	v1 =	vadd.f32 v2, v1  }
0x4c5: {  	s12 =	sadd.s32 $0x80, s19  }
0x4c6: {  	[tilespmem:s12+$0xFFFFFFC0] =	vst v1  }
0x4c7: {  	v1 =	vld [tilespmem:s5+$0xFFFFFFD0];
	_ =	sdelay $0x1  }
0x4c8: {  	v2 =	vld [tilespmem:$0x6110];
	_ =	sdelay $0x2  }
0x4c9: {  	v1 =	vmul.f32 v1, v0;
	_ =	sdelay $0x1  }
0x4ca: {  	v1 =	vadd.f32 v2, v1;
	_ =	sdelay $0x1  }
0x4cb: {  	[tilespmem:s12+$0xFFFFFFD0] =	vst v1  }
0x4cc: {  	v1 =	vld [tilespmem:s5+$0xFFFFFFE0];
	_ =	sdelay $0x1  }
0x4cd: {  	v2 =	vld [tilespmem:$0x6120];
	_ =	sdelay $0x2  }
0x4ce: {  	v1 =	vmul.f32 v1, v0;
	_ =	sdelay $0x1  }
0x4cf: {  	v1 =	vadd.f32 v2, v1;
	_ =	sdelay $0x1  }
0x4d0: {  	[tilespmem:s12+$0xFFFFFFE0] =	vst v1  }
0x4d1: {  	v1 =	vld [tilespmem:s5+$0xFFFFFFF0];
	_ =	sdelay $0x1  }
0x4d2: {  	v2 =	vld [tilespmem:$0x6130];
	_ =	sdelay $0x2  }
0x4d3: {  	v1 =	vmul.f32 v1, v0;
	_ =	sdelay $0x1  }
0x4d4: {  	v1 =	vadd.f32 v2, v1;
	_ =	sdelay $0x1  }
0x4d5: {  	[tilespmem:s12+$0xFFFFFFF0] =	vst v1  }
0x4d6: {  	v1 =	vld [tilespmem:s5+$0x0];
	_ =	sdelay $0x1  }
0x4d7: {  	v2 =	vld [tilespmem:$0x6140];
	_ =	sdelay $0x2  }
0x4d8: {  	v1 =	vmul.f32 v1, v0;
	_ =	sdelay $0x1  }
0x4d9: {  	v1 =	vadd.f32 v2, v1;
	_ =	sdelay $0x1  }
0x4da: {  	[tilespmem:s12+$0x0] =	vst v1  }
0x4db: {  	v1 =	vld [tilespmem:s5+$0x10];
	_ =	sdelay $0x1  }
0x4dc: {  	v2 =	vld [tilespmem:$0x6150];
	_ =	sdelay $0x2  }
0x4dd: {  	v1 =	vmul.f32 v1, v0;
	_ =	sdelay $0x1  }
0x4de: {  	v1 =	vadd.f32 v2, v1;
	_ =	sdelay $0x1  }
0x4df: {  	[tilespmem:s12+$0x10] =	vst v1  }
0x4e0: {  	v1 =	vld [tilespmem:s5+$0x20];
	_ =	sdelay $0x1  }
0x4e1: {  	v2 =	vld [tilespmem:$0x6160];
	_ =	sdelay $0x2  }
0x4e2: {  	v1 =	vmul.f32 v1, v0;
	_ =	sdelay $0x1  }
0x4e3: {  	v1 =	vadd.f32 v2, v1;
	_ =	sdelay $0x1  }
0x4e4: {  	[tilespmem:s12+$0x20] =	vst v1  }
0x4e5: {  	v1 =	vld [tilespmem:s5+$0x30];
	_ =	sdelay $0x1  }
0x4e6: {  	v2 =	vld [tilespmem:$0x6170];
	_ =	sdelay $0x1  }
0x4e7: {  	s25 =	simm.s32 $0x0;
	s19 =	sor.u32 $0x2, s10  }
0x4e8: {  	v3 =	vmov s25;
	s23 =	sshll.u32 s19, $0x7;
	v1 =	vmul.f32 v1, v0  }
0x4e9: {  	s11 =	sadd.s32 s4, s11;
	v3 =	vand.u32 $0x7F, v3;
	v0 =	vmov s23  }
0x4ea: {  	s11 =	smul.u32 $0x980, s11;
	v1 =	vadd.f32 v2, v1;
	v2 =	vadd.s32 v0, v3  }
0x4eb: {  	v2 =	vbroadcast v2, $0x0  }
0x4ec: {  	s11 =	sadd.s32 s8, s11;
	[tilespmem:s12+$0x30] =	vst v1  }
0x4ed: {  	[hbm4b:s11+s25] =	stream.linear.scatter [tilespmem:s21], [sflag:$0x6], $0x4900, $0x38;
	[tilespmem:$0x1D180] =	vst v63  }
0x4ee: {  	_ =	swait.ge [sflag:s1], $0x3C00  }
0x4ef: {  	[sflag:s1] =	ssyncset.done $0x0  }
0x4f0: {  	[sflag:s1] =	ssyncadd.s32 $0xFFFFC400  }
0x4f1: {  	s11 =	simm.s32 $0x4140;
	v1 =	vld.idx.msk [tilespmem:v2+s13+$0x0], $0xffff  }
0x4f2: {  	v2 =	vld [tilespmem:s11+$0xFFFFFFC0];
	_ =	sdelay $0x1  }
0x4f3: {  	v3 =	vld [tilespmem:$0x6100];
	_ =	sdelay $0x2  }
0x4f4: {  	v2 =	vmul.f32 v2, v1;
	_ =	sdelay $0x1  }
0x4f5: {  	v2 =	vadd.f32 v3, v2  }
0x4f6: {  	s5 =	simm.s32 $0x139C0  }
0x4f7: {  	[tilespmem:s5+$0xFFFFFFC0] =	vst v2  }
0x4f8: {  	v2 =	vld [tilespmem:s11+$0xFFFFFFD0];
	_ =	sdelay $0x1  }
0x4f9: {  	v3 =	vld [tilespmem:$0x6110];
	_ =	sdelay $0x2  }
0x4fa: {  	v2 =	vmul.f32 v2, v1;
	_ =	sdelay $0x1  }
0x4fb: {  	v2 =	vadd.f32 v3, v2;
	_ =	sdelay $0x1  }
0x4fc: {  	[tilespmem:s5+$0xFFFFFFD0] =	vst v2  }
0x4fd: {  	v2 =	vld [tilespmem:s11+$0xFFFFFFE0];
	_ =	sdelay $0x1  }
0x4fe: {  	v3 =	vld [tilespmem:$0x6120];
	_ =	sdelay $0x2  }
0x4ff: {  	v2 =	vmul.f32 v2, v1;
	_ =	sdelay $0x1  }
0x500: {  	v2 =	vadd.f32 v3, v2;
	_ =	sdelay $0x1  }
0x501: {  	[tilespmem:s5+$0xFFFFFFE0] =	vst v2  }
0x502: {  	v2 =	vld [tilespmem:s11+$0xFFFFFFF0];
	_ =	sdelay $0x1  }
0x503: {  	v3 =	vld [tilespmem:$0x6130];
	_ =	sdelay $0x2  }
0x504: {  	v2 =	vmul.f32 v2, v1;
	_ =	sdelay $0x1  }
0x505: {  	v2 =	vadd.f32 v3, v2;
	_ =	sdelay $0x1  }
0x506: {  	[tilespmem:s5+$0xFFFFFFF0] =	vst v2  }
0x507: {  	v2 =	vld [tilespmem:s11+$0x0];
	_ =	sdelay $0x1  }
0x508: {  	v3 =	vld [tilespmem:$0x6140];
	_ =	sdelay $0x2  }
0x509: {  	v2 =	vmul.f32 v2, v1;
	_ =	sdelay $0x1  }
0x50a: {  	v2 =	vadd.f32 v3, v2;
	_ =	sdelay $0x1  }
0x50b: {  	[tilespmem:s5+$0x0] =	vst v2  }
0x50c: {  	v2 =	vld [tilespmem:s11+$0x10];
	_ =	sdelay $0x1  }
0x50d: {  	v3 =	vld [tilespmem:$0x6150];
	_ =	sdelay $0x2  }
0x50e: {  	v2 =	vmul.f32 v2, v1;
	_ =	sdelay $0x1  }
0x50f: {  	v2 =	vadd.f32 v3, v2;
	_ =	sdelay $0x1  }
0x510: {  	[tilespmem:s5+$0x10] =	vst v2  }
0x511: {  	v2 =	vld [tilespmem:s11+$0x20];
	_ =	sdelay $0x1  }
0x512: {  	v3 =	vld [tilespmem:$0x6160];
	_ =	sdelay $0x2  }
0x513: {  	v2 =	vmul.f32 v2, v1;
	_ =	sdelay $0x1  }
0x514: {  	v2 =	vadd.f32 v3, v2;
	_ =	sdelay $0x1  }
0x515: {  	[tilespmem:s5+$0x20] =	vst v2  }
0x516: {  	v2 =	vld [tilespmem:s11+$0x30];
	_ =	sdelay $0x1  }
0x517: {  	s25 =	simm.s32 $0x1  }
0x518: {  	v4 =	vmov s25  }
0x519: {  	v4 =	vand.u32 $0x7F, v4;
	v3 =	vld [tilespmem:$0x6170]  }
0x51a: {  	v2 =	vmul.f32 v2, v1;
	v1 =	vadd.s32 v0, v4  }
0x51b: {  	v1 =	vbroadcast v1, $0x0;
	_ =	sdelay $0x2  }
0x51c: {  	s25 =	simm.s32 $0x2;
	v2 =	vadd.f32 v3, v2  }
.LBB2_11:
0x51d: {  	s11 =	sadd.s32 $0x80, s11  }
0x51e: {  	s23 =	smov.u32 s25;
	s12 =	sadd.s32 $0x1, s25;
	[tilespmem:s5+$0x30] =	vst v2;
	s5 =	sadd.s32 $0x80, s5  }
0x51f: {  	p0 =	sne.s32 s25, $0x19;
	v2 =	vld.idx.msk [tilespmem:v1+s13+$0x0], $0xffff  }
0x520: {  	v1 =	vld [tilespmem:s11+$0xFFFFFFC0];
	_ =	sdelay $0x1  }
0x521: {  	v3 =	vld [tilespmem:$0x6100];
	_ =	sdelay $0x2  }
0x522: {  	v1 =	vmul.f32 v1, v2;
	_ =	sdelay $0x1  }
0x523: {  	v1 =	vadd.f32 v3, v1;
	_ =	sdelay $0x1  }
0x524: {  	[tilespmem:s5+$0xFFFFFFC0] =	vst v1  }
0x525: {  	v1 =	vld [tilespmem:s11+$0xFFFFFFD0];
	_ =	sdelay $0x1  }
0x526: {  	v3 =	vld [tilespmem:$0x6110];
	_ =	sdelay $0x2  }
0x527: {  	v1 =	vmul.f32 v1, v2;
	_ =	sdelay $0x1  }
0x528: {  	v1 =	vadd.f32 v3, v1;
	_ =	sdelay $0x1  }
0x529: {  	[tilespmem:s5+$0xFFFFFFD0] =	vst v1  }
0x52a: {  	v1 =	vld [tilespmem:s11+$0xFFFFFFE0];
	_ =	sdelay $0x1  }
0x52b: {  	v3 =	vld [tilespmem:$0x6120];
	_ =	sdelay $0x2  }
0x52c: {  	v1 =	vmul.f32 v1, v2;
	_ =	sdelay $0x1  }
0x52d: {  	v1 =	vadd.f32 v3, v1;
	_ =	sdelay $0x1  }
0x52e: {  	[tilespmem:s5+$0xFFFFFFE0] =	vst v1  }
0x52f: {  	v1 =	vld [tilespmem:s11+$0xFFFFFFF0];
	_ =	sdelay $0x1  }
0x530: {  	v3 =	vld [tilespmem:$0x6130];
	_ =	sdelay $0x2  }
0x531: {  	v1 =	vmul.f32 v1, v2;
	_ =	sdelay $0x1  }
0x532: {  	v1 =	vadd.f32 v3, v1;
	_ =	sdelay $0x1  }
0x533: {  	[tilespmem:s5+$0xFFFFFFF0] =	vst v1  }
0x534: {  	v1 =	vld [tilespmem:s11+$0x0];
	_ =	sdelay $0x1  }
0x535: {  	v3 =	vld [tilespmem:$0x6140];
	_ =	sdelay $0x2  }
0x536: {  	v1 =	vmul.f32 v1, v2;
	_ =	sdelay $0x1  }
0x537: {  	v1 =	vadd.f32 v3, v1;
	_ =	sdelay $0x1  }
0x538: {  	[tilespmem:s5+$0x0] =	vst v1  }
0x539: {  	v1 =	vld [tilespmem:s11+$0x10]  }
0x53a: {  	v3 =	vld [tilespmem:$0x6150];
	_ =	sdelay $0x3  }
0x53b: {  	v1 =	vmul.f32 v1, v2;
	_ =	sdelay $0x1  }
0x53c: {  	v1 =	vadd.f32 v3, v1;
	_ =	sdelay $0x1  }
0x53d: {  	[tilespmem:s5+$0x10] =	vst v1  }
0x53e: {  	v1 =	vld [tilespmem:s11+$0x20]  }
0x53f: {  	v3 =	vld [tilespmem:$0x6160];
	_ =	sdelay $0x3  }
0x540: {  	v1 =	vmul.f32 v1, v2;
	_ =	sdelay $0x1  }
0x541: {  	v1 =	vadd.f32 v3, v1;
	_ =	sdelay $0x1  }
0x542: {  	[tilespmem:s5+$0x20] =	vst v1  }
0x543: {  	v3 =	vld [tilespmem:s11+$0x30]  }
0x544: {  	v1 =	vmov s23;
	v4 =	vld [tilespmem:$0x6170]  }
0x545: {  	v1 =	vand.u32 $0x7F, v1  }
.Ltmp6:
0x546: {  	v1 =	vadd.s32 v0, v1;
	(pc) =	sbr.rel @p0 .LBB2_11-.Ltmp6, $3  }
0x547: {  	v1 =	vbroadcast v1, $0x0  }
0x548: {  	v2 =	vmul.f32 v3, v2;
	_ =	sdelay $0x1  }
0x549: {  	s25 =	smov.u32 s12;
	v2 =	vadd.f32 v4, v2  }
0x54a: {  	_ =	sdelay $0x2  }
0x54b: {  	[tilespmem:s5+$0x30] =	vst v2  }
0x54c: {  	s11 =	sadd.s32 $0x80, s11;
	v0 =	vld.idx.msk [tilespmem:v1+s13+$0x0], $0xffff  }
0x54d: {  	v1 =	vld [tilespmem:s11+$0xFFFFFFC0];
	_ =	sdelay $0x1  }
0x54e: {  	v2 =	vld [tilespmem:$0x6100];
	_ =	sdelay $0x2  }
0x54f: {  	v1 =	vmul.f32 v1, v0;
	_ =	sdelay $0x1  }
0x550: {  	v1 =	vadd.f32 v2, v1  }
0x551: {  	s23 =	sadd.s32 $0x80, s5  }
0x552: {  	[tilespmem:s23+$0xFFFFFFC0] =	vst v1  }
0x553: {  	v1 =	vld [tilespmem:s11+$0xFFFFFFD0];
	_ =	sdelay $0x1  }
0x554: {  	v2 =	vld [tilespmem:$0x6110];
	_ =	sdelay $0x2  }
0x555: {  	v1 =	vmul.f32 v1, v0;
	_ =	sdelay $0x1  }
0x556: {  	v1 =	vadd.f32 v2, v1;
	_ =	sdelay $0x1  }
0x557: {  	[tilespmem:s23+$0xFFFFFFD0] =	vst v1  }
0x558: {  	v1 =	vld [tilespmem:s11+$0xFFFFFFE0];
	_ =	sdelay $0x1  }
0x559: {  	v2 =	vld [tilespmem:$0x6120];
	_ =	sdelay $0x2  }
0x55a: {  	v1 =	vmul.f32 v1, v0;
	_ =	sdelay $0x1  }
0x55b: {  	v1 =	vadd.f32 v2, v1;
	_ =	sdelay $0x1  }
0x55c: {  	[tilespmem:s23+$0xFFFFFFE0] =	vst v1  }
0x55d: {  	v1 =	vld [tilespmem:s11+$0xFFFFFFF0];
	_ =	sdelay $0x1  }
0x55e: {  	v2 =	vld [tilespmem:$0x6130];
	_ =	sdelay $0x2  }
0x55f: {  	v1 =	vmul.f32 v1, v0;
	_ =	sdelay $0x1  }
0x560: {  	v1 =	vadd.f32 v2, v1;
	_ =	sdelay $0x1  }
0x561: {  	[tilespmem:s23+$0xFFFFFFF0] =	vst v1  }
0x562: {  	v1 =	vld [tilespmem:s11+$0x0];
	_ =	sdelay $0x1  }
0x563: {  	v2 =	vld [tilespmem:$0x6140];
	_ =	sdelay $0x2  }
0x564: {  	v1 =	vmul.f32 v1, v0;
	_ =	sdelay $0x1  }
0x565: {  	v1 =	vadd.f32 v2, v1;
	_ =	sdelay $0x1  }
0x566: {  	[tilespmem:s23+$0x0] =	vst v1  }
0x567: {  	v1 =	vld [tilespmem:s11+$0x10];
	_ =	sdelay $0x1  }
0x568: {  	v2 =	vld [tilespmem:$0x6150];
	_ =	sdelay $0x2  }
0x569: {  	v1 =	vmul.f32 v1, v0;
	_ =	sdelay $0x1  }
0x56a: {  	v1 =	vadd.f32 v2, v1;
	_ =	sdelay $0x1  }
0x56b: {  	[tilespmem:s23+$0x10] =	vst v1  }
0x56c: {  	v1 =	vld [tilespmem:s11+$0x20];
	_ =	sdelay $0x1  }
0x56d: {  	v2 =	vld [tilespmem:$0x6160];
	_ =	sdelay $0x2  }
0x56e: {  	v1 =	vmul.f32 v1, v0;
	_ =	sdelay $0x1  }
0x56f: {  	v1 =	vadd.f32 v2, v1;
	_ =	sdelay $0x1  }
0x570: {  	[tilespmem:s23+$0x20] =	vst v1  }
0x571: {  	v1 =	vld [tilespmem:s11+$0x30];
	_ =	sdelay $0x1  }
0x572: {  	v2 =	vld [tilespmem:$0x6170];
	_ =	sdelay $0x1  }
0x573: {  	s25 =	simm.s32 $0x0;
	s10 =	sor.u32 $0x3, s10  }
0x574: {  	s12 =	sshll.u32 s10, $0x7;
	v3 =	vmov s25;
	v1 =	vmul.f32 v1, v0  }
0x575: {  	s19 =	sadd.s32 s4, s19;
	v3 =	vand.u32 $0x7F, v3;
	v0 =	vmov s12  }
0x576: {  	s19 =	smul.u32 $0x980, s19;
	v1 =	vadd.f32 v2, v1;
	v2 =	vadd.s32 v0, v3  }
0x577: {  	v2 =	vbroadcast v2, $0x0  }
0x578: {  	[tilespmem:s23+$0x30] =	vst v1;
	s23 =	sadd.s32 s8, s19  }
0x579: {  	[hbm4b:s23+s25] =	stream.linear.scatter [tilespmem:s16], [sflag:$0x7], $0x4900, $0x38;
	[tilespmem:$0x1D180] =	vst v63  }
0x57a: {  	_ =	swait.ge [sflag:s20], $0x3C00  }
0x57b: {  	[sflag:s20] =	ssyncset.done $0x0  }
0x57c: {  	[sflag:s20] =	ssyncadd.s32 $0xFFFFC400  }
0x57d: {  	s11 =	simm.s32 $0x4140;
	v1 =	vld.idx.msk [tilespmem:v2+s13+$0x0], $0xffff  }
0x57e: {  	v2 =	vld [tilespmem:s11+$0xFFFFFFC0];
	_ =	sdelay $0x1  }
0x57f: {  	v3 =	vld [tilespmem:$0x6100];
	_ =	sdelay $0x2  }
0x580: {  	v2 =	vmul.f32 v2, v1;
	_ =	sdelay $0x1  }
0x581: {  	v2 =	vadd.f32 v3, v2  }
0x582: {  	s5 =	simm.s32 $0x185C0  }
0x583: {  	[tilespmem:s5+$0xFFFFFFC0] =	vst v2  }
0x584: {  	v2 =	vld [tilespmem:s11+$0xFFFFFFD0];
	_ =	sdelay $0x1  }
0x585: {  	v3 =	vld [tilespmem:$0x6110];
	_ =	sdelay $0x2  }
0x586: {  	v2 =	vmul.f32 v2, v1;
	_ =	sdelay $0x1  }
0x587: {  	v2 =	vadd.f32 v3, v2;
	_ =	sdelay $0x1  }
0x588: {  	[tilespmem:s5+$0xFFFFFFD0] =	vst v2  }
0x589: {  	v2 =	vld [tilespmem:s11+$0xFFFFFFE0];
	_ =	sdelay $0x1  }
0x58a: {  	v3 =	vld [tilespmem:$0x6120];
	_ =	sdelay $0x2  }
0x58b: {  	v2 =	vmul.f32 v2, v1;
	_ =	sdelay $0x1  }
0x58c: {  	v2 =	vadd.f32 v3, v2;
	_ =	sdelay $0x1  }
0x58d: {  	[tilespmem:s5+$0xFFFFFFE0] =	vst v2  }
0x58e: {  	v2 =	vld [tilespmem:s11+$0xFFFFFFF0];
	_ =	sdelay $0x1  }
0x58f: {  	v3 =	vld [tilespmem:$0x6130];
	_ =	sdelay $0x2  }
0x590: {  	v2 =	vmul.f32 v2, v1;
	_ =	sdelay $0x1  }
0x591: {  	v2 =	vadd.f32 v3, v2;
	_ =	sdelay $0x1  }
0x592: {  	[tilespmem:s5+$0xFFFFFFF0] =	vst v2  }
0x593: {  	v2 =	vld [tilespmem:s11+$0x0];
	_ =	sdelay $0x1  }
0x594: {  	v3 =	vld [tilespmem:$0x6140];
	_ =	sdelay $0x2  }
0x595: {  	v2 =	vmul.f32 v2, v1;
	_ =	sdelay $0x1  }
0x596: {  	v2 =	vadd.f32 v3, v2;
	_ =	sdelay $0x1  }
0x597: {  	[tilespmem:s5+$0x0] =	vst v2  }
0x598: {  	v2 =	vld [tilespmem:s11+$0x10];
	_ =	sdelay $0x1  }
0x599: {  	v3 =	vld [tilespmem:$0x6150];
	_ =	sdelay $0x2  }
0x59a: {  	v2 =	vmul.f32 v2, v1;
	_ =	sdelay $0x1  }
0x59b: {  	v2 =	vadd.f32 v3, v2;
	_ =	sdelay $0x1  }
0x59c: {  	[tilespmem:s5+$0x10] =	vst v2  }
0x59d: {  	v2 =	vld [tilespmem:s11+$0x20];
	_ =	sdelay $0x1  }
0x59e: {  	v3 =	vld [tilespmem:$0x6160];
	_ =	sdelay $0x2  }
0x59f: {  	v2 =	vmul.f32 v2, v1;
	_ =	sdelay $0x1  }
0x5a0: {  	v2 =	vadd.f32 v3, v2;
	_ =	sdelay $0x1  }
0x5a1: {  	[tilespmem:s5+$0x20] =	vst v2  }
0x5a2: {  	v2 =	vld [tilespmem:s11+$0x30];
	_ =	sdelay $0x1  }
0x5a3: {  	s25 =	simm.s32 $0x1  }
0x5a4: {  	v4 =	vmov s25  }
0x5a5: {  	v4 =	vand.u32 $0x7F, v4;
	v3 =	vld [tilespmem:$0x6170]  }
0x5a6: {  	v2 =	vmul.f32 v2, v1;
	v1 =	vadd.s32 v0, v4  }
0x5a7: {  	v1 =	vbroadcast v1, $0x0;
	_ =	sdelay $0x2  }
0x5a8: {  	s23 =	simm.s32 $0x2;
	v2 =	vadd.f32 v3, v2  }
.LBB2_13:
0x5a9: {  	s11 =	sadd.s32 $0x80, s11  }
0x5aa: {  	s19 =	smov.u32 s23;
	s12 =	sadd.s32 $0x1, s23;
	[tilespmem:s5+$0x30] =	vst v2;
	s5 =	sadd.s32 $0x80, s5  }
0x5ab: {  	p0 =	sne.s32 s23, $0x19;
	v2 =	vld.idx.msk [tilespmem:v1+s13+$0x0], $0xffff  }
0x5ac: {  	v1 =	vld [tilespmem:s11+$0xFFFFFFC0];
	_ =	sdelay $0x1  }
0x5ad: {  	v3 =	vld [tilespmem:$0x6100];
	_ =	sdelay $0x2  }
0x5ae: {  	v1 =	vmul.f32 v1, v2;
	_ =	sdelay $0x1  }
0x5af: {  	v1 =	vadd.f32 v3, v1;
	_ =	sdelay $0x1  }
0x5b0: {  	[tilespmem:s5+$0xFFFFFFC0] =	vst v1  }
0x5b1: {  	v1 =	vld [tilespmem:s11+$0xFFFFFFD0];
	_ =	sdelay $0x1  }
0x5b2: {  	v3 =	vld [tilespmem:$0x6110];
	_ =	sdelay $0x2  }
0x5b3: {  	v1 =	vmul.f32 v1, v2;
	_ =	sdelay $0x1  }
0x5b4: {  	v1 =	vadd.f32 v3, v1;
	_ =	sdelay $0x1  }
0x5b5: {  	[tilespmem:s5+$0xFFFFFFD0] =	vst v1  }
0x5b6: {  	v1 =	vld [tilespmem:s11+$0xFFFFFFE0];
	_ =	sdelay $0x1  }
0x5b7: {  	v3 =	vld [tilespmem:$0x6120];
	_ =	sdelay $0x2  }
0x5b8: {  	v1 =	vmul.f32 v1, v2;
	_ =	sdelay $0x1  }
0x5b9: {  	v1 =	vadd.f32 v3, v1;
	_ =	sdelay $0x1  }
0x5ba: {  	[tilespmem:s5+$0xFFFFFFE0] =	vst v1  }
0x5bb: {  	v1 =	vld [tilespmem:s11+$0xFFFFFFF0];
	_ =	sdelay $0x1  }
0x5bc: {  	v3 =	vld [tilespmem:$0x6130];
	_ =	sdelay $0x2  }
0x5bd: {  	v1 =	vmul.f32 v1, v2;
	_ =	sdelay $0x1  }
0x5be: {  	v1 =	vadd.f32 v3, v1;
	_ =	sdelay $0x1  }
0x5bf: {  	[tilespmem:s5+$0xFFFFFFF0] =	vst v1  }
0x5c0: {  	v1 =	vld [tilespmem:s11+$0x0];
	_ =	sdelay $0x1  }
0x5c1: {  	v3 =	vld [tilespmem:$0x6140];
	_ =	sdelay $0x2  }
0x5c2: {  	v1 =	vmul.f32 v1, v2;
	_ =	sdelay $0x1  }
0x5c3: {  	v1 =	vadd.f32 v3, v1;
	_ =	sdelay $0x1  }
0x5c4: {  	[tilespmem:s5+$0x0] =	vst v1  }
0x5c5: {  	v1 =	vld [tilespmem:s11+$0x10]  }
0x5c6: {  	v3 =	vld [tilespmem:$0x6150];
	_ =	sdelay $0x3  }
0x5c7: {  	v1 =	vmul.f32 v1, v2;
	_ =	sdelay $0x1  }
0x5c8: {  	v1 =	vadd.f32 v3, v1;
	_ =	sdelay $0x1  }
0x5c9: {  	[tilespmem:s5+$0x10] =	vst v1  }
0x5ca: {  	v1 =	vld [tilespmem:s11+$0x20]  }
0x5cb: {  	v3 =	vld [tilespmem:$0x6160];
	_ =	sdelay $0x3  }
0x5cc: {  	v1 =	vmul.f32 v1, v2;
	_ =	sdelay $0x1  }
0x5cd: {  	v1 =	vadd.f32 v3, v1;
	_ =	sdelay $0x1  }
0x5ce: {  	[tilespmem:s5+$0x20] =	vst v1  }
0x5cf: {  	v3 =	vld [tilespmem:s11+$0x30]  }
0x5d0: {  	v1 =	vmov s19;
	v4 =	vld [tilespmem:$0x6170]  }
0x5d1: {  	v1 =	vand.u32 $0x7F, v1  }
.Ltmp7:
0x5d2: {  	v1 =	vadd.s32 v0, v1;
	(pc) =	sbr.rel @p0 .LBB2_13-.Ltmp7, $3  }
0x5d3: {  	v1 =	vbroadcast v1, $0x0  }
0x5d4: {  	v2 =	vmul.f32 v3, v2;
	_ =	sdelay $0x1  }
0x5d5: {  	s23 =	smov.u32 s12;
	v2 =	vadd.f32 v4, v2  }
0x5d6: {  	_ =	sdelay $0x2  }
0x5d7: {  	[tilespmem:s5+$0x30] =	vst v2  }
0x5d8: {  	s11 =	sadd.s32 $0x80, s11;
	v0 =	vld.idx.msk [tilespmem:v1+s13+$0x0], $0xffff  }
0x5d9: {  	v56 =	vld [tilespmem:s11+$0xFFFFFFC0];
	_ =	sdelay $0x1  }
0x5da: {  	v2 =	vld [tilespmem:$0x6100];
	_ =	sdelay $0x2  }
0x5db: {  	v1 =	vmul.f32 v56, v0;
	_ =	sdelay $0x1  }
0x5dc: {  	v1 =	vadd.f32 v2, v1  }
0x5dd: {  	s23 =	sadd.s32 $0x80, s5  }
0x5de: {  	[tilespmem:s23+$0xFFFFFFC0] =	vst v1  }
0x5df: {  	v1 =	vld [tilespmem:s11+$0xFFFFFFD0];
	_ =	sdelay $0x1  }
0x5e0: {  	v57 =	vld [tilespmem:$0x6110];
	_ =	sdelay $0x2  }
0x5e1: {  	v1 =	vmul.f32 v1, v0;
	_ =	sdelay $0x1  }
0x5e2: {  	v1 =	vadd.f32 v57, v1;
	_ =	sdelay $0x1  }
0x5e3: {  	[tilespmem:s23+$0xFFFFFFD0] =	vst v1  }
0x5e4: {  	v1 =	vld [tilespmem:s11+$0xFFFFFFE0];
	_ =	sdelay $0x1  }
0x5e5: {  	v58 =	vld [tilespmem:$0x6120];
	_ =	sdelay $0x2  }
0x5e6: {  	v1 =	vmul.f32 v1, v0;
	_ =	sdelay $0x1  }
0x5e7: {  	v1 =	vadd.f32 v58, v1;
	_ =	sdelay $0x1  }
0x5e8: {  	[tilespmem:s23+$0xFFFFFFE0] =	vst v1  }
0x5e9: {  	v1 =	vld [tilespmem:s11+$0xFFFFFFF0];
	_ =	sdelay $0x1  }
0x5ea: {  	v59 =	vld [tilespmem:$0x6130];
	_ =	sdelay $0x2  }
0x5eb: {  	v1 =	vmul.f32 v1, v0;
	_ =	sdelay $0x1  }
0x5ec: {  	v1 =	vadd.f32 v59, v1;
	_ =	sdelay $0x1  }
0x5ed: {  	[tilespmem:s23+$0xFFFFFFF0] =	vst v1  }
0x5ee: {  	v1 =	vld [tilespmem:s11+$0x0];
	_ =	sdelay $0x1  }
0x5ef: {  	v60 =	vld [tilespmem:$0x6140];
	_ =	sdelay $0x2  }
0x5f0: {  	v1 =	vmul.f32 v1, v0;
	_ =	sdelay $0x1  }
0x5f1: {  	v1 =	vadd.f32 v60, v1;
	_ =	sdelay $0x1  }
0x5f2: {  	[tilespmem:s23+$0x0] =	vst v1  }
0x5f3: {  	v1 =	vld [tilespmem:s11+$0x10];
	_ =	sdelay $0x1  }
0x5f4: {  	v61 =	vld [tilespmem:$0x6150];
	_ =	sdelay $0x2  }
0x5f5: {  	v1 =	vmul.f32 v1, v0;
	_ =	sdelay $0x1  }
0x5f6: {  	v1 =	vadd.f32 v61, v1;
	_ =	sdelay $0x1  }
0x5f7: {  	[tilespmem:s23+$0x10] =	vst v1  }
0x5f8: {  	v1 =	vld [tilespmem:s11+$0x20];
	_ =	sdelay $0x1  }
0x5f9: {  	v62 =	vld [tilespmem:$0x6160];
	_ =	sdelay $0x2  }
0x5fa: {  	v1 =	vmul.f32 v1, v0;
	_ =	sdelay $0x1  }
0x5fb: {  	v1 =	vadd.f32 v62, v1;
	_ =	sdelay $0x1  }
0x5fc: {  	[tilespmem:s23+$0x20] =	vst v1  }
0x5fd: {  	v1 =	vld [tilespmem:s11+$0x30];
	_ =	sdelay $0x1  }
0x5fe: {  	v63 =	vld [tilespmem:$0x6170];
	_ =	sdelay $0x2  }
0x5ff: {  	v0 =	vmul.f32 v1, v0  }
0x600: {  	s10 =	sadd.s32 s4, s10  }
0x601: {  	s10 =	smul.u32 $0x980, s10;
	v0 =	vadd.f32 v63, v0  }
0x602: {  	p0 =	seq.s32 s7, $0x1F  }
.Ltmp8:
0x603: {  	s25 =	sadd.s32 s8, s10;
	[tilespmem:s23+$0x30] =	vst v0;
	(pc) =	sbr.rel @p0 .LBB2_16-.Ltmp8, $4  }
0x604: {  	[hbm4b:s25+s3] =	stream.linear.scatter [tilespmem:s24], [sflag:$0x8], $0x4900, $0x38;
	[tilespmem:$0x1D180] =	vst v63  }
0x605: {  	_ =	swait.ge [sflag:s26], $0x4900  }
0x606: {  	[sflag:s26] =	ssyncset.done $0x0  }
0x607: {  	[sflag:s26] =	ssyncadd.s32 $0xFFFFB700  }
0x608: {  	s5 =	sand.u32 $0x3FFFFE00, s9  }
0x609: {  	s10 =	simm.s32 $0xAE80;
	s9 =	sadd.s32 $0x200, s5  }
0x60a: {  	[tilespmem:s10], [sflag:$0x1] =	stream.indirect.gather [hbm4b:s2+s22], $0x80, s9, s22, $0xb8;
	[tilespmem:$0x1D180] =	vst v63  }
0x60b: {  	_ =	swait.ge [sflag:s29], $0x4900  }
0x60c: {  	[sflag:s29] =	ssyncset.done $0x0  }
0x60d: {  	s23 =	simm.s32 $0xFA80;
	s19 =	sadd.s32 $0x280, s5;
	[sflag:s29] =	ssyncadd.s32 $0xFFFFB700  }
0x60e: {  	[tilespmem:s23], [sflag:$0x2] =	stream.indirect.gather [hbm4b:s2+s22], $0x80, s19, s22, $0xb8;
	[tilespmem:$0x1D180] =	vst v63  }
0x60f: {  	_ =	swait.ge [sflag:s14], $0x4900  }
0x610: {  	[sflag:s14] =	ssyncset.done $0x0  }
0x611: {  	s25 =	sadd.s32 $0x300, s5;
	[sflag:s14] =	ssyncadd.s32 $0xFFFFB700  }
0x612: {  	[tilespmem:s28], [sflag:$0x3] =	stream.indirect.gather [hbm4b:s2+s22], $0x80, s25, s22, $0xb8;
	[tilespmem:$0x1D180] =	vst v63  }
.Ltmp9:
0x613: {  	_ = 	snop;
	(pc) =	sbr.rel .LBB2_6-.Ltmp9, $4  }
0x614: {  	_ =	swait.ge [sflag:s17], $0x4900  }
0x615: {  	[sflag:s17] =	ssyncset.done $0x0  }
0x616: {  	s7 =	sadd.s32 $0x1, s7;
	s5 =	sadd.s32 $0x380, s5;
	[sflag:s17] =	ssyncadd.s32 $0xFFFFB700  }
0x617: {  	[tilespmem:s30], [sflag:$0x4] =	stream.indirect.gather [hbm4b:s2+s22], $0x80, s5, s22, $0xb8;
	[tilespmem:$0x1D180] =	vst v63  }
.LBB2_17:
0x618: {  	_ =	sfence.sel $0x180000  }
0x619: {  	[bflag:$0x0] =	sbarrier.arrive $0xFFFF  }
0x61a: {  	_ =	strace $0x90000047  }
0x61b: {  	s0 =	stileid.u32;
	[bflag:$0x2] =	sbarrier.arrive $0xFFFF  }
0x61c: {  	p0 =	sne.s32 s0, $0x0;
	s0 =	rddreg [dreg:$0x2]  }
0x61d: {  	s0 =	sadd.s32 @!p0 $0x100000, s0  }
0x61e: {  	[sflag:s0] =	ssyncadd.tile.s32 @!p0 $0x1;
	_ =	shalt  }
.Lfunc_end2:
_tile_overlayer_lowered:
.L_overlay_start_2:
0x61f: {  	(tag) =	ssettag $0x2  }
0x620: {  	s0 =	rddreg [dreg:$0x0];
	s2 =	stileid.u32  }
0x621: {  	s1 =	rddreg [dreg:$0x1];
	p0 =	sne.s32 s2, $0x0  }
0x622: {  	s3 =	rddreg [dreg:$0x2];
	[bflag:$0x3] =	sbarrier.arrive $0xFFFF;
	s2 =	simm.s32 @!p0 $0x1C0A  }
0x623: {  	[timem:s3], [sflag:s2] =	dma.local @!p0 [hbm:s0], s1  }
0x624: {  	s0 =	simm.s32 @!p0 $0xA  }
0x625: {  	_ =	swait.ge @!p0 [sflag:s0], s1  }
0x626: {  	s1 =	ssub.s32 @!p0 $0x0, s1;
	[sflag:s0] =	ssyncset.done @!p0 $0x0  }
0x627: {  	[sflag:s0] =	ssyncadd.s32 @!p0 s1  }
0x628: {  	[bflag:$0x3] =	sbarrier.arrive $0xFFFF  }
0x629: {  	_ =	shalt  }

</sc_bundles>
